<compile_context>
chip_gen: v7x
topology: tpu7x:2x2x1
jax: 0.10.2.dev20260603
libtpu: 0.0.44.dev20260713+nightly
codegen_flags: <defaults>
</compile_context>

<pallas_src>
import functools

import jax
import jax.numpy as jnp
from jax import lax
from jax.experimental import pallas as pl
from jax.experimental.pallas import tpu as pltpu
from jax.experimental.pallas import tpu_sc as plsc

N = 100000
B = 2
S = 64
LATENT = 64
DESC = 32
TAU = 0.1
MAX_PEAKS = B * 128
NCELLS = B * S * S * S

NC = 2
NS = 16
NW = NC * NS
CPW = NCELLS // NW
CHUNK = 2048
NPAD = 100352
SLOTS = 32
NSLOT = NW * SLOTS
OUT_PAD = 264

_ROW_BLK = 2048
NEG_INF = float("-inf")

_OFFSETS = [(dx, dy, dz)
            for dx in (-1, 0, 1) for dy in (-1, 0, 1) for dz in (-1, 0, 1)]


def _desc_body(x_ref, w_ref, b_ref, o_ref):
    x = x_ref[...]
    w = w_ref[...]
    y = jnp.dot(x, w, preferred_element_type=jnp.float32) + b_ref[...]
    nrm = jnp.sqrt(jnp.sum(y * y, axis=1, keepdims=True))
    o_ref[...] = y / jnp.maximum(nrm, 1e-12)


def _desc_head(x, W, b):
    m = x.shape[0]
    mp = ((m + _ROW_BLK - 1) // _ROW_BLK) * _ROW_BLK
    xpad = jnp.pad(x, ((0, mp - m), (0, 0)))
    out = pl.pallas_call(
        _desc_body,
        grid=(mp // _ROW_BLK,),
        in_specs=[
            pl.BlockSpec((_ROW_BLK, LATENT), lambda i: (i, 0)),
            pl.BlockSpec((LATENT, DESC), lambda i: (0, 0)),
            pl.BlockSpec((1, DESC), lambda i: (0, 0)),
        ],
        out_specs=pl.BlockSpec((_ROW_BLK, DESC), lambda i: (i, 0)),
        out_shape=jax.ShapeDtypeStruct((mp, DESC), jnp.float32),
    )(xpad, W, b.reshape(1, DESC))
    return out[:m]


def _keys_body(b_ref, x_ref, y_ref, z_ref, c_ref, o_ref, n0_ref):
    bb = b_ref[...]
    key = ((bb * S + x_ref[...]) * S + y_ref[...]) * S + z_ref[...]
    o_ref[...] = jnp.where(c_ref[...] > TAU, key, jnp.int32(NCELLS))
    n0 = jnp.sum((bb == 0).astype(jnp.int32)) - jnp.int32(NPAD - N)
    n0_ref[...] = jnp.full((1, 128), 1, jnp.int32) * n0


def _make_keys(bb, xs, ys, zs, conf):
    shp = (NPAD // 128, 128)
    args = [jnp.pad(a, (0, NPAD - N)).reshape(shp) for a in (bb, xs, ys, zs)]
    confp = jnp.pad(conf, (0, NPAD - N))
    out, n0 = pl.pallas_call(
        _keys_body,
        in_specs=[pl.BlockSpec(shp, lambda: (0, 0))] * 5,
        out_specs=[pl.BlockSpec(shp, lambda: (0, 0)),
                   pl.BlockSpec((1, 128), lambda: (0, 0))],
        out_shape=[jax.ShapeDtypeStruct(shp, jnp.int32),
                   jax.ShapeDtypeStruct((1, 128), jnp.int32)],
    )(*args, confp.reshape(shp))
    return out.reshape(-1), confp, n0.reshape(-1)[:16]


def _kb_body(keys_hbm, conf_hbm, n0_hbm, grid_hbm, cgrid_hbm,
             keybuf, confbuf, n0buf, gridw, cgridw):
    c = lax.axis_index("c")
    s = lax.axis_index("s")
    wid = s * NC + c
    base = wid * CPW
    zero16 = jnp.zeros((16,), jnp.int32)
    ninf16 = jnp.full((16,), NEG_INF, jnp.float32)

    def initb(i, carry):
        gridw[pl.ds(i * 16, 16)] = zero16
        cgridw[pl.ds(i * 16, 16)] = ninf16
        return carry
    lax.fori_loop(0, CPW // 16, initb, 0)

    pltpu.sync_copy(n0_hbm, n0buf)
    n0 = n0buf[...][0]
    bw = wid // NS
    start = jnp.where(bw == 0, 0, n0)
    end = jnp.where(bw == 0, n0, jnp.int32(N))
    c0 = lax.div(start, jnp.int32(CHUNK))
    c1 = lax.div(end + (CHUNK - 1), jnp.int32(CHUNK))

    lane = lax.iota(jnp.int32, 16)

    def chunk_body(ci, carry):
        pltpu.sync_copy(keys_hbm.at[pl.ds(ci * CHUNK, CHUNK)], keybuf)
        pltpu.sync_copy(conf_hbm.at[pl.ds(ci * CHUNK, CHUNK)], confbuf)

        def vec_body(vi, carry2):
            key = keybuf[pl.ds(vi * 16, 16)]
            cf = confbuf[pl.ds(vi * 16, 16)]
            mine = lax.shift_right_logical(key, 14) == wid
            cellw = jnp.where(mine, jnp.bitwise_and(key, 0x3FFF), 0)
            gidx = ci * CHUNK + vi * 16 + lane + 1
            plsc.store_scatter(gridw, [cellw], gidx, mask=mine)
            r = plsc.load_gather(gridw, [cellw])
            lost = mine & (r < gidx)
            plsc.store_scatter(gridw, [cellw], gidx, mask=lost)
            r = plsc.load_gather(gridw, [cellw])
            win = mine & (r == gidx)
            plsc.store_scatter(cgridw, [cellw], cf, mask=win)
            return carry2
        lax.fori_loop(0, CHUNK // 16, vec_body, 0)
        return carry
    lax.fori_loop(c0, c1, chunk_body, 0)

    pltpu.sync_copy(gridw, grid_hbm.at[pl.ds(base, CPW)])
    pltpu.sync_copy(cgridw, cgrid_hbm.at[pl.ds(base, CPW)])


def _build_grid(keys, confp, n0):
    mesh = plsc.VectorSubcoreMesh(core_axis_name="c", subcore_axis_name="s")
    kb = pl.kernel(
        _kb_body,
        mesh=mesh,
        out_type=[jax.ShapeDtypeStruct((NCELLS,), jnp.int32),
                  jax.ShapeDtypeStruct((NCELLS,), jnp.float32)],
        scratch_types=[pltpu.VMEM((CHUNK,), jnp.int32),
                       pltpu.VMEM((CHUNK,), jnp.float32),
                       pltpu.VMEM((16,), jnp.int32),
                       pltpu.VMEM((CPW,), jnp.int32),
                       pltpu.VMEM((CPW,), jnp.float32)],
        compiler_params=pltpu.CompilerParams(needs_layout_passes=False),
    )
    return kb(keys, confp, n0)


def _pool_body(a_ref, ps_ref, thr_ref):
    p = a_ref[...]
    A = p
    rid = lax.broadcasted_iota(jnp.int32, (NCELLS // S, 1), 0)
    ninf_col = jnp.full((NCELLS // S, 1), NEG_INF)
    lo = jnp.concatenate([p[:, 1:], ninf_col], axis=1)
    hi = jnp.concatenate([ninf_col, p[:, :S - 1]], axis=1)
    p = jnp.maximum(p, jnp.maximum(lo, hi))
    ninf_row = jnp.full((1, S), NEG_INF)
    up = jnp.concatenate([p[1:, :], ninf_row], axis=0)
    dn = jnp.concatenate([ninf_row, p[:-1, :]], axis=0)
    yv = rid % S
    up = jnp.where(yv != S - 1, up, NEG_INF)
    dn = jnp.where(yv != 0, dn, NEG_INF)
    p = jnp.maximum(p, jnp.maximum(up, dn))
    ninf_blk = jnp.full((S, S), NEG_INF)
    up = jnp.concatenate([p[S:, :], ninf_blk], axis=0)
    dn = jnp.concatenate([ninf_blk, p[:-S, :]], axis=0)
    xv = (rid // S) % S
    up = jnp.where(xv != S - 1, up, NEG_INF)
    dn = jnp.where(xv != 0, dn, NEG_INF)
    pooled = jnp.maximum(p, jnp.maximum(up, dn))

    ps = jnp.where((A == pooled) & (A != NEG_INF), A, NEG_INF)
    ps_ref[...] = ps

    ki = lax.bitcast_convert_type(ps, jnp.int32)

    def step(_, lohi):
        slo, shi = lohi
        mid = slo + lax.div(shi - slo, jnp.int32(2))
        cnt = jnp.sum((ki >= mid).astype(jnp.int32))
        big = cnt >= MAX_PEAKS
        return (jnp.where(big, mid, slo), jnp.where(big, shi, mid))

    lo0 = jnp.int32(-8388608)
    hi0 = jnp.int32(0x3F800001)
    flo, _ = lax.fori_loop(0, 31, step, (lo0, hi0))
    thr_ref[...] = jnp.full((1, 128), 1.0) * lax.bitcast_convert_type(
        flo, jnp.float32)


def _pool_and_thr(cgrid):
    shp = (NCELLS // S, S)
    ps, thr = pl.pallas_call(
        _pool_body,
        in_specs=[pl.BlockSpec(shp, lambda: (0, 0))],
        out_specs=[pl.BlockSpec(shp, lambda: (0, 0)),
                   pl.BlockSpec((1, 128), lambda: (0, 0))],
        out_shape=[jax.ShapeDtypeStruct(shp, jnp.float32),
                   jax.ShapeDtypeStruct((1, 128), jnp.float32)],
    )(cgrid.reshape(shp))
    return ps.reshape(-1), thr.reshape(-1)[:16]


def _kd_body(ps_hbm, grid_hbm, thr_hbm, sco_hbm, vid_hbm,
             psbuf, gbuf, thrbuf, scobuf, vidbuf):
    c = lax.axis_index("c")
    s = lax.axis_index("s")
    wid = s * NC + c
    base = wid * CPW
    pltpu.sync_copy(thr_hbm, thrbuf)
    pltpu.sync_copy(ps_hbm.at[pl.ds(base, CPW)], psbuf)
    pltpu.sync_copy(grid_hbm.at[pl.ds(base, CPW)], gbuf)
    thr = thrbuf[...]
    ninf16 = jnp.full((16,), NEG_INF, jnp.float32)
    zero16 = jnp.zeros((16,), jnp.int32)
    for i in range(3):
        scobuf[pl.ds(i * 16, 16)] = ninf16
        vidbuf[pl.ds(i * 16, 16)] = zero16

    def vec_body(vi, cnt):
        v = psbuf[pl.ds(vi * 16, 16)]
        m = v >= thr
        g = gbuf[pl.ds(vi * 16, 16)] - 1
        start = jnp.minimum(cnt, jnp.int32(SLOTS))
        plsc.store_compressed(scobuf.at[pl.ds(start, 16)], v, mask=m)
        plsc.store_compressed(vidbuf.at[pl.ds(start, 16)], g, mask=m)
        npop = plsc.all_reduce_population_count(m)
        return cnt + npop[0]
    lax.fori_loop(0, CPW // 16, vec_body, jnp.int32(0))

    pltpu.sync_copy(scobuf.at[pl.ds(0, SLOTS)],
                    sco_hbm.at[pl.ds(wid * SLOTS, SLOTS)])
    pltpu.sync_copy(vidbuf.at[pl.ds(0, SLOTS)],
                    vid_hbm.at[pl.ds(wid * SLOTS, SLOTS)])


def _compact(ps, grid, thr):
    mesh = plsc.VectorSubcoreMesh(core_axis_name="c", subcore_axis_name="s")
    kd = pl.kernel(
        _kd_body,
        mesh=mesh,
        out_type=[jax.ShapeDtypeStruct((NSLOT,), jnp.float32),
                  jax.ShapeDtypeStruct((NSLOT,), jnp.int32)],
        scratch_types=[pltpu.VMEM((CPW,), jnp.float32),
                       pltpu.VMEM((CPW,), jnp.int32),
                       pltpu.VMEM((16,), jnp.float32),
                       pltpu.VMEM((SLOTS + 16,), jnp.float32),
                       pltpu.VMEM((SLOTS + 16,), jnp.int32)],
        compiler_params=pltpu.CompilerParams(needs_layout_passes=False),
    )
    return kd(ps, grid, thr)


def _ke_body(sc_ref, sr_ref, vc_ref, vr_ref, tri_ref,
             pk_ref, vid_ref, bat_ref, row_ref, n0_ref):
    s_col = sc_ref[...]
    s_row = sr_ref[...]
    v_col = vc_ref[...]
    v_row = vr_ref[...]
    better = (s_col > s_row) | ((s_col == s_row) & (v_col < v_row))
    rank_row = jnp.sum(better.astype(jnp.float32), axis=0, keepdims=True)
    r_iota = lax.broadcasted_iota(
        jnp.int32, (MAX_PEAKS, 1), 0).astype(jnp.float32)
    onehot = rank_row == r_iota
    pk = jnp.sum(jnp.where(onehot, s_row, 0.0), axis=1, keepdims=True)
    vid = jnp.sum(jnp.where(onehot, v_row.astype(jnp.float32), 0.0),
                  axis=1, keepdims=True)
    slot_b = (lax.broadcasted_iota(jnp.int32, (1, NSLOT), 1)
              // (NSLOT // B)).astype(jnp.float32)
    bat = jnp.sum(jnp.where(onehot, slot_b, 0.0), axis=1, keepdims=True)
    is0 = (bat == 0.0).astype(jnp.float32)
    exc0 = jnp.dot(tri_ref[...], is0, preferred_element_type=jnp.float32)
    n0 = jnp.sum(is0)
    pos = jnp.where(bat == 0.0, exc0, n0 + (r_iota - exc0))
    row = bat + 1.0 + pos
    pk_ref[...] = pk
    vid_ref[...] = vid.astype(jnp.int32)
    bat_ref[...] = bat.astype(jnp.int32)
    row_ref[...] = row.astype(jnp.int32)
    n0_ref[...] = jnp.full((1, 1), 1.0) * n0


def _rank_select(sco, vid, tri):
    outs = pl.pallas_call(
        _ke_body,
        in_specs=[
            pl.BlockSpec((NSLOT, 1), lambda: (0, 0)),
            pl.BlockSpec((1, NSLOT), lambda: (0, 0)),
            pl.BlockSpec((NSLOT, 1), lambda: (0, 0)),
            pl.BlockSpec((1, NSLOT), lambda: (0, 0)),
            pl.BlockSpec((MAX_PEAKS, MAX_PEAKS), lambda: (0, 0)),
        ],
        out_specs=[pl.BlockSpec((MAX_PEAKS, 1), lambda: (0, 0))] * 4
        + [pl.BlockSpec((1, 1), lambda: (0, 0))],
        out_shape=[jax.ShapeDtypeStruct((MAX_PEAKS, 1), jnp.float32),
                   jax.ShapeDtypeStruct((MAX_PEAKS, 1), jnp.int32),
                   jax.ShapeDtypeStruct((MAX_PEAKS, 1), jnp.int32),
                   jax.ShapeDtypeStruct((MAX_PEAKS, 1), jnp.int32),
                   jax.ShapeDtypeStruct((1, 1), jnp.float32)],
    )(sco.reshape(NSLOT, 1), sco.reshape(1, NSLOT),
      vid.reshape(NSLOT, 1), vid.reshape(1, NSLOT), tri)
    return outs


def _kf_body(vid_hbm, bat_hbm, xs_hbm, ys_hbm, zs_hbm, grid_hbm, feat_hbm,
             sumf_hbm, cnt_hbm,
             vidbuf, bbuf, xbuf, ybuf, zbuf, nctab, gvtab, idxtab, rows,
             sumw, cntw, sem_a, sem_b):
    c = lax.axis_index("c")
    s = lax.axis_index("s")
    wid = s * NC + c

    @pl.when(wid < 16)
    def _():
        base = wid * 16
        pltpu.sync_copy(vid_hbm.at[pl.ds(base, 16)], vidbuf)
        pltpu.sync_copy(bat_hbm.at[pl.ds(base, 16)], bbuf)
        pltpu.async_copy(xs_hbm.at[vidbuf], xbuf, sem_a).wait()
        pltpu.async_copy(ys_hbm.at[vidbuf], ybuf, sem_a).wait()
        pltpu.async_copy(zs_hbm.at[vidbuf], zbuf, sem_a).wait()
        px = xbuf[...]
        py = ybuf[...]
        pz = zbuf[...]
        pb = bbuf[...]

        for k, (dx, dy, dz) in enumerate(_OFFSETS):
            nx = jnp.clip(px + dx, 0, S - 1)
            ny = jnp.clip(py + dy, 0, S - 1)
            nz = jnp.clip(pz + dz, 0, S - 1)
            nctab[pl.ds(k * 16, 16)] = ((pb * S + nx) * S + ny) * S + nz
        nctab[pl.ds(432, 16)] = jnp.zeros((16,), jnp.int32)
        handles = [
            pltpu.async_copy(grid_hbm.at[nctab.at[pl.ds(j * 112, 112)]],
                             gvtab.at[pl.ds(j * 112, 112)], sem_a)
            for j in range(4)]
        for h in handles:
            h.wait()

        cnt = jnp.zeros((16,), jnp.float32)
        for k, (dx, dy, dz) in enumerate(_OFFSETS):
            nx = px + dx
            ny = py + dy
            nz = pz + dz
            inb = ((nx >= 0) & (nx < S) & (ny >= 0) & (ny < S)
                   & (nz >= 0) & (nz < S))
            gv = gvtab[pl.ds(k * 16, 16)]
            valid = inb & (gv > 0)
            rowi = jnp.where(valid, gv - 1, jnp.int32(N))
            cnt = cnt + valid.astype(jnp.float32)
            idxtab[pl.ds(k * 16, 16)] = rowi
        idxtab[pl.ds(432, 16)] = jnp.full((16,), N, jnp.int32)
        handles = [
            pltpu.async_copy(feat_hbm.at[idxtab.at[pl.ds(j * 112, 112)]],
                             rows.at[pl.ds(j * 112, 112)], sem_b)
            for j in range(4)]
        for h in handles:
            h.wait()
        cntw[...] = cnt

        def peak_body(p, carry):
            for cc in range(LATENT // 16):
                acc = jnp.zeros((16,), jnp.float32)
                for k in range(27):
                    acc = acc + rows[k * 16 + p, pl.ds(cc * 16, 16)]
                sumw[p, pl.ds(cc * 16, 16)] = acc
            return carry
        lax.fori_loop(0, 16, peak_body, 0)

        pltpu.sync_copy(sumw, sumf_hbm.at[pl.ds(base, 16)])
        pltpu.sync_copy(cntw, cnt_hbm.at[pl.ds(base, 16)])


def _peak_feats(vid, bat, xs, ys, zs, grid, featx):
    mesh = plsc.VectorSubcoreMesh(core_axis_name="c", subcore_axis_name="s")
    kf = pl.kernel(
        _kf_body,
        mesh=mesh,
        out_type=[jax.ShapeDtypeStruct((MAX_PEAKS, LATENT), jnp.float32),
                  jax.ShapeDtypeStruct((MAX_PEAKS,), jnp.float32)],
        scratch_types=[pltpu.VMEM((16,), jnp.int32),
                       pltpu.VMEM((16,), jnp.int32),
                       pltpu.VMEM((16,), jnp.int32),
                       pltpu.VMEM((16,), jnp.int32),
                       pltpu.VMEM((16,), jnp.int32),
                       pltpu.VMEM((448,), jnp.int32),
                       pltpu.VMEM((448,), jnp.int32),
                       pltpu.VMEM((448,), jnp.int32),
                       pltpu.VMEM((448, 2 * LATENT), jnp.float32),
                       pltpu.VMEM((16, LATENT), jnp.float32),
                       pltpu.VMEM((16,), jnp.float32),
                       pltpu.SemaphoreType.DMA,
                       pltpu.SemaphoreType.DMA],
        compiler_params=pltpu.CompilerParams(needs_layout_passes=False),
    )
    return kf(vid, bat, xs, ys, zs, grid, featx)


def _kh_body(sum_ref, cnt_ref, w_ref, b_ref, bg_ref, rows_ref, n0_ref, o_ref):
    avg = sum_ref[...] / jnp.maximum(cnt_ref[...], 1.0)
    y = jnp.dot(avg, w_ref[...], preferred_element_type=jnp.float32) + b_ref[...]
    nrm = jnp.sqrt(jnp.sum(y * y, axis=1, keepdims=True))
    cdesc = y / jnp.maximum(nrm, 1e-12)
    kk = lax.broadcasted_iota(
        jnp.int32, (OUT_PAD, 1), 0).astype(jnp.float32)
    onehot = (kk == rows_ref[...].astype(jnp.float32)).astype(jnp.float32)
    full = jnp.dot(onehot, cdesc, preferred_element_type=jnp.float32,
                   precision=lax.Precision.HIGHEST)
    bgmask = ((kk == 0.0) | (kk == 1.0 + n0_ref[...])).astype(jnp.float32)
    o_ref[...] = full + bgmask * bg_ref[...]


def _assemble(sumf, cnt, W, b, background, rows, n0):
    out = pl.pallas_call(
        _kh_body,
        in_specs=[
            pl.BlockSpec((MAX_PEAKS, LATENT), lambda: (0, 0)),
            pl.BlockSpec((MAX_PEAKS, 1), lambda: (0, 0)),
            pl.BlockSpec((LATENT, DESC), lambda: (0, 0)),
            pl.BlockSpec((1, DESC), lambda: (0, 0)),
            pl.BlockSpec((1, DESC), lambda: (0, 0)),
            pl.BlockSpec((1, MAX_PEAKS), lambda: (0, 0)),
            pl.BlockSpec((1, 1), lambda: (0, 0)),
        ],
        out_specs=pl.BlockSpec((OUT_PAD, DESC), lambda: (0, 0)),
        out_shape=jax.ShapeDtypeStruct((OUT_PAD, DESC), jnp.float32),
    )(sumf, cnt.reshape(MAX_PEAKS, 1), W, b.reshape(1, DESC),
      background.reshape(1, DESC), rows.reshape(1, MAX_PEAKS), n0)
    return out[:MAX_PEAKS + B]


def kernel(voxel_feats_F, coords_xyz, batch_idx, scores_F, W, b, background):
    conf = scores_F[:, 0]
    xs = coords_xyz[:, 0]
    ys = coords_xyz[:, 1]
    zs = coords_xyz[:, 2]

    keys, confp, n0c = _make_keys(batch_idx, xs, ys, zs, conf)
    grid, cgrid = _build_grid(keys, confp, n0c)
    ps, thr = _pool_and_thr(cgrid)
    sco, vid = _compact(ps, grid, thr)

    tri = jnp.tril(jnp.ones((MAX_PEAKS, MAX_PEAKS), jnp.float32), -1)
    pk, vid_sel, bat_sel, rows, n0 = _rank_select(sco, vid, tri)

    featx = jnp.pad(voxel_feats_F, ((0, 8), (0, LATENT)))
    sumf, cnt = _peak_feats(vid_sel.reshape(-1), bat_sel.reshape(-1),
                            xs, ys, zs, grid, featx)

    voxel_desc = _desc_head(voxel_feats_F, W, b)
    full = _assemble(sumf, cnt, W, b, background, rows, n0)
    return pk, voxel_desc, full

# --- scband reference (transcript-rebuilt; emitter-appended) ---
"""Pipeline reference for scband-instance-head-81252191306378 (READ-ONLY COPY).

The authoritative reference and input builder live on the scoring server;
editing this copy changes nothing except your own understanding.
"""

import jax, jax.numpy as jnp
import numpy as np

N = 100000
B = 2
S = 64
LATENT = 64
DESC = 32
TAU = 0.1


def setup_inputs(seed: int = 0):
    key = jax.random.key(seed)
    k1, k2, k3, k4, k5, k6 = jax.random.split(key, 6)
    voxel_feats_F = jax.random.normal(k1, (N, LATENT), dtype=jnp.float32)
    coords_xyz = jax.random.randint(k2, (N, 3), 0, S, dtype=jnp.int32)
    batch_idx = jnp.sort(jax.random.randint(k3, (N,), 0, B, dtype=jnp.int32))
    scores_F = jax.random.uniform(k4, (N, 1), dtype=jnp.float32)
    W = jax.random.normal(k5, (LATENT, DESC), dtype=jnp.float32) * 0.02
    b = jnp.zeros((DESC,), dtype=jnp.float32)
    background = jax.random.normal(k6, (DESC,), dtype=jnp.float32) * 0.02
    return {"voxel_feats_F": voxel_feats_F, "coords_xyz": coords_xyz,
            "batch_idx": batch_idx, "scores_F": scores_F,
            "W": W, "b": b, "background": background}


def _find_centroid_peaks(voxel_F, C, conf):
    # mask voxels above tau (subset that participates in submanifold pooling)
    mask = conf[:, 0] > TAU
    n = int(voxel_F.shape[0])
    cvals = conf[:, 0]
    # dense index grid: cell -> voxel index + 1 (0 = empty); unmasked voxels
    # scatter to an out-of-bounds batch slot so their writes are dropped
    bcoord = jnp.where(mask, C[:, 0], jnp.int32(B))
    grid = jnp.zeros((B, S, S, S), dtype=jnp.int32)
    grid = grid.at[bcoord, C[:, 1], C[:, 2], C[:, 3]].set(
        jnp.arange(n, dtype=jnp.int32) + 1, mode="drop")
    hmax = jnp.full((n,), -jnp.inf, dtype=jnp.float32)
    sumf = jnp.zeros((n, LATENT), dtype=jnp.float32)
    cnt = jnp.zeros((n,), dtype=jnp.float32)
    for dx in (-1, 0, 1):
        for dy in (-1, 0, 1):
            for dz in (-1, 0, 1):
                nx = C[:, 1] + dx
                ny = C[:, 2] + dy
                nz = C[:, 3] + dz
                inb = (nx >= 0) & (nx < S) & (ny >= 0) & (ny < S) & (nz >= 0) & (nz < S)
                nidx = grid[C[:, 0],
                            jnp.clip(nx, 0, S - 1),
                            jnp.clip(ny, 0, S - 1),
                            jnp.clip(nz, 0, S - 1)]
                valid = inb & (nidx > 0)
                g = nidx - 1
                nconf = jnp.where(valid, cvals[g], -jnp.inf)
                hmax = jnp.maximum(hmax, nconf)
                sumf = sumf + jnp.where(valid[:, None], voxel_F[g], 0.0)
                cnt = cnt + valid.astype(jnp.float32)
    avgf = sumf / jnp.maximum(cnt, 1.0)[:, None]
    peak_mask = mask & (hmax == cvals)  # local-max NMS (hmax == conf)
    max_peaks = B * 128
    pscore = jnp.where(peak_mask, cvals, -jnp.inf)
    peak_scores, topi = jax.lax.top_k(pscore, max_peaks)
    peak_coords = C[topi]
    peak_feats = avgf[topi]
    return peak_coords, peak_feats, peak_scores[:, None]


def _l2norm(x):
    return x / jnp.maximum(jnp.linalg.norm(x, axis=1, keepdims=True), 1e-12)


def reference(voxel_feats_F, coords_xyz, batch_idx, scores_F, W, b, background):
    C = jnp.concatenate([batch_idx[:, None], coords_xyz], axis=1)
    peak_coords, peak_feats, peak_scores = _find_centroid_peaks(voxel_feats_F, C, scores_F)
    # 1x1 sparse conv == per-voxel linear layer
    voxel_desc = _l2norm(voxel_feats_F @ W + b)
    centroid_desc = _l2norm(peak_feats @ W + b)
    pb = peak_coords[:, 0]
    order = jnp.argsort(pb, stable=True)
    sorted_desc = centroid_desc[order]
    sorted_pb = pb[order]
    max_peaks = int(sorted_pb.shape[0])
    peak_rows = jnp.arange(max_peaks, dtype=jnp.int32) + sorted_pb + 1
    counts_below = jnp.sum(pb[None, :] < jnp.arange(B, dtype=jnp.int32)[:, None], axis=1)
    bg_rows = jnp.arange(B, dtype=jnp.int32) + counts_below.astype(jnp.int32)
    full_centroid_descriptors = jnp.zeros((max_peaks + B, DESC), dtype=jnp.float32)
    full_centroid_descriptors = full_centroid_descriptors.at[peak_rows].set(sorted_desc)
    full_centroid_descriptors = full_centroid_descriptors.at[bg_rows].set(background)
    return peak_scores, voxel_desc, full_centroid_descriptors


if False:  # reference __main__ guard neutralized (emitter)
    out = reference(**setup_inputs())
    print([o.shape for o in out])

if __name__ == "__main__":
    import jax
    _d = setup_inputs()
    print(jax.jit(kernel)(*tuple(_d.values())))

</pallas_src>

<mosaic_0001>
#map = affine_map<(d0, d1) -> (0)>
module attributes {stable_mosaic.version = 14 : i64} {
  func.func @_kd_body(%arg0: i32, %arg1: i32, %arg2: memref<524288xf32, #tpu.memory_space<hbm>>, %arg3: memref<524288xi32, #tpu.memory_space<hbm>>, %arg4: memref<16xf32, #tpu.memory_space<hbm>>, %arg5: memref<1024xf32, #tpu.memory_space<hbm>>, %arg6: memref<1024xi32, #tpu.memory_space<hbm>>, %arg7: memref<16384xf32, #tpu.memory_space<vmem>>, %arg8: memref<16384xi32, #tpu.memory_space<vmem>>, %arg9: memref<16xf32, #tpu.memory_space<vmem>>, %arg10: memref<48xf32, #tpu.memory_space<vmem>>, %arg11: memref<48xi32, #tpu.memory_space<vmem>>) attributes {dimension_semantics = [#tpu.dimension_semantics<core_parallel>, #tpu.dimension_semantics<subcore_parallel>], iteration_bounds = array<i64: 2, 16>, scalar_prefetch = 0 : i64, scratch_operands = 5 : i64, tpu.core_type = #tpu.core_type<sc_vector_subcore>, window_params = [{transform_indices = #map}, {transform_indices = #map}, {transform_indices = #map}, {transform_indices = #map}, {transform_indices = #map}]} {
    %mul3A = arith.constant 2 : i32
    %mul3A_0 = arith.muli %arg1, %mul3A : i32
    %add3A = arith.addi %mul3A_0, %arg0 : i32
    %mul3A_1 = arith.constant 16384 : i32
    %mul3A_2 = arith.muli %add3A, %mul3A_1 : i32
    "tpu.region"() ({
      %run_scoped3A = tpu.sem_alloc : memref<!tpu.dma_semaphore, #tpu.memory_space<semaphore_mem>>
      tpu.enqueue_dma source(%arg4 : memref<16xf32, #tpu.memory_space<hbm>>) target(%arg9 : memref<16xf32, #tpu.memory_space<vmem>>) target_semaphore(%run_scoped3A : memref<!tpu.dma_semaphore, #tpu.memory_space<semaphore_mem>>)
      tpu.wait_dma2 semaphore(%run_scoped3A : memref<!tpu.dma_semaphore, #tpu.memory_space<semaphore_mem>>) src(%arg4 : memref<16xf32, #tpu.memory_space<hbm>>) dst(%arg9 : memref<16xf32, #tpu.memory_space<vmem>>)
      tpu.yield
    }) : () -> ()
    "tpu.region"() ({
      %run_scoped3A = tpu.sem_alloc : memref<!tpu.dma_semaphore, #tpu.memory_space<semaphore_mem>>
      %dma_start3A = tpu.memref_slice %arg2[%mul3A_2] : memref<524288xf32, #tpu.memory_space<hbm>> -> memref<16384xf32, #tpu.memory_space<hbm>>
      %dma_start3A_28 = tpu.memref_slice %arg2[%mul3A_2] : memref<524288xf32, #tpu.memory_space<hbm>> -> memref<16384xf32, #tpu.memory_space<hbm>>
      tpu.enqueue_dma source(%dma_start3A_28 : memref<16384xf32, #tpu.memory_space<hbm>>) target(%arg7 : memref<16384xf32, #tpu.memory_space<vmem>>) target_semaphore(%run_scoped3A : memref<!tpu.dma_semaphore, #tpu.memory_space<semaphore_mem>>)
      %dma_wait3A = tpu.memref_slice %arg2[%mul3A_2] : memref<524288xf32, #tpu.memory_space<hbm>> -> memref<16384xf32, #tpu.memory_space<hbm>>
      %dma_wait3A_29 = tpu.memref_slice %arg2[%mul3A_2] : memref<524288xf32, #tpu.memory_space<hbm>> -> memref<16384xf32, #tpu.memory_space<hbm>>
      tpu.wait_dma2 semaphore(%run_scoped3A : memref<!tpu.dma_semaphore, #tpu.memory_space<semaphore_mem>>) src(%dma_wait3A_29 : memref<16384xf32, #tpu.memory_space<hbm>>) dst(%arg7 : memref<16384xf32, #tpu.memory_space<vmem>>)
      tpu.yield
    }) : () -> ()
    "tpu.region"() ({
      %run_scoped3A = tpu.sem_alloc : memref<!tpu.dma_semaphore, #tpu.memory_space<semaphore_mem>>
      %dma_start3A = tpu.memref_slice %arg3[%mul3A_2] : memref<524288xi32, #tpu.memory_space<hbm>> -> memref<16384xi32, #tpu.memory_space<hbm>>
      %dma_start3A_28 = tpu.memref_slice %arg3[%mul3A_2] : memref<524288xi32, #tpu.memory_space<hbm>> -> memref<16384xi32, #tpu.memory_space<hbm>>
      tpu.enqueue_dma source(%dma_start3A_28 : memref<16384xi32, #tpu.memory_space<hbm>>) target(%arg8 : memref<16384xi32, #tpu.memory_space<vmem>>) target_semaphore(%run_scoped3A : memref<!tpu.dma_semaphore, #tpu.memory_space<semaphore_mem>>)
      %dma_wait3A = tpu.memref_slice %arg3[%mul3A_2] : memref<524288xi32, #tpu.memory_space<hbm>> -> memref<16384xi32, #tpu.memory_space<hbm>>
      %dma_wait3A_29 = tpu.memref_slice %arg3[%mul3A_2] : memref<524288xi32, #tpu.memory_space<hbm>> -> memref<16384xi32, #tpu.memory_space<hbm>>
      tpu.wait_dma2 semaphore(%run_scoped3A : memref<!tpu.dma_semaphore, #tpu.memory_space<semaphore_mem>>) src(%dma_wait3A_29 : memref<16384xi32, #tpu.memory_space<hbm>>) dst(%arg8 : memref<16384xi32, #tpu.memory_space<vmem>>)
      tpu.yield
    }) : () -> ()
    %get3A = arith.constant 0 : index
    %get3A_3 = tpu.vector_load %arg9[%get3A] {strides = array<i32>} : memref<16xf32, #tpu.memory_space<vmem>>, vector<16xf32>,
    %broadcast_in_dim3A = arith.constant 0xFF800000 : f32
    %broadcast_in_dim3A_4 = vector.broadcast %broadcast_in_dim3A : f32 to vector<16xf32>
    %broadcast_in_dim3A_5 = arith.constant 0 : i32
    %broadcast_in_dim3A_6 = vector.broadcast %broadcast_in_dim3A_5 : i32 to vector<16xi32>
    %swap3A = arith.constant 0 : index
    %swap3A_7 = tpu.vector_load %arg10[%swap3A] {strides = array<i32>} : memref<48xf32, #tpu.memory_space<vmem>>, vector<16xf32>,
    tpu.vector_store %arg10[%swap3A], %broadcast_in_dim3A_4 {strides = array<i32>} : memref<48xf32, #tpu.memory_space<vmem>>, vector<16xf32>,
    %swap3A_8 = arith.constant 0 : index
    %swap3A_9 = tpu.vector_load %arg11[%swap3A_8] {strides = array<i32>} : memref<48xi32, #tpu.memory_space<vmem>>, vector<16xi32>,
    tpu.vector_store %arg11[%swap3A_8], %broadcast_in_dim3A_6 {strides = array<i32>} : memref<48xi32, #tpu.memory_space<vmem>>, vector<16xi32>,
    %swap3A_10 = arith.constant 16 : index
    %swap3A_11 = tpu.vector_load %arg10[%swap3A_10] {strides = array<i32>} : memref<48xf32, #tpu.memory_space<vmem>>, vector<16xf32>,
    tpu.vector_store %arg10[%swap3A_10], %broadcast_in_dim3A_4 {strides = array<i32>} : memref<48xf32, #tpu.memory_space<vmem>>, vector<16xf32>,
    %swap3A_12 = arith.constant 16 : index
    %swap3A_13 = tpu.vector_load %arg11[%swap3A_12] {strides = array<i32>} : memref<48xi32, #tpu.memory_space<vmem>>, vector<16xi32>,
    tpu.vector_store %arg11[%swap3A_12], %broadcast_in_dim3A_6 {strides = array<i32>} : memref<48xi32, #tpu.memory_space<vmem>>, vector<16xi32>,
    %swap3A_14 = arith.constant 32 : index
    %swap3A_15 = tpu.vector_load %arg10[%swap3A_14] {strides = array<i32>} : memref<48xf32, #tpu.memory_space<vmem>>, vector<16xf32>,
    tpu.vector_store %arg10[%swap3A_14], %broadcast_in_dim3A_4 {strides = array<i32>} : memref<48xf32, #tpu.memory_space<vmem>>, vector<16xf32>,
    %swap3A_16 = arith.constant 32 : index
    %swap3A_17 = tpu.vector_load %arg11[%swap3A_16] {strides = array<i32>} : memref<48xi32, #tpu.memory_space<vmem>>, vector<16xi32>,
    tpu.vector_store %arg11[%swap3A_16], %broadcast_in_dim3A_6 {strides = array<i32>} : memref<48xi32, #tpu.memory_space<vmem>>, vector<16xi32>,
    %scan3A = arith.constant 0 : i32
    %scan3A_18 = arith.constant 0 : i32
    %scan3A_19 = arith.constant 1024 : i32
    %scan3A_20 = arith.addi %scan3A_18, %scan3A_19 : i32
    %scan3A_21 = arith.constant 1 : i32
    %scan3A_22 = scf.for %scan3A_28 = %scan3A_18 to %scan3A_20 step %scan3A_21 iter_args(%scan3A_29 = %scan3A) -> (i32)  : i32 {
      %mul3A_30 = arith.constant 16 : i32
      %mul3A_31 = arith.muli %scan3A_28, %mul3A_30 : i32
      %get3A_32 = arith.index_cast %mul3A_31 : i32 to index
      %get3A_33 = tpu.vector_load %arg7[%get3A_32] {strides = array<i32>} : memref<16384xf32, #tpu.memory_space<vmem>>, vector<16xf32>,
      %ge3A = arith.cmpf oge, %get3A_33, %get3A_3 : vector<16xf32>
      %mul3A_34 = arith.constant 16 : i32
      %mul3A_35 = arith.muli %scan3A_28, %mul3A_34 : i32
      %get3A_36 = arith.index_cast %mul3A_35 : i32 to index
      %get3A_37 = tpu.vector_load %arg8[%get3A_36] {strides = array<i32>} : memref<16384xi32, #tpu.memory_space<vmem>>, vector<16xi32>,
      %sub3A = arith.constant 1 : i32
      %sub3A_38 = vector.broadcast %sub3A : i32 to vector<16xi32>
      %sub3A_39 = arith.subi %get3A_37, %sub3A_38 : vector<16xi32>
      %min3A = arith.constant 32 : i32
      %min3A_40 = arith.minsi %scan3A_29, %min3A : i32
      %swap3A_41 = arith.index_cast %min3A_40 : i32 to index
      %swap3A_42 = tpu.vector_load %arg10[%swap3A_41] masked %ge3A {strides = array<i32>} : memref<48xf32, #tpu.memory_space<vmem>>, vector<16xf32>, vector<16xi1>
      tpu.vector_store %arg10[%swap3A_41], %get3A_33 masked %ge3A {strides = array<i32>} : memref<48xf32, #tpu.memory_space<vmem>>, vector<16xf32>, vector<16xi1>
      %swap3A_43 = arith.index_cast %min3A_40 : i32 to index
      %swap3A_44 = tpu.vector_load %arg11[%swap3A_43] masked %ge3A {strides = array<i32>} : memref<48xi32, #tpu.memory_space<vmem>>, vector<16xi32>, vector<16xi1>
      tpu.vector_store %arg11[%swap3A_43], %sub3A_39 masked %ge3A {strides = array<i32>} : memref<48xi32, #tpu.memory_space<vmem>>, vector<16xi32>, vector<16xi1>
      %all_reduce_population_count3A = tpu.all_reduce %ge3A {dim = 0 : i64, kind = #tpu.reduction_kind<sum>} : vector<16xi1> -> vector<16xi32>
      %slice3A = vector.extract_strided_slice %all_reduce_population_count3A {offsets = [0], sizes = [1], strides = [1]} : vector<16xi32> to vector<1xi32>
      %squeeze3A = vector.extract %slice3A[0] : i32 from vector<1xi32>
      %add3A_45 = arith.addi %scan3A_29, %squeeze3A : i32
      scf.yield %add3A_45 : i32
    }
    %scan3A_23 = arith.constant 1024 : i32
    %mul3A_24 = arith.constant 32 : i32
    %mul3A_25 = arith.muli %add3A, %mul3A_24 : i32
    "tpu.region"() ({
      %run_scoped3A = tpu.sem_alloc : memref<!tpu.dma_semaphore, #tpu.memory_space<semaphore_mem>>
      %dma_start3A = arith.constant 0 : i32
      %dma_start3A_28 = tpu.memref_slice %arg10[%dma_start3A] : memref<48xf32, #tpu.memory_space<vmem>> -> memref<32xf32, #tpu.memory_space<vmem>>
      %dma_start3A_29 = tpu.memref_slice %arg5[%mul3A_25] : memref<1024xf32, #tpu.memory_space<hbm>> -> memref<32xf32, #tpu.memory_space<hbm>>
      %dma_start3A_30 = tpu.memref_slice %arg5[%mul3A_25] : memref<1024xf32, #tpu.memory_space<hbm>> -> memref<32xf32, #tpu.memory_space<hbm>>
      %dma_start3A_31 = arith.constant 0 : i32
      %dma_start3A_32 = tpu.memref_slice %arg10[%dma_start3A_31] : memref<48xf32, #tpu.memory_space<vmem>> -> memref<32xf32, #tpu.memory_space<vmem>>
      tpu.enqueue_dma source(%dma_start3A_32 : memref<32xf32, #tpu.memory_space<vmem>>) target(%dma_start3A_30 : memref<32xf32, #tpu.memory_space<hbm>>) target_semaphore(%run_scoped3A : memref<!tpu.dma_semaphore, #tpu.memory_space<semaphore_mem>>)
      %dma_wait3A = arith.constant 0 : i32
      %dma_wait3A_33 = tpu.memref_slice %arg10[%dma_wait3A] : memref<48xf32, #tpu.memory_space<vmem>> -> memref<32xf32, #tpu.memory_space<vmem>>
      %dma_wait3A_34 = tpu.memref_slice %arg5[%mul3A_25] : memref<1024xf32, #tpu.memory_space<hbm>> -> memref<32xf32, #tpu.memory_space<hbm>>
      %dma_wait3A_35 = tpu.memref_slice %arg5[%mul3A_25] : memref<1024xf32, #tpu.memory_space<hbm>> -> memref<32xf32, #tpu.memory_space<hbm>>
      %dma_wait3A_36 = arith.constant 0 : i32
      %dma_wait3A_37 = tpu.memref_slice %arg10[%dma_wait3A_36] : memref<48xf32, #tpu.memory_space<vmem>> -> memref<32xf32, #tpu.memory_space<vmem>>
      tpu.wait_dma2 semaphore(%run_scoped3A : memref<!tpu.dma_semaphore, #tpu.memory_space<semaphore_mem>>) src(%dma_wait3A_37 : memref<32xf32, #tpu.memory_space<vmem>>) dst(%dma_wait3A_35 : memref<32xf32, #tpu.memory_space<hbm>>)
      tpu.yield
    }) : () -> ()
    %mul3A_26 = arith.constant 32 : i32
    %mul3A_27 = arith.muli %add3A, %mul3A_26 : i32
    "tpu.region"() ({
      %run_scoped3A = tpu.sem_alloc : memref<!tpu.dma_semaphore, #tpu.memory_space<semaphore_mem>>
      %dma_start3A = arith.constant 0 : i32
      %dma_start3A_28 = tpu.memref_slice %arg11[%dma_start3A] : memref<48xi32, #tpu.memory_space<vmem>> -> memref<32xi32, #tpu.memory_space<vmem>>
      %dma_start3A_29 = tpu.memref_slice %arg6[%mul3A_27] : memref<1024xi32, #tpu.memory_space<hbm>> -> memref<32xi32, #tpu.memory_space<hbm>>
      %dma_start3A_30 = tpu.memref_slice %arg6[%mul3A_27] : memref<1024xi32, #tpu.memory_space<hbm>> -> memref<32xi32, #tpu.memory_space<hbm>>
      %dma_start3A_31 = arith.constant 0 : i32
      %dma_start3A_32 = tpu.memref_slice %arg11[%dma_start3A_31] : memref<48xi32, #tpu.memory_space<vmem>> -> memref<32xi32, #tpu.memory_space<vmem>>
      tpu.enqueue_dma source(%dma_start3A_32 : memref<32xi32, #tpu.memory_space<vmem>>) target(%dma_start3A_30 : memref<32xi32, #tpu.memory_space<hbm>>) target_semaphore(%run_scoped3A : memref<!tpu.dma_semaphore, #tpu.memory_space<semaphore_mem>>)
      %dma_wait3A = arith.constant 0 : i32
      %dma_wait3A_33 = tpu.memref_slice %arg11[%dma_wait3A] : memref<48xi32, #tpu.memory_space<vmem>> -> memref<32xi32, #tpu.memory_space<vmem>>
      %dma_wait3A_34 = tpu.memref_slice %arg6[%mul3A_27] : memref<1024xi32, #tpu.memory_space<hbm>> -> memref<32xi32, #tpu.memory_space<hbm>>
      %dma_wait3A_35 = tpu.memref_slice %arg6[%mul3A_27] : memref<1024xi32, #tpu.memory_space<hbm>> -> memref<32xi32, #tpu.memory_space<hbm>>
      %dma_wait3A_36 = arith.constant 0 : i32
      %dma_wait3A_37 = tpu.memref_slice %arg11[%dma_wait3A_36] : memref<48xi32, #tpu.memory_space<vmem>> -> memref<32xi32, #tpu.memory_space<vmem>>
      tpu.wait_dma2 semaphore(%run_scoped3A : memref<!tpu.dma_semaphore, #tpu.memory_space<semaphore_mem>>) src(%dma_wait3A_37 : memref<32xi32, #tpu.memory_space<vmem>>) dst(%dma_wait3A_35 : memref<32xi32, #tpu.memory_space<hbm>>)
      tpu.yield
    }) : () -> ()
    return
  }
}

#map = affine_map<(d0, d1) -> (0)>
#map1 = affine_map<(d0, d1) -> (0, 0)>
module attributes {stable_mosaic.version = 14 : i64} {
  func.func @_kf_body(%arg0: i32, %arg1: i32, %arg2: memref<256xi32, #tpu.memory_space<hbm>>, %arg3: memref<256xi32, #tpu.memory_space<hbm>>, %arg4: memref<100000xi32, #tpu.memory_space<hbm>>, %arg5: memref<100000xi32, #tpu.memory_space<hbm>>, %arg6: memref<100000xi32, #tpu.memory_space<hbm>>, %arg7: memref<524288xi32, #tpu.memory_space<hbm>>, %arg8: memref<100008x128xf32, #tpu.memory_space<hbm>>, %arg9: memref<256x64xf32, #tpu.memory_space<hbm>>, %arg10: memref<256xf32, #tpu.memory_space<hbm>>, %arg11: memref<16xi32, #tpu.memory_space<vmem>>, %arg12: memref<16xi32, #tpu.memory_space<vmem>>, %arg13: memref<16xi32, #tpu.memory_space<vmem>>, %arg14: memref<16xi32, #tpu.memory_space<vmem>>, %arg15: memref<16xi32, #tpu.memory_space<vmem>>, %arg16: memref<448xi32, #tpu.memory_space<vmem>>, %arg17: memref<448xi32, #tpu.memory_space<vmem>>, %arg18: memref<448xi32, #tpu.memory_space<vmem>>, %arg19: memref<448x128xf32, #tpu.memory_space<vmem>>, %arg20: memref<16x64xf32, #tpu.memory_space<vmem>>, %arg21: memref<16xf32, #tpu.memory_space<vmem>>, %arg22: memref<!tpu.dma_semaphore, #tpu.memory_space<semaphore_mem>>, %arg23: memref<!tpu.dma_semaphore, #tpu.memory_space<semaphore_mem>>) attributes {dimension_semantics = [#tpu.dimension_semantics<core_parallel>, #tpu.dimension_semantics<subcore_parallel>], iteration_bounds = array<i64: 2, 16>, scalar_prefetch = 0 : i64, scratch_operands = 13 : i64, tpu.core_type = #tpu.core_type<sc_vector_subcore>, window_params = [{transform_indices = #map}, {transform_indices = #map}, {transform_indices = #map}, {transform_indices = #map}, {transform_indices = #map}, {transform_indices = #map}, {transform_indices = #map1}, {transform_indices = #map1}, {transform_indices = #map}]} {
    %mul3A = arith.constant 2 : i32
    %mul3A_0 = arith.muli %arg1, %mul3A : i32
    %add3A = arith.addi %mul3A_0, %arg0 : i32
    %lt3A = arith.constant 16 : i32
    %lt3A_1 = arith.cmpi slt, %add3A, %lt3A : i32
    %convert_element_type3A = arith.extui %lt3A_1 : i1 to i32
    %cond3A = arith.constant 0 : i32
    %cond3A_2 = arith.cmpi ne, %convert_element_type3A, %cond3A : i32
    scf.if %cond3A_2 {
      %mul3A_3 = arith.constant 16 : i32
      %mul3A_4 = arith.muli %add3A, %mul3A_3 : i32
      "tpu.region"() ({
        %run_scoped3A = tpu.sem_alloc : memref<!tpu.dma_semaphore, #tpu.memory_space<semaphore_mem>>
        %dma_start3A_2571 = tpu.memref_slice %arg2[%mul3A_4] : memref<256xi32, #tpu.memory_space<hbm>> -> memref<16xi32, #tpu.memory_space<hbm>>
        %dma_start3A_2572 = tpu.memref_slice %arg2[%mul3A_4] : memref<256xi32, #tpu.memory_space<hbm>> -> memref<16xi32, #tpu.memory_space<hbm>>
        tpu.enqueue_dma source(%dma_start3A_2572 : memref<16xi32, #tpu.memory_space<hbm>>) target(%arg11 : memref<16xi32, #tpu.memory_space<vmem>>) target_semaphore(%run_scoped3A : memref<!tpu.dma_semaphore, #tpu.memory_space<semaphore_mem>>)
        %dma_wait3A_2573 = tpu.memref_slice %arg2[%mul3A_4] : memref<256xi32, #tpu.memory_space<hbm>> -> memref<16xi32, #tpu.memory_space<hbm>>
        %dma_wait3A_2574 = tpu.memref_slice %arg2[%mul3A_4] : memref<256xi32, #tpu.memory_space<hbm>> -> memref<16xi32, #tpu.memory_space<hbm>>
        tpu.wait_dma2 semaphore(%run_scoped3A : memref<!tpu.dma_semaphore, #tpu.memory_space<semaphore_mem>>) src(%dma_wait3A_2574 : memref<16xi32, #tpu.memory_space<hbm>>) dst(%arg11 : memref<16xi32, #tpu.memory_space<vmem>>)
        tpu.yield
      }) : () -> ()
      "tpu.region"() ({
        %run_scoped3A = tpu.sem_alloc : memref<!tpu.dma_semaphore, #tpu.memory_space<semaphore_mem>>
        %dma_start3A_2571 = tpu.memref_slice %arg3[%mul3A_4] : memref<256xi32, #tpu.memory_space<hbm>> -> memref<16xi32, #tpu.memory_space<hbm>>
        %dma_start3A_2572 = tpu.memref_slice %arg3[%mul3A_4] : memref<256xi32, #tpu.memory_space<hbm>> -> memref<16xi32, #tpu.memory_space<hbm>>
        tpu.enqueue_dma source(%dma_start3A_2572 : memref<16xi32, #tpu.memory_space<hbm>>) target(%arg12 : memref<16xi32, #tpu.memory_space<vmem>>) target_semaphore(%run_scoped3A : memref<!tpu.dma_semaphore, #tpu.memory_space<semaphore_mem>>)
        %dma_wait3A_2573 = tpu.memref_slice %arg3[%mul3A_4] : memref<256xi32, #tpu.memory_space<hbm>> -> memref<16xi32, #tpu.memory_space<hbm>>
        %dma_wait3A_2574 = tpu.memref_slice %arg3[%mul3A_4] : memref<256xi32, #tpu.memory_space<hbm>> -> memref<16xi32, #tpu.memory_space<hbm>>
        tpu.wait_dma2 semaphore(%run_scoped3A : memref<!tpu.dma_semaphore, #tpu.memory_space<semaphore_mem>>) src(%dma_wait3A_2574 : memref<16xi32, #tpu.memory_space<hbm>>) dst(%arg12 : memref<16xi32, #tpu.memory_space<vmem>>)
        tpu.yield
      }) : () -> ()
      %dma_start3A = arith.constant 0 : i32
      %dma_start3A_5 = tpu.memref_slice %arg4[%dma_start3A] : memref<100000xi32, #tpu.memory_space<hbm>> -> memref<100000xi32, #tpu.memory_space<hbm>>
      tpu.enqueue_indirect_dma source(%dma_start3A_5 : memref<100000xi32, #tpu.memory_space<hbm>>) target(%arg13 : memref<16xi32, #tpu.memory_space<vmem>>) offsets(%arg11 : memref<16xi32, #tpu.memory_space<vmem>>) semaphore(%arg22 : memref<!tpu.dma_semaphore, #tpu.memory_space<semaphore_mem>>)
      %dma_wait3A = arith.constant 0 : i32
      %dma_wait3A_6 = tpu.memref_slice %arg4[%dma_wait3A] : memref<100000xi32, #tpu.memory_space<hbm>> -> memref<100000xi32, #tpu.memory_space<hbm>>
      tpu.wait_indirect_dma semaphore(%arg22 : memref<!tpu.dma_semaphore, #tpu.memory_space<semaphore_mem>>) src(%dma_wait3A_6 : memref<100000xi32, #tpu.memory_space<hbm>>) dst(%arg13 : memref<16xi32, #tpu.memory_space<vmem>>)
      %dma_start3A_7 = arith.constant 0 : i32
      %dma_start3A_8 = tpu.memref_slice %arg5[%dma_start3A_7] : memref<100000xi32, #tpu.memory_space<hbm>> -> memref<100000xi32, #tpu.memory_space<hbm>>
      tpu.enqueue_indirect_dma source(%dma_start3A_8 : memref<100000xi32, #tpu.memory_space<hbm>>) target(%arg14 : memref<16xi32, #tpu.memory_space<vmem>>) offsets(%arg11 : memref<16xi32, #tpu.memory_space<vmem>>) semaphore(%arg22 : memref<!tpu.dma_semaphore, #tpu.memory_space<semaphore_mem>>)
      %dma_wait3A_9 = arith.constant 0 : i32
      %dma_wait3A_10 = tpu.memref_slice %arg5[%dma_wait3A_9] : memref<100000xi32, #tpu.memory_space<hbm>> -> memref<100000xi32, #tpu.memory_space<hbm>>
      tpu.wait_indirect_dma semaphore(%arg22 : memref<!tpu.dma_semaphore, #tpu.memory_space<semaphore_mem>>) src(%dma_wait3A_10 : memref<100000xi32, #tpu.memory_space<hbm>>) dst(%arg14 : memref<16xi32, #tpu.memory_space<vmem>>)
      %dma_start3A_11 = arith.constant 0 : i32
      %dma_start3A_12 = tpu.memref_slice %arg6[%dma_start3A_11] : memref<100000xi32, #tpu.memory_space<hbm>> -> memref<100000xi32, #tpu.memory_space<hbm>>
      tpu.enqueue_indirect_dma source(%dma_start3A_12 : memref<100000xi32, #tpu.memory_space<hbm>>) target(%arg15 : memref<16xi32, #tpu.memory_space<vmem>>) offsets(%arg11 : memref<16xi32, #tpu.memory_space<vmem>>) semaphore(%arg22 : memref<!tpu.dma_semaphore, #tpu.memory_space<semaphore_mem>>)
      %dma_wait3A_13 = arith.constant 0 : i32
      %dma_wait3A_14 = tpu.memref_slice %arg6[%dma_wait3A_13] : memref<100000xi32, #tpu.memory_space<hbm>> -> memref<100000xi32, #tpu.memory_space<hbm>>
      tpu.wait_indirect_dma semaphore(%arg22 : memref<!tpu.dma_semaphore, #tpu.memory_space<semaphore_mem>>) src(%dma_wait3A_14 : memref<100000xi32, #tpu.memory_space<hbm>>) dst(%arg15 : memref<16xi32, #tpu.memory_space<vmem>>)
      %get3A = arith.constant 0 : index
      %get3A_15 = tpu.vector_load %arg13[%get3A] {strides = array<i32>} : memref<16xi32, #tpu.memory_space<vmem>>, vector<16xi32>,
      %get3A_16 = arith.constant 0 : index
      %get3A_17 = tpu.vector_load %arg14[%get3A_16] {strides = array<i32>} : memref<16xi32, #tpu.memory_space<vmem>>, vector<16xi32>,
      %get3A_18 = arith.constant 0 : index
      %get3A_19 = tpu.vector_load %arg15[%get3A_18] {strides = array<i32>} : memref<16xi32, #tpu.memory_space<vmem>>, vector<16xi32>,
      %get3A_20 = arith.constant 0 : index
      %get3A_21 = tpu.vector_load %arg12[%get3A_20] {strides = array<i32>} : memref<16xi32, #tpu.memory_space<vmem>>, vector<16xi32>,
      %add3A_22 = arith.constant -1 : i32
      %add3A_23 = vector.broadcast %add3A_22 : i32 to vector<16xi32>
      %add3A_24 = arith.addi %get3A_15, %add3A_23 : vector<16xi32>
      %jit3A = arith.constant 0 : i32
      %jit3A_25 = arith.constant 63 : i32
      %max3A = vector.broadcast %jit3A : i32 to vector<16xi32>
      %max3A_26 = arith.maxsi %max3A, %add3A_24 : vector<16xi32>
      %min3A = vector.broadcast %jit3A_25 : i32 to vector<16xi32>
      %min3A_27 = arith.minsi %min3A, %max3A_26 : vector<16xi32>
      %add3A_28 = arith.constant -1 : i32
      %add3A_29 = vector.broadcast %add3A_28 : i32 to vector<16xi32>
      %add3A_30 = arith.addi %get3A_17, %add3A_29 : vector<16xi32>
      %jit3A_31 = arith.constant 0 : i32
      %jit3A_32 = arith.constant 63 : i32
      %max3A_33 = vector.broadcast %jit3A_31 : i32 to vector<16xi32>
      %max3A_34 = arith.maxsi %max3A_33, %add3A_30 : vector<16xi32>
      %min3A_35 = vector.broadcast %jit3A_32 : i32 to vector<16xi32>
      %min3A_36 = arith.minsi %min3A_35, %max3A_34 : vector<16xi32>
      %add3A_37 = arith.constant -1 : i32
      %add3A_38 = vector.broadcast %add3A_37 : i32 to vector<16xi32>
      %add3A_39 = arith.addi %get3A_19, %add3A_38 : vector<16xi32>
      %jit3A_40 = arith.constant 0 : i32
      %jit3A_41 = arith.constant 63 : i32
      %max3A_42 = vector.broadcast %jit3A_40 : i32 to vector<16xi32>
      %max3A_43 = arith.maxsi %max3A_42, %add3A_39 : vector<16xi32>
      %min3A_44 = vector.broadcast %jit3A_41 : i32 to vector<16xi32>
      %min3A_45 = arith.minsi %min3A_44, %max3A_43 : vector<16xi32>
      %mul3A_46 = arith.constant 64 : i32
      %mul3A_47 = vector.broadcast %mul3A_46 : i32 to vector<16xi32>
      %mul3A_48 = arith.muli %get3A_21, %mul3A_47 : vector<16xi32>
      %add3A_49 = arith.addi %mul3A_48, %min3A_27 : vector<16xi32>
      %mul3A_50 = arith.constant 64 : i32
      %mul3A_51 = vector.broadcast %mul3A_50 : i32 to vector<16xi32>
      %mul3A_52 = arith.muli %add3A_49, %mul3A_51 : vector<16xi32>
      %add3A_53 = arith.addi %mul3A_52, %min3A_36 : vector<16xi32>
      %mul3A_54 = arith.constant 64 : i32
      %mul3A_55 = vector.broadcast %mul3A_54 : i32 to vector<16xi32>
      %mul3A_56 = arith.muli %add3A_53, %mul3A_55 : vector<16xi32>
      %add3A_57 = arith.addi %mul3A_56, %min3A_45 : vector<16xi32>
      %swap3A = arith.constant 0 : index
      %swap3A_58 = tpu.vector_load %arg16[%swap3A] {strides = array<i32>} : memref<448xi32, #tpu.memory_space<vmem>>, vector<16xi32>,
      tpu.vector_store %arg16[%swap3A], %add3A_57 {strides = array<i32>} : memref<448xi32, #tpu.memory_space<vmem>>, vector<16xi32>,
      %add3A_59 = arith.constant -1 : i32
      %add3A_60 = vector.broadcast %add3A_59 : i32 to vector<16xi32>
      %add3A_61 = arith.addi %get3A_15, %add3A_60 : vector<16xi32>
      %jit3A_62 = arith.constant 0 : i32
      %jit3A_63 = arith.constant 63 : i32
      %max3A_64 = vector.broadcast %jit3A_62 : i32 to vector<16xi32>
      %max3A_65 = arith.maxsi %max3A_64, %add3A_61 : vector<16xi32>
      %min3A_66 = vector.broadcast %jit3A_63 : i32 to vector<16xi32>
      %min3A_67 = arith.minsi %min3A_66, %max3A_65 : vector<16xi32>
      %add3A_68 = arith.constant -1 : i32
      %add3A_69 = vector.broadcast %add3A_68 : i32 to vector<16xi32>
      %add3A_70 = arith.addi %get3A_17, %add3A_69 : vector<16xi32>
      %jit3A_71 = arith.constant 0 : i32
      %jit3A_72 = arith.constant 63 : i32
      %max3A_73 = vector.broadcast %jit3A_71 : i32 to vector<16xi32>
      %max3A_74 = arith.maxsi %max3A_73, %add3A_70 : vector<16xi32>
      %min3A_75 = vector.broadcast %jit3A_72 : i32 to vector<16xi32>
      %min3A_76 = arith.minsi %min3A_75, %max3A_74 : vector<16xi32>
      %add3A_77 = arith.constant 0 : i32
      %add3A_78 = vector.broadcast %add3A_77 : i32 to vector<16xi32>
      %add3A_79 = arith.addi %get3A_19, %add3A_78 : vector<16xi32>
      %jit3A_80 = arith.constant 0 : i32
      %jit3A_81 = arith.constant 63 : i32
      %max3A_82 = vector.broadcast %jit3A_80 : i32 to vector<16xi32>
      %max3A_83 = arith.maxsi %max3A_82, %add3A_79 : vector<16xi32>
      %min3A_84 = vector.broadcast %jit3A_81 : i32 to vector<16xi32>
      %min3A_85 = arith.minsi %min3A_84, %max3A_83 : vector<16xi32>
      %mul3A_86 = arith.constant 64 : i32
      %mul3A_87 = vector.broadcast %mul3A_86 : i32 to vector<16xi32>
      %mul3A_88 = arith.muli %get3A_21, %mul3A_87 : vector<16xi32>
      %add3A_89 = arith.addi %mul3A_88, %min3A_67 : vector<16xi32>
      %mul3A_90 = arith.constant 64 : i32
      %mul3A_91 = vector.broadcast %mul3A_90 : i32 to vector<16xi32>
      %mul3A_92 = arith.muli %add3A_89, %mul3A_91 : vector<16xi32>
      %add3A_93 = arith.addi %mul3A_92, %min3A_76 : vector<16xi32>
      %mul3A_94 = arith.constant 64 : i32
      %mul3A_95 = vector.broadcast %mul3A_94 : i32 to vector<16xi32>
      %mul3A_96 = arith.muli %add3A_93, %mul3A_95 : vector<16xi32>
      %add3A_97 = arith.addi %mul3A_96, %min3A_85 : vector<16xi32>
      %swap3A_98 = arith.constant 16 : index
      %swap3A_99 = tpu.vector_load %arg16[%swap3A_98] {strides = array<i32>} : memref<448xi32, #tpu.memory_space<vmem>>, vector<16xi32>,
      tpu.vector_store %arg16[%swap3A_98], %add3A_97 {strides = array<i32>} : memref<448xi32, #tpu.memory_space<vmem>>, vector<16xi32>,
      %add3A_100 = arith.constant -1 : i32
      %add3A_101 = vector.broadcast %add3A_100 : i32 to vector<16xi32>
      %add3A_102 = arith.addi %get3A_15, %add3A_101 : vector<16xi32>
      %jit3A_103 = arith.constant 0 : i32
      %jit3A_104 = arith.constant 63 : i32
      %max3A_105 = vector.broadcast %jit3A_103 : i32 to vector<16xi32>
      %max3A_106 = arith.maxsi %max3A_105, %add3A_102 : vector<16xi32>
      %min3A_107 = vector.broadcast %jit3A_104 : i32 to vector<16xi32>
      %min3A_108 = arith.minsi %min3A_107, %max3A_106 : vector<16xi32>
      %add3A_109 = arith.constant -1 : i32
      %add3A_110 = vector.broadcast %add3A_109 : i32 to vector<16xi32>
      %add3A_111 = arith.addi %get3A_17, %add3A_110 : vector<16xi32>
      %jit3A_112 = arith.constant 0 : i32
      %jit3A_113 = arith.constant 63 : i32
      %max3A_114 = vector.broadcast %jit3A_112 : i32 to vector<16xi32>
      %max3A_115 = arith.maxsi %max3A_114, %add3A_111 : vector<16xi32>
      %min3A_116 = vector.broadcast %jit3A_113 : i32 to vector<16xi32>
      %min3A_117 = arith.minsi %min3A_116, %max3A_115 : vector<16xi32>
      %add3A_118 = arith.constant 1 : i32
      %add3A_119 = vector.broadcast %add3A_118 : i32 to vector<16xi32>
      %add3A_120 = arith.addi %get3A_19, %add3A_119 : vector<16xi32>
      %jit3A_121 = arith.constant 0 : i32
      %jit3A_122 = arith.constant 63 : i32
      %max3A_123 = vector.broadcast %jit3A_121 : i32 to vector<16xi32>
      %max3A_124 = arith.maxsi %max3A_123, %add3A_120 : vector<16xi32>
      %min3A_125 = vector.broadcast %jit3A_122 : i32 to vector<16xi32>
      %min3A_126 = arith.minsi %min3A_125, %max3A_124 : vector<16xi32>
      %mul3A_127 = arith.constant 64 : i32
      %mul3A_128 = vector.broadcast %mul3A_127 : i32 to vector<16xi32>
      %mul3A_129 = arith.muli %get3A_21, %mul3A_128 : vector<16xi32>
      %add3A_130 = arith.addi %mul3A_129, %min3A_108 : vector<16xi32>
      %mul3A_131 = arith.constant 64 : i32
      %mul3A_132 = vector.broadcast %mul3A_131 : i32 to vector<16xi32>
      %mul3A_133 = arith.muli %add3A_130, %mul3A_132 : vector<16xi32>
      %add3A_134 = arith.addi %mul3A_133, %min3A_117 : vector<16xi32>
      %mul3A_135 = arith.constant 64 : i32
      %mul3A_136 = vector.broadcast %mul3A_135 : i32 to vector<16xi32>
      %mul3A_137 = arith.muli %add3A_134, %mul3A_136 : vector<16xi32>
      %add3A_138 = arith.addi %mul3A_137, %min3A_126 : vector<16xi32>
      %swap3A_139 = arith.constant 32 : index
      %swap3A_140 = tpu.vector_load %arg16[%swap3A_139] {strides = array<i32>} : memref<448xi32, #tpu.memory_space<vmem>>, vector<16xi32>,
      tpu.vector_store %arg16[%swap3A_139], %add3A_138 {strides = array<i32>} : memref<448xi32, #tpu.memory_space<vmem>>, vector<16xi32>,
      %add3A_141 = arith.constant -1 : i32
      %add3A_142 = vector.broadcast %add3A_141 : i32 to vector<16xi32>
      %add3A_143 = arith.addi %get3A_15, %add3A_142 : vector<16xi32>
      %jit3A_144 = arith.constant 0 : i32
      %jit3A_145 = arith.constant 63 : i32
      %max3A_146 = vector.broadcast %jit3A_144 : i32 to vector<16xi32>
      %max3A_147 = arith.maxsi %max3A_146, %add3A_143 : vector<16xi32>
      %min3A_148 = vector.broadcast %jit3A_145 : i32 to vector<16xi32>
      %min3A_149 = arith.minsi %min3A_148, %max3A_147 : vector<16xi32>
      %add3A_150 = arith.constant 0 : i32
      %add3A_151 = vector.broadcast %add3A_150 : i32 to vector<16xi32>
      %add3A_152 = arith.addi %get3A_17, %add3A_151 : vector<16xi32>
      %jit3A_153 = arith.constant 0 : i32
      %jit3A_154 = arith.constant 63 : i32
      %max3A_155 = vector.broadcast %jit3A_153 : i32 to vector<16xi32>
      %max3A_156 = arith.maxsi %max3A_155, %add3A_152 : vector<16xi32>
      %min3A_157 = vector.broadcast %jit3A_154 : i32 to vector<16xi32>
      %min3A_158 = arith.minsi %min3A_157, %max3A_156 : vector<16xi32>
      %add3A_159 = arith.constant -1 : i32
      %add3A_160 = vector.broadcast %add3A_159 : i32 to vector<16xi32>
      %add3A_161 = arith.addi %get3A_19, %add3A_160 : vector<16xi32>
      %jit3A_162 = arith.constant 0 : i32
      %jit3A_163 = arith.constant 63 : i32
      %max3A_164 = vector.broadcast %jit3A_162 : i32 to vector<16xi32>
      %max3A_165 = arith.maxsi %max3A_164, %add3A_161 : vector<16xi32>
      %min3A_166 = vector.broadcast %jit3A_163 : i32 to vector<16xi32>
      %min3A_167 = arith.minsi %min3A_166, %max3A_165 : vector<16xi32>
      %mul3A_168 = arith.constant 64 : i32
      %mul3A_169 = vector.broadcast %mul3A_168 : i32 to vector<16xi32>
      %mul3A_170 = arith.muli %get3A_21, %mul3A_169 : vector<16xi32>
      %add3A_171 = arith.addi %mul3A_170, %min3A_149 : vector<16xi32>
      %mul3A_172 = arith.constant 64 : i32
      %mul3A_173 = vector.broadcast %mul3A_172 : i32 to vector<16xi32>
      %mul3A_174 = arith.muli %add3A_171, %mul3A_173 : vector<16xi32>
      %add3A_175 = arith.addi %mul3A_174, %min3A_158 : vector<16xi32>
      %mul3A_176 = arith.constant 64 : i32
      %mul3A_177 = vector.broadcast %mul3A_176 : i32 to vector<16xi32>
      %mul3A_178 = arith.muli %add3A_175, %mul3A_177 : vector<16xi32>
      %add3A_179 = arith.addi %mul3A_178, %min3A_167 : vector<16xi32>
      %swap3A_180 = arith.constant 48 : index
      %swap3A_181 = tpu.vector_load %arg16[%swap3A_180] {strides = array<i32>} : memref<448xi32, #tpu.memory_space<vmem>>, vector<16xi32>,
      tpu.vector_store %arg16[%swap3A_180], %add3A_179 {strides = array<i32>} : memref<448xi32, #tpu.memory_space<vmem>>, vector<16xi32>,
      %add3A_182 = arith.constant -1 : i32
      %add3A_183 = vector.broadcast %add3A_182 : i32 to vector<16xi32>
      %add3A_184 = arith.addi %get3A_15, %add3A_183 : vector<16xi32>
      %jit3A_185 = arith.constant 0 : i32
      %jit3A_186 = arith.constant 63 : i32
      %max3A_187 = vector.broadcast %jit3A_185 : i32 to vector<16xi32>
      %max3A_188 = arith.maxsi %max3A_187, %add3A_184 : vector<16xi32>
      %min3A_189 = vector.broadcast %jit3A_186 : i32 to vector<16xi32>
      %min3A_190 = arith.minsi %min3A_189, %max3A_188 : vector<16xi32>
      %add3A_191 = arith.constant 0 : i32
      %add3A_192 = vector.broadcast %add3A_191 : i32 to vector<16xi32>
      %add3A_193 = arith.addi %get3A_17, %add3A_192 : vector<16xi32>
      %jit3A_194 = arith.constant 0 : i32
      %jit3A_195 = arith.constant 63 : i32
      %max3A_196 = vector.broadcast %jit3A_194 : i32 to vector<16xi32>
      %max3A_197 = arith.maxsi %max3A_196, %add3A_193 : vector<16xi32>
      %min3A_198 = vector.broadcast %jit3A_195 : i32 to vector<16xi32>
      %min3A_199 = arith.minsi %min3A_198, %max3A_197 : vector<16xi32>
      %add3A_200 = arith.constant 0 : i32
      %add3A_201 = vector.broadcast %add3A_200 : i32 to vector<16xi32>
      %add3A_202 = arith.addi %get3A_19, %add3A_201 : vector<16xi32>
      %jit3A_203 = arith.constant 0 : i32
      %jit3A_204 = arith.constant 63 : i32
      %max3A_205 = vector.broadcast %jit3A_203 : i32 to vector<16xi32>
      %max3A_206 = arith.maxsi %max3A_205, %add3A_202 : vector<16xi32>
      %min3A_207 = vector.broadcast %jit3A_204 : i32 to vector<16xi32>
      %min3A_208 = arith.minsi %min3A_207, %max3A_206 : vector<16xi32>
      %mul3A_209 = arith.constant 64 : i32
      %mul3A_210 = vector.broadcast %mul3A_209 : i32 to vector<16xi32>
      %mul3A_211 = arith.muli %get3A_21, %mul3A_210 : vector<16xi32>
      %add3A_212 = arith.addi %mul3A_211, %min3A_190 : vector<16xi32>
      %mul3A_213 = arith.constant 64 : i32
      %mul3A_214 = vector.broadcast %mul3A_213 : i32 to vector<16xi32>
      %mul3A_215 = arith.muli %add3A_212, %mul3A_214 : vector<16xi32>
      %add3A_216 = arith.addi %mul3A_215, %min3A_199 : vector<16xi32>
      %mul3A_217 = arith.constant 64 : i32
      %mul3A_218 = vector.broadcast %mul3A_217 : i32 to vector<16xi32>
      %mul3A_219 = arith.muli %add3A_216, %mul3A_218 : vector<16xi32>
      %add3A_220 = arith.addi %mul3A_219, %min3A_208 : vector<16xi32>
      %swap3A_221 = arith.constant 64 : index
      %swap3A_222 = tpu.vector_load %arg16[%swap3A_221] {strides = array<i32>} : memref<448xi32, #tpu.memory_space<vmem>>, vector<16xi32>,
      tpu.vector_store %arg16[%swap3A_221], %add3A_220 {strides = array<i32>} : memref<448xi32, #tpu.memory_space<vmem>>, vector<16xi32>,
      %add3A_223 = arith.constant -1 : i32
      %add3A_224 = vector.broadcast %add3A_223 : i32 to vector<16xi32>
      %add3A_225 = arith.addi %get3A_15, %add3A_224 : vector<16xi32>
      %jit3A_226 = arith.constant 0 : i32
      %jit3A_227 = arith.constant 63 : i32
      %max3A_228 = vector.broadcast %jit3A_226 : i32 to vector<16xi32>
      %max3A_229 = arith.maxsi %max3A_228, %add3A_225 : vector<16xi32>
      %min3A_230 = vector.broadcast %jit3A_227 : i32 to vector<16xi32>
      %min3A_231 = arith.minsi %min3A_230, %max3A_229 : vector<16xi32>
      %add3A_232 = arith.constant 0 : i32
      %add3A_233 = vector.broadcast %add3A_232 : i32 to vector<16xi32>
      %add3A_234 = arith.addi %get3A_17, %add3A_233 : vector<16xi32>
      %jit3A_235 = arith.constant 0 : i32
      %jit3A_236 = arith.constant 63 : i32
      %max3A_237 = vector.broadcast %jit3A_235 : i32 to vector<16xi32>
      %max3A_238 = arith.maxsi %max3A_237, %add3A_234 : vector<16xi32>
      %min3A_239 = vector.broadcast %jit3A_236 : i32 to vector<16xi32>
      %min3A_240 = arith.minsi %min3A_239, %max3A_238 : vector<16xi32>
      %add3A_241 = arith.constant 1 : i32
      %add3A_242 = vector.broadcast %add3A_241 : i32 to vector<16xi32>
      %add3A_243 = arith.addi %get3A_19, %add3A_242 : vector<16xi32>
      %jit3A_244 = arith.constant 0 : i32
      %jit3A_245 = arith.constant 63 : i32
      %max3A_246 = vector.broadcast %jit3A_244 : i32 to vector<16xi32>
      %max3A_247 = arith.maxsi %max3A_246, %add3A_243 : vector<16xi32>
      %min3A_248 = vector.broadcast %jit3A_245 : i32 to vector<16xi32>
      %min3A_249 = arith.minsi %min3A_248, %max3A_247 : vector<16xi32>
      %mul3A_250 = arith.constant 64 : i32
      %mul3A_251 = vector.broadcast %mul3A_250 : i32 to vector<16xi32>
      %mul3A_252 = arith.muli %get3A_21, %mul3A_251 : vector<16xi32>
      %add3A_253 = arith.addi %mul3A_252, %min3A_231 : vector<16xi32>
      %mul3A_254 = arith.constant 64 : i32
      %mul3A_255 = vector.broadcast %mul3A_254 : i32 to vector<16xi32>
      %mul3A_256 = arith.muli %add3A_253, %mul3A_255 : vector<16xi32>
      %add3A_257 = arith.addi %mul3A_256, %min3A_240 : vector<16xi32>
      %mul3A_258 = arith.constant 64 : i32
      %mul3A_259 = vector.broadcast %mul3A_258 : i32 to vector<16xi32>
      %mul3A_260 = arith.muli %add3A_257, %mul3A_259 : vector<16xi32>
      %add3A_261 = arith.addi %mul3A_260, %min3A_249 : vector<16xi32>
      %swap3A_262 = arith.constant 80 : index
      %swap3A_263 = tpu.vector_load %arg16[%swap3A_262] {strides = array<i32>} : memref<448xi32, #tpu.memory_space<vmem>>, vector<16xi32>,
      tpu.vector_store %arg16[%swap3A_262], %add3A_261 {strides = array<i32>} : memref<448xi32, #tpu.memory_space<vmem>>, vector<16xi32>,
      %add3A_264 = arith.constant -1 : i32
      %add3A_265 = vector.broadcast %add3A_264 : i32 to vector<16xi32>
      %add3A_266 = arith.addi %get3A_15, %add3A_265 : vector<16xi32>
      %jit3A_267 = arith.constant 0 : i32
      %jit3A_268 = arith.constant 63 : i32
      %max3A_269 = vector.broadcast %jit3A_267 : i32 to vector<16xi32>
      %max3A_270 = arith.maxsi %max3A_269, %add3A_266 : vector<16xi32>
      %min3A_271 = vector.broadcast %jit3A_268 : i32 to vector<16xi32>
      %min3A_272 = arith.minsi %min3A_271, %max3A_270 : vector<16xi32>
      %add3A_273 = arith.constant 1 : i32
      %add3A_274 = vector.broadcast %add3A_273 : i32 to vector<16xi32>
      %add3A_275 = arith.addi %get3A_17, %add3A_274 : vector<16xi32>
      %jit3A_276 = arith.constant 0 : i32
      %jit3A_277 = arith.constant 63 : i32
      %max3A_278 = vector.broadcast %jit3A_276 : i32 to vector<16xi32>
      %max3A_279 = arith.maxsi %max3A_278, %add3A_275 : vector<16xi32>
      %min3A_280 = vector.broadcast %jit3A_277 : i32 to vector<16xi32>
      %min3A_281 = arith.minsi %min3A_280, %max3A_279 : vector<16xi32>
      %add3A_282 = arith.constant -1 : i32
      %add3A_283 = vector.broadcast %add3A_282 : i32 to vector<16xi32>
      %add3A_284 = arith.addi %get3A_19, %add3A_283 : vector<16xi32>
      %jit3A_285 = arith.constant 0 : i32
      %jit3A_286 = arith.constant 63 : i32
      %max3A_287 = vector.broadcast %jit3A_285 : i32 to vector<16xi32>
      %max3A_288 = arith.maxsi %max3A_287, %add3A_284 : vector<16xi32>
      %min3A_289 = vector.broadcast %jit3A_286 : i32 to vector<16xi32>
      %min3A_290 = arith.minsi %min3A_289, %max3A_288 : vector<16xi32>
      %mul3A_291 = arith.constant 64 : i32
      %mul3A_292 = vector.broadcast %mul3A_291 : i32 to vector<16xi32>
      %mul3A_293 = arith.muli %get3A_21, %mul3A_292 : vector<16xi32>
      %add3A_294 = arith.addi %mul3A_293, %min3A_272 : vector<16xi32>
      %mul3A_295 = arith.constant 64 : i32
      %mul3A_296 = vector.broadcast %mul3A_295 : i32 to vector<16xi32>
      %mul3A_297 = arith.muli %add3A_294, %mul3A_296 : vector<16xi32>
      %add3A_298 = arith.addi %mul3A_297, %min3A_281 : vector<16xi32>
      %mul3A_299 = arith.constant 64 : i32
      %mul3A_300 = vector.broadcast %mul3A_299 : i32 to vector<16xi32>
      %mul3A_301 = arith.muli %add3A_298, %mul3A_300 : vector<16xi32>
      %add3A_302 = arith.addi %mul3A_301, %min3A_290 : vector<16xi32>
      %swap3A_303 = arith.constant 96 : index
      %swap3A_304 = tpu.vector_load %arg16[%swap3A_303] {strides = array<i32>} : memref<448xi32, #tpu.memory_space<vmem>>, vector<16xi32>,
      tpu.vector_store %arg16[%swap3A_303], %add3A_302 {strides = array<i32>} : memref<448xi32, #tpu.memory_space<vmem>>, vector<16xi32>,
      %add3A_305 = arith.constant -1 : i32
      %add3A_306 = vector.broadcast %add3A_305 : i32 to vector<16xi32>
      %add3A_307 = arith.addi %get3A_15, %add3A_306 : vector<16xi32>
      %jit3A_308 = arith.constant 0 : i32
      %jit3A_309 = arith.constant 63 : i32
      %max3A_310 = vector.broadcast %jit3A_308 : i32 to vector<16xi32>
      %max3A_311 = arith.maxsi %max3A_310, %add3A_307 : vector<16xi32>
      %min3A_312 = vector.broadcast %jit3A_309 : i32 to vector<16xi32>
      %min3A_313 = arith.minsi %min3A_312, %max3A_311 : vector<16xi32>
      %add3A_314 = arith.constant 1 : i32
      %add3A_315 = vector.broadcast %add3A_314 : i32 to vector<16xi32>
      %add3A_316 = arith.addi %get3A_17, %add3A_315 : vector<16xi32>
      %jit3A_317 = arith.constant 0 : i32
      %jit3A_318 = arith.constant 63 : i32
      %max3A_319 = vector.broadcast %jit3A_317 : i32 to vector<16xi32>
      %max3A_320 = arith.maxsi %max3A_319, %add3A_316 : vector<16xi32>
      %min3A_321 = vector.broadcast %jit3A_318 : i32 to vector<16xi32>
      %min3A_322 = arith.minsi %min3A_321, %max3A_320 : vector<16xi32>
      %add3A_323 = arith.constant 0 : i32
      %add3A_324 = vector.broadcast %add3A_323 : i32 to vector<16xi32>
      %add3A_325 = arith.addi %get3A_19, %add3A_324 : vector<16xi32>
      %jit3A_326 = arith.constant 0 : i32
      %jit3A_327 = arith.constant 63 : i32
      %max3A_328 = vector.broadcast %jit3A_326 : i32 to vector<16xi32>
      %max3A_329 = arith.maxsi %max3A_328, %add3A_325 : vector<16xi32>
      %min3A_330 = vector.broadcast %jit3A_327 : i32 to vector<16xi32>
      %min3A_331 = arith.minsi %min3A_330, %max3A_329 : vector<16xi32>
      %mul3A_332 = arith.constant 64 : i32
      %mul3A_333 = vector.broadcast %mul3A_332 : i32 to vector<16xi32>
      %mul3A_334 = arith.muli %get3A_21, %mul3A_333 : vector<16xi32>
      %add3A_335 = arith.addi %mul3A_334, %min3A_313 : vector<16xi32>
      %mul3A_336 = arith.constant 64 : i32
      %mul3A_337 = vector.broadcast %mul3A_336 : i32 to vector<16xi32>
      %mul3A_338 = arith.muli %add3A_335, %mul3A_337 : vector<16xi32>
      %add3A_339 = arith.addi %mul3A_338, %min3A_322 : vector<16xi32>
      %mul3A_340 = arith.constant 64 : i32
      %mul3A_341 = vector.broadcast %mul3A_340 : i32 to vector<16xi32>
      %mul3A_342 = arith.muli %add3A_339, %mul3A_341 : vector<16xi32>
      %add3A_343 = arith.addi %mul3A_342, %min3A_331 : vector<16xi32>
      %swap3A_344 = arith.constant 112 : index
      %swap3A_345 = tpu.vector_load %arg16[%swap3A_344] {strides = array<i32>} : memref<448xi32, #tpu.memory_space<vmem>>, vector<16xi32>,
      tpu.vector_store %arg16[%swap3A_344], %add3A_343 {strides = array<i32>} : memref<448xi32, #tpu.memory_space<vmem>>, vector<16xi32>,
      %add3A_346 = arith.constant -1 : i32
      %add3A_347 = vector.broadcast %add3A_346 : i32 to vector<16xi32>
      %add3A_348 = arith.addi %get3A_15, %add3A_347 : vector<16xi32>
      %jit3A_349 = arith.constant 0 : i32
      %jit3A_350 = arith.constant 63 : i32
      %max3A_351 = vector.broadcast %jit3A_349 : i32 to vector<16xi32>
      %max3A_352 = arith.maxsi %max3A_351, %add3A_348 : vector<16xi32>
      %min3A_353 = vector.broadcast %jit3A_350 : i32 to vector<16xi32>
      %min3A_354 = arith.minsi %min3A_353, %max3A_352 : vector<16xi32>
      %add3A_355 = arith.constant 1 : i32
      %add3A_356 = vector.broadcast %add3A_355 : i32 to vector<16xi32>
      %add3A_357 = arith.addi %get3A_17, %add3A_356 : vector<16xi32>
      %jit3A_358 = arith.constant 0 : i32
      %jit3A_359 = arith.constant 63 : i32
      %max3A_360 = vector.broadcast %jit3A_358 : i32 to vector<16xi32>
      %max3A_361 = arith.maxsi %max3A_360, %add3A_357 : vector<16xi32>
      %min3A_362 = vector.broadcast %jit3A_359 : i32 to vector<16xi32>
      %min3A_363 = arith.minsi %min3A_362, %max3A_361 : vector<16xi32>
      %add3A_364 = arith.constant 1 : i32
      %add3A_365 = vector.broadcast %add3A_364 : i32 to vector<16xi32>
      %add3A_366 = arith.addi %get3A_19, %add3A_365 : vector<16xi32>
      %jit3A_367 = arith.constant 0 : i32
      %jit3A_368 = arith.constant 63 : i32
      %max3A_369 = vector.broadcast %jit3A_367 : i32 to vector<16xi32>
      %max3A_370 = arith.maxsi %max3A_369, %add3A_366 : vector<16xi32>
      %min3A_371 = vector.broadcast %jit3A_368 : i32 to vector<16xi32>
      %min3A_372 = arith.minsi %min3A_371, %max3A_370 : vector<16xi32>
      %mul3A_373 = arith.constant 64 : i32
      %mul3A_374 = vector.broadcast %mul3A_373 : i32 to vector<16xi32>
      %mul3A_375 = arith.muli %get3A_21, %mul3A_374 : vector<16xi32>
      %add3A_376 = arith.addi %mul3A_375, %min3A_354 : vector<16xi32>
      %mul3A_377 = arith.constant 64 : i32
      %mul3A_378 = vector.broadcast %mul3A_377 : i32 to vector<16xi32>
      %mul3A_379 = arith.muli %add3A_376, %mul3A_378 : vector<16xi32>
      %add3A_380 = arith.addi %mul3A_379, %min3A_363 : vector<16xi32>
      %mul3A_381 = arith.constant 64 : i32
      %mul3A_382 = vector.broadcast %mul3A_381 : i32 to vector<16xi32>
      %mul3A_383 = arith.muli %add3A_380, %mul3A_382 : vector<16xi32>
      %add3A_384 = arith.addi %mul3A_383, %min3A_372 : vector<16xi32>
      %swap3A_385 = arith.constant 128 : index
      %swap3A_386 = tpu.vector_load %arg16[%swap3A_385] {strides = array<i32>} : memref<448xi32, #tpu.memory_space<vmem>>, vector<16xi32>,
      tpu.vector_store %arg16[%swap3A_385], %add3A_384 {strides = array<i32>} : memref<448xi32, #tpu.memory_space<vmem>>, vector<16xi32>,
      %add3A_387 = arith.constant 0 : i32
      %add3A_388 = vector.broadcast %add3A_387 : i32 to vector<16xi32>
      %add3A_389 = arith.addi %get3A_15, %add3A_388 : vector<16xi32>
      %jit3A_390 = arith.constant 0 : i32
      %jit3A_391 = arith.constant 63 : i32
      %max3A_392 = vector.broadcast %jit3A_390 : i32 to vector<16xi32>
      %max3A_393 = arith.maxsi %max3A_392, %add3A_389 : vector<16xi32>
      %min3A_394 = vector.broadcast %jit3A_391 : i32 to vector<16xi32>
      %min3A_395 = arith.minsi %min3A_394, %max3A_393 : vector<16xi32>
      %add3A_396 = arith.constant -1 : i32
      %add3A_397 = vector.broadcast %add3A_396 : i32 to vector<16xi32>
      %add3A_398 = arith.addi %get3A_17, %add3A_397 : vector<16xi32>
      %jit3A_399 = arith.constant 0 : i32
      %jit3A_400 = arith.constant 63 : i32
      %max3A_401 = vector.broadcast %jit3A_399 : i32 to vector<16xi32>
      %max3A_402 = arith.maxsi %max3A_401, %add3A_398 : vector<16xi32>
      %min3A_403 = vector.broadcast %jit3A_400 : i32 to vector<16xi32>
      %min3A_404 = arith.minsi %min3A_403, %max3A_402 : vector<16xi32>
      %add3A_405 = arith.constant -1 : i32
      %add3A_406 = vector.broadcast %add3A_405 : i32 to vector<16xi32>
      %add3A_407 = arith.addi %get3A_19, %add3A_406 : vector<16xi32>
      %jit3A_408 = arith.constant 0 : i32
      %jit3A_409 = arith.constant 63 : i32
      %max3A_410 = vector.broadcast %jit3A_408 : i32 to vector<16xi32>
      %max3A_411 = arith.maxsi %max3A_410, %add3A_407 : vector<16xi32>
      %min3A_412 = vector.broadcast %jit3A_409 : i32 to vector<16xi32>
      %min3A_413 = arith.minsi %min3A_412, %max3A_411 : vector<16xi32>
      %mul3A_414 = arith.constant 64 : i32
      %mul3A_415 = vector.broadcast %mul3A_414 : i32 to vector<16xi32>
      %mul3A_416 = arith.muli %get3A_21, %mul3A_415 : vector<16xi32>
      %add3A_417 = arith.addi %mul3A_416, %min3A_395 : vector<16xi32>
      %mul3A_418 = arith.constant 64 : i32
      %mul3A_419 = vector.broadcast %mul3A_418 : i32 to vector<16xi32>
      %mul3A_420 = arith.muli %add3A_417, %mul3A_419 : vector<16xi32>
      %add3A_421 = arith.addi %mul3A_420, %min3A_404 : vector<16xi32>
      %mul3A_422 = arith.constant 64 : i32
      %mul3A_423 = vector.broadcast %mul3A_422 : i32 to vector<16xi32>
      %mul3A_424 = arith.muli %add3A_421, %mul3A_423 : vector<16xi32>
      %add3A_425 = arith.addi %mul3A_424, %min3A_413 : vector<16xi32>
      %swap3A_426 = arith.constant 144 : index
      %swap3A_427 = tpu.vector_load %arg16[%swap3A_426] {strides = array<i32>} : memref<448xi32, #tpu.memory_space<vmem>>, vector<16xi32>,
      tpu.vector_store %arg16[%swap3A_426], %add3A_425 {strides = array<i32>} : memref<448xi32, #tpu.memory_space<vmem>>, vector<16xi32>,
      %add3A_428 = arith.constant 0 : i32
      %add3A_429 = vector.broadcast %add3A_428 : i32 to vector<16xi32>
      %add3A_430 = arith.addi %get3A_15, %add3A_429 : vector<16xi32>
      %jit3A_431 = arith.constant 0 : i32
      %jit3A_432 = arith.constant 63 : i32
      %max3A_433 = vector.broadcast %jit3A_431 : i32 to vector<16xi32>
      %max3A_434 = arith.maxsi %max3A_433, %add3A_430 : vector<16xi32>
      %min3A_435 = vector.broadcast %jit3A_432 : i32 to vector<16xi32>
      %min3A_436 = arith.minsi %min3A_435, %max3A_434 : vector<16xi32>
      %add3A_437 = arith.constant -1 : i32
      %add3A_438 = vector.broadcast %add3A_437 : i32 to vector<16xi32>
      %add3A_439 = arith.addi %get3A_17, %add3A_438 : vector<16xi32>
      %jit3A_440 = arith.constant 0 : i32
      %jit3A_441 = arith.constant 63 : i32
      %max3A_442 = vector.broadcast %jit3A_440 : i32 to vector<16xi32>
      %max3A_443 = arith.maxsi %max3A_442, %add3A_439 : vector<16xi32>
      %min3A_444 = vector.broadcast %jit3A_441 : i32 to vector<16xi32>
      %min3A_445 = arith.minsi %min3A_444, %max3A_443 : vector<16xi32>
      %add3A_446 = arith.constant 0 : i32
      %add3A_447 = vector.broadcast %add3A_446 : i32 to vector<16xi32>
      %add3A_448 = arith.addi %get3A_19, %add3A_447 : vector<16xi32>
      %jit3A_449 = arith.constant 0 : i32
      %jit3A_450 = arith.constant 63 : i32
      %max3A_451 = vector.broadcast %jit3A_449 : i32 to vector<16xi32>
      %max3A_452 = arith.maxsi %max3A_451, %add3A_448 : vector<16xi32>
      %min3A_453 = vector.broadcast %jit3A_450 : i32 to vector<16xi32>
      %min3A_454 = arith.minsi %min3A_453, %max3A_452 : vector<16xi32>
      %mul3A_455 = arith.constant 64 : i32
      %mul3A_456 = vector.broadcast %mul3A_455 : i32 to vector<16xi32>
      %mul3A_457 = arith.muli %get3A_21, %mul3A_456 : vector<16xi32>
      %add3A_458 = arith.addi %mul3A_457, %min3A_436 : vector<16xi32>
      %mul3A_459 = arith.constant 64 : i32
      %mul3A_460 = vector.broadcast %mul3A_459 : i32 to vector<16xi32>
      %mul3A_461 = arith.muli %add3A_458, %mul3A_460 : vector<16xi32>
      %add3A_462 = arith.addi %mul3A_461, %min3A_445 : vector<16xi32>
      %mul3A_463 = arith.constant 64 : i32
      %mul3A_464 = vector.broadcast %mul3A_463 : i32 to vector<16xi32>
      %mul3A_465 = arith.muli %add3A_462, %mul3A_464 : vector<16xi32>
      %add3A_466 = arith.addi %mul3A_465, %min3A_454 : vector<16xi32>
      %swap3A_467 = arith.constant 160 : index
      %swap3A_468 = tpu.vector_load %arg16[%swap3A_467] {strides = array<i32>} : memref<448xi32, #tpu.memory_space<vmem>>, vector<16xi32>,
      tpu.vector_store %arg16[%swap3A_467], %add3A_466 {strides = array<i32>} : memref<448xi32, #tpu.memory_space<vmem>>, vector<16xi32>,
      %add3A_469 = arith.constant 0 : i32
      %add3A_470 = vector.broadcast %add3A_469 : i32 to vector<16xi32>
      %add3A_471 = arith.addi %get3A_15, %add3A_470 : vector<16xi32>
      %jit3A_472 = arith.constant 0 : i32
      %jit3A_473 = arith.constant 63 : i32
      %max3A_474 = vector.broadcast %jit3A_472 : i32 to vector<16xi32>
      %max3A_475 = arith.maxsi %max3A_474, %add3A_471 : vector<16xi32>
      %min3A_476 = vector.broadcast %jit3A_473 : i32 to vector<16xi32>
      %min3A_477 = arith.minsi %min3A_476, %max3A_475 : vector<16xi32>
      %add3A_478 = arith.constant -1 : i32
      %add3A_479 = vector.broadcast %add3A_478 : i32 to vector<16xi32>
      %add3A_480 = arith.addi %get3A_17, %add3A_479 : vector<16xi32>
      %jit3A_481 = arith.constant 0 : i32
      %jit3A_482 = arith.constant 63 : i32
      %max3A_483 = vector.broadcast %jit3A_481 : i32 to vector<16xi32>
      %max3A_484 = arith.maxsi %max3A_483, %add3A_480 : vector<16xi32>
      %min3A_485 = vector.broadcast %jit3A_482 : i32 to vector<16xi32>
      %min3A_486 = arith.minsi %min3A_485, %max3A_484 : vector<16xi32>
      %add3A_487 = arith.constant 1 : i32
      %add3A_488 = vector.broadcast %add3A_487 : i32 to vector<16xi32>
      %add3A_489 = arith.addi %get3A_19, %add3A_488 : vector<16xi32>
      %jit3A_490 = arith.constant 0 : i32
      %jit3A_491 = arith.constant 63 : i32
      %max3A_492 = vector.broadcast %jit3A_490 : i32 to vector<16xi32>
      %max3A_493 = arith.maxsi %max3A_492, %add3A_489 : vector<16xi32>
      %min3A_494 = vector.broadcast %jit3A_491 : i32 to vector<16xi32>
      %min3A_495 = arith.minsi %min3A_494, %max3A_493 : vector<16xi32>
      %mul3A_496 = arith.constant 64 : i32
      %mul3A_497 = vector.broadcast %mul3A_496 : i32 to vector<16xi32>
      %mul3A_498 = arith.muli %get3A_21, %mul3A_497 : vector<16xi32>
      %add3A_499 = arith.addi %mul3A_498, %min3A_477 : vector<16xi32>
      %mul3A_500 = arith.constant 64 : i32
      %mul3A_501 = vector.broadcast %mul3A_500 : i32 to vector<16xi32>
      %mul3A_502 = arith.muli %add3A_499, %mul3A_501 : vector<16xi32>
      %add3A_503 = arith.addi %mul3A_502, %min3A_486 : vector<16xi32>
      %mul3A_504 = arith.constant 64 : i32
      %mul3A_505 = vector.broadcast %mul3A_504 : i32 to vector<16xi32>
      %mul3A_506 = arith.muli %add3A_503, %mul3A_505 : vector<16xi32>
      %add3A_507 = arith.addi %mul3A_506, %min3A_495 : vector<16xi32>
      %swap3A_508 = arith.constant 176 : index
      %swap3A_509 = tpu.vector_load %arg16[%swap3A_508] {strides = array<i32>} : memref<448xi32, #tpu.memory_space<vmem>>, vector<16xi32>,
      tpu.vector_store %arg16[%swap3A_508], %add3A_507 {strides = array<i32>} : memref<448xi32, #tpu.memory_space<vmem>>, vector<16xi32>,
      %add3A_510 = arith.constant 0 : i32
      %add3A_511 = vector.broadcast %add3A_510 : i32 to vector<16xi32>
      %add3A_512 = arith.addi %get3A_15, %add3A_511 : vector<16xi32>
      %jit3A_513 = arith.constant 0 : i32
      %jit3A_514 = arith.constant 63 : i32
      %max3A_515 = vector.broadcast %jit3A_513 : i32 to vector<16xi32>
      %max3A_516 = arith.maxsi %max3A_515, %add3A_512 : vector<16xi32>
      %min3A_517 = vector.broadcast %jit3A_514 : i32 to vector<16xi32>
      %min3A_518 = arith.minsi %min3A_517, %max3A_516 : vector<16xi32>
      %add3A_519 = arith.constant 0 : i32
      %add3A_520 = vector.broadcast %add3A_519 : i32 to vector<16xi32>
      %add3A_521 = arith.addi %get3A_17, %add3A_520 : vector<16xi32>
      %jit3A_522 = arith.constant 0 : i32
      %jit3A_523 = arith.constant 63 : i32
      %max3A_524 = vector.broadcast %jit3A_522 : i32 to vector<16xi32>
      %max3A_525 = arith.maxsi %max3A_524, %add3A_521 : vector<16xi32>
      %min3A_526 = vector.broadcast %jit3A_523 : i32 to vector<16xi32>
      %min3A_527 = arith.minsi %min3A_526, %max3A_525 : vector<16xi32>
      %add3A_528 = arith.constant -1 : i32
      %add3A_529 = vector.broadcast %add3A_528 : i32 to vector<16xi32>
      %add3A_530 = arith.addi %get3A_19, %add3A_529 : vector<16xi32>
      %jit3A_531 = arith.constant 0 : i32
      %jit3A_532 = arith.constant 63 : i32
      %max3A_533 = vector.broadcast %jit3A_531 : i32 to vector<16xi32>
      %max3A_534 = arith.maxsi %max3A_533, %add3A_530 : vector<16xi32>
      %min3A_535 = vector.broadcast %jit3A_532 : i32 to vector<16xi32>
      %min3A_536 = arith.minsi %min3A_535, %max3A_534 : vector<16xi32>
      %mul3A_537 = arith.constant 64 : i32
      %mul3A_538 = vector.broadcast %mul3A_537 : i32 to vector<16xi32>
      %mul3A_539 = arith.muli %get3A_21, %mul3A_538 : vector<16xi32>
      %add3A_540 = arith.addi %mul3A_539, %min3A_518 : vector<16xi32>
      %mul3A_541 = arith.constant 64 : i32
      %mul3A_542 = vector.broadcast %mul3A_541 : i32 to vector<16xi32>
      %mul3A_543 = arith.muli %add3A_540, %mul3A_542 : vector<16xi32>
      %add3A_544 = arith.addi %mul3A_543, %min3A_527 : vector<16xi32>
      %mul3A_545 = arith.constant 64 : i32
      %mul3A_546 = vector.broadcast %mul3A_545 : i32 to vector<16xi32>
      %mul3A_547 = arith.muli %add3A_544, %mul3A_546 : vector<16xi32>
      %add3A_548 = arith.addi %mul3A_547, %min3A_536 : vector<16xi32>
      %swap3A_549 = arith.constant 192 : index
      %swap3A_550 = tpu.vector_load %arg16[%swap3A_549] {strides = array<i32>} : memref<448xi32, #tpu.memory_space<vmem>>, vector<16xi32>,
      tpu.vector_store %arg16[%swap3A_549], %add3A_548 {strides = array<i32>} : memref<448xi32, #tpu.memory_space<vmem>>, vector<16xi32>,
      %add3A_551 = arith.constant 0 : i32
      %add3A_552 = vector.broadcast %add3A_551 : i32 to vector<16xi32>
      %add3A_553 = arith.addi %get3A_15, %add3A_552 : vector<16xi32>
      %jit3A_554 = arith.constant 0 : i32
      %jit3A_555 = arith.constant 63 : i32
      %max3A_556 = vector.broadcast %jit3A_554 : i32 to vector<16xi32>
      %max3A_557 = arith.maxsi %max3A_556, %add3A_553 : vector<16xi32>
      %min3A_558 = vector.broadcast %jit3A_555 : i32 to vector<16xi32>
      %min3A_559 = arith.minsi %min3A_558, %max3A_557 : vector<16xi32>
      %add3A_560 = arith.constant 0 : i32
      %add3A_561 = vector.broadcast %add3A_560 : i32 to vector<16xi32>
      %add3A_562 = arith.addi %get3A_17, %add3A_561 : vector<16xi32>
      %jit3A_563 = arith.constant 0 : i32
      %jit3A_564 = arith.constant 63 : i32
      %max3A_565 = vector.broadcast %jit3A_563 : i32 to vector<16xi32>
      %max3A_566 = arith.maxsi %max3A_565, %add3A_562 : vector<16xi32>
      %min3A_567 = vector.broadcast %jit3A_564 : i32 to vector<16xi32>
      %min3A_568 = arith.minsi %min3A_567, %max3A_566 : vector<16xi32>
      %add3A_569 = arith.constant 0 : i32
      %add3A_570 = vector.broadcast %add3A_569 : i32 to vector<16xi32>
      %add3A_571 = arith.addi %get3A_19, %add3A_570 : vector<16xi32>
      %jit3A_572 = arith.constant 0 : i32
      %jit3A_573 = arith.constant 63 : i32
      %max3A_574 = vector.broadcast %jit3A_572 : i32 to vector<16xi32>
      %max3A_575 = arith.maxsi %max3A_574, %add3A_571 : vector<16xi32>
      %min3A_576 = vector.broadcast %jit3A_573 : i32 to vector<16xi32>
      %min3A_577 = arith.minsi %min3A_576, %max3A_575 : vector<16xi32>
      %mul3A_578 = arith.constant 64 : i32
      %mul3A_579 = vector.broadcast %mul3A_578 : i32 to vector<16xi32>
      %mul3A_580 = arith.muli %get3A_21, %mul3A_579 : vector<16xi32>
      %add3A_581 = arith.addi %mul3A_580, %min3A_559 : vector<16xi32>
      %mul3A_582 = arith.constant 64 : i32
      %mul3A_583 = vector.broadcast %mul3A_582 : i32 to vector<16xi32>
      %mul3A_584 = arith.muli %add3A_581, %mul3A_583 : vector<16xi32>
      %add3A_585 = arith.addi %mul3A_584, %min3A_568 : vector<16xi32>
      %mul3A_586 = arith.constant 64 : i32
      %mul3A_587 = vector.broadcast %mul3A_586 : i32 to vector<16xi32>
      %mul3A_588 = arith.muli %add3A_585, %mul3A_587 : vector<16xi32>
      %add3A_589 = arith.addi %mul3A_588, %min3A_577 : vector<16xi32>
      %swap3A_590 = arith.constant 208 : index
      %swap3A_591 = tpu.vector_load %arg16[%swap3A_590] {strides = array<i32>} : memref<448xi32, #tpu.memory_space<vmem>>, vector<16xi32>,
      tpu.vector_store %arg16[%swap3A_590], %add3A_589 {strides = array<i32>} : memref<448xi32, #tpu.memory_space<vmem>>, vector<16xi32>,
      %add3A_592 = arith.constant 0 : i32
      %add3A_593 = vector.broadcast %add3A_592 : i32 to vector<16xi32>
      %add3A_594 = arith.addi %get3A_15, %add3A_593 : vector<16xi32>
      %jit3A_595 = arith.constant 0 : i32
      %jit3A_596 = arith.constant 63 : i32
      %max3A_597 = vector.broadcast %jit3A_595 : i32 to vector<16xi32>
      %max3A_598 = arith.maxsi %max3A_597, %add3A_594 : vector<16xi32>
      %min3A_599 = vector.broadcast %jit3A_596 : i32 to vector<16xi32>
      %min3A_600 = arith.minsi %min3A_599, %max3A_598 : vector<16xi32>
      %add3A_601 = arith.constant 0 : i32
      %add3A_602 = vector.broadcast %add3A_601 : i32 to vector<16xi32>
      %add3A_603 = arith.addi %get3A_17, %add3A_602 : vector<16xi32>
      %jit3A_604 = arith.constant 0 : i32
      %jit3A_605 = arith.constant 63 : i32
      %max3A_606 = vector.broadcast %jit3A_604 : i32 to vector<16xi32>
      %max3A_607 = arith.maxsi %max3A_606, %add3A_603 : vector<16xi32>
      %min3A_608 = vector.broadcast %jit3A_605 : i32 to vector<16xi32>
      %min3A_609 = arith.minsi %min3A_608, %max3A_607 : vector<16xi32>
      %add3A_610 = arith.constant 1 : i32
      %add3A_611 = vector.broadcast %add3A_610 : i32 to vector<16xi32>
      %add3A_612 = arith.addi %get3A_19, %add3A_611 : vector<16xi32>
      %jit3A_613 = arith.constant 0 : i32
      %jit3A_614 = arith.constant 63 : i32
      %max3A_615 = vector.broadcast %jit3A_613 : i32 to vector<16xi32>
      %max3A_616 = arith.maxsi %max3A_615, %add3A_612 : vector<16xi32>
      %min3A_617 = vector.broadcast %jit3A_614 : i32 to vector<16xi32>
      %min3A_618 = arith.minsi %min3A_617, %max3A_616 : vector<16xi32>
      %mul3A_619 = arith.constant 64 : i32
      %mul3A_620 = vector.broadcast %mul3A_619 : i32 to vector<16xi32>
      %mul3A_621 = arith.muli %get3A_21, %mul3A_620 : vector<16xi32>
      %add3A_622 = arith.addi %mul3A_621, %min3A_600 : vector<16xi32>
      %mul3A_623 = arith.constant 64 : i32
      %mul3A_624 = vector.broadcast %mul3A_623 : i32 to vector<16xi32>
      %mul3A_625 = arith.muli %add3A_622, %mul3A_624 : vector<16xi32>
      %add3A_626 = arith.addi %mul3A_625, %min3A_609 : vector<16xi32>
      %mul3A_627 = arith.constant 64 : i32
      %mul3A_628 = vector.broadcast %mul3A_627 : i32 to vector<16xi32>
      %mul3A_629 = arith.muli %add3A_626, %mul3A_628 : vector<16xi32>
      %add3A_630 = arith.addi %mul3A_629, %min3A_618 : vector<16xi32>
      %swap3A_631 = arith.constant 224 : index
      %swap3A_632 = tpu.vector_load %arg16[%swap3A_631] {strides = array<i32>} : memref<448xi32, #tpu.memory_space<vmem>>, vector<16xi32>,
      tpu.vector_store %arg16[%swap3A_631], %add3A_630 {strides = array<i32>} : memref<448xi32, #tpu.memory_space<vmem>>, vector<16xi32>,
      %add3A_633 = arith.constant 0 : i32
      %add3A_634 = vector.broadcast %add3A_633 : i32 to vector<16xi32>
      %add3A_635 = arith.addi %get3A_15, %add3A_634 : vector<16xi32>
      %jit3A_636 = arith.constant 0 : i32
      %jit3A_637 = arith.constant 63 : i32
      %max3A_638 = vector.broadcast %jit3A_636 : i32 to vector<16xi32>
      %max3A_639 = arith.maxsi %max3A_638, %add3A_635 : vector<16xi32>
      %min3A_640 = vector.broadcast %jit3A_637 : i32 to vector<16xi32>
      %min3A_641 = arith.minsi %min3A_640, %max3A_639 : vector<16xi32>
      %add3A_642 = arith.constant 1 : i32
      %add3A_643 = vector.broadcast %add3A_642 : i32 to vector<16xi32>
      %add3A_644 = arith.addi %get3A_17, %add3A_643 : vector<16xi32>
      %jit3A_645 = arith.constant 0 : i32
      %jit3A_646 = arith.constant 63 : i32
      %max3A_647 = vector.broadcast %jit3A_645 : i32 to vector<16xi32>
      %max3A_648 = arith.maxsi %max3A_647, %add3A_644 : vector<16xi32>
      %min3A_649 = vector.broadcast %jit3A_646 : i32 to vector<16xi32>
      %min3A_650 = arith.minsi %min3A_649, %max3A_648 : vector<16xi32>
      %add3A_651 = arith.constant -1 : i32
      %add3A_652 = vector.broadcast %add3A_651 : i32 to vector<16xi32>
      %add3A_653 = arith.addi %get3A_19, %add3A_652 : vector<16xi32>
      %jit3A_654 = arith.constant 0 : i32
      %jit3A_655 = arith.constant 63 : i32
      %max3A_656 = vector.broadcast %jit3A_654 : i32 to vector<16xi32>
      %max3A_657 = arith.maxsi %max3A_656, %add3A_653 : vector<16xi32>
      %min3A_658 = vector.broadcast %jit3A_655 : i32 to vector<16xi32>
      %min3A_659 = arith.minsi %min3A_658, %max3A_657 : vector<16xi32>
      %mul3A_660 = arith.constant 64 : i32
      %mul3A_661 = vector.broadcast %mul3A_660 : i32 to vector<16xi32>
      %mul3A_662 = arith.muli %get3A_21, %mul3A_661 : vector<16xi32>
      %add3A_663 = arith.addi %mul3A_662, %min3A_641 : vector<16xi32>
      %mul3A_664 = arith.constant 64 : i32
      %mul3A_665 = vector.broadcast %mul3A_664 : i32 to vector<16xi32>
      %mul3A_666 = arith.muli %add3A_663, %mul3A_665 : vector<16xi32>
      %add3A_667 = arith.addi %mul3A_666, %min3A_650 : vector<16xi32>
      %mul3A_668 = arith.constant 64 : i32
      %mul3A_669 = vector.broadcast %mul3A_668 : i32 to vector<16xi32>
      %mul3A_670 = arith.muli %add3A_667, %mul3A_669 : vector<16xi32>
      %add3A_671 = arith.addi %mul3A_670, %min3A_659 : vector<16xi32>
      %swap3A_672 = arith.constant 240 : index
      %swap3A_673 = tpu.vector_load %arg16[%swap3A_672] {strides = array<i32>} : memref<448xi32, #tpu.memory_space<vmem>>, vector<16xi32>,
      tpu.vector_store %arg16[%swap3A_672], %add3A_671 {strides = array<i32>} : memref<448xi32, #tpu.memory_space<vmem>>, vector<16xi32>,
      %add3A_674 = arith.constant 0 : i32
      %add3A_675 = vector.broadcast %add3A_674 : i32 to vector<16xi32>
      %add3A_676 = arith.addi %get3A_15, %add3A_675 : vector<16xi32>
      %jit3A_677 = arith.constant 0 : i32
      %jit3A_678 = arith.constant 63 : i32
      %max3A_679 = vector.broadcast %jit3A_677 : i32 to vector<16xi32>
      %max3A_680 = arith.maxsi %max3A_679, %add3A_676 : vector<16xi32>
      %min3A_681 = vector.broadcast %jit3A_678 : i32 to vector<16xi32>
      %min3A_682 = arith.minsi %min3A_681, %max3A_680 : vector<16xi32>
      %add3A_683 = arith.constant 1 : i32
      %add3A_684 = vector.broadcast %add3A_683 : i32 to vector<16xi32>
      %add3A_685 = arith.addi %get3A_17, %add3A_684 : vector<16xi32>
      %jit3A_686 = arith.constant 0 : i32
      %jit3A_687 = arith.constant 63 : i32
      %max3A_688 = vector.broadcast %jit3A_686 : i32 to vector<16xi32>
      %max3A_689 = arith.maxsi %max3A_688, %add3A_685 : vector<16xi32>
      %min3A_690 = vector.broadcast %jit3A_687 : i32 to vector<16xi32>
      %min3A_691 = arith.minsi %min3A_690, %max3A_689 : vector<16xi32>
      %add3A_692 = arith.constant 0 : i32
      %add3A_693 = vector.broadcast %add3A_692 : i32 to vector<16xi32>
      %add3A_694 = arith.addi %get3A_19, %add3A_693 : vector<16xi32>
      %jit3A_695 = arith.constant 0 : i32
      %jit3A_696 = arith.constant 63 : i32
      %max3A_697 = vector.broadcast %jit3A_695 : i32 to vector<16xi32>
      %max3A_698 = arith.maxsi %max3A_697, %add3A_694 : vector<16xi32>
      %min3A_699 = vector.broadcast %jit3A_696 : i32 to vector<16xi32>
      %min3A_700 = arith.minsi %min3A_699, %max3A_698 : vector<16xi32>
      %mul3A_701 = arith.constant 64 : i32
      %mul3A_702 = vector.broadcast %mul3A_701 : i32 to vector<16xi32>
      %mul3A_703 = arith.muli %get3A_21, %mul3A_702 : vector<16xi32>
      %add3A_704 = arith.addi %mul3A_703, %min3A_682 : vector<16xi32>
      %mul3A_705 = arith.constant 64 : i32
      %mul3A_706 = vector.broadcast %mul3A_705 : i32 to vector<16xi32>
      %mul3A_707 = arith.muli %add3A_704, %mul3A_706 : vector<16xi32>
      %add3A_708 = arith.addi %mul3A_707, %min3A_691 : vector<16xi32>
      %mul3A_709 = arith.constant 64 : i32
      %mul3A_710 = vector.broadcast %mul3A_709 : i32 to vector<16xi32>
      %mul3A_711 = arith.muli %add3A_708, %mul3A_710 : vector<16xi32>
      %add3A_712 = arith.addi %mul3A_711, %min3A_700 : vector<16xi32>
      %swap3A_713 = arith.constant 256 : index
      %swap3A_714 = tpu.vector_load %arg16[%swap3A_713] {strides = array<i32>} : memref<448xi32, #tpu.memory_space<vmem>>, vector<16xi32>,
      tpu.vector_store %arg16[%swap3A_713], %add3A_712 {strides = array<i32>} : memref<448xi32, #tpu.memory_space<vmem>>, vector<16xi32>,
      %add3A_715 = arith.constant 0 : i32
      %add3A_716 = vector.broadcast %add3A_715 : i32 to vector<16xi32>
      %add3A_717 = arith.addi %get3A_15, %add3A_716 : vector<16xi32>
      %jit3A_718 = arith.constant 0 : i32
      %jit3A_719 = arith.constant 63 : i32
      %max3A_720 = vector.broadcast %jit3A_718 : i32 to vector<16xi32>
      %max3A_721 = arith.maxsi %max3A_720, %add3A_717 : vector<16xi32>
      %min3A_722 = vector.broadcast %jit3A_719 : i32 to vector<16xi32>
      %min3A_723 = arith.minsi %min3A_722, %max3A_721 : vector<16xi32>
      %add3A_724 = arith.constant 1 : i32
      %add3A_725 = vector.broadcast %add3A_724 : i32 to vector<16xi32>
      %add3A_726 = arith.addi %get3A_17, %add3A_725 : vector<16xi32>
      %jit3A_727 = arith.constant 0 : i32
      %jit3A_728 = arith.constant 63 : i32
      %max3A_729 = vector.broadcast %jit3A_727 : i32 to vector<16xi32>
      %max3A_730 = arith.maxsi %max3A_729, %add3A_726 : vector<16xi32>
      %min3A_731 = vector.broadcast %jit3A_728 : i32 to vector<16xi32>
      %min3A_732 = arith.minsi %min3A_731, %max3A_730 : vector<16xi32>
      %add3A_733 = arith.constant 1 : i32
      %add3A_734 = vector.broadcast %add3A_733 : i32 to vector<16xi32>
      %add3A_735 = arith.addi %get3A_19, %add3A_734 : vector<16xi32>
      %jit3A_736 = arith.constant 0 : i32
      %jit3A_737 = arith.constant 63 : i32
      %max3A_738 = vector.broadcast %jit3A_736 : i32 to vector<16xi32>
      %max3A_739 = arith.maxsi %max3A_738, %add3A_735 : vector<16xi32>
      %min3A_740 = vector.broadcast %jit3A_737 : i32 to vector<16xi32>
      %min3A_741 = arith.minsi %min3A_740, %max3A_739 : vector<16xi32>
      %mul3A_742 = arith.constant 64 : i32
      %mul3A_743 = vector.broadcast %mul3A_742 : i32 to vector<16xi32>
      %mul3A_744 = arith.muli %get3A_21, %mul3A_743 : vector<16xi32>
      %add3A_745 = arith.addi %mul3A_744, %min3A_723 : vector<16xi32>
      %mul3A_746 = arith.constant 64 : i32
      %mul3A_747 = vector.broadcast %mul3A_746 : i32 to vector<16xi32>
      %mul3A_748 = arith.muli %add3A_745, %mul3A_747 : vector<16xi32>
      %add3A_749 = arith.addi %mul3A_748, %min3A_732 : vector<16xi32>
      %mul3A_750 = arith.constant 64 : i32
      %mul3A_751 = vector.broadcast %mul3A_750 : i32 to vector<16xi32>
      %mul3A_752 = arith.muli %add3A_749, %mul3A_751 : vector<16xi32>
      %add3A_753 = arith.addi %mul3A_752, %min3A_741 : vector<16xi32>
      %swap3A_754 = arith.constant 272 : index
      %swap3A_755 = tpu.vector_load %arg16[%swap3A_754] {strides = array<i32>} : memref<448xi32, #tpu.memory_space<vmem>>, vector<16xi32>,
      tpu.vector_store %arg16[%swap3A_754], %add3A_753 {strides = array<i32>} : memref<448xi32, #tpu.memory_space<vmem>>, vector<16xi32>,
      %add3A_756 = arith.constant 1 : i32
      %add3A_757 = vector.broadcast %add3A_756 : i32 to vector<16xi32>
      %add3A_758 = arith.addi %get3A_15, %add3A_757 : vector<16xi32>
      %jit3A_759 = arith.constant 0 : i32
      %jit3A_760 = arith.constant 63 : i32
      %max3A_761 = vector.broadcast %jit3A_759 : i32 to vector<16xi32>
      %max3A_762 = arith.maxsi %max3A_761, %add3A_758 : vector<16xi32>
      %min3A_763 = vector.broadcast %jit3A_760 : i32 to vector<16xi32>
      %min3A_764 = arith.minsi %min3A_763, %max3A_762 : vector<16xi32>
      %add3A_765 = arith.constant -1 : i32
      %add3A_766 = vector.broadcast %add3A_765 : i32 to vector<16xi32>
      %add3A_767 = arith.addi %get3A_17, %add3A_766 : vector<16xi32>
      %jit3A_768 = arith.constant 0 : i32
      %jit3A_769 = arith.constant 63 : i32
      %max3A_770 = vector.broadcast %jit3A_768 : i32 to vector<16xi32>
      %max3A_771 = arith.maxsi %max3A_770, %add3A_767 : vector<16xi32>
      %min3A_772 = vector.broadcast %jit3A_769 : i32 to vector<16xi32>
      %min3A_773 = arith.minsi %min3A_772, %max3A_771 : vector<16xi32>
      %add3A_774 = arith.constant -1 : i32
      %add3A_775 = vector.broadcast %add3A_774 : i32 to vector<16xi32>
      %add3A_776 = arith.addi %get3A_19, %add3A_775 : vector<16xi32>
      %jit3A_777 = arith.constant 0 : i32
      %jit3A_778 = arith.constant 63 : i32
      %max3A_779 = vector.broadcast %jit3A_777 : i32 to vector<16xi32>
      %max3A_780 = arith.maxsi %max3A_779, %add3A_776 : vector<16xi32>
      %min3A_781 = vector.broadcast %jit3A_778 : i32 to vector<16xi32>
      %min3A_782 = arith.minsi %min3A_781, %max3A_780 : vector<16xi32>
      %mul3A_783 = arith.constant 64 : i32
      %mul3A_784 = vector.broadcast %mul3A_783 : i32 to vector<16xi32>
      %mul3A_785 = arith.muli %get3A_21, %mul3A_784 : vector<16xi32>
      %add3A_786 = arith.addi %mul3A_785, %min3A_764 : vector<16xi32>
      %mul3A_787 = arith.constant 64 : i32
      %mul3A_788 = vector.broadcast %mul3A_787 : i32 to vector<16xi32>
      %mul3A_789 = arith.muli %add3A_786, %mul3A_788 : vector<16xi32>
      %add3A_790 = arith.addi %mul3A_789, %min3A_773 : vector<16xi32>
      %mul3A_791 = arith.constant 64 : i32
      %mul3A_792 = vector.broadcast %mul3A_791 : i32 to vector<16xi32>
      %mul3A_793 = arith.muli %add3A_790, %mul3A_792 : vector<16xi32>
      %add3A_794 = arith.addi %mul3A_793, %min3A_782 : vector<16xi32>
      %swap3A_795 = arith.constant 288 : index
      %swap3A_796 = tpu.vector_load %arg16[%swap3A_795] {strides = array<i32>} : memref<448xi32, #tpu.memory_space<vmem>>, vector<16xi32>,
      tpu.vector_store %arg16[%swap3A_795], %add3A_794 {strides = array<i32>} : memref<448xi32, #tpu.memory_space<vmem>>, vector<16xi32>,
      %add3A_797 = arith.constant 1 : i32
      %add3A_798 = vector.broadcast %add3A_797 : i32 to vector<16xi32>
      %add3A_799 = arith.addi %get3A_15, %add3A_798 : vector<16xi32>
      %jit3A_800 = arith.constant 0 : i32
      %jit3A_801 = arith.constant 63 : i32
      %max3A_802 = vector.broadcast %jit3A_800 : i32 to vector<16xi32>
      %max3A_803 = arith.maxsi %max3A_802, %add3A_799 : vector<16xi32>
      %min3A_804 = vector.broadcast %jit3A_801 : i32 to vector<16xi32>
      %min3A_805 = arith.minsi %min3A_804, %max3A_803 : vector<16xi32>
      %add3A_806 = arith.constant -1 : i32
      %add3A_807 = vector.broadcast %add3A_806 : i32 to vector<16xi32>
      %add3A_808 = arith.addi %get3A_17, %add3A_807 : vector<16xi32>
      %jit3A_809 = arith.constant 0 : i32
      %jit3A_810 = arith.constant 63 : i32
      %max3A_811 = vector.broadcast %jit3A_809 : i32 to vector<16xi32>
      %max3A_812 = arith.maxsi %max3A_811, %add3A_808 : vector<16xi32>
      %min3A_813 = vector.broadcast %jit3A_810 : i32 to vector<16xi32>
      %min3A_814 = arith.minsi %min3A_813, %max3A_812 : vector<16xi32>
      %add3A_815 = arith.constant 0 : i32
      %add3A_816 = vector.broadcast %add3A_815 : i32 to vector<16xi32>
      %add3A_817 = arith.addi %get3A_19, %add3A_816 : vector<16xi32>
      %jit3A_818 = arith.constant 0 : i32
      %jit3A_819 = arith.constant 63 : i32
      %max3A_820 = vector.broadcast %jit3A_818 : i32 to vector<16xi32>
      %max3A_821 = arith.maxsi %max3A_820, %add3A_817 : vector<16xi32>
      %min3A_822 = vector.broadcast %jit3A_819 : i32 to vector<16xi32>
      %min3A_823 = arith.minsi %min3A_822, %max3A_821 : vector<16xi32>
      %mul3A_824 = arith.constant 64 : i32
      %mul3A_825 = vector.broadcast %mul3A_824 : i32 to vector<16xi32>
      %mul3A_826 = arith.muli %get3A_21, %mul3A_825 : vector<16xi32>
      %add3A_827 = arith.addi %mul3A_826, %min3A_805 : vector<16xi32>
      %mul3A_828 = arith.constant 64 : i32
      %mul3A_829 = vector.broadcast %mul3A_828 : i32 to vector<16xi32>
      %mul3A_830 = arith.muli %add3A_827, %mul3A_829 : vector<16xi32>
      %add3A_831 = arith.addi %mul3A_830, %min3A_814 : vector<16xi32>
      %mul3A_832 = arith.constant 64 : i32
      %mul3A_833 = vector.broadcast %mul3A_832 : i32 to vector<16xi32>
      %mul3A_834 = arith.muli %add3A_831, %mul3A_833 : vector<16xi32>
      %add3A_835 = arith.addi %mul3A_834, %min3A_823 : vector<16xi32>
      %swap3A_836 = arith.constant 304 : index
      %swap3A_837 = tpu.vector_load %arg16[%swap3A_836] {strides = array<i32>} : memref<448xi32, #tpu.memory_space<vmem>>, vector<16xi32>,
      tpu.vector_store %arg16[%swap3A_836], %add3A_835 {strides = array<i32>} : memref<448xi32, #tpu.memory_space<vmem>>, vector<16xi32>,
      %add3A_838 = arith.constant 1 : i32
      %add3A_839 = vector.broadcast %add3A_838 : i32 to vector<16xi32>
      %add3A_840 = arith.addi %get3A_15, %add3A_839 : vector<16xi32>
      %jit3A_841 = arith.constant 0 : i32
      %jit3A_842 = arith.constant 63 : i32
      %max3A_843 = vector.broadcast %jit3A_841 : i32 to vector<16xi32>
      %max3A_844 = arith.maxsi %max3A_843, %add3A_840 : vector<16xi32>
      %min3A_845 = vector.broadcast %jit3A_842 : i32 to vector<16xi32>
      %min3A_846 = arith.minsi %min3A_845, %max3A_844 : vector<16xi32>
      %add3A_847 = arith.constant -1 : i32
      %add3A_848 = vector.broadcast %add3A_847 : i32 to vector<16xi32>
      %add3A_849 = arith.addi %get3A_17, %add3A_848 : vector<16xi32>
      %jit3A_850 = arith.constant 0 : i32
      %jit3A_851 = arith.constant 63 : i32
      %max3A_852 = vector.broadcast %jit3A_850 : i32 to vector<16xi32>
      %max3A_853 = arith.maxsi %max3A_852, %add3A_849 : vector<16xi32>
      %min3A_854 = vector.broadcast %jit3A_851 : i32 to vector<16xi32>
      %min3A_855 = arith.minsi %min3A_854, %max3A_853 : vector<16xi32>
      %add3A_856 = arith.constant 1 : i32
      %add3A_857 = vector.broadcast %add3A_856 : i32 to vector<16xi32>
      %add3A_858 = arith.addi %get3A_19, %add3A_857 : vector<16xi32>
      %jit3A_859 = arith.constant 0 : i32
      %jit3A_860 = arith.constant 63 : i32
      %max3A_861 = vector.broadcast %jit3A_859 : i32 to vector<16xi32>
      %max3A_862 = arith.maxsi %max3A_861, %add3A_858 : vector<16xi32>
      %min3A_863 = vector.broadcast %jit3A_860 : i32 to vector<16xi32>
      %min3A_864 = arith.minsi %min3A_863, %max3A_862 : vector<16xi32>
      %mul3A_865 = arith.constant 64 : i32
      %mul3A_866 = vector.broadcast %mul3A_865 : i32 to vector<16xi32>
      %mul3A_867 = arith.muli %get3A_21, %mul3A_866 : vector<16xi32>
      %add3A_868 = arith.addi %mul3A_867, %min3A_846 : vector<16xi32>
      %mul3A_869 = arith.constant 64 : i32
      %mul3A_870 = vector.broadcast %mul3A_869 : i32 to vector<16xi32>
      %mul3A_871 = arith.muli %add3A_868, %mul3A_870 : vector<16xi32>
      %add3A_872 = arith.addi %mul3A_871, %min3A_855 : vector<16xi32>
      %mul3A_873 = arith.constant 64 : i32
      %mul3A_874 = vector.broadcast %mul3A_873 : i32 to vector<16xi32>
      %mul3A_875 = arith.muli %add3A_872, %mul3A_874 : vector<16xi32>
      %add3A_876 = arith.addi %mul3A_875, %min3A_864 : vector<16xi32>
      %swap3A_877 = arith.constant 320 : index
      %swap3A_878 = tpu.vector_load %arg16[%swap3A_877] {strides = array<i32>} : memref<448xi32, #tpu.memory_space<vmem>>, vector<16xi32>,
      tpu.vector_store %arg16[%swap3A_877], %add3A_876 {strides = array<i32>} : memref<448xi32, #tpu.memory_space<vmem>>, vector<16xi32>,
      %add3A_879 = arith.constant 1 : i32
      %add3A_880 = vector.broadcast %add3A_879 : i32 to vector<16xi32>
      %add3A_881 = arith.addi %get3A_15, %add3A_880 : vector<16xi32>
      %jit3A_882 = arith.constant 0 : i32
      %jit3A_883 = arith.constant 63 : i32
      %max3A_884 = vector.broadcast %jit3A_882 : i32 to vector<16xi32>
      %max3A_885 = arith.maxsi %max3A_884, %add3A_881 : vector<16xi32>
      %min3A_886 = vector.broadcast %jit3A_883 : i32 to vector<16xi32>
      %min3A_887 = arith.minsi %min3A_886, %max3A_885 : vector<16xi32>
      %add3A_888 = arith.constant 0 : i32
      %add3A_889 = vector.broadcast %add3A_888 : i32 to vector<16xi32>
      %add3A_890 = arith.addi %get3A_17, %add3A_889 : vector<16xi32>
      %jit3A_891 = arith.constant 0 : i32
      %jit3A_892 = arith.constant 63 : i32
      %max3A_893 = vector.broadcast %jit3A_891 : i32 to vector<16xi32>
      %max3A_894 = arith.maxsi %max3A_893, %add3A_890 : vector<16xi32>
      %min3A_895 = vector.broadcast %jit3A_892 : i32 to vector<16xi32>
      %min3A_896 = arith.minsi %min3A_895, %max3A_894 : vector<16xi32>
      %add3A_897 = arith.constant -1 : i32
      %add3A_898 = vector.broadcast %add3A_897 : i32 to vector<16xi32>
      %add3A_899 = arith.addi %get3A_19, %add3A_898 : vector<16xi32>
      %jit3A_900 = arith.constant 0 : i32
      %jit3A_901 = arith.constant 63 : i32
      %max3A_902 = vector.broadcast %jit3A_900 : i32 to vector<16xi32>
      %max3A_903 = arith.maxsi %max3A_902, %add3A_899 : vector<16xi32>
      %min3A_904 = vector.broadcast %jit3A_901 : i32 to vector<16xi32>
      %min3A_905 = arith.minsi %min3A_904, %max3A_903 : vector<16xi32>
      %mul3A_906 = arith.constant 64 : i32
      %mul3A_907 = vector.broadcast %mul3A_906 : i32 to vector<16xi32>
      %mul3A_908 = arith.muli %get3A_21, %mul3A_907 : vector<16xi32>
      %add3A_909 = arith.addi %mul3A_908, %min3A_887 : vector<16xi32>
      %mul3A_910 = arith.constant 64 : i32
      %mul3A_911 = vector.broadcast %mul3A_910 : i32 to vector<16xi32>
      %mul3A_912 = arith.muli %add3A_909, %mul3A_911 : vector<16xi32>
      %add3A_913 = arith.addi %mul3A_912, %min3A_896 : vector<16xi32>
      %mul3A_914 = arith.constant 64 : i32
      %mul3A_915 = vector.broadcast %mul3A_914 : i32 to vector<16xi32>
      %mul3A_916 = arith.muli %add3A_913, %mul3A_915 : vector<16xi32>
      %add3A_917 = arith.addi %mul3A_916, %min3A_905 : vector<16xi32>
      %swap3A_918 = arith.constant 336 : index
      %swap3A_919 = tpu.vector_load %arg16[%swap3A_918] {strides = array<i32>} : memref<448xi32, #tpu.memory_space<vmem>>, vector<16xi32>,
      tpu.vector_store %arg16[%swap3A_918], %add3A_917 {strides = array<i32>} : memref<448xi32, #tpu.memory_space<vmem>>, vector<16xi32>,
      %add3A_920 = arith.constant 1 : i32
      %add3A_921 = vector.broadcast %add3A_920 : i32 to vector<16xi32>
      %add3A_922 = arith.addi %get3A_15, %add3A_921 : vector<16xi32>
      %jit3A_923 = arith.constant 0 : i32
      %jit3A_924 = arith.constant 63 : i32
      %max3A_925 = vector.broadcast %jit3A_923 : i32 to vector<16xi32>
      %max3A_926 = arith.maxsi %max3A_925, %add3A_922 : vector<16xi32>
      %min3A_927 = vector.broadcast %jit3A_924 : i32 to vector<16xi32>
      %min3A_928 = arith.minsi %min3A_927, %max3A_926 : vector<16xi32>
      %add3A_929 = arith.constant 0 : i32
      %add3A_930 = vector.broadcast %add3A_929 : i32 to vector<16xi32>
      %add3A_931 = arith.addi %get3A_17, %add3A_930 : vector<16xi32>
      %jit3A_932 = arith.constant 0 : i32
      %jit3A_933 = arith.constant 63 : i32
      %max3A_934 = vector.broadcast %jit3A_932 : i32 to vector<16xi32>
      %max3A_935 = arith.maxsi %max3A_934, %add3A_931 : vector<16xi32>
      %min3A_936 = vector.broadcast %jit3A_933 : i32 to vector<16xi32>
      %min3A_937 = arith.minsi %min3A_936, %max3A_935 : vector<16xi32>
      %add3A_938 = arith.constant 0 : i32
      %add3A_939 = vector.broadcast %add3A_938 : i32 to vector<16xi32>
      %add3A_940 = arith.addi %get3A_19, %add3A_939 : vector<16xi32>
      %jit3A_941 = arith.constant 0 : i32
      %jit3A_942 = arith.constant 63 : i32
      %max3A_943 = vector.broadcast %jit3A_941 : i32 to vector<16xi32>
      %max3A_944 = arith.maxsi %max3A_943, %add3A_940 : vector<16xi32>
      %min3A_945 = vector.broadcast %jit3A_942 : i32 to vector<16xi32>
      %min3A_946 = arith.minsi %min3A_945, %max3A_944 : vector<16xi32>
      %mul3A_947 = arith.constant 64 : i32
      %mul3A_948 = vector.broadcast %mul3A_947 : i32 to vector<16xi32>
      %mul3A_949 = arith.muli %get3A_21, %mul3A_948 : vector<16xi32>
      %add3A_950 = arith.addi %mul3A_949, %min3A_928 : vector<16xi32>
      %mul3A_951 = arith.constant 64 : i32
      %mul3A_952 = vector.broadcast %mul3A_951 : i32 to vector<16xi32>
      %mul3A_953 = arith.muli %add3A_950, %mul3A_952 : vector<16xi32>
      %add3A_954 = arith.addi %mul3A_953, %min3A_937 : vector<16xi32>
      %mul3A_955 = arith.constant 64 : i32
      %mul3A_956 = vector.broadcast %mul3A_955 : i32 to vector<16xi32>
      %mul3A_957 = arith.muli %add3A_954, %mul3A_956 : vector<16xi32>
      %add3A_958 = arith.addi %mul3A_957, %min3A_946 : vector<16xi32>
      %swap3A_959 = arith.constant 352 : index
      %swap3A_960 = tpu.vector_load %arg16[%swap3A_959] {strides = array<i32>} : memref<448xi32, #tpu.memory_space<vmem>>, vector<16xi32>,
      tpu.vector_store %arg16[%swap3A_959], %add3A_958 {strides = array<i32>} : memref<448xi32, #tpu.memory_space<vmem>>, vector<16xi32>,
      %add3A_961 = arith.constant 1 : i32
      %add3A_962 = vector.broadcast %add3A_961 : i32 to vector<16xi32>
      %add3A_963 = arith.addi %get3A_15, %add3A_962 : vector<16xi32>
      %jit3A_964 = arith.constant 0 : i32
      %jit3A_965 = arith.constant 63 : i32
      %max3A_966 = vector.broadcast %jit3A_964 : i32 to vector<16xi32>
      %max3A_967 = arith.maxsi %max3A_966, %add3A_963 : vector<16xi32>
      %min3A_968 = vector.broadcast %jit3A_965 : i32 to vector<16xi32>
      %min3A_969 = arith.minsi %min3A_968, %max3A_967 : vector<16xi32>
      %add3A_970 = arith.constant 0 : i32
      %add3A_971 = vector.broadcast %add3A_970 : i32 to vector<16xi32>
      %add3A_972 = arith.addi %get3A_17, %add3A_971 : vector<16xi32>
      %jit3A_973 = arith.constant 0 : i32
      %jit3A_974 = arith.constant 63 : i32
      %max3A_975 = vector.broadcast %jit3A_973 : i32 to vector<16xi32>
      %max3A_976 = arith.maxsi %max3A_975, %add3A_972 : vector<16xi32>
      %min3A_977 = vector.broadcast %jit3A_974 : i32 to vector<16xi32>
      %min3A_978 = arith.minsi %min3A_977, %max3A_976 : vector<16xi32>
      %add3A_979 = arith.constant 1 : i32
      %add3A_980 = vector.broadcast %add3A_979 : i32 to vector<16xi32>
      %add3A_981 = arith.addi %get3A_19, %add3A_980 : vector<16xi32>
      %jit3A_982 = arith.constant 0 : i32
      %jit3A_983 = arith.constant 63 : i32
      %max3A_984 = vector.broadcast %jit3A_982 : i32 to vector<16xi32>
      %max3A_985 = arith.maxsi %max3A_984, %add3A_981 : vector<16xi32>
      %min3A_986 = vector.broadcast %jit3A_983 : i32 to vector<16xi32>
      %min3A_987 = arith.minsi %min3A_986, %max3A_985 : vector<16xi32>
      %mul3A_988 = arith.constant 64 : i32
      %mul3A_989 = vector.broadcast %mul3A_988 : i32 to vector<16xi32>
      %mul3A_990 = arith.muli %get3A_21, %mul3A_989 : vector<16xi32>
      %add3A_991 = arith.addi %mul3A_990, %min3A_969 : vector<16xi32>
      %mul3A_992 = arith.constant 64 : i32
      %mul3A_993 = vector.broadcast %mul3A_992 : i32 to vector<16xi32>
      %mul3A_994 = arith.muli %add3A_991, %mul3A_993 : vector<16xi32>
      %add3A_995 = arith.addi %mul3A_994, %min3A_978 : vector<16xi32>
      %mul3A_996 = arith.constant 64 : i32
      %mul3A_997 = vector.broadcast %mul3A_996 : i32 to vector<16xi32>
      %mul3A_998 = arith.muli %add3A_995, %mul3A_997 : vector<16xi32>
      %add3A_999 = arith.addi %mul3A_998, %min3A_987 : vector<16xi32>
      %swap3A_1000 = arith.constant 368 : index
      %swap3A_1001 = tpu.vector_load %arg16[%swap3A_1000] {strides = array<i32>} : memref<448xi32, #tpu.memory_space<vmem>>, vector<16xi32>,
      tpu.vector_store %arg16[%swap3A_1000], %add3A_999 {strides = array<i32>} : memref<448xi32, #tpu.memory_space<vmem>>, vector<16xi32>,
      %add3A_1002 = arith.constant 1 : i32
      %add3A_1003 = vector.broadcast %add3A_1002 : i32 to vector<16xi32>
      %add3A_1004 = arith.addi %get3A_15, %add3A_1003 : vector<16xi32>
      %jit3A_1005 = arith.constant 0 : i32
      %jit3A_1006 = arith.constant 63 : i32
      %max3A_1007 = vector.broadcast %jit3A_1005 : i32 to vector<16xi32>
      %max3A_1008 = arith.maxsi %max3A_1007, %add3A_1004 : vector<16xi32>
      %min3A_1009 = vector.broadcast %jit3A_1006 : i32 to vector<16xi32>
      %min3A_1010 = arith.minsi %min3A_1009, %max3A_1008 : vector<16xi32>
      %add3A_1011 = arith.constant 1 : i32
      %add3A_1012 = vector.broadcast %add3A_1011 : i32 to vector<16xi32>
      %add3A_1013 = arith.addi %get3A_17, %add3A_1012 : vector<16xi32>
      %jit3A_1014 = arith.constant 0 : i32
      %jit3A_1015 = arith.constant 63 : i32
      %max3A_1016 = vector.broadcast %jit3A_1014 : i32 to vector<16xi32>
      %max3A_1017 = arith.maxsi %max3A_1016, %add3A_1013 : vector<16xi32>
      %min3A_1018 = vector.broadcast %jit3A_1015 : i32 to vector<16xi32>
      %min3A_1019 = arith.minsi %min3A_1018, %max3A_1017 : vector<16xi32>
      %add3A_1020 = arith.constant -1 : i32
      %add3A_1021 = vector.broadcast %add3A_1020 : i32 to vector<16xi32>
      %add3A_1022 = arith.addi %get3A_19, %add3A_1021 : vector<16xi32>
      %jit3A_1023 = arith.constant 0 : i32
      %jit3A_1024 = arith.constant 63 : i32
      %max3A_1025 = vector.broadcast %jit3A_1023 : i32 to vector<16xi32>
      %max3A_1026 = arith.maxsi %max3A_1025, %add3A_1022 : vector<16xi32>
      %min3A_1027 = vector.broadcast %jit3A_1024 : i32 to vector<16xi32>
      %min3A_1028 = arith.minsi %min3A_1027, %max3A_1026 : vector<16xi32>
      %mul3A_1029 = arith.constant 64 : i32
      %mul3A_1030 = vector.broadcast %mul3A_1029 : i32 to vector<16xi32>
      %mul3A_1031 = arith.muli %get3A_21, %mul3A_1030 : vector<16xi32>
      %add3A_1032 = arith.addi %mul3A_1031, %min3A_1010 : vector<16xi32>
      %mul3A_1033 = arith.constant 64 : i32
      %mul3A_1034 = vector.broadcast %mul3A_1033 : i32 to vector<16xi32>
      %mul3A_1035 = arith.muli %add3A_1032, %mul3A_1034 : vector<16xi32>
      %add3A_1036 = arith.addi %mul3A_1035, %min3A_1019 : vector<16xi32>
      %mul3A_1037 = arith.constant 64 : i32
      %mul3A_1038 = vector.broadcast %mul3A_1037 : i32 to vector<16xi32>
      %mul3A_1039 = arith.muli %add3A_1036, %mul3A_1038 : vector<16xi32>
      %add3A_1040 = arith.addi %mul3A_1039, %min3A_1028 : vector<16xi32>
      %swap3A_1041 = arith.constant 384 : index
      %swap3A_1042 = tpu.vector_load %arg16[%swap3A_1041] {strides = array<i32>} : memref<448xi32, #tpu.memory_space<vmem>>, vector<16xi32>,
      tpu.vector_store %arg16[%swap3A_1041], %add3A_1040 {strides = array<i32>} : memref<448xi32, #tpu.memory_space<vmem>>, vector<16xi32>,
      %add3A_1043 = arith.constant 1 : i32
      %add3A_1044 = vector.broadcast %add3A_1043 : i32 to vector<16xi32>
      %add3A_1045 = arith.addi %get3A_15, %add3A_1044 : vector<16xi32>
      %jit3A_1046 = arith.constant 0 : i32
      %jit3A_1047 = arith.constant 63 : i32
      %max3A_1048 = vector.broadcast %jit3A_1046 : i32 to vector<16xi32>
      %max3A_1049 = arith.maxsi %max3A_1048, %add3A_1045 : vector<16xi32>
      %min3A_1050 = vector.broadcast %jit3A_1047 : i32 to vector<16xi32>
      %min3A_1051 = arith.minsi %min3A_1050, %max3A_1049 : vector<16xi32>
      %add3A_1052 = arith.constant 1 : i32
      %add3A_1053 = vector.broadcast %add3A_1052 : i32 to vector<16xi32>
      %add3A_1054 = arith.addi %get3A_17, %add3A_1053 : vector<16xi32>
      %jit3A_1055 = arith.constant 0 : i32
      %jit3A_1056 = arith.constant 63 : i32
      %max3A_1057 = vector.broadcast %jit3A_1055 : i32 to vector<16xi32>
      %max3A_1058 = arith.maxsi %max3A_1057, %add3A_1054 : vector<16xi32>
      %min3A_1059 = vector.broadcast %jit3A_1056 : i32 to vector<16xi32>
      %min3A_1060 = arith.minsi %min3A_1059, %max3A_1058 : vector<16xi32>
      %add3A_1061 = arith.constant 0 : i32
      %add3A_1062 = vector.broadcast %add3A_1061 : i32 to vector<16xi32>
      %add3A_1063 = arith.addi %get3A_19, %add3A_1062 : vector<16xi32>
      %jit3A_1064 = arith.constant 0 : i32
      %jit3A_1065 = arith.constant 63 : i32
      %max3A_1066 = vector.broadcast %jit3A_1064 : i32 to vector<16xi32>
      %max3A_1067 = arith.maxsi %max3A_1066, %add3A_1063 : vector<16xi32>
      %min3A_1068 = vector.broadcast %jit3A_1065 : i32 to vector<16xi32>
      %min3A_1069 = arith.minsi %min3A_1068, %max3A_1067 : vector<16xi32>
      %mul3A_1070 = arith.constant 64 : i32
      %mul3A_1071 = vector.broadcast %mul3A_1070 : i32 to vector<16xi32>
      %mul3A_1072 = arith.muli %get3A_21, %mul3A_1071 : vector<16xi32>
      %add3A_1073 = arith.addi %mul3A_1072, %min3A_1051 : vector<16xi32>
      %mul3A_1074 = arith.constant 64 : i32
      %mul3A_1075 = vector.broadcast %mul3A_1074 : i32 to vector<16xi32>
      %mul3A_1076 = arith.muli %add3A_1073, %mul3A_1075 : vector<16xi32>
      %add3A_1077 = arith.addi %mul3A_1076, %min3A_1060 : vector<16xi32>
      %mul3A_1078 = arith.constant 64 : i32
      %mul3A_1079 = vector.broadcast %mul3A_1078 : i32 to vector<16xi32>
      %mul3A_1080 = arith.muli %add3A_1077, %mul3A_1079 : vector<16xi32>
      %add3A_1081 = arith.addi %mul3A_1080, %min3A_1069 : vector<16xi32>
      %swap3A_1082 = arith.constant 400 : index
      %swap3A_1083 = tpu.vector_load %arg16[%swap3A_1082] {strides = array<i32>} : memref<448xi32, #tpu.memory_space<vmem>>, vector<16xi32>,
      tpu.vector_store %arg16[%swap3A_1082], %add3A_1081 {strides = array<i32>} : memref<448xi32, #tpu.memory_space<vmem>>, vector<16xi32>,
      %add3A_1084 = arith.constant 1 : i32
      %add3A_1085 = vector.broadcast %add3A_1084 : i32 to vector<16xi32>
      %add3A_1086 = arith.addi %get3A_15, %add3A_1085 : vector<16xi32>
      %jit3A_1087 = arith.constant 0 : i32
      %jit3A_1088 = arith.constant 63 : i32
      %max3A_1089 = vector.broadcast %jit3A_1087 : i32 to vector<16xi32>
      %max3A_1090 = arith.maxsi %max3A_1089, %add3A_1086 : vector<16xi32>
      %min3A_1091 = vector.broadcast %jit3A_1088 : i32 to vector<16xi32>
      %min3A_1092 = arith.minsi %min3A_1091, %max3A_1090 : vector<16xi32>
      %add3A_1093 = arith.constant 1 : i32
      %add3A_1094 = vector.broadcast %add3A_1093 : i32 to vector<16xi32>
      %add3A_1095 = arith.addi %get3A_17, %add3A_1094 : vector<16xi32>
      %jit3A_1096 = arith.constant 0 : i32
      %jit3A_1097 = arith.constant 63 : i32
      %max3A_1098 = vector.broadcast %jit3A_1096 : i32 to vector<16xi32>
      %max3A_1099 = arith.maxsi %max3A_1098, %add3A_1095 : vector<16xi32>
      %min3A_1100 = vector.broadcast %jit3A_1097 : i32 to vector<16xi32>
      %min3A_1101 = arith.minsi %min3A_1100, %max3A_1099 : vector<16xi32>
      %add3A_1102 = arith.constant 1 : i32
      %add3A_1103 = vector.broadcast %add3A_1102 : i32 to vector<16xi32>
      %add3A_1104 = arith.addi %get3A_19, %add3A_1103 : vector<16xi32>
      %jit3A_1105 = arith.constant 0 : i32
      %jit3A_1106 = arith.constant 63 : i32
      %max3A_1107 = vector.broadcast %jit3A_1105 : i32 to vector<16xi32>
      %max3A_1108 = arith.maxsi %max3A_1107, %add3A_1104 : vector<16xi32>
      %min3A_1109 = vector.broadcast %jit3A_1106 : i32 to vector<16xi32>
      %min3A_1110 = arith.minsi %min3A_1109, %max3A_1108 : vector<16xi32>
      %mul3A_1111 = arith.constant 64 : i32
      %mul3A_1112 = vector.broadcast %mul3A_1111 : i32 to vector<16xi32>
      %mul3A_1113 = arith.muli %get3A_21, %mul3A_1112 : vector<16xi32>
      %add3A_1114 = arith.addi %mul3A_1113, %min3A_1092 : vector<16xi32>
      %mul3A_1115 = arith.constant 64 : i32
      %mul3A_1116 = vector.broadcast %mul3A_1115 : i32 to vector<16xi32>
      %mul3A_1117 = arith.muli %add3A_1114, %mul3A_1116 : vector<16xi32>
      %add3A_1118 = arith.addi %mul3A_1117, %min3A_1101 : vector<16xi32>
      %mul3A_1119 = arith.constant 64 : i32
      %mul3A_1120 = vector.broadcast %mul3A_1119 : i32 to vector<16xi32>
      %mul3A_1121 = arith.muli %add3A_1118, %mul3A_1120 : vector<16xi32>
      %add3A_1122 = arith.addi %mul3A_1121, %min3A_1110 : vector<16xi32>
      %swap3A_1123 = arith.constant 416 : index
      %swap3A_1124 = tpu.vector_load %arg16[%swap3A_1123] {strides = array<i32>} : memref<448xi32, #tpu.memory_space<vmem>>, vector<16xi32>,
      tpu.vector_store %arg16[%swap3A_1123], %add3A_1122 {strides = array<i32>} : memref<448xi32, #tpu.memory_space<vmem>>, vector<16xi32>,
      %broadcast_in_dim3A = arith.constant 0 : i32
      %broadcast_in_dim3A_1125 = vector.broadcast %broadcast_in_dim3A : i32 to vector<16xi32>
      %swap3A_1126 = arith.constant 432 : index
      %swap3A_1127 = tpu.vector_load %arg16[%swap3A_1126] {strides = array<i32>} : memref<448xi32, #tpu.memory_space<vmem>>, vector<16xi32>,
      tpu.vector_store %arg16[%swap3A_1126], %broadcast_in_dim3A_1125 {strides = array<i32>} : memref<448xi32, #tpu.memory_space<vmem>>, vector<16xi32>,
      %dma_start3A_1128 = arith.constant 0 : i32
      %dma_start3A_1129 = tpu.memref_slice %arg17[%dma_start3A_1128] : memref<448xi32, #tpu.memory_space<vmem>> -> memref<112xi32, #tpu.memory_space<vmem>>
      %dma_start3A_1130 = arith.constant 0 : i32
      %dma_start3A_1131 = tpu.memref_slice %arg16[%dma_start3A_1130] : memref<448xi32, #tpu.memory_space<vmem>> -> memref<112xi32, #tpu.memory_space<vmem>>
      %dma_start3A_1132 = arith.constant 0 : i32
      %dma_start3A_1133 = tpu.memref_slice %arg7[%dma_start3A_1132] : memref<524288xi32, #tpu.memory_space<hbm>> -> memref<524288xi32, #tpu.memory_space<hbm>>
      tpu.enqueue_indirect_dma source(%dma_start3A_1133 : memref<524288xi32, #tpu.memory_space<hbm>>) target(%dma_start3A_1129 : memref<112xi32, #tpu.memory_space<vmem>>) offsets(%dma_start3A_1131 : memref<112xi32, #tpu.memory_space<vmem>>) semaphore(%arg22 : memref<!tpu.dma_semaphore, #tpu.memory_space<semaphore_mem>>)
      %dma_start3A_1134 = arith.constant 112 : i32
      %dma_start3A_1135 = tpu.memref_slice %arg17[%dma_start3A_1134] : memref<448xi32, #tpu.memory_space<vmem>> -> memref<112xi32, #tpu.memory_space<vmem>>
      %dma_start3A_1136 = arith.constant 112 : i32
      %dma_start3A_1137 = tpu.memref_slice %arg16[%dma_start3A_1136] : memref<448xi32, #tpu.memory_space<vmem>> -> memref<112xi32, #tpu.memory_space<vmem>>
      %dma_start3A_1138 = arith.constant 0 : i32
      %dma_start3A_1139 = tpu.memref_slice %arg7[%dma_start3A_1138] : memref<524288xi32, #tpu.memory_space<hbm>> -> memref<524288xi32, #tpu.memory_space<hbm>>
      tpu.enqueue_indirect_dma source(%dma_start3A_1139 : memref<524288xi32, #tpu.memory_space<hbm>>) target(%dma_start3A_1135 : memref<112xi32, #tpu.memory_space<vmem>>) offsets(%dma_start3A_1137 : memref<112xi32, #tpu.memory_space<vmem>>) semaphore(%arg22 : memref<!tpu.dma_semaphore, #tpu.memory_space<semaphore_mem>>)
      %dma_start3A_1140 = arith.constant 224 : i32
      %dma_start3A_1141 = tpu.memref_slice %arg17[%dma_start3A_1140] : memref<448xi32, #tpu.memory_space<vmem>> -> memref<112xi32, #tpu.memory_space<vmem>>
      %dma_start3A_1142 = arith.constant 224 : i32
      %dma_start3A_1143 = tpu.memref_slice %arg16[%dma_start3A_1142] : memref<448xi32, #tpu.memory_space<vmem>> -> memref<112xi32, #tpu.memory_space<vmem>>
      %dma_start3A_1144 = arith.constant 0 : i32
      %dma_start3A_1145 = tpu.memref_slice %arg7[%dma_start3A_1144] : memref<524288xi32, #tpu.memory_space<hbm>> -> memref<524288xi32, #tpu.memory_space<hbm>>
      tpu.enqueue_indirect_dma source(%dma_start3A_1145 : memref<524288xi32, #tpu.memory_space<hbm>>) target(%dma_start3A_1141 : memref<112xi32, #tpu.memory_space<vmem>>) offsets(%dma_start3A_1143 : memref<112xi32, #tpu.memory_space<vmem>>) semaphore(%arg22 : memref<!tpu.dma_semaphore, #tpu.memory_space<semaphore_mem>>)
      %dma_start3A_1146 = arith.constant 336 : i32
      %dma_start3A_1147 = tpu.memref_slice %arg17[%dma_start3A_1146] : memref<448xi32, #tpu.memory_space<vmem>> -> memref<112xi32, #tpu.memory_space<vmem>>
      %dma_start3A_1148 = arith.constant 336 : i32
      %dma_start3A_1149 = tpu.memref_slice %arg16[%dma_start3A_1148] : memref<448xi32, #tpu.memory_space<vmem>> -> memref<112xi32, #tpu.memory_space<vmem>>
      %dma_start3A_1150 = arith.constant 0 : i32
      %dma_start3A_1151 = tpu.memref_slice %arg7[%dma_start3A_1150] : memref<524288xi32, #tpu.memory_space<hbm>> -> memref<524288xi32, #tpu.memory_space<hbm>>
      tpu.enqueue_indirect_dma source(%dma_start3A_1151 : memref<524288xi32, #tpu.memory_space<hbm>>) target(%dma_start3A_1147 : memref<112xi32, #tpu.memory_space<vmem>>) offsets(%dma_start3A_1149 : memref<112xi32, #tpu.memory_space<vmem>>) semaphore(%arg22 : memref<!tpu.dma_semaphore, #tpu.memory_space<semaphore_mem>>)
      %dma_wait3A_1152 = arith.constant 0 : i32
      %dma_wait3A_1153 = tpu.memref_slice %arg17[%dma_wait3A_1152] : memref<448xi32, #tpu.memory_space<vmem>> -> memref<112xi32, #tpu.memory_space<vmem>>
      %dma_wait3A_1154 = arith.constant 0 : i32
      %dma_wait3A_1155 = tpu.memref_slice %arg16[%dma_wait3A_1154] : memref<448xi32, #tpu.memory_space<vmem>> -> memref<112xi32, #tpu.memory_space<vmem>>
      %dma_wait3A_1156 = arith.constant 0 : i32
      %dma_wait3A_1157 = tpu.memref_slice %arg7[%dma_wait3A_1156] : memref<524288xi32, #tpu.memory_space<hbm>> -> memref<524288xi32, #tpu.memory_space<hbm>>
      tpu.wait_indirect_dma semaphore(%arg22 : memref<!tpu.dma_semaphore, #tpu.memory_space<semaphore_mem>>) src(%dma_wait3A_1157 : memref<524288xi32, #tpu.memory_space<hbm>>) dst(%dma_wait3A_1153 : memref<112xi32, #tpu.memory_space<vmem>>)
      %dma_wait3A_1158 = arith.constant 112 : i32
      %dma_wait3A_1159 = tpu.memref_slice %arg17[%dma_wait3A_1158] : memref<448xi32, #tpu.memory_space<vmem>> -> memref<112xi32, #tpu.memory_space<vmem>>
      %dma_wait3A_1160 = arith.constant 112 : i32
      %dma_wait3A_1161 = tpu.memref_slice %arg16[%dma_wait3A_1160] : memref<448xi32, #tpu.memory_space<vmem>> -> memref<112xi32, #tpu.memory_space<vmem>>
      %dma_wait3A_1162 = arith.constant 0 : i32
      %dma_wait3A_1163 = tpu.memref_slice %arg7[%dma_wait3A_1162] : memref<524288xi32, #tpu.memory_space<hbm>> -> memref<524288xi32, #tpu.memory_space<hbm>>
      tpu.wait_indirect_dma semaphore(%arg22 : memref<!tpu.dma_semaphore, #tpu.memory_space<semaphore_mem>>) src(%dma_wait3A_1163 : memref<524288xi32, #tpu.memory_space<hbm>>) dst(%dma_wait3A_1159 : memref<112xi32, #tpu.memory_space<vmem>>)
      %dma_wait3A_1164 = arith.constant 224 : i32
      %dma_wait3A_1165 = tpu.memref_slice %arg17[%dma_wait3A_1164] : memref<448xi32, #tpu.memory_space<vmem>> -> memref<112xi32, #tpu.memory_space<vmem>>
      %dma_wait3A_1166 = arith.constant 224 : i32
      %dma_wait3A_1167 = tpu.memref_slice %arg16[%dma_wait3A_1166] : memref<448xi32, #tpu.memory_space<vmem>> -> memref<112xi32, #tpu.memory_space<vmem>>
      %dma_wait3A_1168 = arith.constant 0 : i32
      %dma_wait3A_1169 = tpu.memref_slice %arg7[%dma_wait3A_1168] : memref<524288xi32, #tpu.memory_space<hbm>> -> memref<524288xi32, #tpu.memory_space<hbm>>
      tpu.wait_indirect_dma semaphore(%arg22 : memref<!tpu.dma_semaphore, #tpu.memory_space<semaphore_mem>>) src(%dma_wait3A_1169 : memref<524288xi32, #tpu.memory_space<hbm>>) dst(%dma_wait3A_1165 : memref<112xi32, #tpu.memory_space<vmem>>)
      %dma_wait3A_1170 = arith.constant 336 : i32
      %dma_wait3A_1171 = tpu.memref_slice %arg17[%dma_wait3A_1170] : memref<448xi32, #tpu.memory_space<vmem>> -> memref<112xi32, #tpu.memory_space<vmem>>
      %dma_wait3A_1172 = arith.constant 336 : i32
      %dma_wait3A_1173 = tpu.memref_slice %arg16[%dma_wait3A_1172] : memref<448xi32, #tpu.memory_space<vmem>> -> memref<112xi32, #tpu.memory_space<vmem>>
      %dma_wait3A_1174 = arith.constant 0 : i32
      %dma_wait3A_1175 = tpu.memref_slice %arg7[%dma_wait3A_1174] : memref<524288xi32, #tpu.memory_space<hbm>> -> memref<524288xi32, #tpu.memory_space<hbm>>
      tpu.wait_indirect_dma semaphore(%arg22 : memref<!tpu.dma_semaphore, #tpu.memory_space<semaphore_mem>>) src(%dma_wait3A_1175 : memref<524288xi32, #tpu.memory_space<hbm>>) dst(%dma_wait3A_1171 : memref<112xi32, #tpu.memory_space<vmem>>)
      %broadcast_in_dim3A_1176 = arith.constant 0.000000e+00 : f32
      %broadcast_in_dim3A_1177 = vector.broadcast %broadcast_in_dim3A_1176 : f32 to vector<16xf32>
      %add3A_1178 = arith.constant -1 : i32
      %add3A_1179 = vector.broadcast %add3A_1178 : i32 to vector<16xi32>
      %add3A_1180 = arith.addi %get3A_15, %add3A_1179 : vector<16xi32>
      %add3A_1181 = arith.constant -1 : i32
      %add3A_1182 = vector.broadcast %add3A_1181 : i32 to vector<16xi32>
      %add3A_1183 = arith.addi %get3A_17, %add3A_1182 : vector<16xi32>
      %add3A_1184 = arith.constant -1 : i32
      %add3A_1185 = vector.broadcast %add3A_1184 : i32 to vector<16xi32>
      %add3A_1186 = arith.addi %get3A_19, %add3A_1185 : vector<16xi32>
      %ge3A = arith.constant 0 : i32
      %ge3A_1187 = vector.broadcast %ge3A : i32 to vector<16xi32>
      %ge3A_1188 = arith.cmpi sge, %add3A_1180, %ge3A_1187 : vector<16xi32>
      %lt3A_1189 = arith.constant 64 : i32
      %lt3A_1190 = vector.broadcast %lt3A_1189 : i32 to vector<16xi32>
      %lt3A_1191 = arith.cmpi slt, %add3A_1180, %lt3A_1190 : vector<16xi32>
      %and3A = arith.andi %ge3A_1188, %lt3A_1191 : vector<16xi1>
      %ge3A_1192 = arith.constant 0 : i32
      %ge3A_1193 = vector.broadcast %ge3A_1192 : i32 to vector<16xi32>
      %ge3A_1194 = arith.cmpi sge, %add3A_1183, %ge3A_1193 : vector<16xi32>
      %and3A_1195 = arith.andi %and3A, %ge3A_1194 : vector<16xi1>
      %lt3A_1196 = arith.constant 64 : i32
      %lt3A_1197 = vector.broadcast %lt3A_1196 : i32 to vector<16xi32>
      %lt3A_1198 = arith.cmpi slt, %add3A_1183, %lt3A_1197 : vector<16xi32>
      %and3A_1199 = arith.andi %and3A_1195, %lt3A_1198 : vector<16xi1>
      %ge3A_1200 = arith.constant 0 : i32
      %ge3A_1201 = vector.broadcast %ge3A_1200 : i32 to vector<16xi32>
      %ge3A_1202 = arith.cmpi sge, %add3A_1186, %ge3A_1201 : vector<16xi32>
      %and3A_1203 = arith.andi %and3A_1199, %ge3A_1202 : vector<16xi1>
      %lt3A_1204 = arith.constant 64 : i32
      %lt3A_1205 = vector.broadcast %lt3A_1204 : i32 to vector<16xi32>
      %lt3A_1206 = arith.cmpi slt, %add3A_1186, %lt3A_1205 : vector<16xi32>
      %and3A_1207 = arith.andi %and3A_1203, %lt3A_1206 : vector<16xi1>
      %get3A_1208 = arith.constant 0 : index
      %get3A_1209 = tpu.vector_load %arg17[%get3A_1208] {strides = array<i32>} : memref<448xi32, #tpu.memory_space<vmem>>, vector<16xi32>,
      %gt3A = arith.constant 0 : i32
      %gt3A_1210 = vector.broadcast %gt3A : i32 to vector<16xi32>
      %gt3A_1211 = arith.cmpi sgt, %get3A_1209, %gt3A_1210 : vector<16xi32>
      %and3A_1212 = arith.andi %and3A_1207, %gt3A_1211 : vector<16xi1>
      %sub3A = arith.constant 1 : i32
      %sub3A_1213 = vector.broadcast %sub3A : i32 to vector<16xi32>
      %sub3A_1214 = arith.subi %get3A_1209, %sub3A_1213 : vector<16xi32>
      %jit3A_1215 = arith.constant 100000 : i32
      %broadcast_in_dim3A_1216 = vector.broadcast %jit3A_1215 : i32 to vector<16xi32>
      %select_n3A = arith.select %and3A_1212, %sub3A_1214, %broadcast_in_dim3A_1216 : vector<16xi1>, vector<16xi32>
      %convert_element_type3A_1217 = arith.extui %and3A_1212 : vector<16xi1> to vector<16xi32>
      %convert_element_type3A_1218 = arith.sitofp %convert_element_type3A_1217 : vector<16xi32> to vector<16xf32>
      %add3A_1219 = arith.addf %broadcast_in_dim3A_1177, %convert_element_type3A_1218 : vector<16xf32>
      %swap3A_1220 = arith.constant 0 : index
      %swap3A_1221 = tpu.vector_load %arg18[%swap3A_1220] {strides = array<i32>} : memref<448xi32, #tpu.memory_space<vmem>>, vector<16xi32>,
      tpu.vector_store %arg18[%swap3A_1220], %select_n3A {strides = array<i32>} : memref<448xi32, #tpu.memory_space<vmem>>, vector<16xi32>,
      %add3A_1222 = arith.constant -1 : i32
      %add3A_1223 = vector.broadcast %add3A_1222 : i32 to vector<16xi32>
      %add3A_1224 = arith.addi %get3A_15, %add3A_1223 : vector<16xi32>
      %add3A_1225 = arith.constant -1 : i32
      %add3A_1226 = vector.broadcast %add3A_1225 : i32 to vector<16xi32>
      %add3A_1227 = arith.addi %get3A_17, %add3A_1226 : vector<16xi32>
      %add3A_1228 = arith.constant 0 : i32
      %add3A_1229 = vector.broadcast %add3A_1228 : i32 to vector<16xi32>
      %add3A_1230 = arith.addi %get3A_19, %add3A_1229 : vector<16xi32>
      %ge3A_1231 = arith.constant 0 : i32
      %ge3A_1232 = vector.broadcast %ge3A_1231 : i32 to vector<16xi32>
      %ge3A_1233 = arith.cmpi sge, %add3A_1224, %ge3A_1232 : vector<16xi32>
      %lt3A_1234 = arith.constant 64 : i32
      %lt3A_1235 = vector.broadcast %lt3A_1234 : i32 to vector<16xi32>
      %lt3A_1236 = arith.cmpi slt, %add3A_1224, %lt3A_1235 : vector<16xi32>
      %and3A_1237 = arith.andi %ge3A_1233, %lt3A_1236 : vector<16xi1>
      %ge3A_1238 = arith.constant 0 : i32
      %ge3A_1239 = vector.broadcast %ge3A_1238 : i32 to vector<16xi32>
      %ge3A_1240 = arith.cmpi sge, %add3A_1227, %ge3A_1239 : vector<16xi32>
      %and3A_1241 = arith.andi %and3A_1237, %ge3A_1240 : vector<16xi1>
      %lt3A_1242 = arith.constant 64 : i32
      %lt3A_1243 = vector.broadcast %lt3A_1242 : i32 to vector<16xi32>
      %lt3A_1244 = arith.cmpi slt, %add3A_1227, %lt3A_1243 : vector<16xi32>
      %and3A_1245 = arith.andi %and3A_1241, %lt3A_1244 : vector<16xi1>
      %ge3A_1246 = arith.constant 0 : i32
      %ge3A_1247 = vector.broadcast %ge3A_1246 : i32 to vector<16xi32>
      %ge3A_1248 = arith.cmpi sge, %add3A_1230, %ge3A_1247 : vector<16xi32>
      %and3A_1249 = arith.andi %and3A_1245, %ge3A_1248 : vector<16xi1>
      %lt3A_1250 = arith.constant 64 : i32
      %lt3A_1251 = vector.broadcast %lt3A_1250 : i32 to vector<16xi32>
      %lt3A_1252 = arith.cmpi slt, %add3A_1230, %lt3A_1251 : vector<16xi32>
      %and3A_1253 = arith.andi %and3A_1249, %lt3A_1252 : vector<16xi1>
      %get3A_1254 = arith.constant 16 : index
      %get3A_1255 = tpu.vector_load %arg17[%get3A_1254] {strides = array<i32>} : memref<448xi32, #tpu.memory_space<vmem>>, vector<16xi32>,
      %gt3A_1256 = arith.constant 0 : i32
      %gt3A_1257 = vector.broadcast %gt3A_1256 : i32 to vector<16xi32>
      %gt3A_1258 = arith.cmpi sgt, %get3A_1255, %gt3A_1257 : vector<16xi32>
      %and3A_1259 = arith.andi %and3A_1253, %gt3A_1258 : vector<16xi1>
      %sub3A_1260 = arith.constant 1 : i32
      %sub3A_1261 = vector.broadcast %sub3A_1260 : i32 to vector<16xi32>
      %sub3A_1262 = arith.subi %get3A_1255, %sub3A_1261 : vector<16xi32>
      %jit3A_1263 = arith.constant 100000 : i32
      %broadcast_in_dim3A_1264 = vector.broadcast %jit3A_1263 : i32 to vector<16xi32>
      %select_n3A_1265 = arith.select %and3A_1259, %sub3A_1262, %broadcast_in_dim3A_1264 : vector<16xi1>, vector<16xi32>
      %convert_element_type3A_1266 = arith.extui %and3A_1259 : vector<16xi1> to vector<16xi32>
      %convert_element_type3A_1267 = arith.sitofp %convert_element_type3A_1266 : vector<16xi32> to vector<16xf32>
      %add3A_1268 = arith.addf %add3A_1219, %convert_element_type3A_1267 : vector<16xf32>
      %swap3A_1269 = arith.constant 16 : index
      %swap3A_1270 = tpu.vector_load %arg18[%swap3A_1269] {strides = array<i32>} : memref<448xi32, #tpu.memory_space<vmem>>, vector<16xi32>,
      tpu.vector_store %arg18[%swap3A_1269], %select_n3A_1265 {strides = array<i32>} : memref<448xi32, #tpu.memory_space<vmem>>, vector<16xi32>,
      %add3A_1271 = arith.constant -1 : i32
      %add3A_1272 = vector.broadcast %add3A_1271 : i32 to vector<16xi32>
      %add3A_1273 = arith.addi %get3A_15, %add3A_1272 : vector<16xi32>
      %add3A_1274 = arith.constant -1 : i32
      %add3A_1275 = vector.broadcast %add3A_1274 : i32 to vector<16xi32>
      %add3A_1276 = arith.addi %get3A_17, %add3A_1275 : vector<16xi32>
      %add3A_1277 = arith.constant 1 : i32
      %add3A_1278 = vector.broadcast %add3A_1277 : i32 to vector<16xi32>
      %add3A_1279 = arith.addi %get3A_19, %add3A_1278 : vector<16xi32>
      %ge3A_1280 = arith.constant 0 : i32
      %ge3A_1281 = vector.broadcast %ge3A_1280 : i32 to vector<16xi32>
      %ge3A_1282 = arith.cmpi sge, %add3A_1273, %ge3A_1281 : vector<16xi32>
      %lt3A_1283 = arith.constant 64 : i32
      %lt3A_1284 = vector.broadcast %lt3A_1283 : i32 to vector<16xi32>
      %lt3A_1285 = arith.cmpi slt, %add3A_1273, %lt3A_1284 : vector<16xi32>
      %and3A_1286 = arith.andi %ge3A_1282, %lt3A_1285 : vector<16xi1>
      %ge3A_1287 = arith.constant 0 : i32
      %ge3A_1288 = vector.broadcast %ge3A_1287 : i32 to vector<16xi32>
      %ge3A_1289 = arith.cmpi sge, %add3A_1276, %ge3A_1288 : vector<16xi32>
      %and3A_1290 = arith.andi %and3A_1286, %ge3A_1289 : vector<16xi1>
      %lt3A_1291 = arith.constant 64 : i32
      %lt3A_1292 = vector.broadcast %lt3A_1291 : i32 to vector<16xi32>
      %lt3A_1293 = arith.cmpi slt, %add3A_1276, %lt3A_1292 : vector<16xi32>
      %and3A_1294 = arith.andi %and3A_1290, %lt3A_1293 : vector<16xi1>
      %ge3A_1295 = arith.constant 0 : i32
      %ge3A_1296 = vector.broadcast %ge3A_1295 : i32 to vector<16xi32>
      %ge3A_1297 = arith.cmpi sge, %add3A_1279, %ge3A_1296 : vector<16xi32>
      %and3A_1298 = arith.andi %and3A_1294, %ge3A_1297 : vector<16xi1>
      %lt3A_1299 = arith.constant 64 : i32
      %lt3A_1300 = vector.broadcast %lt3A_1299 : i32 to vector<16xi32>
      %lt3A_1301 = arith.cmpi slt, %add3A_1279, %lt3A_1300 : vector<16xi32>
      %and3A_1302 = arith.andi %and3A_1298, %lt3A_1301 : vector<16xi1>
      %get3A_1303 = arith.constant 32 : index
      %get3A_1304 = tpu.vector_load %arg17[%get3A_1303] {strides = array<i32>} : memref<448xi32, #tpu.memory_space<vmem>>, vector<16xi32>,
      %gt3A_1305 = arith.constant 0 : i32
      %gt3A_1306 = vector.broadcast %gt3A_1305 : i32 to vector<16xi32>
      %gt3A_1307 = arith.cmpi sgt, %get3A_1304, %gt3A_1306 : vector<16xi32>
      %and3A_1308 = arith.andi %and3A_1302, %gt3A_1307 : vector<16xi1>
      %sub3A_1309 = arith.constant 1 : i32
      %sub3A_1310 = vector.broadcast %sub3A_1309 : i32 to vector<16xi32>
      %sub3A_1311 = arith.subi %get3A_1304, %sub3A_1310 : vector<16xi32>
      %jit3A_1312 = arith.constant 100000 : i32
      %broadcast_in_dim3A_1313 = vector.broadcast %jit3A_1312 : i32 to vector<16xi32>
      %select_n3A_1314 = arith.select %and3A_1308, %sub3A_1311, %broadcast_in_dim3A_1313 : vector<16xi1>, vector<16xi32>
      %convert_element_type3A_1315 = arith.extui %and3A_1308 : vector<16xi1> to vector<16xi32>
      %convert_element_type3A_1316 = arith.sitofp %convert_element_type3A_1315 : vector<16xi32> to vector<16xf32>
      %add3A_1317 = arith.addf %add3A_1268, %convert_element_type3A_1316 : vector<16xf32>
      %swap3A_1318 = arith.constant 32 : index
      %swap3A_1319 = tpu.vector_load %arg18[%swap3A_1318] {strides = array<i32>} : memref<448xi32, #tpu.memory_space<vmem>>, vector<16xi32>,
      tpu.vector_store %arg18[%swap3A_1318], %select_n3A_1314 {strides = array<i32>} : memref<448xi32, #tpu.memory_space<vmem>>, vector<16xi32>,
      %add3A_1320 = arith.constant -1 : i32
      %add3A_1321 = vector.broadcast %add3A_1320 : i32 to vector<16xi32>
      %add3A_1322 = arith.addi %get3A_15, %add3A_1321 : vector<16xi32>
      %add3A_1323 = arith.constant 0 : i32
      %add3A_1324 = vector.broadcast %add3A_1323 : i32 to vector<16xi32>
      %add3A_1325 = arith.addi %get3A_17, %add3A_1324 : vector<16xi32>
      %add3A_1326 = arith.constant -1 : i32
      %add3A_1327 = vector.broadcast %add3A_1326 : i32 to vector<16xi32>
      %add3A_1328 = arith.addi %get3A_19, %add3A_1327 : vector<16xi32>
      %ge3A_1329 = arith.constant 0 : i32
      %ge3A_1330 = vector.broadcast %ge3A_1329 : i32 to vector<16xi32>
      %ge3A_1331 = arith.cmpi sge, %add3A_1322, %ge3A_1330 : vector<16xi32>
      %lt3A_1332 = arith.constant 64 : i32
      %lt3A_1333 = vector.broadcast %lt3A_1332 : i32 to vector<16xi32>
      %lt3A_1334 = arith.cmpi slt, %add3A_1322, %lt3A_1333 : vector<16xi32>
      %and3A_1335 = arith.andi %ge3A_1331, %lt3A_1334 : vector<16xi1>
      %ge3A_1336 = arith.constant 0 : i32
      %ge3A_1337 = vector.broadcast %ge3A_1336 : i32 to vector<16xi32>
      %ge3A_1338 = arith.cmpi sge, %add3A_1325, %ge3A_1337 : vector<16xi32>
      %and3A_1339 = arith.andi %and3A_1335, %ge3A_1338 : vector<16xi1>
      %lt3A_1340 = arith.constant 64 : i32
      %lt3A_1341 = vector.broadcast %lt3A_1340 : i32 to vector<16xi32>
      %lt3A_1342 = arith.cmpi slt, %add3A_1325, %lt3A_1341 : vector<16xi32>
      %and3A_1343 = arith.andi %and3A_1339, %lt3A_1342 : vector<16xi1>
      %ge3A_1344 = arith.constant 0 : i32
      %ge3A_1345 = vector.broadcast %ge3A_1344 : i32 to vector<16xi32>
      %ge3A_1346 = arith.cmpi sge, %add3A_1328, %ge3A_1345 : vector<16xi32>
      %and3A_1347 = arith.andi %and3A_1343, %ge3A_1346 : vector<16xi1>
      %lt3A_1348 = arith.constant 64 : i32
      %lt3A_1349 = vector.broadcast %lt3A_1348 : i32 to vector<16xi32>
      %lt3A_1350 = arith.cmpi slt, %add3A_1328, %lt3A_1349 : vector<16xi32>
      %and3A_1351 = arith.andi %and3A_1347, %lt3A_1350 : vector<16xi1>
      %get3A_1352 = arith.constant 48 : index
      %get3A_1353 = tpu.vector_load %arg17[%get3A_1352] {strides = array<i32>} : memref<448xi32, #tpu.memory_space<vmem>>, vector<16xi32>,
      %gt3A_1354 = arith.constant 0 : i32
      %gt3A_1355 = vector.broadcast %gt3A_1354 : i32 to vector<16xi32>
      %gt3A_1356 = arith.cmpi sgt, %get3A_1353, %gt3A_1355 : vector<16xi32>
      %and3A_1357 = arith.andi %and3A_1351, %gt3A_1356 : vector<16xi1>
      %sub3A_1358 = arith.constant 1 : i32
      %sub3A_1359 = vector.broadcast %sub3A_1358 : i32 to vector<16xi32>
      %sub3A_1360 = arith.subi %get3A_1353, %sub3A_1359 : vector<16xi32>
      %jit3A_1361 = arith.constant 100000 : i32
      %broadcast_in_dim3A_1362 = vector.broadcast %jit3A_1361 : i32 to vector<16xi32>
      %select_n3A_1363 = arith.select %and3A_1357, %sub3A_1360, %broadcast_in_dim3A_1362 : vector<16xi1>, vector<16xi32>
      %convert_element_type3A_1364 = arith.extui %and3A_1357 : vector<16xi1> to vector<16xi32>
      %convert_element_type3A_1365 = arith.sitofp %convert_element_type3A_1364 : vector<16xi32> to vector<16xf32>
      %add3A_1366 = arith.addf %add3A_1317, %convert_element_type3A_1365 : vector<16xf32>
      %swap3A_1367 = arith.constant 48 : index
      %swap3A_1368 = tpu.vector_load %arg18[%swap3A_1367] {strides = array<i32>} : memref<448xi32, #tpu.memory_space<vmem>>, vector<16xi32>,
      tpu.vector_store %arg18[%swap3A_1367], %select_n3A_1363 {strides = array<i32>} : memref<448xi32, #tpu.memory_space<vmem>>, vector<16xi32>,
      %add3A_1369 = arith.constant -1 : i32
      %add3A_1370 = vector.broadcast %add3A_1369 : i32 to vector<16xi32>
      %add3A_1371 = arith.addi %get3A_15, %add3A_1370 : vector<16xi32>
      %add3A_1372 = arith.constant 0 : i32
      %add3A_1373 = vector.broadcast %add3A_1372 : i32 to vector<16xi32>
      %add3A_1374 = arith.addi %get3A_17, %add3A_1373 : vector<16xi32>
      %add3A_1375 = arith.constant 0 : i32
      %add3A_1376 = vector.broadcast %add3A_1375 : i32 to vector<16xi32>
      %add3A_1377 = arith.addi %get3A_19, %add3A_1376 : vector<16xi32>
      %ge3A_1378 = arith.constant 0 : i32
      %ge3A_1379 = vector.broadcast %ge3A_1378 : i32 to vector<16xi32>
      %ge3A_1380 = arith.cmpi sge, %add3A_1371, %ge3A_1379 : vector<16xi32>
      %lt3A_1381 = arith.constant 64 : i32
      %lt3A_1382 = vector.broadcast %lt3A_1381 : i32 to vector<16xi32>
      %lt3A_1383 = arith.cmpi slt, %add3A_1371, %lt3A_1382 : vector<16xi32>
      %and3A_1384 = arith.andi %ge3A_1380, %lt3A_1383 : vector<16xi1>
      %ge3A_1385 = arith.constant 0 : i32
      %ge3A_1386 = vector.broadcast %ge3A_1385 : i32 to vector<16xi32>
      %ge3A_1387 = arith.cmpi sge, %add3A_1374, %ge3A_1386 : vector<16xi32>
      %and3A_1388 = arith.andi %and3A_1384, %ge3A_1387 : vector<16xi1>
      %lt3A_1389 = arith.constant 64 : i32
      %lt3A_1390 = vector.broadcast %lt3A_1389 : i32 to vector<16xi32>
      %lt3A_1391 = arith.cmpi slt, %add3A_1374, %lt3A_1390 : vector<16xi32>
      %and3A_1392 = arith.andi %and3A_1388, %lt3A_1391 : vector<16xi1>
      %ge3A_1393 = arith.constant 0 : i32
      %ge3A_1394 = vector.broadcast %ge3A_1393 : i32 to vector<16xi32>
      %ge3A_1395 = arith.cmpi sge, %add3A_1377, %ge3A_1394 : vector<16xi32>
      %and3A_1396 = arith.andi %and3A_1392, %ge3A_1395 : vector<16xi1>
      %lt3A_1397 = arith.constant 64 : i32
      %lt3A_1398 = vector.broadcast %lt3A_1397 : i32 to vector<16xi32>
      %lt3A_1399 = arith.cmpi slt, %add3A_1377, %lt3A_1398 : vector<16xi32>
      %and3A_1400 = arith.andi %and3A_1396, %lt3A_1399 : vector<16xi1>
      %get3A_1401 = arith.constant 64 : index
      %get3A_1402 = tpu.vector_load %arg17[%get3A_1401] {strides = array<i32>} : memref<448xi32, #tpu.memory_space<vmem>>, vector<16xi32>,
      %gt3A_1403 = arith.constant 0 : i32
      %gt3A_1404 = vector.broadcast %gt3A_1403 : i32 to vector<16xi32>
      %gt3A_1405 = arith.cmpi sgt, %get3A_1402, %gt3A_1404 : vector<16xi32>
      %and3A_1406 = arith.andi %and3A_1400, %gt3A_1405 : vector<16xi1>
      %sub3A_1407 = arith.constant 1 : i32
      %sub3A_1408 = vector.broadcast %sub3A_1407 : i32 to vector<16xi32>
      %sub3A_1409 = arith.subi %get3A_1402, %sub3A_1408 : vector<16xi32>
      %jit3A_1410 = arith.constant 100000 : i32
      %broadcast_in_dim3A_1411 = vector.broadcast %jit3A_1410 : i32 to vector<16xi32>
      %select_n3A_1412 = arith.select %and3A_1406, %sub3A_1409, %broadcast_in_dim3A_1411 : vector<16xi1>, vector<16xi32>
      %convert_element_type3A_1413 = arith.extui %and3A_1406 : vector<16xi1> to vector<16xi32>
      %convert_element_type3A_1414 = arith.sitofp %convert_element_type3A_1413 : vector<16xi32> to vector<16xf32>
      %add3A_1415 = arith.addf %add3A_1366, %convert_element_type3A_1414 : vector<16xf32>
      %swap3A_1416 = arith.constant 64 : index
      %swap3A_1417 = tpu.vector_load %arg18[%swap3A_1416] {strides = array<i32>} : memref<448xi32, #tpu.memory_space<vmem>>, vector<16xi32>,
      tpu.vector_store %arg18[%swap3A_1416], %select_n3A_1412 {strides = array<i32>} : memref<448xi32, #tpu.memory_space<vmem>>, vector<16xi32>,
      %add3A_1418 = arith.constant -1 : i32
      %add3A_1419 = vector.broadcast %add3A_1418 : i32 to vector<16xi32>
      %add3A_1420 = arith.addi %get3A_15, %add3A_1419 : vector<16xi32>
      %add3A_1421 = arith.constant 0 : i32
      %add3A_1422 = vector.broadcast %add3A_1421 : i32 to vector<16xi32>
      %add3A_1423 = arith.addi %get3A_17, %add3A_1422 : vector<16xi32>
      %add3A_1424 = arith.constant 1 : i32
      %add3A_1425 = vector.broadcast %add3A_1424 : i32 to vector<16xi32>
      %add3A_1426 = arith.addi %get3A_19, %add3A_1425 : vector<16xi32>
      %ge3A_1427 = arith.constant 0 : i32
      %ge3A_1428 = vector.broadcast %ge3A_1427 : i32 to vector<16xi32>
      %ge3A_1429 = arith.cmpi sge, %add3A_1420, %ge3A_1428 : vector<16xi32>
      %lt3A_1430 = arith.constant 64 : i32
      %lt3A_1431 = vector.broadcast %lt3A_1430 : i32 to vector<16xi32>
      %lt3A_1432 = arith.cmpi slt, %add3A_1420, %lt3A_1431 : vector<16xi32>
      %and3A_1433 = arith.andi %ge3A_1429, %lt3A_1432 : vector<16xi1>
      %ge3A_1434 = arith.constant 0 : i32
      %ge3A_1435 = vector.broadcast %ge3A_1434 : i32 to vector<16xi32>
      %ge3A_1436 = arith.cmpi sge, %add3A_1423, %ge3A_1435 : vector<16xi32>
      %and3A_1437 = arith.andi %and3A_1433, %ge3A_1436 : vector<16xi1>
      %lt3A_1438 = arith.constant 64 : i32
      %lt3A_1439 = vector.broadcast %lt3A_1438 : i32 to vector<16xi32>
      %lt3A_1440 = arith.cmpi slt, %add3A_1423, %lt3A_1439 : vector<16xi32>
      %and3A_1441 = arith.andi %and3A_1437, %lt3A_1440 : vector<16xi1>
      %ge3A_1442 = arith.constant 0 : i32
      %ge3A_1443 = vector.broadcast %ge3A_1442 : i32 to vector<16xi32>
      %ge3A_1444 = arith.cmpi sge, %add3A_1426, %ge3A_1443 : vector<16xi32>
      %and3A_1445 = arith.andi %and3A_1441, %ge3A_1444 : vector<16xi1>
      %lt3A_1446 = arith.constant 64 : i32
      %lt3A_1447 = vector.broadcast %lt3A_1446 : i32 to vector<16xi32>
      %lt3A_1448 = arith.cmpi slt, %add3A_1426, %lt3A_1447 : vector<16xi32>
      %and3A_1449 = arith.andi %and3A_1445, %lt3A_1448 : vector<16xi1>
      %get3A_1450 = arith.constant 80 : index
      %get3A_1451 = tpu.vector_load %arg17[%get3A_1450] {strides = array<i32>} : memref<448xi32, #tpu.memory_space<vmem>>, vector<16xi32>,
      %gt3A_1452 = arith.constant 0 : i32
      %gt3A_1453 = vector.broadcast %gt3A_1452 : i32 to vector<16xi32>
      %gt3A_1454 = arith.cmpi sgt, %get3A_1451, %gt3A_1453 : vector<16xi32>
      %and3A_1455 = arith.andi %and3A_1449, %gt3A_1454 : vector<16xi1>
      %sub3A_1456 = arith.constant 1 : i32
      %sub3A_1457 = vector.broadcast %sub3A_1456 : i32 to vector<16xi32>
      %sub3A_1458 = arith.subi %get3A_1451, %sub3A_1457 : vector<16xi32>
      %jit3A_1459 = arith.constant 100000 : i32
      %broadcast_in_dim3A_1460 = vector.broadcast %jit3A_1459 : i32 to vector<16xi32>
      %select_n3A_1461 = arith.select %and3A_1455, %sub3A_1458, %broadcast_in_dim3A_1460 : vector<16xi1>, vector<16xi32>
      %convert_element_type3A_1462 = arith.extui %and3A_1455 : vector<16xi1> to vector<16xi32>
      %convert_element_type3A_1463 = arith.sitofp %convert_element_type3A_1462 : vector<16xi32> to vector<16xf32>
      %add3A_1464 = arith.addf %add3A_1415, %convert_element_type3A_1463 : vector<16xf32>
      %swap3A_1465 = arith.constant 80 : index
      %swap3A_1466 = tpu.vector_load %arg18[%swap3A_1465] {strides = array<i32>} : memref<448xi32, #tpu.memory_space<vmem>>, vector<16xi32>,
      tpu.vector_store %arg18[%swap3A_1465], %select_n3A_1461 {strides = array<i32>} : memref<448xi32, #tpu.memory_space<vmem>>, vector<16xi32>,
      %add3A_1467 = arith.constant -1 : i32
      %add3A_1468 = vector.broadcast %add3A_1467 : i32 to vector<16xi32>
      %add3A_1469 = arith.addi %get3A_15, %add3A_1468 : vector<16xi32>
      %add3A_1470 = arith.constant 1 : i32
      %add3A_1471 = vector.broadcast %add3A_1470 : i32 to vector<16xi32>
      %add3A_1472 = arith.addi %get3A_17, %add3A_1471 : vector<16xi32>
      %add3A_1473 = arith.constant -1 : i32
      %add3A_1474 = vector.broadcast %add3A_1473 : i32 to vector<16xi32>
      %add3A_1475 = arith.addi %get3A_19, %add3A_1474 : vector<16xi32>
      %ge3A_1476 = arith.constant 0 : i32
      %ge3A_1477 = vector.broadcast %ge3A_1476 : i32 to vector<16xi32>
      %ge3A_1478 = arith.cmpi sge, %add3A_1469, %ge3A_1477 : vector<16xi32>
      %lt3A_1479 = arith.constant 64 : i32
      %lt3A_1480 = vector.broadcast %lt3A_1479 : i32 to vector<16xi32>
      %lt3A_1481 = arith.cmpi slt, %add3A_1469, %lt3A_1480 : vector<16xi32>
      %and3A_1482 = arith.andi %ge3A_1478, %lt3A_1481 : vector<16xi1>
      %ge3A_1483 = arith.constant 0 : i32
      %ge3A_1484 = vector.broadcast %ge3A_1483 : i32 to vector<16xi32>
      %ge3A_1485 = arith.cmpi sge, %add3A_1472, %ge3A_1484 : vector<16xi32>
      %and3A_1486 = arith.andi %and3A_1482, %ge3A_1485 : vector<16xi1>
      %lt3A_1487 = arith.constant 64 : i32
      %lt3A_1488 = vector.broadcast %lt3A_1487 : i32 to vector<16xi32>
      %lt3A_1489 = arith.cmpi slt, %add3A_1472, %lt3A_1488 : vector<16xi32>
      %and3A_1490 = arith.andi %and3A_1486, %lt3A_1489 : vector<16xi1>
      %ge3A_1491 = arith.constant 0 : i32
      %ge3A_1492 = vector.broadcast %ge3A_1491 : i32 to vector<16xi32>
      %ge3A_1493 = arith.cmpi sge, %add3A_1475, %ge3A_1492 : vector<16xi32>
      %and3A_1494 = arith.andi %and3A_1490, %ge3A_1493 : vector<16xi1>
      %lt3A_1495 = arith.constant 64 : i32
      %lt3A_1496 = vector.broadcast %lt3A_1495 : i32 to vector<16xi32>
      %lt3A_1497 = arith.cmpi slt, %add3A_1475, %lt3A_1496 : vector<16xi32>
      %and3A_1498 = arith.andi %and3A_1494, %lt3A_1497 : vector<16xi1>
      %get3A_1499 = arith.constant 96 : index
      %get3A_1500 = tpu.vector_load %arg17[%get3A_1499] {strides = array<i32>} : memref<448xi32, #tpu.memory_space<vmem>>, vector<16xi32>,
      %gt3A_1501 = arith.constant 0 : i32
      %gt3A_1502 = vector.broadcast %gt3A_1501 : i32 to vector<16xi32>
      %gt3A_1503 = arith.cmpi sgt, %get3A_1500, %gt3A_1502 : vector<16xi32>
      %and3A_1504 = arith.andi %and3A_1498, %gt3A_1503 : vector<16xi1>
      %sub3A_1505 = arith.constant 1 : i32
      %sub3A_1506 = vector.broadcast %sub3A_1505 : i32 to vector<16xi32>
      %sub3A_1507 = arith.subi %get3A_1500, %sub3A_1506 : vector<16xi32>
      %jit3A_1508 = arith.constant 100000 : i32
      %broadcast_in_dim3A_1509 = vector.broadcast %jit3A_1508 : i32 to vector<16xi32>
      %select_n3A_1510 = arith.select %and3A_1504, %sub3A_1507, %broadcast_in_dim3A_1509 : vector<16xi1>, vector<16xi32>
      %convert_element_type3A_1511 = arith.extui %and3A_1504 : vector<16xi1> to vector<16xi32>
      %convert_element_type3A_1512 = arith.sitofp %convert_element_type3A_1511 : vector<16xi32> to vector<16xf32>
      %add3A_1513 = arith.addf %add3A_1464, %convert_element_type3A_1512 : vector<16xf32>
      %swap3A_1514 = arith.constant 96 : index
      %swap3A_1515 = tpu.vector_load %arg18[%swap3A_1514] {strides = array<i32>} : memref<448xi32, #tpu.memory_space<vmem>>, vector<16xi32>,
      tpu.vector_store %arg18[%swap3A_1514], %select_n3A_1510 {strides = array<i32>} : memref<448xi32, #tpu.memory_space<vmem>>, vector<16xi32>,
      %add3A_1516 = arith.constant -1 : i32
      %add3A_1517 = vector.broadcast %add3A_1516 : i32 to vector<16xi32>
      %add3A_1518 = arith.addi %get3A_15, %add3A_1517 : vector<16xi32>
      %add3A_1519 = arith.constant 1 : i32
      %add3A_1520 = vector.broadcast %add3A_1519 : i32 to vector<16xi32>
      %add3A_1521 = arith.addi %get3A_17, %add3A_1520 : vector<16xi32>
      %add3A_1522 = arith.constant 0 : i32
      %add3A_1523 = vector.broadcast %add3A_1522 : i32 to vector<16xi32>
      %add3A_1524 = arith.addi %get3A_19, %add3A_1523 : vector<16xi32>
      %ge3A_1525 = arith.constant 0 : i32
      %ge3A_1526 = vector.broadcast %ge3A_1525 : i32 to vector<16xi32>
      %ge3A_1527 = arith.cmpi sge, %add3A_1518, %ge3A_1526 : vector<16xi32>
      %lt3A_1528 = arith.constant 64 : i32
      %lt3A_1529 = vector.broadcast %lt3A_1528 : i32 to vector<16xi32>
      %lt3A_1530 = arith.cmpi slt, %add3A_1518, %lt3A_1529 : vector<16xi32>
      %and3A_1531 = arith.andi %ge3A_1527, %lt3A_1530 : vector<16xi1>
      %ge3A_1532 = arith.constant 0 : i32
      %ge3A_1533 = vector.broadcast %ge3A_1532 : i32 to vector<16xi32>
      %ge3A_1534 = arith.cmpi sge, %add3A_1521, %ge3A_1533 : vector<16xi32>
      %and3A_1535 = arith.andi %and3A_1531, %ge3A_1534 : vector<16xi1>
      %lt3A_1536 = arith.constant 64 : i32
      %lt3A_1537 = vector.broadcast %lt3A_1536 : i32 to vector<16xi32>
      %lt3A_1538 = arith.cmpi slt, %add3A_1521, %lt3A_1537 : vector<16xi32>
      %and3A_1539 = arith.andi %and3A_1535, %lt3A_1538 : vector<16xi1>
      %ge3A_1540 = arith.constant 0 : i32
      %ge3A_1541 = vector.broadcast %ge3A_1540 : i32 to vector<16xi32>
      %ge3A_1542 = arith.cmpi sge, %add3A_1524, %ge3A_1541 : vector<16xi32>
      %and3A_1543 = arith.andi %and3A_1539, %ge3A_1542 : vector<16xi1>
      %lt3A_1544 = arith.constant 64 : i32
      %lt3A_1545 = vector.broadcast %lt3A_1544 : i32 to vector<16xi32>
      %lt3A_1546 = arith.cmpi slt, %add3A_1524, %lt3A_1545 : vector<16xi32>
      %and3A_1547 = arith.andi %and3A_1543, %lt3A_1546 : vector<16xi1>
      %get3A_1548 = arith.constant 112 : index
      %get3A_1549 = tpu.vector_load %arg17[%get3A_1548] {strides = array<i32>} : memref<448xi32, #tpu.memory_space<vmem>>, vector<16xi32>,
      %gt3A_1550 = arith.constant 0 : i32
      %gt3A_1551 = vector.broadcast %gt3A_1550 : i32 to vector<16xi32>
      %gt3A_1552 = arith.cmpi sgt, %get3A_1549, %gt3A_1551 : vector<16xi32>
      %and3A_1553 = arith.andi %and3A_1547, %gt3A_1552 : vector<16xi1>
      %sub3A_1554 = arith.constant 1 : i32
      %sub3A_1555 = vector.broadcast %sub3A_1554 : i32 to vector<16xi32>
      %sub3A_1556 = arith.subi %get3A_1549, %sub3A_1555 : vector<16xi32>
      %jit3A_1557 = arith.constant 100000 : i32
      %broadcast_in_dim3A_1558 = vector.broadcast %jit3A_1557 : i32 to vector<16xi32>
      %select_n3A_1559 = arith.select %and3A_1553, %sub3A_1556, %broadcast_in_dim3A_1558 : vector<16xi1>, vector<16xi32>
      %convert_element_type3A_1560 = arith.extui %and3A_1553 : vector<16xi1> to vector<16xi32>
      %convert_element_type3A_1561 = arith.sitofp %convert_element_type3A_1560 : vector<16xi32> to vector<16xf32>
      %add3A_1562 = arith.addf %add3A_1513, %convert_element_type3A_1561 : vector<16xf32>
      %swap3A_1563 = arith.constant 112 : index
      %swap3A_1564 = tpu.vector_load %arg18[%swap3A_1563] {strides = array<i32>} : memref<448xi32, #tpu.memory_space<vmem>>, vector<16xi32>,
      tpu.vector_store %arg18[%swap3A_1563], %select_n3A_1559 {strides = array<i32>} : memref<448xi32, #tpu.memory_space<vmem>>, vector<16xi32>,
      %add3A_1565 = arith.constant -1 : i32
      %add3A_1566 = vector.broadcast %add3A_1565 : i32 to vector<16xi32>
      %add3A_1567 = arith.addi %get3A_15, %add3A_1566 : vector<16xi32>
      %add3A_1568 = arith.constant 1 : i32
      %add3A_1569 = vector.broadcast %add3A_1568 : i32 to vector<16xi32>
      %add3A_1570 = arith.addi %get3A_17, %add3A_1569 : vector<16xi32>
      %add3A_1571 = arith.constant 1 : i32
      %add3A_1572 = vector.broadcast %add3A_1571 : i32 to vector<16xi32>
      %add3A_1573 = arith.addi %get3A_19, %add3A_1572 : vector<16xi32>
      %ge3A_1574 = arith.constant 0 : i32
      %ge3A_1575 = vector.broadcast %ge3A_1574 : i32 to vector<16xi32>
      %ge3A_1576 = arith.cmpi sge, %add3A_1567, %ge3A_1575 : vector<16xi32>
      %lt3A_1577 = arith.constant 64 : i32
      %lt3A_1578 = vector.broadcast %lt3A_1577 : i32 to vector<16xi32>
      %lt3A_1579 = arith.cmpi slt, %add3A_1567, %lt3A_1578 : vector<16xi32>
      %and3A_1580 = arith.andi %ge3A_1576, %lt3A_1579 : vector<16xi1>
      %ge3A_1581 = arith.constant 0 : i32
      %ge3A_1582 = vector.broadcast %ge3A_1581 : i32 to vector<16xi32>
      %ge3A_1583 = arith.cmpi sge, %add3A_1570, %ge3A_1582 : vector<16xi32>
      %and3A_1584 = arith.andi %and3A_1580, %ge3A_1583 : vector<16xi1>
      %lt3A_1585 = arith.constant 64 : i32
      %lt3A_1586 = vector.broadcast %lt3A_1585 : i32 to vector<16xi32>
      %lt3A_1587 = arith.cmpi slt, %add3A_1570, %lt3A_1586 : vector<16xi32>
      %and3A_1588 = arith.andi %and3A_1584, %lt3A_1587 : vector<16xi1>
      %ge3A_1589 = arith.constant 0 : i32
      %ge3A_1590 = vector.broadcast %ge3A_1589 : i32 to vector<16xi32>
      %ge3A_1591 = arith.cmpi sge, %add3A_1573, %ge3A_1590 : vector<16xi32>
      %and3A_1592 = arith.andi %and3A_1588, %ge3A_1591 : vector<16xi1>
      %lt3A_1593 = arith.constant 64 : i32
      %lt3A_1594 = vector.broadcast %lt3A_1593 : i32 to vector<16xi32>
      %lt3A_1595 = arith.cmpi slt, %add3A_1573, %lt3A_1594 : vector<16xi32>
      %and3A_1596 = arith.andi %and3A_1592, %lt3A_1595 : vector<16xi1>
      %get3A_1597 = arith.constant 128 : index
      %get3A_1598 = tpu.vector_load %arg17[%get3A_1597] {strides = array<i32>} : memref<448xi32, #tpu.memory_space<vmem>>, vector<16xi32>,
      %gt3A_1599 = arith.constant 0 : i32
      %gt3A_1600 = vector.broadcast %gt3A_1599 : i32 to vector<16xi32>
      %gt3A_1601 = arith.cmpi sgt, %get3A_1598, %gt3A_1600 : vector<16xi32>
      %and3A_1602 = arith.andi %and3A_1596, %gt3A_1601 : vector<16xi1>
      %sub3A_1603 = arith.constant 1 : i32
      %sub3A_1604 = vector.broadcast %sub3A_1603 : i32 to vector<16xi32>
      %sub3A_1605 = arith.subi %get3A_1598, %sub3A_1604 : vector<16xi32>
      %jit3A_1606 = arith.constant 100000 : i32
      %broadcast_in_dim3A_1607 = vector.broadcast %jit3A_1606 : i32 to vector<16xi32>
      %select_n3A_1608 = arith.select %and3A_1602, %sub3A_1605, %broadcast_in_dim3A_1607 : vector<16xi1>, vector<16xi32>
      %convert_element_type3A_1609 = arith.extui %and3A_1602 : vector<16xi1> to vector<16xi32>
      %convert_element_type3A_1610 = arith.sitofp %convert_element_type3A_1609 : vector<16xi32> to vector<16xf32>
      %add3A_1611 = arith.addf %add3A_1562, %convert_element_type3A_1610 : vector<16xf32>
      %swap3A_1612 = arith.constant 128 : index
      %swap3A_1613 = tpu.vector_load %arg18[%swap3A_1612] {strides = array<i32>} : memref<448xi32, #tpu.memory_space<vmem>>, vector<16xi32>,
      tpu.vector_store %arg18[%swap3A_1612], %select_n3A_1608 {strides = array<i32>} : memref<448xi32, #tpu.memory_space<vmem>>, vector<16xi32>,
      %add3A_1614 = arith.constant 0 : i32
      %add3A_1615 = vector.broadcast %add3A_1614 : i32 to vector<16xi32>
      %add3A_1616 = arith.addi %get3A_15, %add3A_1615 : vector<16xi32>
      %add3A_1617 = arith.constant -1 : i32
      %add3A_1618 = vector.broadcast %add3A_1617 : i32 to vector<16xi32>
      %add3A_1619 = arith.addi %get3A_17, %add3A_1618 : vector<16xi32>
      %add3A_1620 = arith.constant -1 : i32
      %add3A_1621 = vector.broadcast %add3A_1620 : i32 to vector<16xi32>
      %add3A_1622 = arith.addi %get3A_19, %add3A_1621 : vector<16xi32>
      %ge3A_1623 = arith.constant 0 : i32
      %ge3A_1624 = vector.broadcast %ge3A_1623 : i32 to vector<16xi32>
      %ge3A_1625 = arith.cmpi sge, %add3A_1616, %ge3A_1624 : vector<16xi32>
      %lt3A_1626 = arith.constant 64 : i32
      %lt3A_1627 = vector.broadcast %lt3A_1626 : i32 to vector<16xi32>
      %lt3A_1628 = arith.cmpi slt, %add3A_1616, %lt3A_1627 : vector<16xi32>
      %and3A_1629 = arith.andi %ge3A_1625, %lt3A_1628 : vector<16xi1>
      %ge3A_1630 = arith.constant 0 : i32
      %ge3A_1631 = vector.broadcast %ge3A_1630 : i32 to vector<16xi32>
      %ge3A_1632 = arith.cmpi sge, %add3A_1619, %ge3A_1631 : vector<16xi32>
      %and3A_1633 = arith.andi %and3A_1629, %ge3A_1632 : vector<16xi1>
      %lt3A_1634 = arith.constant 64 : i32
      %lt3A_1635 = vector.broadcast %lt3A_1634 : i32 to vector<16xi32>
      %lt3A_1636 = arith.cmpi slt, %add3A_1619, %lt3A_1635 : vector<16xi32>
      %and3A_1637 = arith.andi %and3A_1633, %lt3A_1636 : vector<16xi1>
      %ge3A_1638 = arith.constant 0 : i32
      %ge3A_1639 = vector.broadcast %ge3A_1638 : i32 to vector<16xi32>
      %ge3A_1640 = arith.cmpi sge, %add3A_1622, %ge3A_1639 : vector<16xi32>
      %and3A_1641 = arith.andi %and3A_1637, %ge3A_1640 : vector<16xi1>
      %lt3A_1642 = arith.constant 64 : i32
      %lt3A_1643 = vector.broadcast %lt3A_1642 : i32 to vector<16xi32>
      %lt3A_1644 = arith.cmpi slt, %add3A_1622, %lt3A_1643 : vector<16xi32>
      %and3A_1645 = arith.andi %and3A_1641, %lt3A_1644 : vector<16xi1>
      %get3A_1646 = arith.constant 144 : index
      %get3A_1647 = tpu.vector_load %arg17[%get3A_1646] {strides = array<i32>} : memref<448xi32, #tpu.memory_space<vmem>>, vector<16xi32>,
      %gt3A_1648 = arith.constant 0 : i32
      %gt3A_1649 = vector.broadcast %gt3A_1648 : i32 to vector<16xi32>
      %gt3A_1650 = arith.cmpi sgt, %get3A_1647, %gt3A_1649 : vector<16xi32>
      %and3A_1651 = arith.andi %and3A_1645, %gt3A_1650 : vector<16xi1>
      %sub3A_1652 = arith.constant 1 : i32
      %sub3A_1653 = vector.broadcast %sub3A_1652 : i32 to vector<16xi32>
      %sub3A_1654 = arith.subi %get3A_1647, %sub3A_1653 : vector<16xi32>
      %jit3A_1655 = arith.constant 100000 : i32
      %broadcast_in_dim3A_1656 = vector.broadcast %jit3A_1655 : i32 to vector<16xi32>
      %select_n3A_1657 = arith.select %and3A_1651, %sub3A_1654, %broadcast_in_dim3A_1656 : vector<16xi1>, vector<16xi32>
      %convert_element_type3A_1658 = arith.extui %and3A_1651 : vector<16xi1> to vector<16xi32>
      %convert_element_type3A_1659 = arith.sitofp %convert_element_type3A_1658 : vector<16xi32> to vector<16xf32>
      %add3A_1660 = arith.addf %add3A_1611, %convert_element_type3A_1659 : vector<16xf32>
      %swap3A_1661 = arith.constant 144 : index
      %swap3A_1662 = tpu.vector_load %arg18[%swap3A_1661] {strides = array<i32>} : memref<448xi32, #tpu.memory_space<vmem>>, vector<16xi32>,
      tpu.vector_store %arg18[%swap3A_1661], %select_n3A_1657 {strides = array<i32>} : memref<448xi32, #tpu.memory_space<vmem>>, vector<16xi32>,
      %add3A_1663 = arith.constant 0 : i32
      %add3A_1664 = vector.broadcast %add3A_1663 : i32 to vector<16xi32>
      %add3A_1665 = arith.addi %get3A_15, %add3A_1664 : vector<16xi32>
      %add3A_1666 = arith.constant -1 : i32
      %add3A_1667 = vector.broadcast %add3A_1666 : i32 to vector<16xi32>
      %add3A_1668 = arith.addi %get3A_17, %add3A_1667 : vector<16xi32>
      %add3A_1669 = arith.constant 0 : i32
      %add3A_1670 = vector.broadcast %add3A_1669 : i32 to vector<16xi32>
      %add3A_1671 = arith.addi %get3A_19, %add3A_1670 : vector<16xi32>
      %ge3A_1672 = arith.constant 0 : i32
      %ge3A_1673 = vector.broadcast %ge3A_1672 : i32 to vector<16xi32>
      %ge3A_1674 = arith.cmpi sge, %add3A_1665, %ge3A_1673 : vector<16xi32>
      %lt3A_1675 = arith.constant 64 : i32
      %lt3A_1676 = vector.broadcast %lt3A_1675 : i32 to vector<16xi32>
      %lt3A_1677 = arith.cmpi slt, %add3A_1665, %lt3A_1676 : vector<16xi32>
      %and3A_1678 = arith.andi %ge3A_1674, %lt3A_1677 : vector<16xi1>
      %ge3A_1679 = arith.constant 0 : i32
      %ge3A_1680 = vector.broadcast %ge3A_1679 : i32 to vector<16xi32>
      %ge3A_1681 = arith.cmpi sge, %add3A_1668, %ge3A_1680 : vector<16xi32>
      %and3A_1682 = arith.andi %and3A_1678, %ge3A_1681 : vector<16xi1>
      %lt3A_1683 = arith.constant 64 : i32
      %lt3A_1684 = vector.broadcast %lt3A_1683 : i32 to vector<16xi32>
      %lt3A_1685 = arith.cmpi slt, %add3A_1668, %lt3A_1684 : vector<16xi32>
      %and3A_1686 = arith.andi %and3A_1682, %lt3A_1685 : vector<16xi1>
      %ge3A_1687 = arith.constant 0 : i32
      %ge3A_1688 = vector.broadcast %ge3A_1687 : i32 to vector<16xi32>
      %ge3A_1689 = arith.cmpi sge, %add3A_1671, %ge3A_1688 : vector<16xi32>
      %and3A_1690 = arith.andi %and3A_1686, %ge3A_1689 : vector<16xi1>
      %lt3A_1691 = arith.constant 64 : i32
      %lt3A_1692 = vector.broadcast %lt3A_1691 : i32 to vector<16xi32>
      %lt3A_1693 = arith.cmpi slt, %add3A_1671, %lt3A_1692 : vector<16xi32>
      %and3A_1694 = arith.andi %and3A_1690, %lt3A_1693 : vector<16xi1>
      %get3A_1695 = arith.constant 160 : index
      %get3A_1696 = tpu.vector_load %arg17[%get3A_1695] {strides = array<i32>} : memref<448xi32, #tpu.memory_space<vmem>>, vector<16xi32>,
      %gt3A_1697 = arith.constant 0 : i32
      %gt3A_1698 = vector.broadcast %gt3A_1697 : i32 to vector<16xi32>
      %gt3A_1699 = arith.cmpi sgt, %get3A_1696, %gt3A_1698 : vector<16xi32>
      %and3A_1700 = arith.andi %and3A_1694, %gt3A_1699 : vector<16xi1>
      %sub3A_1701 = arith.constant 1 : i32
      %sub3A_1702 = vector.broadcast %sub3A_1701 : i32 to vector<16xi32>
      %sub3A_1703 = arith.subi %get3A_1696, %sub3A_1702 : vector<16xi32>
      %jit3A_1704 = arith.constant 100000 : i32
      %broadcast_in_dim3A_1705 = vector.broadcast %jit3A_1704 : i32 to vector<16xi32>
      %select_n3A_1706 = arith.select %and3A_1700, %sub3A_1703, %broadcast_in_dim3A_1705 : vector<16xi1>, vector<16xi32>
      %convert_element_type3A_1707 = arith.extui %and3A_1700 : vector<16xi1> to vector<16xi32>
      %convert_element_type3A_1708 = arith.sitofp %convert_element_type3A_1707 : vector<16xi32> to vector<16xf32>
      %add3A_1709 = arith.addf %add3A_1660, %convert_element_type3A_1708 : vector<16xf32>
      %swap3A_1710 = arith.constant 160 : index
      %swap3A_1711 = tpu.vector_load %arg18[%swap3A_1710] {strides = array<i32>} : memref<448xi32, #tpu.memory_space<vmem>>, vector<16xi32>,
      tpu.vector_store %arg18[%swap3A_1710], %select_n3A_1706 {strides = array<i32>} : memref<448xi32, #tpu.memory_space<vmem>>, vector<16xi32>,
      %add3A_1712 = arith.constant 0 : i32
      %add3A_1713 = vector.broadcast %add3A_1712 : i32 to vector<16xi32>
      %add3A_1714 = arith.addi %get3A_15, %add3A_1713 : vector<16xi32>
      %add3A_1715 = arith.constant -1 : i32
      %add3A_1716 = vector.broadcast %add3A_1715 : i32 to vector<16xi32>
      %add3A_1717 = arith.addi %get3A_17, %add3A_1716 : vector<16xi32>
      %add3A_1718 = arith.constant 1 : i32
      %add3A_1719 = vector.broadcast %add3A_1718 : i32 to vector<16xi32>
      %add3A_1720 = arith.addi %get3A_19, %add3A_1719 : vector<16xi32>
      %ge3A_1721 = arith.constant 0 : i32
      %ge3A_1722 = vector.broadcast %ge3A_1721 : i32 to vector<16xi32>
      %ge3A_1723 = arith.cmpi sge, %add3A_1714, %ge3A_1722 : vector<16xi32>
      %lt3A_1724 = arith.constant 64 : i32
      %lt3A_1725 = vector.broadcast %lt3A_1724 : i32 to vector<16xi32>
      %lt3A_1726 = arith.cmpi slt, %add3A_1714, %lt3A_1725 : vector<16xi32>
      %and3A_1727 = arith.andi %ge3A_1723, %lt3A_1726 : vector<16xi1>
      %ge3A_1728 = arith.constant 0 : i32
      %ge3A_1729 = vector.broadcast %ge3A_1728 : i32 to vector<16xi32>
      %ge3A_1730 = arith.cmpi sge, %add3A_1717, %ge3A_1729 : vector<16xi32>
      %and3A_1731 = arith.andi %and3A_1727, %ge3A_1730 : vector<16xi1>
      %lt3A_1732 = arith.constant 64 : i32
      %lt3A_1733 = vector.broadcast %lt3A_1732 : i32 to vector<16xi32>
      %lt3A_1734 = arith.cmpi slt, %add3A_1717, %lt3A_1733 : vector<16xi32>
      %and3A_1735 = arith.andi %and3A_1731, %lt3A_1734 : vector<16xi1>
      %ge3A_1736 = arith.constant 0 : i32
      %ge3A_1737 = vector.broadcast %ge3A_1736 : i32 to vector<16xi32>
      %ge3A_1738 = arith.cmpi sge, %add3A_1720, %ge3A_1737 : vector<16xi32>
      %and3A_1739 = arith.andi %and3A_1735, %ge3A_1738 : vector<16xi1>
      %lt3A_1740 = arith.constant 64 : i32
      %lt3A_1741 = vector.broadcast %lt3A_1740 : i32 to vector<16xi32>
      %lt3A_1742 = arith.cmpi slt, %add3A_1720, %lt3A_1741 : vector<16xi32>
      %and3A_1743 = arith.andi %and3A_1739, %lt3A_1742 : vector<16xi1>
      %get3A_1744 = arith.constant 176 : index
      %get3A_1745 = tpu.vector_load %arg17[%get3A_1744] {strides = array<i32>} : memref<448xi32, #tpu.memory_space<vmem>>, vector<16xi32>,
      %gt3A_1746 = arith.constant 0 : i32
      %gt3A_1747 = vector.broadcast %gt3A_1746 : i32 to vector<16xi32>
      %gt3A_1748 = arith.cmpi sgt, %get3A_1745, %gt3A_1747 : vector<16xi32>
      %and3A_1749 = arith.andi %and3A_1743, %gt3A_1748 : vector<16xi1>
      %sub3A_1750 = arith.constant 1 : i32
      %sub3A_1751 = vector.broadcast %sub3A_1750 : i32 to vector<16xi32>
      %sub3A_1752 = arith.subi %get3A_1745, %sub3A_1751 : vector<16xi32>
      %jit3A_1753 = arith.constant 100000 : i32
      %broadcast_in_dim3A_1754 = vector.broadcast %jit3A_1753 : i32 to vector<16xi32>
      %select_n3A_1755 = arith.select %and3A_1749, %sub3A_1752, %broadcast_in_dim3A_1754 : vector<16xi1>, vector<16xi32>
      %convert_element_type3A_1756 = arith.extui %and3A_1749 : vector<16xi1> to vector<16xi32>
      %convert_element_type3A_1757 = arith.sitofp %convert_element_type3A_1756 : vector<16xi32> to vector<16xf32>
      %add3A_1758 = arith.addf %add3A_1709, %convert_element_type3A_1757 : vector<16xf32>
      %swap3A_1759 = arith.constant 176 : index
      %swap3A_1760 = tpu.vector_load %arg18[%swap3A_1759] {strides = array<i32>} : memref<448xi32, #tpu.memory_space<vmem>>, vector<16xi32>,
      tpu.vector_store %arg18[%swap3A_1759], %select_n3A_1755 {strides = array<i32>} : memref<448xi32, #tpu.memory_space<vmem>>, vector<16xi32>,
      %add3A_1761 = arith.constant 0 : i32
      %add3A_1762 = vector.broadcast %add3A_1761 : i32 to vector<16xi32>
      %add3A_1763 = arith.addi %get3A_15, %add3A_1762 : vector<16xi32>
      %add3A_1764 = arith.constant 0 : i32
      %add3A_1765 = vector.broadcast %add3A_1764 : i32 to vector<16xi32>
      %add3A_1766 = arith.addi %get3A_17, %add3A_1765 : vector<16xi32>
      %add3A_1767 = arith.constant -1 : i32
      %add3A_1768 = vector.broadcast %add3A_1767 : i32 to vector<16xi32>
      %add3A_1769 = arith.addi %get3A_19, %add3A_1768 : vector<16xi32>
      %ge3A_1770 = arith.constant 0 : i32
      %ge3A_1771 = vector.broadcast %ge3A_1770 : i32 to vector<16xi32>
      %ge3A_1772 = arith.cmpi sge, %add3A_1763, %ge3A_1771 : vector<16xi32>
      %lt3A_1773 = arith.constant 64 : i32
      %lt3A_1774 = vector.broadcast %lt3A_1773 : i32 to vector<16xi32>
      %lt3A_1775 = arith.cmpi slt, %add3A_1763, %lt3A_1774 : vector<16xi32>
      %and3A_1776 = arith.andi %ge3A_1772, %lt3A_1775 : vector<16xi1>
      %ge3A_1777 = arith.constant 0 : i32
      %ge3A_1778 = vector.broadcast %ge3A_1777 : i32 to vector<16xi32>
      %ge3A_1779 = arith.cmpi sge, %add3A_1766, %ge3A_1778 : vector<16xi32>
      %and3A_1780 = arith.andi %and3A_1776, %ge3A_1779 : vector<16xi1>
      %lt3A_1781 = arith.constant 64 : i32
      %lt3A_1782 = vector.broadcast %lt3A_1781 : i32 to vector<16xi32>
      %lt3A_1783 = arith.cmpi slt, %add3A_1766, %lt3A_1782 : vector<16xi32>
      %and3A_1784 = arith.andi %and3A_1780, %lt3A_1783 : vector<16xi1>
      %ge3A_1785 = arith.constant 0 : i32
      %ge3A_1786 = vector.broadcast %ge3A_1785 : i32 to vector<16xi32>
      %ge3A_1787 = arith.cmpi sge, %add3A_1769, %ge3A_1786 : vector<16xi32>
      %and3A_1788 = arith.andi %and3A_1784, %ge3A_1787 : vector<16xi1>
      %lt3A_1789 = arith.constant 64 : i32
      %lt3A_1790 = vector.broadcast %lt3A_1789 : i32 to vector<16xi32>
      %lt3A_1791 = arith.cmpi slt, %add3A_1769, %lt3A_1790 : vector<16xi32>
      %and3A_1792 = arith.andi %and3A_1788, %lt3A_1791 : vector<16xi1>
      %get3A_1793 = arith.constant 192 : index
      %get3A_1794 = tpu.vector_load %arg17[%get3A_1793] {strides = array<i32>} : memref<448xi32, #tpu.memory_space<vmem>>, vector<16xi32>,
      %gt3A_1795 = arith.constant 0 : i32
      %gt3A_1796 = vector.broadcast %gt3A_1795 : i32 to vector<16xi32>
      %gt3A_1797 = arith.cmpi sgt, %get3A_1794, %gt3A_1796 : vector<16xi32>
      %and3A_1798 = arith.andi %and3A_1792, %gt3A_1797 : vector<16xi1>
      %sub3A_1799 = arith.constant 1 : i32
      %sub3A_1800 = vector.broadcast %sub3A_1799 : i32 to vector<16xi32>
      %sub3A_1801 = arith.subi %get3A_1794, %sub3A_1800 : vector<16xi32>
      %jit3A_1802 = arith.constant 100000 : i32
      %broadcast_in_dim3A_1803 = vector.broadcast %jit3A_1802 : i32 to vector<16xi32>
      %select_n3A_1804 = arith.select %and3A_1798, %sub3A_1801, %broadcast_in_dim3A_1803 : vector<16xi1>, vector<16xi32>
      %convert_element_type3A_1805 = arith.extui %and3A_1798 : vector<16xi1> to vector<16xi32>
      %convert_element_type3A_1806 = arith.sitofp %convert_element_type3A_1805 : vector<16xi32> to vector<16xf32>
      %add3A_1807 = arith.addf %add3A_1758, %convert_element_type3A_1806 : vector<16xf32>
      %swap3A_1808 = arith.constant 192 : index
      %swap3A_1809 = tpu.vector_load %arg18[%swap3A_1808] {strides = array<i32>} : memref<448xi32, #tpu.memory_space<vmem>>, vector<16xi32>,
      tpu.vector_store %arg18[%swap3A_1808], %select_n3A_1804 {strides = array<i32>} : memref<448xi32, #tpu.memory_space<vmem>>, vector<16xi32>,
      %add3A_1810 = arith.constant 0 : i32
      %add3A_1811 = vector.broadcast %add3A_1810 : i32 to vector<16xi32>
      %add3A_1812 = arith.addi %get3A_15, %add3A_1811 : vector<16xi32>
      %add3A_1813 = arith.constant 0 : i32
      %add3A_1814 = vector.broadcast %add3A_1813 : i32 to vector<16xi32>
      %add3A_1815 = arith.addi %get3A_17, %add3A_1814 : vector<16xi32>
      %add3A_1816 = arith.constant 0 : i32
      %add3A_1817 = vector.broadcast %add3A_1816 : i32 to vector<16xi32>
      %add3A_1818 = arith.addi %get3A_19, %add3A_1817 : vector<16xi32>
      %ge3A_1819 = arith.constant 0 : i32
      %ge3A_1820 = vector.broadcast %ge3A_1819 : i32 to vector<16xi32>
      %ge3A_1821 = arith.cmpi sge, %add3A_1812, %ge3A_1820 : vector<16xi32>
      %lt3A_1822 = arith.constant 64 : i32
      %lt3A_1823 = vector.broadcast %lt3A_1822 : i32 to vector<16xi32>
      %lt3A_1824 = arith.cmpi slt, %add3A_1812, %lt3A_1823 : vector<16xi32>
      %and3A_1825 = arith.andi %ge3A_1821, %lt3A_1824 : vector<16xi1>
      %ge3A_1826 = arith.constant 0 : i32
      %ge3A_1827 = vector.broadcast %ge3A_1826 : i32 to vector<16xi32>
      %ge3A_1828 = arith.cmpi sge, %add3A_1815, %ge3A_1827 : vector<16xi32>
      %and3A_1829 = arith.andi %and3A_1825, %ge3A_1828 : vector<16xi1>
      %lt3A_1830 = arith.constant 64 : i32
      %lt3A_1831 = vector.broadcast %lt3A_1830 : i32 to vector<16xi32>
      %lt3A_1832 = arith.cmpi slt, %add3A_1815, %lt3A_1831 : vector<16xi32>
      %and3A_1833 = arith.andi %and3A_1829, %lt3A_1832 : vector<16xi1>
      %ge3A_1834 = arith.constant 0 : i32
      %ge3A_1835 = vector.broadcast %ge3A_1834 : i32 to vector<16xi32>
      %ge3A_1836 = arith.cmpi sge, %add3A_1818, %ge3A_1835 : vector<16xi32>
      %and3A_1837 = arith.andi %and3A_1833, %ge3A_1836 : vector<16xi1>
      %lt3A_1838 = arith.constant 64 : i32
      %lt3A_1839 = vector.broadcast %lt3A_1838 : i32 to vector<16xi32>
      %lt3A_1840 = arith.cmpi slt, %add3A_1818, %lt3A_1839 : vector<16xi32>
      %and3A_1841 = arith.andi %and3A_1837, %lt3A_1840 : vector<16xi1>
      %get3A_1842 = arith.constant 208 : index
      %get3A_1843 = tpu.vector_load %arg17[%get3A_1842] {strides = array<i32>} : memref<448xi32, #tpu.memory_space<vmem>>, vector<16xi32>,
      %gt3A_1844 = arith.constant 0 : i32
      %gt3A_1845 = vector.broadcast %gt3A_1844 : i32 to vector<16xi32>
      %gt3A_1846 = arith.cmpi sgt, %get3A_1843, %gt3A_1845 : vector<16xi32>
      %and3A_1847 = arith.andi %and3A_1841, %gt3A_1846 : vector<16xi1>
      %sub3A_1848 = arith.constant 1 : i32
      %sub3A_1849 = vector.broadcast %sub3A_1848 : i32 to vector<16xi32>
      %sub3A_1850 = arith.subi %get3A_1843, %sub3A_1849 : vector<16xi32>
      %jit3A_1851 = arith.constant 100000 : i32
      %broadcast_in_dim3A_1852 = vector.broadcast %jit3A_1851 : i32 to vector<16xi32>
      %select_n3A_1853 = arith.select %and3A_1847, %sub3A_1850, %broadcast_in_dim3A_1852 : vector<16xi1>, vector<16xi32>
      %convert_element_type3A_1854 = arith.extui %and3A_1847 : vector<16xi1> to vector<16xi32>
      %convert_element_type3A_1855 = arith.sitofp %convert_element_type3A_1854 : vector<16xi32> to vector<16xf32>
      %add3A_1856 = arith.addf %add3A_1807, %convert_element_type3A_1855 : vector<16xf32>
      %swap3A_1857 = arith.constant 208 : index
      %swap3A_1858 = tpu.vector_load %arg18[%swap3A_1857] {strides = array<i32>} : memref<448xi32, #tpu.memory_space<vmem>>, vector<16xi32>,
      tpu.vector_store %arg18[%swap3A_1857], %select_n3A_1853 {strides = array<i32>} : memref<448xi32, #tpu.memory_space<vmem>>, vector<16xi32>,
      %add3A_1859 = arith.constant 0 : i32
      %add3A_1860 = vector.broadcast %add3A_1859 : i32 to vector<16xi32>
      %add3A_1861 = arith.addi %get3A_15, %add3A_1860 : vector<16xi32>
      %add3A_1862 = arith.constant 0 : i32
      %add3A_1863 = vector.broadcast %add3A_1862 : i32 to vector<16xi32>
      %add3A_1864 = arith.addi %get3A_17, %add3A_1863 : vector<16xi32>
      %add3A_1865 = arith.constant 1 : i32
      %add3A_1866 = vector.broadcast %add3A_1865 : i32 to vector<16xi32>
      %add3A_1867 = arith.addi %get3A_19, %add3A_1866 : vector<16xi32>
      %ge3A_1868 = arith.constant 0 : i32
      %ge3A_1869 = vector.broadcast %ge3A_1868 : i32 to vector<16xi32>
      %ge3A_1870 = arith.cmpi sge, %add3A_1861, %ge3A_1869 : vector<16xi32>
      %lt3A_1871 = arith.constant 64 : i32
      %lt3A_1872 = vector.broadcast %lt3A_1871 : i32 to vector<16xi32>
      %lt3A_1873 = arith.cmpi slt, %add3A_1861, %lt3A_1872 : vector<16xi32>
      %and3A_1874 = arith.andi %ge3A_1870, %lt3A_1873 : vector<16xi1>
      %ge3A_1875 = arith.constant 0 : i32
      %ge3A_1876 = vector.broadcast %ge3A_1875 : i32 to vector<16xi32>
      %ge3A_1877 = arith.cmpi sge, %add3A_1864, %ge3A_1876 : vector<16xi32>
      %and3A_1878 = arith.andi %and3A_1874, %ge3A_1877 : vector<16xi1>
      %lt3A_1879 = arith.constant 64 : i32
      %lt3A_1880 = vector.broadcast %lt3A_1879 : i32 to vector<16xi32>
      %lt3A_1881 = arith.cmpi slt, %add3A_1864, %lt3A_1880 : vector<16xi32>
      %and3A_1882 = arith.andi %and3A_1878, %lt3A_1881 : vector<16xi1>
      %ge3A_1883 = arith.constant 0 : i32
      %ge3A_1884 = vector.broadcast %ge3A_1883 : i32 to vector<16xi32>
      %ge3A_1885 = arith.cmpi sge, %add3A_1867, %ge3A_1884 : vector<16xi32>
      %and3A_1886 = arith.andi %and3A_1882, %ge3A_1885 : vector<16xi1>
      %lt3A_1887 = arith.constant 64 : i32
      %lt3A_1888 = vector.broadcast %lt3A_1887 : i32 to vector<16xi32>
      %lt3A_1889 = arith.cmpi slt, %add3A_1867, %lt3A_1888 : vector<16xi32>
      %and3A_1890 = arith.andi %and3A_1886, %lt3A_1889 : vector<16xi1>
      %get3A_1891 = arith.constant 224 : index
      %get3A_1892 = tpu.vector_load %arg17[%get3A_1891] {strides = array<i32>} : memref<448xi32, #tpu.memory_space<vmem>>, vector<16xi32>,
      %gt3A_1893 = arith.constant 0 : i32
      %gt3A_1894 = vector.broadcast %gt3A_1893 : i32 to vector<16xi32>
      %gt3A_1895 = arith.cmpi sgt, %get3A_1892, %gt3A_1894 : vector<16xi32>
      %and3A_1896 = arith.andi %and3A_1890, %gt3A_1895 : vector<16xi1>
      %sub3A_1897 = arith.constant 1 : i32
      %sub3A_1898 = vector.broadcast %sub3A_1897 : i32 to vector<16xi32>
      %sub3A_1899 = arith.subi %get3A_1892, %sub3A_1898 : vector<16xi32>
      %jit3A_1900 = arith.constant 100000 : i32
      %broadcast_in_dim3A_1901 = vector.broadcast %jit3A_1900 : i32 to vector<16xi32>
      %select_n3A_1902 = arith.select %and3A_1896, %sub3A_1899, %broadcast_in_dim3A_1901 : vector<16xi1>, vector<16xi32>
      %convert_element_type3A_1903 = arith.extui %and3A_1896 : vector<16xi1> to vector<16xi32>
      %convert_element_type3A_1904 = arith.sitofp %convert_element_type3A_1903 : vector<16xi32> to vector<16xf32>
      %add3A_1905 = arith.addf %add3A_1856, %convert_element_type3A_1904 : vector<16xf32>
      %swap3A_1906 = arith.constant 224 : index
      %swap3A_1907 = tpu.vector_load %arg18[%swap3A_1906] {strides = array<i32>} : memref<448xi32, #tpu.memory_space<vmem>>, vector<16xi32>,
      tpu.vector_store %arg18[%swap3A_1906], %select_n3A_1902 {strides = array<i32>} : memref<448xi32, #tpu.memory_space<vmem>>, vector<16xi32>,
      %add3A_1908 = arith.constant 0 : i32
      %add3A_1909 = vector.broadcast %add3A_1908 : i32 to vector<16xi32>
      %add3A_1910 = arith.addi %get3A_15, %add3A_1909 : vector<16xi32>
      %add3A_1911 = arith.constant 1 : i32
      %add3A_1912 = vector.broadcast %add3A_1911 : i32 to vector<16xi32>
      %add3A_1913 = arith.addi %get3A_17, %add3A_1912 : vector<16xi32>
      %add3A_1914 = arith.constant -1 : i32
      %add3A_1915 = vector.broadcast %add3A_1914 : i32 to vector<16xi32>
      %add3A_1916 = arith.addi %get3A_19, %add3A_1915 : vector<16xi32>
      %ge3A_1917 = arith.constant 0 : i32
      %ge3A_1918 = vector.broadcast %ge3A_1917 : i32 to vector<16xi32>
      %ge3A_1919 = arith.cmpi sge, %add3A_1910, %ge3A_1918 : vector<16xi32>
      %lt3A_1920 = arith.constant 64 : i32
      %lt3A_1921 = vector.broadcast %lt3A_1920 : i32 to vector<16xi32>
      %lt3A_1922 = arith.cmpi slt, %add3A_1910, %lt3A_1921 : vector<16xi32>
      %and3A_1923 = arith.andi %ge3A_1919, %lt3A_1922 : vector<16xi1>
      %ge3A_1924 = arith.constant 0 : i32
      %ge3A_1925 = vector.broadcast %ge3A_1924 : i32 to vector<16xi32>
      %ge3A_1926 = arith.cmpi sge, %add3A_1913, %ge3A_1925 : vector<16xi32>
      %and3A_1927 = arith.andi %and3A_1923, %ge3A_1926 : vector<16xi1>
      %lt3A_1928 = arith.constant 64 : i32
      %lt3A_1929 = vector.broadcast %lt3A_1928 : i32 to vector<16xi32>
      %lt3A_1930 = arith.cmpi slt, %add3A_1913, %lt3A_1929 : vector<16xi32>
      %and3A_1931 = arith.andi %and3A_1927, %lt3A_1930 : vector<16xi1>
      %ge3A_1932 = arith.constant 0 : i32
      %ge3A_1933 = vector.broadcast %ge3A_1932 : i32 to vector<16xi32>
      %ge3A_1934 = arith.cmpi sge, %add3A_1916, %ge3A_1933 : vector<16xi32>
      %and3A_1935 = arith.andi %and3A_1931, %ge3A_1934 : vector<16xi1>
      %lt3A_1936 = arith.constant 64 : i32
      %lt3A_1937 = vector.broadcast %lt3A_1936 : i32 to vector<16xi32>
      %lt3A_1938 = arith.cmpi slt, %add3A_1916, %lt3A_1937 : vector<16xi32>
      %and3A_1939 = arith.andi %and3A_1935, %lt3A_1938 : vector<16xi1>
      %get3A_1940 = arith.constant 240 : index
      %get3A_1941 = tpu.vector_load %arg17[%get3A_1940] {strides = array<i32>} : memref<448xi32, #tpu.memory_space<vmem>>, vector<16xi32>,
      %gt3A_1942 = arith.constant 0 : i32
      %gt3A_1943 = vector.broadcast %gt3A_1942 : i32 to vector<16xi32>
      %gt3A_1944 = arith.cmpi sgt, %get3A_1941, %gt3A_1943 : vector<16xi32>
      %and3A_1945 = arith.andi %and3A_1939, %gt3A_1944 : vector<16xi1>
      %sub3A_1946 = arith.constant 1 : i32
      %sub3A_1947 = vector.broadcast %sub3A_1946 : i32 to vector<16xi32>
      %sub3A_1948 = arith.subi %get3A_1941, %sub3A_1947 : vector<16xi32>
      %jit3A_1949 = arith.constant 100000 : i32
      %broadcast_in_dim3A_1950 = vector.broadcast %jit3A_1949 : i32 to vector<16xi32>
      %select_n3A_1951 = arith.select %and3A_1945, %sub3A_1948, %broadcast_in_dim3A_1950 : vector<16xi1>, vector<16xi32>
      %convert_element_type3A_1952 = arith.extui %and3A_1945 : vector<16xi1> to vector<16xi32>
      %convert_element_type3A_1953 = arith.sitofp %convert_element_type3A_1952 : vector<16xi32> to vector<16xf32>
      %add3A_1954 = arith.addf %add3A_1905, %convert_element_type3A_1953 : vector<16xf32>
      %swap3A_1955 = arith.constant 240 : index
      %swap3A_1956 = tpu.vector_load %arg18[%swap3A_1955] {strides = array<i32>} : memref<448xi32, #tpu.memory_space<vmem>>, vector<16xi32>,
      tpu.vector_store %arg18[%swap3A_1955], %select_n3A_1951 {strides = array<i32>} : memref<448xi32, #tpu.memory_space<vmem>>, vector<16xi32>,
      %add3A_1957 = arith.constant 0 : i32
      %add3A_1958 = vector.broadcast %add3A_1957 : i32 to vector<16xi32>
      %add3A_1959 = arith.addi %get3A_15, %add3A_1958 : vector<16xi32>
      %add3A_1960 = arith.constant 1 : i32
      %add3A_1961 = vector.broadcast %add3A_1960 : i32 to vector<16xi32>
      %add3A_1962 = arith.addi %get3A_17, %add3A_1961 : vector<16xi32>
      %add3A_1963 = arith.constant 0 : i32
      %add3A_1964 = vector.broadcast %add3A_1963 : i32 to vector<16xi32>
      %add3A_1965 = arith.addi %get3A_19, %add3A_1964 : vector<16xi32>
      %ge3A_1966 = arith.constant 0 : i32
      %ge3A_1967 = vector.broadcast %ge3A_1966 : i32 to vector<16xi32>
      %ge3A_1968 = arith.cmpi sge, %add3A_1959, %ge3A_1967 : vector<16xi32>
      %lt3A_1969 = arith.constant 64 : i32
      %lt3A_1970 = vector.broadcast %lt3A_1969 : i32 to vector<16xi32>
      %lt3A_1971 = arith.cmpi slt, %add3A_1959, %lt3A_1970 : vector<16xi32>
      %and3A_1972 = arith.andi %ge3A_1968, %lt3A_1971 : vector<16xi1>
      %ge3A_1973 = arith.constant 0 : i32
      %ge3A_1974 = vector.broadcast %ge3A_1973 : i32 to vector<16xi32>
      %ge3A_1975 = arith.cmpi sge, %add3A_1962, %ge3A_1974 : vector<16xi32>
      %and3A_1976 = arith.andi %and3A_1972, %ge3A_1975 : vector<16xi1>
      %lt3A_1977 = arith.constant 64 : i32
      %lt3A_1978 = vector.broadcast %lt3A_1977 : i32 to vector<16xi32>
      %lt3A_1979 = arith.cmpi slt, %add3A_1962, %lt3A_1978 : vector<16xi32>
      %and3A_1980 = arith.andi %and3A_1976, %lt3A_1979 : vector<16xi1>
      %ge3A_1981 = arith.constant 0 : i32
      %ge3A_1982 = vector.broadcast %ge3A_1981 : i32 to vector<16xi32>
      %ge3A_1983 = arith.cmpi sge, %add3A_1965, %ge3A_1982 : vector<16xi32>
      %and3A_1984 = arith.andi %and3A_1980, %ge3A_1983 : vector<16xi1>
      %lt3A_1985 = arith.constant 64 : i32
      %lt3A_1986 = vector.broadcast %lt3A_1985 : i32 to vector<16xi32>
      %lt3A_1987 = arith.cmpi slt, %add3A_1965, %lt3A_1986 : vector<16xi32>
      %and3A_1988 = arith.andi %and3A_1984, %lt3A_1987 : vector<16xi1>
      %get3A_1989 = arith.constant 256 : index
      %get3A_1990 = tpu.vector_load %arg17[%get3A_1989] {strides = array<i32>} : memref<448xi32, #tpu.memory_space<vmem>>, vector<16xi32>,
      %gt3A_1991 = arith.constant 0 : i32
      %gt3A_1992 = vector.broadcast %gt3A_1991 : i32 to vector<16xi32>
      %gt3A_1993 = arith.cmpi sgt, %get3A_1990, %gt3A_1992 : vector<16xi32>
      %and3A_1994 = arith.andi %and3A_1988, %gt3A_1993 : vector<16xi1>
      %sub3A_1995 = arith.constant 1 : i32
      %sub3A_1996 = vector.broadcast %sub3A_1995 : i32 to vector<16xi32>
      %sub3A_1997 = arith.subi %get3A_1990, %sub3A_1996 : vector<16xi32>
      %jit3A_1998 = arith.constant 100000 : i32
      %broadcast_in_dim3A_1999 = vector.broadcast %jit3A_1998 : i32 to vector<16xi32>
      %select_n3A_2000 = arith.select %and3A_1994, %sub3A_1997, %broadcast_in_dim3A_1999 : vector<16xi1>, vector<16xi32>
      %convert_element_type3A_2001 = arith.extui %and3A_1994 : vector<16xi1> to vector<16xi32>
      %convert_element_type3A_2002 = arith.sitofp %convert_element_type3A_2001 : vector<16xi32> to vector<16xf32>
      %add3A_2003 = arith.addf %add3A_1954, %convert_element_type3A_2002 : vector<16xf32>
      %swap3A_2004 = arith.constant 256 : index
      %swap3A_2005 = tpu.vector_load %arg18[%swap3A_2004] {strides = array<i32>} : memref<448xi32, #tpu.memory_space<vmem>>, vector<16xi32>,
      tpu.vector_store %arg18[%swap3A_2004], %select_n3A_2000 {strides = array<i32>} : memref<448xi32, #tpu.memory_space<vmem>>, vector<16xi32>,
      %add3A_2006 = arith.constant 0 : i32
      %add3A_2007 = vector.broadcast %add3A_2006 : i32 to vector<16xi32>
      %add3A_2008 = arith.addi %get3A_15, %add3A_2007 : vector<16xi32>
      %add3A_2009 = arith.constant 1 : i32
      %add3A_2010 = vector.broadcast %add3A_2009 : i32 to vector<16xi32>
      %add3A_2011 = arith.addi %get3A_17, %add3A_2010 : vector<16xi32>
      %add3A_2012 = arith.constant 1 : i32
      %add3A_2013 = vector.broadcast %add3A_2012 : i32 to vector<16xi32>
      %add3A_2014 = arith.addi %get3A_19, %add3A_2013 : vector<16xi32>
      %ge3A_2015 = arith.constant 0 : i32
      %ge3A_2016 = vector.broadcast %ge3A_2015 : i32 to vector<16xi32>
      %ge3A_2017 = arith.cmpi sge, %add3A_2008, %ge3A_2016 : vector<16xi32>
      %lt3A_2018 = arith.constant 64 : i32
      %lt3A_2019 = vector.broadcast %lt3A_2018 : i32 to vector<16xi32>
      %lt3A_2020 = arith.cmpi slt, %add3A_2008, %lt3A_2019 : vector<16xi32>
      %and3A_2021 = arith.andi %ge3A_2017, %lt3A_2020 : vector<16xi1>
      %ge3A_2022 = arith.constant 0 : i32
      %ge3A_2023 = vector.broadcast %ge3A_2022 : i32 to vector<16xi32>
      %ge3A_2024 = arith.cmpi sge, %add3A_2011, %ge3A_2023 : vector<16xi32>
      %and3A_2025 = arith.andi %and3A_2021, %ge3A_2024 : vector<16xi1>
      %lt3A_2026 = arith.constant 64 : i32
      %lt3A_2027 = vector.broadcast %lt3A_2026 : i32 to vector<16xi32>
      %lt3A_2028 = arith.cmpi slt, %add3A_2011, %lt3A_2027 : vector<16xi32>
      %and3A_2029 = arith.andi %and3A_2025, %lt3A_2028 : vector<16xi1>
      %ge3A_2030 = arith.constant 0 : i32
      %ge3A_2031 = vector.broadcast %ge3A_2030 : i32 to vector<16xi32>
      %ge3A_2032 = arith.cmpi sge, %add3A_2014, %ge3A_2031 : vector<16xi32>
      %and3A_2033 = arith.andi %and3A_2029, %ge3A_2032 : vector<16xi1>
      %lt3A_2034 = arith.constant 64 : i32
      %lt3A_2035 = vector.broadcast %lt3A_2034 : i32 to vector<16xi32>
      %lt3A_2036 = arith.cmpi slt, %add3A_2014, %lt3A_2035 : vector<16xi32>
      %and3A_2037 = arith.andi %and3A_2033, %lt3A_2036 : vector<16xi1>
      %get3A_2038 = arith.constant 272 : index
      %get3A_2039 = tpu.vector_load %arg17[%get3A_2038] {strides = array<i32>} : memref<448xi32, #tpu.memory_space<vmem>>, vector<16xi32>,
      %gt3A_2040 = arith.constant 0 : i32
      %gt3A_2041 = vector.broadcast %gt3A_2040 : i32 to vector<16xi32>
      %gt3A_2042 = arith.cmpi sgt, %get3A_2039, %gt3A_2041 : vector<16xi32>
      %and3A_2043 = arith.andi %and3A_2037, %gt3A_2042 : vector<16xi1>
      %sub3A_2044 = arith.constant 1 : i32
      %sub3A_2045 = vector.broadcast %sub3A_2044 : i32 to vector<16xi32>
      %sub3A_2046 = arith.subi %get3A_2039, %sub3A_2045 : vector<16xi32>
      %jit3A_2047 = arith.constant 100000 : i32
      %broadcast_in_dim3A_2048 = vector.broadcast %jit3A_2047 : i32 to vector<16xi32>
      %select_n3A_2049 = arith.select %and3A_2043, %sub3A_2046, %broadcast_in_dim3A_2048 : vector<16xi1>, vector<16xi32>
      %convert_element_type3A_2050 = arith.extui %and3A_2043 : vector<16xi1> to vector<16xi32>
      %convert_element_type3A_2051 = arith.sitofp %convert_element_type3A_2050 : vector<16xi32> to vector<16xf32>
      %add3A_2052 = arith.addf %add3A_2003, %convert_element_type3A_2051 : vector<16xf32>
      %swap3A_2053 = arith.constant 272 : index
      %swap3A_2054 = tpu.vector_load %arg18[%swap3A_2053] {strides = array<i32>} : memref<448xi32, #tpu.memory_space<vmem>>, vector<16xi32>,
      tpu.vector_store %arg18[%swap3A_2053], %select_n3A_2049 {strides = array<i32>} : memref<448xi32, #tpu.memory_space<vmem>>, vector<16xi32>,
      %add3A_2055 = arith.constant 1 : i32
      %add3A_2056 = vector.broadcast %add3A_2055 : i32 to vector<16xi32>
      %add3A_2057 = arith.addi %get3A_15, %add3A_2056 : vector<16xi32>
      %add3A_2058 = arith.constant -1 : i32
      %add3A_2059 = vector.broadcast %add3A_2058 : i32 to vector<16xi32>
      %add3A_2060 = arith.addi %get3A_17, %add3A_2059 : vector<16xi32>
      %add3A_2061 = arith.constant -1 : i32
      %add3A_2062 = vector.broadcast %add3A_2061 : i32 to vector<16xi32>
      %add3A_2063 = arith.addi %get3A_19, %add3A_2062 : vector<16xi32>
      %ge3A_2064 = arith.constant 0 : i32
      %ge3A_2065 = vector.broadcast %ge3A_2064 : i32 to vector<16xi32>
      %ge3A_2066 = arith.cmpi sge, %add3A_2057, %ge3A_2065 : vector<16xi32>
      %lt3A_2067 = arith.constant 64 : i32
      %lt3A_2068 = vector.broadcast %lt3A_2067 : i32 to vector<16xi32>
      %lt3A_2069 = arith.cmpi slt, %add3A_2057, %lt3A_2068 : vector<16xi32>
      %and3A_2070 = arith.andi %ge3A_2066, %lt3A_2069 : vector<16xi1>
      %ge3A_2071 = arith.constant 0 : i32
      %ge3A_2072 = vector.broadcast %ge3A_2071 : i32 to vector<16xi32>
      %ge3A_2073 = arith.cmpi sge, %add3A_2060, %ge3A_2072 : vector<16xi32>
      %and3A_2074 = arith.andi %and3A_2070, %ge3A_2073 : vector<16xi1>
      %lt3A_2075 = arith.constant 64 : i32
      %lt3A_2076 = vector.broadcast %lt3A_2075 : i32 to vector<16xi32>
      %lt3A_2077 = arith.cmpi slt, %add3A_2060, %lt3A_2076 : vector<16xi32>
      %and3A_2078 = arith.andi %and3A_2074, %lt3A_2077 : vector<16xi1>
      %ge3A_2079 = arith.constant 0 : i32
      %ge3A_2080 = vector.broadcast %ge3A_2079 : i32 to vector<16xi32>
      %ge3A_2081 = arith.cmpi sge, %add3A_2063, %ge3A_2080 : vector<16xi32>
      %and3A_2082 = arith.andi %and3A_2078, %ge3A_2081 : vector<16xi1>
      %lt3A_2083 = arith.constant 64 : i32
      %lt3A_2084 = vector.broadcast %lt3A_2083 : i32 to vector<16xi32>
      %lt3A_2085 = arith.cmpi slt, %add3A_2063, %lt3A_2084 : vector<16xi32>
      %and3A_2086 = arith.andi %and3A_2082, %lt3A_2085 : vector<16xi1>
      %get3A_2087 = arith.constant 288 : index
      %get3A_2088 = tpu.vector_load %arg17[%get3A_2087] {strides = array<i32>} : memref<448xi32, #tpu.memory_space<vmem>>, vector<16xi32>,
      %gt3A_2089 = arith.constant 0 : i32
      %gt3A_2090 = vector.broadcast %gt3A_2089 : i32 to vector<16xi32>
      %gt3A_2091 = arith.cmpi sgt, %get3A_2088, %gt3A_2090 : vector<16xi32>
      %and3A_2092 = arith.andi %and3A_2086, %gt3A_2091 : vector<16xi1>
      %sub3A_2093 = arith.constant 1 : i32
      %sub3A_2094 = vector.broadcast %sub3A_2093 : i32 to vector<16xi32>
      %sub3A_2095 = arith.subi %get3A_2088, %sub3A_2094 : vector<16xi32>
      %jit3A_2096 = arith.constant 100000 : i32
      %broadcast_in_dim3A_2097 = vector.broadcast %jit3A_2096 : i32 to vector<16xi32>
      %select_n3A_2098 = arith.select %and3A_2092, %sub3A_2095, %broadcast_in_dim3A_2097 : vector<16xi1>, vector<16xi32>
      %convert_element_type3A_2099 = arith.extui %and3A_2092 : vector<16xi1> to vector<16xi32>
      %convert_element_type3A_2100 = arith.sitofp %convert_element_type3A_2099 : vector<16xi32> to vector<16xf32>
      %add3A_2101 = arith.addf %add3A_2052, %convert_element_type3A_2100 : vector<16xf32>
      %swap3A_2102 = arith.constant 288 : index
      %swap3A_2103 = tpu.vector_load %arg18[%swap3A_2102] {strides = array<i32>} : memref<448xi32, #tpu.memory_space<vmem>>, vector<16xi32>,
      tpu.vector_store %arg18[%swap3A_2102], %select_n3A_2098 {strides = array<i32>} : memref<448xi32, #tpu.memory_space<vmem>>, vector<16xi32>,
      %add3A_2104 = arith.constant 1 : i32
      %add3A_2105 = vector.broadcast %add3A_2104 : i32 to vector<16xi32>
      %add3A_2106 = arith.addi %get3A_15, %add3A_2105 : vector<16xi32>
      %add3A_2107 = arith.constant -1 : i32
      %add3A_2108 = vector.broadcast %add3A_2107 : i32 to vector<16xi32>
      %add3A_2109 = arith.addi %get3A_17, %add3A_2108 : vector<16xi32>
      %add3A_2110 = arith.constant 0 : i32
      %add3A_2111 = vector.broadcast %add3A_2110 : i32 to vector<16xi32>
      %add3A_2112 = arith.addi %get3A_19, %add3A_2111 : vector<16xi32>
      %ge3A_2113 = arith.constant 0 : i32
      %ge3A_2114 = vector.broadcast %ge3A_2113 : i32 to vector<16xi32>
      %ge3A_2115 = arith.cmpi sge, %add3A_2106, %ge3A_2114 : vector<16xi32>
      %lt3A_2116 = arith.constant 64 : i32
      %lt3A_2117 = vector.broadcast %lt3A_2116 : i32 to vector<16xi32>
      %lt3A_2118 = arith.cmpi slt, %add3A_2106, %lt3A_2117 : vector<16xi32>
      %and3A_2119 = arith.andi %ge3A_2115, %lt3A_2118 : vector<16xi1>
      %ge3A_2120 = arith.constant 0 : i32
      %ge3A_2121 = vector.broadcast %ge3A_2120 : i32 to vector<16xi32>
      %ge3A_2122 = arith.cmpi sge, %add3A_2109, %ge3A_2121 : vector<16xi32>
      %and3A_2123 = arith.andi %and3A_2119, %ge3A_2122 : vector<16xi1>
      %lt3A_2124 = arith.constant 64 : i32
      %lt3A_2125 = vector.broadcast %lt3A_2124 : i32 to vector<16xi32>
      %lt3A_2126 = arith.cmpi slt, %add3A_2109, %lt3A_2125 : vector<16xi32>
      %and3A_2127 = arith.andi %and3A_2123, %lt3A_2126 : vector<16xi1>
      %ge3A_2128 = arith.constant 0 : i32
      %ge3A_2129 = vector.broadcast %ge3A_2128 : i32 to vector<16xi32>
      %ge3A_2130 = arith.cmpi sge, %add3A_2112, %ge3A_2129 : vector<16xi32>
      %and3A_2131 = arith.andi %and3A_2127, %ge3A_2130 : vector<16xi1>
      %lt3A_2132 = arith.constant 64 : i32
      %lt3A_2133 = vector.broadcast %lt3A_2132 : i32 to vector<16xi32>
      %lt3A_2134 = arith.cmpi slt, %add3A_2112, %lt3A_2133 : vector<16xi32>
      %and3A_2135 = arith.andi %and3A_2131, %lt3A_2134 : vector<16xi1>
      %get3A_2136 = arith.constant 304 : index
      %get3A_2137 = tpu.vector_load %arg17[%get3A_2136] {strides = array<i32>} : memref<448xi32, #tpu.memory_space<vmem>>, vector<16xi32>,
      %gt3A_2138 = arith.constant 0 : i32
      %gt3A_2139 = vector.broadcast %gt3A_2138 : i32 to vector<16xi32>
      %gt3A_2140 = arith.cmpi sgt, %get3A_2137, %gt3A_2139 : vector<16xi32>
      %and3A_2141 = arith.andi %and3A_2135, %gt3A_2140 : vector<16xi1>
      %sub3A_2142 = arith.constant 1 : i32
      %sub3A_2143 = vector.broadcast %sub3A_2142 : i32 to vector<16xi32>
      %sub3A_2144 = arith.subi %get3A_2137, %sub3A_2143 : vector<16xi32>
      %jit3A_2145 = arith.constant 100000 : i32
      %broadcast_in_dim3A_2146 = vector.broadcast %jit3A_2145 : i32 to vector<16xi32>
      %select_n3A_2147 = arith.select %and3A_2141, %sub3A_2144, %broadcast_in_dim3A_2146 : vector<16xi1>, vector<16xi32>
      %convert_element_type3A_2148 = arith.extui %and3A_2141 : vector<16xi1> to vector<16xi32>
      %convert_element_type3A_2149 = arith.sitofp %convert_element_type3A_2148 : vector<16xi32> to vector<16xf32>
      %add3A_2150 = arith.addf %add3A_2101, %convert_element_type3A_2149 : vector<16xf32>
      %swap3A_2151 = arith.constant 304 : index
      %swap3A_2152 = tpu.vector_load %arg18[%swap3A_2151] {strides = array<i32>} : memref<448xi32, #tpu.memory_space<vmem>>, vector<16xi32>,
      tpu.vector_store %arg18[%swap3A_2151], %select_n3A_2147 {strides = array<i32>} : memref<448xi32, #tpu.memory_space<vmem>>, vector<16xi32>,
      %add3A_2153 = arith.constant 1 : i32
      %add3A_2154 = vector.broadcast %add3A_2153 : i32 to vector<16xi32>
      %add3A_2155 = arith.addi %get3A_15, %add3A_2154 : vector<16xi32>
      %add3A_2156 = arith.constant -1 : i32
      %add3A_2157 = vector.broadcast %add3A_2156 : i32 to vector<16xi32>
      %add3A_2158 = arith.addi %get3A_17, %add3A_2157 : vector<16xi32>
      %add3A_2159 = arith.constant 1 : i32
      %add3A_2160 = vector.broadcast %add3A_2159 : i32 to vector<16xi32>
      %add3A_2161 = arith.addi %get3A_19, %add3A_2160 : vector<16xi32>
      %ge3A_2162 = arith.constant 0 : i32
      %ge3A_2163 = vector.broadcast %ge3A_2162 : i32 to vector<16xi32>
      %ge3A_2164 = arith.cmpi sge, %add3A_2155, %ge3A_2163 : vector<16xi32>
      %lt3A_2165 = arith.constant 64 : i32
      %lt3A_2166 = vector.broadcast %lt3A_2165 : i32 to vector<16xi32>
      %lt3A_2167 = arith.cmpi slt, %add3A_2155, %lt3A_2166 : vector<16xi32>
      %and3A_2168 = arith.andi %ge3A_2164, %lt3A_2167 : vector<16xi1>
      %ge3A_2169 = arith.constant 0 : i32
      %ge3A_2170 = vector.broadcast %ge3A_2169 : i32 to vector<16xi32>
      %ge3A_2171 = arith.cmpi sge, %add3A_2158, %ge3A_2170 : vector<16xi32>
      %and3A_2172 = arith.andi %and3A_2168, %ge3A_2171 : vector<16xi1>
      %lt3A_2173 = arith.constant 64 : i32
      %lt3A_2174 = vector.broadcast %lt3A_2173 : i32 to vector<16xi32>
      %lt3A_2175 = arith.cmpi slt, %add3A_2158, %lt3A_2174 : vector<16xi32>
      %and3A_2176 = arith.andi %and3A_2172, %lt3A_2175 : vector<16xi1>
      %ge3A_2177 = arith.constant 0 : i32
      %ge3A_2178 = vector.broadcast %ge3A_2177 : i32 to vector<16xi32>
      %ge3A_2179 = arith.cmpi sge, %add3A_2161, %ge3A_2178 : vector<16xi32>
      %and3A_2180 = arith.andi %and3A_2176, %ge3A_2179 : vector<16xi1>
      %lt3A_2181 = arith.constant 64 : i32
      %lt3A_2182 = vector.broadcast %lt3A_2181 : i32 to vector<16xi32>
      %lt3A_2183 = arith.cmpi slt, %add3A_2161, %lt3A_2182 : vector<16xi32>
      %and3A_2184 = arith.andi %and3A_2180, %lt3A_2183 : vector<16xi1>
      %get3A_2185 = arith.constant 320 : index
      %get3A_2186 = tpu.vector_load %arg17[%get3A_2185] {strides = array<i32>} : memref<448xi32, #tpu.memory_space<vmem>>, vector<16xi32>,
      %gt3A_2187 = arith.constant 0 : i32
      %gt3A_2188 = vector.broadcast %gt3A_2187 : i32 to vector<16xi32>
      %gt3A_2189 = arith.cmpi sgt, %get3A_2186, %gt3A_2188 : vector<16xi32>
      %and3A_2190 = arith.andi %and3A_2184, %gt3A_2189 : vector<16xi1>
      %sub3A_2191 = arith.constant 1 : i32
      %sub3A_2192 = vector.broadcast %sub3A_2191 : i32 to vector<16xi32>
      %sub3A_2193 = arith.subi %get3A_2186, %sub3A_2192 : vector<16xi32>
      %jit3A_2194 = arith.constant 100000 : i32
      %broadcast_in_dim3A_2195 = vector.broadcast %jit3A_2194 : i32 to vector<16xi32>
      %select_n3A_2196 = arith.select %and3A_2190, %sub3A_2193, %broadcast_in_dim3A_2195 : vector<16xi1>, vector<16xi32>
      %convert_element_type3A_2197 = arith.extui %and3A_2190 : vector<16xi1> to vector<16xi32>
      %convert_element_type3A_2198 = arith.sitofp %convert_element_type3A_2197 : vector<16xi32> to vector<16xf32>
      %add3A_2199 = arith.addf %add3A_2150, %convert_element_type3A_2198 : vector<16xf32>
      %swap3A_2200 = arith.constant 320 : index
      %swap3A_2201 = tpu.vector_load %arg18[%swap3A_2200] {strides = array<i32>} : memref<448xi32, #tpu.memory_space<vmem>>, vector<16xi32>,
      tpu.vector_store %arg18[%swap3A_2200], %select_n3A_2196 {strides = array<i32>} : memref<448xi32, #tpu.memory_space<vmem>>, vector<16xi32>,
      %add3A_2202 = arith.constant 1 : i32
      %add3A_2203 = vector.broadcast %add3A_2202 : i32 to vector<16xi32>
      %add3A_2204 = arith.addi %get3A_15, %add3A_2203 : vector<16xi32>
      %add3A_2205 = arith.constant 0 : i32
      %add3A_2206 = vector.broadcast %add3A_2205 : i32 to vector<16xi32>
      %add3A_2207 = arith.addi %get3A_17, %add3A_2206 : vector<16xi32>
      %add3A_2208 = arith.constant -1 : i32
      %add3A_2209 = vector.broadcast %add3A_2208 : i32 to vector<16xi32>
      %add3A_2210 = arith.addi %get3A_19, %add3A_2209 : vector<16xi32>
      %ge3A_2211 = arith.constant 0 : i32
      %ge3A_2212 = vector.broadcast %ge3A_2211 : i32 to vector<16xi32>
      %ge3A_2213 = arith.cmpi sge, %add3A_2204, %ge3A_2212 : vector<16xi32>
      %lt3A_2214 = arith.constant 64 : i32
      %lt3A_2215 = vector.broadcast %lt3A_2214 : i32 to vector<16xi32>
      %lt3A_2216 = arith.cmpi slt, %add3A_2204, %lt3A_2215 : vector<16xi32>
      %and3A_2217 = arith.andi %ge3A_2213, %lt3A_2216 : vector<16xi1>
      %ge3A_2218 = arith.constant 0 : i32
      %ge3A_2219 = vector.broadcast %ge3A_2218 : i32 to vector<16xi32>
      %ge3A_2220 = arith.cmpi sge, %add3A_2207, %ge3A_2219 : vector<16xi32>
      %and3A_2221 = arith.andi %and3A_2217, %ge3A_2220 : vector<16xi1>
      %lt3A_2222 = arith.constant 64 : i32
      %lt3A_2223 = vector.broadcast %lt3A_2222 : i32 to vector<16xi32>
      %lt3A_2224 = arith.cmpi slt, %add3A_2207, %lt3A_2223 : vector<16xi32>
      %and3A_2225 = arith.andi %and3A_2221, %lt3A_2224 : vector<16xi1>
      %ge3A_2226 = arith.constant 0 : i32
      %ge3A_2227 = vector.broadcast %ge3A_2226 : i32 to vector<16xi32>
      %ge3A_2228 = arith.cmpi sge, %add3A_2210, %ge3A_2227 : vector<16xi32>
      %and3A_2229 = arith.andi %and3A_2225, %ge3A_2228 : vector<16xi1>
      %lt3A_2230 = arith.constant 64 : i32
      %lt3A_2231 = vector.broadcast %lt3A_2230 : i32 to vector<16xi32>
      %lt3A_2232 = arith.cmpi slt, %add3A_2210, %lt3A_2231 : vector<16xi32>
      %and3A_2233 = arith.andi %and3A_2229, %lt3A_2232 : vector<16xi1>
      %get3A_2234 = arith.constant 336 : index
      %get3A_2235 = tpu.vector_load %arg17[%get3A_2234] {strides = array<i32>} : memref<448xi32, #tpu.memory_space<vmem>>, vector<16xi32>,
      %gt3A_2236 = arith.constant 0 : i32
      %gt3A_2237 = vector.broadcast %gt3A_2236 : i32 to vector<16xi32>
      %gt3A_2238 = arith.cmpi sgt, %get3A_2235, %gt3A_2237 : vector<16xi32>
      %and3A_2239 = arith.andi %and3A_2233, %gt3A_2238 : vector<16xi1>
      %sub3A_2240 = arith.constant 1 : i32
      %sub3A_2241 = vector.broadcast %sub3A_2240 : i32 to vector<16xi32>
      %sub3A_2242 = arith.subi %get3A_2235, %sub3A_2241 : vector<16xi32>
      %jit3A_2243 = arith.constant 100000 : i32
      %broadcast_in_dim3A_2244 = vector.broadcast %jit3A_2243 : i32 to vector<16xi32>
      %select_n3A_2245 = arith.select %and3A_2239, %sub3A_2242, %broadcast_in_dim3A_2244 : vector<16xi1>, vector<16xi32>
      %convert_element_type3A_2246 = arith.extui %and3A_2239 : vector<16xi1> to vector<16xi32>
      %convert_element_type3A_2247 = arith.sitofp %convert_element_type3A_2246 : vector<16xi32> to vector<16xf32>
      %add3A_2248 = arith.addf %add3A_2199, %convert_element_type3A_2247 : vector<16xf32>
      %swap3A_2249 = arith.constant 336 : index
      %swap3A_2250 = tpu.vector_load %arg18[%swap3A_2249] {strides = array<i32>} : memref<448xi32, #tpu.memory_space<vmem>>, vector<16xi32>,
      tpu.vector_store %arg18[%swap3A_2249], %select_n3A_2245 {strides = array<i32>} : memref<448xi32, #tpu.memory_space<vmem>>, vector<16xi32>,
      %add3A_2251 = arith.constant 1 : i32
      %add3A_2252 = vector.broadcast %add3A_2251 : i32 to vector<16xi32>
      %add3A_2253 = arith.addi %get3A_15, %add3A_2252 : vector<16xi32>
      %add3A_2254 = arith.constant 0 : i32
      %add3A_2255 = vector.broadcast %add3A_2254 : i32 to vector<16xi32>
      %add3A_2256 = arith.addi %get3A_17, %add3A_2255 : vector<16xi32>
      %add3A_2257 = arith.constant 0 : i32
      %add3A_2258 = vector.broadcast %add3A_2257 : i32 to vector<16xi32>
      %add3A_2259 = arith.addi %get3A_19, %add3A_2258 : vector<16xi32>
      %ge3A_2260 = arith.constant 0 : i32
      %ge3A_2261 = vector.broadcast %ge3A_2260 : i32 to vector<16xi32>
      %ge3A_2262 = arith.cmpi sge, %add3A_2253, %ge3A_2261 : vector<16xi32>
      %lt3A_2263 = arith.constant 64 : i32
      %lt3A_2264 = vector.broadcast %lt3A_2263 : i32 to vector<16xi32>
      %lt3A_2265 = arith.cmpi slt, %add3A_2253, %lt3A_2264 : vector<16xi32>
      %and3A_2266 = arith.andi %ge3A_2262, %lt3A_2265 : vector<16xi1>
      %ge3A_2267 = arith.constant 0 : i32
      %ge3A_2268 = vector.broadcast %ge3A_2267 : i32 to vector<16xi32>
      %ge3A_2269 = arith.cmpi sge, %add3A_2256, %ge3A_2268 : vector<16xi32>
      %and3A_2270 = arith.andi %and3A_2266, %ge3A_2269 : vector<16xi1>
      %lt3A_2271 = arith.constant 64 : i32
      %lt3A_2272 = vector.broadcast %lt3A_2271 : i32 to vector<16xi32>
      %lt3A_2273 = arith.cmpi slt, %add3A_2256, %lt3A_2272 : vector<16xi32>
      %and3A_2274 = arith.andi %and3A_2270, %lt3A_2273 : vector<16xi1>
      %ge3A_2275 = arith.constant 0 : i32
      %ge3A_2276 = vector.broadcast %ge3A_2275 : i32 to vector<16xi32>
      %ge3A_2277 = arith.cmpi sge, %add3A_2259, %ge3A_2276 : vector<16xi32>
      %and3A_2278 = arith.andi %and3A_2274, %ge3A_2277 : vector<16xi1>
      %lt3A_2279 = arith.constant 64 : i32
      %lt3A_2280 = vector.broadcast %lt3A_2279 : i32 to vector<16xi32>
      %lt3A_2281 = arith.cmpi slt, %add3A_2259, %lt3A_2280 : vector<16xi32>
      %and3A_2282 = arith.andi %and3A_2278, %lt3A_2281 : vector<16xi1>
      %get3A_2283 = arith.constant 352 : index
      %get3A_2284 = tpu.vector_load %arg17[%get3A_2283] {strides = array<i32>} : memref<448xi32, #tpu.memory_space<vmem>>, vector<16xi32>,
      %gt3A_2285 = arith.constant 0 : i32
      %gt3A_2286 = vector.broadcast %gt3A_2285 : i32 to vector<16xi32>
      %gt3A_2287 = arith.cmpi sgt, %get3A_2284, %gt3A_2286 : vector<16xi32>
      %and3A_2288 = arith.andi %and3A_2282, %gt3A_2287 : vector<16xi1>
      %sub3A_2289 = arith.constant 1 : i32
      %sub3A_2290 = vector.broadcast %sub3A_2289 : i32 to vector<16xi32>
      %sub3A_2291 = arith.subi %get3A_2284, %sub3A_2290 : vector<16xi32>
      %jit3A_2292 = arith.constant 100000 : i32
      %broadcast_in_dim3A_2293 = vector.broadcast %jit3A_2292 : i32 to vector<16xi32>
      %select_n3A_2294 = arith.select %and3A_2288, %sub3A_2291, %broadcast_in_dim3A_2293 : vector<16xi1>, vector<16xi32>
      %convert_element_type3A_2295 = arith.extui %and3A_2288 : vector<16xi1> to vector<16xi32>
      %convert_element_type3A_2296 = arith.sitofp %convert_element_type3A_2295 : vector<16xi32> to vector<16xf32>
      %add3A_2297 = arith.addf %add3A_2248, %convert_element_type3A_2296 : vector<16xf32>
      %swap3A_2298 = arith.constant 352 : index
      %swap3A_2299 = tpu.vector_load %arg18[%swap3A_2298] {strides = array<i32>} : memref<448xi32, #tpu.memory_space<vmem>>, vector<16xi32>,
      tpu.vector_store %arg18[%swap3A_2298], %select_n3A_2294 {strides = array<i32>} : memref<448xi32, #tpu.memory_space<vmem>>, vector<16xi32>,
      %add3A_2300 = arith.constant 1 : i32
      %add3A_2301 = vector.broadcast %add3A_2300 : i32 to vector<16xi32>
      %add3A_2302 = arith.addi %get3A_15, %add3A_2301 : vector<16xi32>
      %add3A_2303 = arith.constant 0 : i32
      %add3A_2304 = vector.broadcast %add3A_2303 : i32 to vector<16xi32>
      %add3A_2305 = arith.addi %get3A_17, %add3A_2304 : vector<16xi32>
      %add3A_2306 = arith.constant 1 : i32
      %add3A_2307 = vector.broadcast %add3A_2306 : i32 to vector<16xi32>
      %add3A_2308 = arith.addi %get3A_19, %add3A_2307 : vector<16xi32>
      %ge3A_2309 = arith.constant 0 : i32
      %ge3A_2310 = vector.broadcast %ge3A_2309 : i32 to vector<16xi32>
      %ge3A_2311 = arith.cmpi sge, %add3A_2302, %ge3A_2310 : vector<16xi32>
      %lt3A_2312 = arith.constant 64 : i32
      %lt3A_2313 = vector.broadcast %lt3A_2312 : i32 to vector<16xi32>
      %lt3A_2314 = arith.cmpi slt, %add3A_2302, %lt3A_2313 : vector<16xi32>
      %and3A_2315 = arith.andi %ge3A_2311, %lt3A_2314 : vector<16xi1>
      %ge3A_2316 = arith.constant 0 : i32
      %ge3A_2317 = vector.broadcast %ge3A_2316 : i32 to vector<16xi32>
      %ge3A_2318 = arith.cmpi sge, %add3A_2305, %ge3A_2317 : vector<16xi32>
      %and3A_2319 = arith.andi %and3A_2315, %ge3A_2318 : vector<16xi1>
      %lt3A_2320 = arith.constant 64 : i32
      %lt3A_2321 = vector.broadcast %lt3A_2320 : i32 to vector<16xi32>
      %lt3A_2322 = arith.cmpi slt, %add3A_2305, %lt3A_2321 : vector<16xi32>
      %and3A_2323 = arith.andi %and3A_2319, %lt3A_2322 : vector<16xi1>
      %ge3A_2324 = arith.constant 0 : i32
      %ge3A_2325 = vector.broadcast %ge3A_2324 : i32 to vector<16xi32>
      %ge3A_2326 = arith.cmpi sge, %add3A_2308, %ge3A_2325 : vector<16xi32>
      %and3A_2327 = arith.andi %and3A_2323, %ge3A_2326 : vector<16xi1>
      %lt3A_2328 = arith.constant 64 : i32
      %lt3A_2329 = vector.broadcast %lt3A_2328 : i32 to vector<16xi32>
      %lt3A_2330 = arith.cmpi slt, %add3A_2308, %lt3A_2329 : vector<16xi32>
      %and3A_2331 = arith.andi %and3A_2327, %lt3A_2330 : vector<16xi1>
      %get3A_2332 = arith.constant 368 : index
      %get3A_2333 = tpu.vector_load %arg17[%get3A_2332] {strides = array<i32>} : memref<448xi32, #tpu.memory_space<vmem>>, vector<16xi32>,
      %gt3A_2334 = arith.constant 0 : i32
      %gt3A_2335 = vector.broadcast %gt3A_2334 : i32 to vector<16xi32>
      %gt3A_2336 = arith.cmpi sgt, %get3A_2333, %gt3A_2335 : vector<16xi32>
      %and3A_2337 = arith.andi %and3A_2331, %gt3A_2336 : vector<16xi1>
      %sub3A_2338 = arith.constant 1 : i32
      %sub3A_2339 = vector.broadcast %sub3A_2338 : i32 to vector<16xi32>
      %sub3A_2340 = arith.subi %get3A_2333, %sub3A_2339 : vector<16xi32>
      %jit3A_2341 = arith.constant 100000 : i32
      %broadcast_in_dim3A_2342 = vector.broadcast %jit3A_2341 : i32 to vector<16xi32>
      %select_n3A_2343 = arith.select %and3A_2337, %sub3A_2340, %broadcast_in_dim3A_2342 : vector<16xi1>, vector<16xi32>
      %convert_element_type3A_2344 = arith.extui %and3A_2337 : vector<16xi1> to vector<16xi32>
      %convert_element_type3A_2345 = arith.sitofp %convert_element_type3A_2344 : vector<16xi32> to vector<16xf32>
      %add3A_2346 = arith.addf %add3A_2297, %convert_element_type3A_2345 : vector<16xf32>
      %swap3A_2347 = arith.constant 368 : index
      %swap3A_2348 = tpu.vector_load %arg18[%swap3A_2347] {strides = array<i32>} : memref<448xi32, #tpu.memory_space<vmem>>, vector<16xi32>,
      tpu.vector_store %arg18[%swap3A_2347], %select_n3A_2343 {strides = array<i32>} : memref<448xi32, #tpu.memory_space<vmem>>, vector<16xi32>,
      %add3A_2349 = arith.constant 1 : i32
      %add3A_2350 = vector.broadcast %add3A_2349 : i32 to vector<16xi32>
      %add3A_2351 = arith.addi %get3A_15, %add3A_2350 : vector<16xi32>
      %add3A_2352 = arith.constant 1 : i32
      %add3A_2353 = vector.broadcast %add3A_2352 : i32 to vector<16xi32>
      %add3A_2354 = arith.addi %get3A_17, %add3A_2353 : vector<16xi32>
      %add3A_2355 = arith.constant -1 : i32
      %add3A_2356 = vector.broadcast %add3A_2355 : i32 to vector<16xi32>
      %add3A_2357 = arith.addi %get3A_19, %add3A_2356 : vector<16xi32>
      %ge3A_2358 = arith.constant 0 : i32
      %ge3A_2359 = vector.broadcast %ge3A_2358 : i32 to vector<16xi32>
      %ge3A_2360 = arith.cmpi sge, %add3A_2351, %ge3A_2359 : vector<16xi32>
      %lt3A_2361 = arith.constant 64 : i32
      %lt3A_2362 = vector.broadcast %lt3A_2361 : i32 to vector<16xi32>
      %lt3A_2363 = arith.cmpi slt, %add3A_2351, %lt3A_2362 : vector<16xi32>
      %and3A_2364 = arith.andi %ge3A_2360, %lt3A_2363 : vector<16xi1>
      %ge3A_2365 = arith.constant 0 : i32
      %ge3A_2366 = vector.broadcast %ge3A_2365 : i32 to vector<16xi32>
      %ge3A_2367 = arith.cmpi sge, %add3A_2354, %ge3A_2366 : vector<16xi32>
      %and3A_2368 = arith.andi %and3A_2364, %ge3A_2367 : vector<16xi1>
      %lt3A_2369 = arith.constant 64 : i32
      %lt3A_2370 = vector.broadcast %lt3A_2369 : i32 to vector<16xi32>
      %lt3A_2371 = arith.cmpi slt, %add3A_2354, %lt3A_2370 : vector<16xi32>
      %and3A_2372 = arith.andi %and3A_2368, %lt3A_2371 : vector<16xi1>
      %ge3A_2373 = arith.constant 0 : i32
      %ge3A_2374 = vector.broadcast %ge3A_2373 : i32 to vector<16xi32>
      %ge3A_2375 = arith.cmpi sge, %add3A_2357, %ge3A_2374 : vector<16xi32>
      %and3A_2376 = arith.andi %and3A_2372, %ge3A_2375 : vector<16xi1>
      %lt3A_2377 = arith.constant 64 : i32
      %lt3A_2378 = vector.broadcast %lt3A_2377 : i32 to vector<16xi32>
      %lt3A_2379 = arith.cmpi slt, %add3A_2357, %lt3A_2378 : vector<16xi32>
      %and3A_2380 = arith.andi %and3A_2376, %lt3A_2379 : vector<16xi1>
      %get3A_2381 = arith.constant 384 : index
      %get3A_2382 = tpu.vector_load %arg17[%get3A_2381] {strides = array<i32>} : memref<448xi32, #tpu.memory_space<vmem>>, vector<16xi32>,
      %gt3A_2383 = arith.constant 0 : i32
      %gt3A_2384 = vector.broadcast %gt3A_2383 : i32 to vector<16xi32>
      %gt3A_2385 = arith.cmpi sgt, %get3A_2382, %gt3A_2384 : vector<16xi32>
      %and3A_2386 = arith.andi %and3A_2380, %gt3A_2385 : vector<16xi1>
      %sub3A_2387 = arith.constant 1 : i32
      %sub3A_2388 = vector.broadcast %sub3A_2387 : i32 to vector<16xi32>
      %sub3A_2389 = arith.subi %get3A_2382, %sub3A_2388 : vector<16xi32>
      %jit3A_2390 = arith.constant 100000 : i32
      %broadcast_in_dim3A_2391 = vector.broadcast %jit3A_2390 : i32 to vector<16xi32>
      %select_n3A_2392 = arith.select %and3A_2386, %sub3A_2389, %broadcast_in_dim3A_2391 : vector<16xi1>, vector<16xi32>
      %convert_element_type3A_2393 = arith.extui %and3A_2386 : vector<16xi1> to vector<16xi32>
      %convert_element_type3A_2394 = arith.sitofp %convert_element_type3A_2393 : vector<16xi32> to vector<16xf32>
      %add3A_2395 = arith.addf %add3A_2346, %convert_element_type3A_2394 : vector<16xf32>
      %swap3A_2396 = arith.constant 384 : index
      %swap3A_2397 = tpu.vector_load %arg18[%swap3A_2396] {strides = array<i32>} : memref<448xi32, #tpu.memory_space<vmem>>, vector<16xi32>,
      tpu.vector_store %arg18[%swap3A_2396], %select_n3A_2392 {strides = array<i32>} : memref<448xi32, #tpu.memory_space<vmem>>, vector<16xi32>,
      %add3A_2398 = arith.constant 1 : i32
      %add3A_2399 = vector.broadcast %add3A_2398 : i32 to vector<16xi32>
      %add3A_2400 = arith.addi %get3A_15, %add3A_2399 : vector<16xi32>
      %add3A_2401 = arith.constant 1 : i32
      %add3A_2402 = vector.broadcast %add3A_2401 : i32 to vector<16xi32>
      %add3A_2403 = arith.addi %get3A_17, %add3A_2402 : vector<16xi32>
      %add3A_2404 = arith.constant 0 : i32
      %add3A_2405 = vector.broadcast %add3A_2404 : i32 to vector<16xi32>
      %add3A_2406 = arith.addi %get3A_19, %add3A_2405 : vector<16xi32>
      %ge3A_2407 = arith.constant 0 : i32
      %ge3A_2408 = vector.broadcast %ge3A_2407 : i32 to vector<16xi32>
      %ge3A_2409 = arith.cmpi sge, %add3A_2400, %ge3A_2408 : vector<16xi32>
      %lt3A_2410 = arith.constant 64 : i32
      %lt3A_2411 = vector.broadcast %lt3A_2410 : i32 to vector<16xi32>
      %lt3A_2412 = arith.cmpi slt, %add3A_2400, %lt3A_2411 : vector<16xi32>
      %and3A_2413 = arith.andi %ge3A_2409, %lt3A_2412 : vector<16xi1>
      %ge3A_2414 = arith.constant 0 : i32
      %ge3A_2415 = vector.broadcast %ge3A_2414 : i32 to vector<16xi32>
      %ge3A_2416 = arith.cmpi sge, %add3A_2403, %ge3A_2415 : vector<16xi32>
      %and3A_2417 = arith.andi %and3A_2413, %ge3A_2416 : vector<16xi1>
      %lt3A_2418 = arith.constant 64 : i32
      %lt3A_2419 = vector.broadcast %lt3A_2418 : i32 to vector<16xi32>
      %lt3A_2420 = arith.cmpi slt, %add3A_2403, %lt3A_2419 : vector<16xi32>
      %and3A_2421 = arith.andi %and3A_2417, %lt3A_2420 : vector<16xi1>
      %ge3A_2422 = arith.constant 0 : i32
      %ge3A_2423 = vector.broadcast %ge3A_2422 : i32 to vector<16xi32>
      %ge3A_2424 = arith.cmpi sge, %add3A_2406, %ge3A_2423 : vector<16xi32>
      %and3A_2425 = arith.andi %and3A_2421, %ge3A_2424 : vector<16xi1>
      %lt3A_2426 = arith.constant 64 : i32
      %lt3A_2427 = vector.broadcast %lt3A_2426 : i32 to vector<16xi32>
      %lt3A_2428 = arith.cmpi slt, %add3A_2406, %lt3A_2427 : vector<16xi32>
      %and3A_2429 = arith.andi %and3A_2425, %lt3A_2428 : vector<16xi1>
      %get3A_2430 = arith.constant 400 : index
      %get3A_2431 = tpu.vector_load %arg17[%get3A_2430] {strides = array<i32>} : memref<448xi32, #tpu.memory_space<vmem>>, vector<16xi32>,
      %gt3A_2432 = arith.constant 0 : i32
      %gt3A_2433 = vector.broadcast %gt3A_2432 : i32 to vector<16xi32>
      %gt3A_2434 = arith.cmpi sgt, %get3A_2431, %gt3A_2433 : vector<16xi32>
      %and3A_2435 = arith.andi %and3A_2429, %gt3A_2434 : vector<16xi1>
      %sub3A_2436 = arith.constant 1 : i32
      %sub3A_2437 = vector.broadcast %sub3A_2436 : i32 to vector<16xi32>
      %sub3A_2438 = arith.subi %get3A_2431, %sub3A_2437 : vector<16xi32>
      %jit3A_2439 = arith.constant 100000 : i32
      %broadcast_in_dim3A_2440 = vector.broadcast %jit3A_2439 : i32 to vector<16xi32>
      %select_n3A_2441 = arith.select %and3A_2435, %sub3A_2438, %broadcast_in_dim3A_2440 : vector<16xi1>, vector<16xi32>
      %convert_element_type3A_2442 = arith.extui %and3A_2435 : vector<16xi1> to vector<16xi32>
      %convert_element_type3A_2443 = arith.sitofp %convert_element_type3A_2442 : vector<16xi32> to vector<16xf32>
      %add3A_2444 = arith.addf %add3A_2395, %convert_element_type3A_2443 : vector<16xf32>
      %swap3A_2445 = arith.constant 400 : index
      %swap3A_2446 = tpu.vector_load %arg18[%swap3A_2445] {strides = array<i32>} : memref<448xi32, #tpu.memory_space<vmem>>, vector<16xi32>,
      tpu.vector_store %arg18[%swap3A_2445], %select_n3A_2441 {strides = array<i32>} : memref<448xi32, #tpu.memory_space<vmem>>, vector<16xi32>,
      %add3A_2447 = arith.constant 1 : i32
      %add3A_2448 = vector.broadcast %add3A_2447 : i32 to vector<16xi32>
      %add3A_2449 = arith.addi %get3A_15, %add3A_2448 : vector<16xi32>
      %add3A_2450 = arith.constant 1 : i32
      %add3A_2451 = vector.broadcast %add3A_2450 : i32 to vector<16xi32>
      %add3A_2452 = arith.addi %get3A_17, %add3A_2451 : vector<16xi32>
      %add3A_2453 = arith.constant 1 : i32
      %add3A_2454 = vector.broadcast %add3A_2453 : i32 to vector<16xi32>
      %add3A_2455 = arith.addi %get3A_19, %add3A_2454 : vector<16xi32>
      %ge3A_2456 = arith.constant 0 : i32
      %ge3A_2457 = vector.broadcast %ge3A_2456 : i32 to vector<16xi32>
      %ge3A_2458 = arith.cmpi sge, %add3A_2449, %ge3A_2457 : vector<16xi32>
      %lt3A_2459 = arith.constant 64 : i32
      %lt3A_2460 = vector.broadcast %lt3A_2459 : i32 to vector<16xi32>
      %lt3A_2461 = arith.cmpi slt, %add3A_2449, %lt3A_2460 : vector<16xi32>
      %and3A_2462 = arith.andi %ge3A_2458, %lt3A_2461 : vector<16xi1>
      %ge3A_2463 = arith.constant 0 : i32
      %ge3A_2464 = vector.broadcast %ge3A_2463 : i32 to vector<16xi32>
      %ge3A_2465 = arith.cmpi sge, %add3A_2452, %ge3A_2464 : vector<16xi32>
      %and3A_2466 = arith.andi %and3A_2462, %ge3A_2465 : vector<16xi1>
      %lt3A_2467 = arith.constant 64 : i32
      %lt3A_2468 = vector.broadcast %lt3A_2467 : i32 to vector<16xi32>
      %lt3A_2469 = arith.cmpi slt, %add3A_2452, %lt3A_2468 : vector<16xi32>
      %and3A_2470 = arith.andi %and3A_2466, %lt3A_2469 : vector<16xi1>
      %ge3A_2471 = arith.constant 0 : i32
      %ge3A_2472 = vector.broadcast %ge3A_2471 : i32 to vector<16xi32>
      %ge3A_2473 = arith.cmpi sge, %add3A_2455, %ge3A_2472 : vector<16xi32>
      %and3A_2474 = arith.andi %and3A_2470, %ge3A_2473 : vector<16xi1>
      %lt3A_2475 = arith.constant 64 : i32
      %lt3A_2476 = vector.broadcast %lt3A_2475 : i32 to vector<16xi32>
      %lt3A_2477 = arith.cmpi slt, %add3A_2455, %lt3A_2476 : vector<16xi32>
      %and3A_2478 = arith.andi %and3A_2474, %lt3A_2477 : vector<16xi1>
      %get3A_2479 = arith.constant 416 : index
      %get3A_2480 = tpu.vector_load %arg17[%get3A_2479] {strides = array<i32>} : memref<448xi32, #tpu.memory_space<vmem>>, vector<16xi32>,
      %gt3A_2481 = arith.constant 0 : i32
      %gt3A_2482 = vector.broadcast %gt3A_2481 : i32 to vector<16xi32>
      %gt3A_2483 = arith.cmpi sgt, %get3A_2480, %gt3A_2482 : vector<16xi32>
      %and3A_2484 = arith.andi %and3A_2478, %gt3A_2483 : vector<16xi1>
      %sub3A_2485 = arith.constant 1 : i32
      %sub3A_2486 = vector.broadcast %sub3A_2485 : i32 to vector<16xi32>
      %sub3A_2487 = arith.subi %get3A_2480, %sub3A_2486 : vector<16xi32>
      %jit3A_2488 = arith.constant 100000 : i32
      %broadcast_in_dim3A_2489 = vector.broadcast %jit3A_2488 : i32 to vector<16xi32>
      %select_n3A_2490 = arith.select %and3A_2484, %sub3A_2487, %broadcast_in_dim3A_2489 : vector<16xi1>, vector<16xi32>
      %convert_element_type3A_2491 = arith.extui %and3A_2484 : vector<16xi1> to vector<16xi32>
      %convert_element_type3A_2492 = arith.sitofp %convert_element_type3A_2491 : vector<16xi32> to vector<16xf32>
      %add3A_2493 = arith.addf %add3A_2444, %convert_element_type3A_2492 : vector<16xf32>
      %swap3A_2494 = arith.constant 416 : index
      %swap3A_2495 = tpu.vector_load %arg18[%swap3A_2494] {strides = array<i32>} : memref<448xi32, #tpu.memory_space<vmem>>, vector<16xi32>,
      tpu.vector_store %arg18[%swap3A_2494], %select_n3A_2490 {strides = array<i32>} : memref<448xi32, #tpu.memory_space<vmem>>, vector<16xi32>,
      %broadcast_in_dim3A_2496 = arith.constant 100000 : i32
      %broadcast_in_dim3A_2497 = vector.broadcast %broadcast_in_dim3A_2496 : i32 to vector<16xi32>
      %swap3A_2498 = arith.constant 432 : index
      %swap3A_2499 = tpu.vector_load %arg18[%swap3A_2498] {strides = array<i32>} : memref<448xi32, #tpu.memory_space<vmem>>, vector<16xi32>,
      tpu.vector_store %arg18[%swap3A_2498], %broadcast_in_dim3A_2497 {strides = array<i32>} : memref<448xi32, #tpu.memory_space<vmem>>, vector<16xi32>,
      %dma_start3A_2500 = arith.constant 0 : i32
      %dma_start3A_2501 = arith.constant 0 : i32
      %dma_start3A_2502 = tpu.memref_slice %arg19[%dma_start3A_2500, %dma_start3A_2501] : memref<448x128xf32, #tpu.memory_space<vmem>> -> memref<112x128xf32, #tpu.memory_space<vmem>>
      %dma_start3A_2503 = arith.constant 0 : i32
      %dma_start3A_2504 = tpu.memref_slice %arg18[%dma_start3A_2503] : memref<448xi32, #tpu.memory_space<vmem>> -> memref<112xi32, #tpu.memory_space<vmem>>
      %dma_start3A_2505 = arith.constant 0 : i32
      %dma_start3A_2506 = arith.constant 0 : i32
      %dma_start3A_2507 = tpu.memref_slice %arg8[%dma_start3A_2505, %dma_start3A_2506] : memref<100008x128xf32, #tpu.memory_space<hbm>> -> memref<100008x128xf32, #tpu.memory_space<hbm>>
      tpu.enqueue_indirect_dma source(%dma_start3A_2507 : memref<100008x128xf32, #tpu.memory_space<hbm>>) target(%dma_start3A_2502 : memref<112x128xf32, #tpu.memory_space<vmem>>) offsets(%dma_start3A_2504 : memref<112xi32, #tpu.memory_space<vmem>>) semaphore(%arg23 : memref<!tpu.dma_semaphore, #tpu.memory_space<semaphore_mem>>)
      %dma_start3A_2508 = arith.constant 112 : i32
      %dma_start3A_2509 = arith.constant 0 : i32
      %dma_start3A_2510 = tpu.memref_slice %arg19[%dma_start3A_2508, %dma_start3A_2509] : memref<448x128xf32, #tpu.memory_space<vmem>> -> memref<112x128xf32, #tpu.memory_space<vmem>>
      %dma_start3A_2511 = arith.constant 112 : i32
      %dma_start3A_2512 = tpu.memref_slice %arg18[%dma_start3A_2511] : memref<448xi32, #tpu.memory_space<vmem>> -> memref<112xi32, #tpu.memory_space<vmem>>
      %dma_start3A_2513 = arith.constant 0 : i32
      %dma_start3A_2514 = arith.constant 0 : i32
      %dma_start3A_2515 = tpu.memref_slice %arg8[%dma_start3A_2513, %dma_start3A_2514] : memref<100008x128xf32, #tpu.memory_space<hbm>> -> memref<100008x128xf32, #tpu.memory_space<hbm>>
      tpu.enqueue_indirect_dma source(%dma_start3A_2515 : memref<100008x128xf32, #tpu.memory_space<hbm>>) target(%dma_start3A_2510 : memref<112x128xf32, #tpu.memory_space<vmem>>) offsets(%dma_start3A_2512 : memref<112xi32, #tpu.memory_space<vmem>>) semaphore(%arg23 : memref<!tpu.dma_semaphore, #tpu.memory_space<semaphore_mem>>)
      %dma_start3A_2516 = arith.constant 224 : i32
      %dma_start3A_2517 = arith.constant 0 : i32
      %dma_start3A_2518 = tpu.memref_slice %arg19[%dma_start3A_2516, %dma_start3A_2517] : memref<448x128xf32, #tpu.memory_space<vmem>> -> memref<112x128xf32, #tpu.memory_space<vmem>>
      %dma_start3A_2519 = arith.constant 224 : i32
      %dma_start3A_2520 = tpu.memref_slice %arg18[%dma_start3A_2519] : memref<448xi32, #tpu.memory_space<vmem>> -> memref<112xi32, #tpu.memory_space<vmem>>
      %dma_start3A_2521 = arith.constant 0 : i32
      %dma_start3A_2522 = arith.constant 0 : i32
      %dma_start3A_2523 = tpu.memref_slice %arg8[%dma_start3A_2521, %dma_start3A_2522] : memref<100008x128xf32, #tpu.memory_space<hbm>> -> memref<100008x128xf32, #tpu.memory_space<hbm>>
      tpu.enqueue_indirect_dma source(%dma_start3A_2523 : memref<100008x128xf32, #tpu.memory_space<hbm>>) target(%dma_start3A_2518 : memref<112x128xf32, #tpu.memory_space<vmem>>) offsets(%dma_start3A_2520 : memref<112xi32, #tpu.memory_space<vmem>>) semaphore(%arg23 : memref<!tpu.dma_semaphore, #tpu.memory_space<semaphore_mem>>)
      %dma_start3A_2524 = arith.constant 336 : i32
      %dma_start3A_2525 = arith.constant 0 : i32
      %dma_start3A_2526 = tpu.memref_slice %arg19[%dma_start3A_2524, %dma_start3A_2525] : memref<448x128xf32, #tpu.memory_space<vmem>> -> memref<112x128xf32, #tpu.memory_space<vmem>>
      %dma_start3A_2527 = arith.constant 336 : i32
      %dma_start3A_2528 = tpu.memref_slice %arg18[%dma_start3A_2527] : memref<448xi32, #tpu.memory_space<vmem>> -> memref<112xi32, #tpu.memory_space<vmem>>
      %dma_start3A_2529 = arith.constant 0 : i32
      %dma_start3A_2530 = arith.constant 0 : i32
      %dma_start3A_2531 = tpu.memref_slice %arg8[%dma_start3A_2529, %dma_start3A_2530] : memref<100008x128xf32, #tpu.memory_space<hbm>> -> memref<100008x128xf32, #tpu.memory_space<hbm>>
      tpu.enqueue_indirect_dma source(%dma_start3A_2531 : memref<100008x128xf32, #tpu.memory_space<hbm>>) target(%dma_start3A_2526 : memref<112x128xf32, #tpu.memory_space<vmem>>) offsets(%dma_start3A_2528 : memref<112xi32, #tpu.memory_space<vmem>>) semaphore(%arg23 : memref<!tpu.dma_semaphore, #tpu.memory_space<semaphore_mem>>)
      %dma_wait3A_2532 = arith.constant 0 : i32
      %dma_wait3A_2533 = arith.constant 0 : i32
      %dma_wait3A_2534 = tpu.memref_slice %arg19[%dma_wait3A_2532, %dma_wait3A_2533] : memref<448x128xf32, #tpu.memory_space<vmem>> -> memref<112x128xf32, #tpu.memory_space<vmem>>
      %dma_wait3A_2535 = arith.constant 0 : i32
      %dma_wait3A_2536 = tpu.memref_slice %arg18[%dma_wait3A_2535] : memref<448xi32, #tpu.memory_space<vmem>> -> memref<112xi32, #tpu.memory_space<vmem>>
      %dma_wait3A_2537 = arith.constant 0 : i32
      %dma_wait3A_2538 = arith.constant 0 : i32
      %dma_wait3A_2539 = tpu.memref_slice %arg8[%dma_wait3A_2537, %dma_wait3A_2538] : memref<100008x128xf32, #tpu.memory_space<hbm>> -> memref<100008x128xf32, #tpu.memory_space<hbm>>
      tpu.wait_indirect_dma semaphore(%arg23 : memref<!tpu.dma_semaphore, #tpu.memory_space<semaphore_mem>>) src(%dma_wait3A_2539 : memref<100008x128xf32, #tpu.memory_space<hbm>>) dst(%dma_wait3A_2534 : memref<112x128xf32, #tpu.memory_space<vmem>>)
      %dma_wait3A_2540 = arith.constant 112 : i32
      %dma_wait3A_2541 = arith.constant 0 : i32
      %dma_wait3A_2542 = tpu.memref_slice %arg19[%dma_wait3A_2540, %dma_wait3A_2541] : memref<448x128xf32, #tpu.memory_space<vmem>> -> memref<112x128xf32, #tpu.memory_space<vmem>>
      %dma_wait3A_2543 = arith.constant 112 : i32
      %dma_wait3A_2544 = tpu.memref_slice %arg18[%dma_wait3A_2543] : memref<448xi32, #tpu.memory_space<vmem>> -> memref<112xi32, #tpu.memory_space<vmem>>
      %dma_wait3A_2545 = arith.constant 0 : i32
      %dma_wait3A_2546 = arith.constant 0 : i32
      %dma_wait3A_2547 = tpu.memref_slice %arg8[%dma_wait3A_2545, %dma_wait3A_2546] : memref<100008x128xf32, #tpu.memory_space<hbm>> -> memref<100008x128xf32, #tpu.memory_space<hbm>>
      tpu.wait_indirect_dma semaphore(%arg23 : memref<!tpu.dma_semaphore, #tpu.memory_space<semaphore_mem>>) src(%dma_wait3A_2547 : memref<100008x128xf32, #tpu.memory_space<hbm>>) dst(%dma_wait3A_2542 : memref<112x128xf32, #tpu.memory_space<vmem>>)
      %dma_wait3A_2548 = arith.constant 224 : i32
      %dma_wait3A_2549 = arith.constant 0 : i32
      %dma_wait3A_2550 = tpu.memref_slice %arg19[%dma_wait3A_2548, %dma_wait3A_2549] : memref<448x128xf32, #tpu.memory_space<vmem>> -> memref<112x128xf32, #tpu.memory_space<vmem>>
      %dma_wait3A_2551 = arith.constant 224 : i32
      %dma_wait3A_2552 = tpu.memref_slice %arg18[%dma_wait3A_2551] : memref<448xi32, #tpu.memory_space<vmem>> -> memref<112xi32, #tpu.memory_space<vmem>>
      %dma_wait3A_2553 = arith.constant 0 : i32
      %dma_wait3A_2554 = arith.constant 0 : i32
      %dma_wait3A_2555 = tpu.memref_slice %arg8[%dma_wait3A_2553, %dma_wait3A_2554] : memref<100008x128xf32, #tpu.memory_space<hbm>> -> memref<100008x128xf32, #tpu.memory_space<hbm>>
      tpu.wait_indirect_dma semaphore(%arg23 : memref<!tpu.dma_semaphore, #tpu.memory_space<semaphore_mem>>) src(%dma_wait3A_2555 : memref<100008x128xf32, #tpu.memory_space<hbm>>) dst(%dma_wait3A_2550 : memref<112x128xf32, #tpu.memory_space<vmem>>)
      %dma_wait3A_2556 = arith.constant 336 : i32
      %dma_wait3A_2557 = arith.constant 0 : i32
      %dma_wait3A_2558 = tpu.memref_slice %arg19[%dma_wait3A_2556, %dma_wait3A_2557] : memref<448x128xf32, #tpu.memory_space<vmem>> -> memref<112x128xf32, #tpu.memory_space<vmem>>
      %dma_wait3A_2559 = arith.constant 336 : i32
      %dma_wait3A_2560 = tpu.memref_slice %arg18[%dma_wait3A_2559] : memref<448xi32, #tpu.memory_space<vmem>> -> memref<112xi32, #tpu.memory_space<vmem>>
      %dma_wait3A_2561 = arith.constant 0 : i32
      %dma_wait3A_2562 = arith.constant 0 : i32
      %dma_wait3A_2563 = tpu.memref_slice %arg8[%dma_wait3A_2561, %dma_wait3A_2562] : memref<100008x128xf32, #tpu.memory_space<hbm>> -> memref<100008x128xf32, #tpu.memory_space<hbm>>
      tpu.wait_indirect_dma semaphore(%arg23 : memref<!tpu.dma_semaphore, #tpu.memory_space<semaphore_mem>>) src(%dma_wait3A_2563 : memref<100008x128xf32, #tpu.memory_space<hbm>>) dst(%dma_wait3A_2558 : memref<112x128xf32, #tpu.memory_space<vmem>>)
      %swap3A_2564 = arith.constant 0 : index
      %swap3A_2565 = tpu.vector_load %arg21[%swap3A_2564] {strides = array<i32>} : memref<16xf32, #tpu.memory_space<vmem>>, vector<16xf32>,
      tpu.vector_store %arg21[%swap3A_2564], %add3A_2493 {strides = array<i32>} : memref<16xf32, #tpu.memory_space<vmem>>, vector<16xf32>,
      %scan3A = arith.constant 0 : i32
      %scan3A_2566 = arith.constant 0 : i32
      %scan3A_2567 = arith.constant 16 : i32
      %scan3A_2568 = arith.addi %scan3A_2566, %scan3A_2567 : i32
      %scan3A_2569 = arith.constant 1 : i32
      scf.for %scan3A_2571 = %scan3A_2566 to %scan3A_2568 step %scan3A_2569  : i32 {
        %broadcast_in_dim3A_2572 = arith.constant 0.000000e+00 : f32
        %broadcast_in_dim3A_2573 = vector.broadcast %broadcast_in_dim3A_2572 : f32 to vector<16xf32>
        %add3A_2574 = arith.constant 0 : i32
        %add3A_2575 = arith.addi %add3A_2574, %scan3A_2571 : i32
        %get3A_2576 = arith.index_cast %add3A_2575 : i32 to index
        %get3A_2577 = arith.constant 0 : index
        %get3A_2578 = tpu.vector_load %arg19[%get3A_2576, %get3A_2577] {strides = array<i32>} : memref<448x128xf32, #tpu.memory_space<vmem>>, vector<16xf32>,
        %add3A_2579 = arith.addf %broadcast_in_dim3A_2573, %get3A_2578 : vector<16xf32>
        %add3A_2580 = arith.constant 16 : i32
        %add3A_2581 = arith.addi %add3A_2580, %scan3A_2571 : i32
        %get3A_2582 = arith.index_cast %add3A_2581 : i32 to index
        %get3A_2583 = arith.constant 0 : index
        %get3A_2584 = tpu.vector_load %arg19[%get3A_2582, %get3A_2583] {strides = array<i32>} : memref<448x128xf32, #tpu.memory_space<vmem>>, vector<16xf32>,
        %add3A_2585 = arith.addf %add3A_2579, %get3A_2584 : vector<16xf32>
        %add3A_2586 = arith.constant 32 : i32
        %add3A_2587 = arith.addi %add3A_2586, %scan3A_2571 : i32
        %get3A_2588 = arith.index_cast %add3A_2587 : i32 to index
        %get3A_2589 = arith.constant 0 : index
        %get3A_2590 = tpu.vector_load %arg19[%get3A_2588, %get3A_2589] {strides = array<i32>} : memref<448x128xf32, #tpu.memory_space<vmem>>, vector<16xf32>,
        %add3A_2591 = arith.addf %add3A_2585, %get3A_2590 : vector<16xf32>
        %add3A_2592 = arith.constant 48 : i32
        %add3A_2593 = arith.addi %add3A_2592, %scan3A_2571 : i32
        %get3A_2594 = arith.index_cast %add3A_2593 : i32 to index
        %get3A_2595 = arith.constant 0 : index
        %get3A_2596 = tpu.vector_load %arg19[%get3A_2594, %get3A_2595] {strides = array<i32>} : memref<448x128xf32, #tpu.memory_space<vmem>>, vector<16xf32>,
        %add3A_2597 = arith.addf %add3A_2591, %get3A_2596 : vector<16xf32>
        %add3A_2598 = arith.constant 64 : i32
        %add3A_2599 = arith.addi %add3A_2598, %scan3A_2571 : i32
        %get3A_2600 = arith.index_cast %add3A_2599 : i32 to index
        %get3A_2601 = arith.constant 0 : index
        %get3A_2602 = tpu.vector_load %arg19[%get3A_2600, %get3A_2601] {strides = array<i32>} : memref<448x128xf32, #tpu.memory_space<vmem>>, vector<16xf32>,
        %add3A_2603 = arith.addf %add3A_2597, %get3A_2602 : vector<16xf32>
        %add3A_2604 = arith.constant 80 : i32
        %add3A_2605 = arith.addi %add3A_2604, %scan3A_2571 : i32
        %get3A_2606 = arith.index_cast %add3A_2605 : i32 to index
        %get3A_2607 = arith.constant 0 : index
        %get3A_2608 = tpu.vector_load %arg19[%get3A_2606, %get3A_2607] {strides = array<i32>} : memref<448x128xf32, #tpu.memory_space<vmem>>, vector<16xf32>,
        %add3A_2609 = arith.addf %add3A_2603, %get3A_2608 : vector<16xf32>
        %add3A_2610 = arith.constant 96 : i32
        %add3A_2611 = arith.addi %add3A_2610, %scan3A_2571 : i32
        %get3A_2612 = arith.index_cast %add3A_2611 : i32 to index
        %get3A_2613 = arith.constant 0 : index
        %get3A_2614 = tpu.vector_load %arg19[%get3A_2612, %get3A_2613] {strides = array<i32>} : memref<448x128xf32, #tpu.memory_space<vmem>>, vector<16xf32>,
        %add3A_2615 = arith.addf %add3A_2609, %get3A_2614 : vector<16xf32>
        %add3A_2616 = arith.constant 112 : i32
        %add3A_2617 = arith.addi %add3A_2616, %scan3A_2571 : i32
        %get3A_2618 = arith.index_cast %add3A_2617 : i32 to index
        %get3A_2619 = arith.constant 0 : index
        %get3A_2620 = tpu.vector_load %arg19[%get3A_2618, %get3A_2619] {strides = array<i32>} : memref<448x128xf32, #tpu.memory_space<vmem>>, vector<16xf32>,
        %add3A_2621 = arith.addf %add3A_2615, %get3A_2620 : vector<16xf32>
        %add3A_2622 = arith.constant 128 : i32
        %add3A_2623 = arith.addi %add3A_2622, %scan3A_2571 : i32
        %get3A_2624 = arith.index_cast %add3A_2623 : i32 to index
        %get3A_2625 = arith.constant 0 : index
        %get3A_2626 = tpu.vector_load %arg19[%get3A_2624, %get3A_2625] {strides = array<i32>} : memref<448x128xf32, #tpu.memory_space<vmem>>, vector<16xf32>,
        %add3A_2627 = arith.addf %add3A_2621, %get3A_2626 : vector<16xf32>
        %add3A_2628 = arith.constant 144 : i32
        %add3A_2629 = arith.addi %add3A_2628, %scan3A_2571 : i32
        %get3A_2630 = arith.index_cast %add3A_2629 : i32 to index
        %get3A_2631 = arith.constant 0 : index
        %get3A_2632 = tpu.vector_load %arg19[%get3A_2630, %get3A_2631] {strides = array<i32>} : memref<448x128xf32, #tpu.memory_space<vmem>>, vector<16xf32>,
        %add3A_2633 = arith.addf %add3A_2627, %get3A_2632 : vector<16xf32>
        %add3A_2634 = arith.constant 160 : i32
        %add3A_2635 = arith.addi %add3A_2634, %scan3A_2571 : i32
        %get3A_2636 = arith.index_cast %add3A_2635 : i32 to index
        %get3A_2637 = arith.constant 0 : index
        %get3A_2638 = tpu.vector_load %arg19[%get3A_2636, %get3A_2637] {strides = array<i32>} : memref<448x128xf32, #tpu.memory_space<vmem>>, vector<16xf32>,
        %add3A_2639 = arith.addf %add3A_2633, %get3A_2638 : vector<16xf32>
        %add3A_2640 = arith.constant 176 : i32
        %add3A_2641 = arith.addi %add3A_2640, %scan3A_2571 : i32
        %get3A_2642 = arith.index_cast %add3A_2641 : i32 to index
        %get3A_2643 = arith.constant 0 : index
        %get3A_2644 = tpu.vector_load %arg19[%get3A_2642, %get3A_2643] {strides = array<i32>} : memref<448x128xf32, #tpu.memory_space<vmem>>, vector<16xf32>,
        %add3A_2645 = arith.addf %add3A_2639, %get3A_2644 : vector<16xf32>
        %add3A_2646 = arith.constant 192 : i32
        %add3A_2647 = arith.addi %add3A_2646, %scan3A_2571 : i32
        %get3A_2648 = arith.index_cast %add3A_2647 : i32 to index
        %get3A_2649 = arith.constant 0 : index
        %get3A_2650 = tpu.vector_load %arg19[%get3A_2648, %get3A_2649] {strides = array<i32>} : memref<448x128xf32, #tpu.memory_space<vmem>>, vector<16xf32>,
        %add3A_2651 = arith.addf %add3A_2645, %get3A_2650 : vector<16xf32>
        %add3A_2652 = arith.constant 208 : i32
        %add3A_2653 = arith.addi %add3A_2652, %scan3A_2571 : i32
        %get3A_2654 = arith.index_cast %add3A_2653 : i32 to index
        %get3A_2655 = arith.constant 0 : index
        %get3A_2656 = tpu.vector_load %arg19[%get3A_2654, %get3A_2655] {strides = array<i32>} : memref<448x128xf32, #tpu.memory_space<vmem>>, vector<16xf32>,
        %add3A_2657 = arith.addf %add3A_2651, %get3A_2656 : vector<16xf32>
        %add3A_2658 = arith.constant 224 : i32
        %add3A_2659 = arith.addi %add3A_2658, %scan3A_2571 : i32
        %get3A_2660 = arith.index_cast %add3A_2659 : i32 to index
        %get3A_2661 = arith.constant 0 : index
        %get3A_2662 = tpu.vector_load %arg19[%get3A_2660, %get3A_2661] {strides = array<i32>} : memref<448x128xf32, #tpu.memory_space<vmem>>, vector<16xf32>,
        %add3A_2663 = arith.addf %add3A_2657, %get3A_2662 : vector<16xf32>
        %add3A_2664 = arith.constant 240 : i32
        %add3A_2665 = arith.addi %add3A_2664, %scan3A_2571 : i32
        %get3A_2666 = arith.index_cast %add3A_2665 : i32 to index
        %get3A_2667 = arith.constant 0 : index
        %get3A_2668 = tpu.vector_load %arg19[%get3A_2666, %get3A_2667] {strides = array<i32>} : memref<448x128xf32, #tpu.memory_space<vmem>>, vector<16xf32>,
        %add3A_2669 = arith.addf %add3A_2663, %get3A_2668 : vector<16xf32>
        %add3A_2670 = arith.constant 256 : i32
        %add3A_2671 = arith.addi %add3A_2670, %scan3A_2571 : i32
        %get3A_2672 = arith.index_cast %add3A_2671 : i32 to index
        %get3A_2673 = arith.constant 0 : index
        %get3A_2674 = tpu.vector_load %arg19[%get3A_2672, %get3A_2673] {strides = array<i32>} : memref<448x128xf32, #tpu.memory_space<vmem>>, vector<16xf32>,
        %add3A_2675 = arith.addf %add3A_2669, %get3A_2674 : vector<16xf32>
        %add3A_2676 = arith.constant 272 : i32
        %add3A_2677 = arith.addi %add3A_2676, %scan3A_2571 : i32
        %get3A_2678 = arith.index_cast %add3A_2677 : i32 to index
        %get3A_2679 = arith.constant 0 : index
        %get3A_2680 = tpu.vector_load %arg19[%get3A_2678, %get3A_2679] {strides = array<i32>} : memref<448x128xf32, #tpu.memory_space<vmem>>, vector<16xf32>,
        %add3A_2681 = arith.addf %add3A_2675, %get3A_2680 : vector<16xf32>
        %add3A_2682 = arith.constant 288 : i32
        %add3A_2683 = arith.addi %add3A_2682, %scan3A_2571 : i32
        %get3A_2684 = arith.index_cast %add3A_2683 : i32 to index
        %get3A_2685 = arith.constant 0 : index
        %get3A_2686 = tpu.vector_load %arg19[%get3A_2684, %get3A_2685] {strides = array<i32>} : memref<448x128xf32, #tpu.memory_space<vmem>>, vector<16xf32>,
        %add3A_2687 = arith.addf %add3A_2681, %get3A_2686 : vector<16xf32>
        %add3A_2688 = arith.constant 304 : i32
        %add3A_2689 = arith.addi %add3A_2688, %scan3A_2571 : i32
        %get3A_2690 = arith.index_cast %add3A_2689 : i32 to index
        %get3A_2691 = arith.constant 0 : index
        %get3A_2692 = tpu.vector_load %arg19[%get3A_2690, %get3A_2691] {strides = array<i32>} : memref<448x128xf32, #tpu.memory_space<vmem>>, vector<16xf32>,
        %add3A_2693 = arith.addf %add3A_2687, %get3A_2692 : vector<16xf32>
        %add3A_2694 = arith.constant 320 : i32
        %add3A_2695 = arith.addi %add3A_2694, %scan3A_2571 : i32
        %get3A_2696 = arith.index_cast %add3A_2695 : i32 to index
        %get3A_2697 = arith.constant 0 : index
        %get3A_2698 = tpu.vector_load %arg19[%get3A_2696, %get3A_2697] {strides = array<i32>} : memref<448x128xf32, #tpu.memory_space<vmem>>, vector<16xf32>,
        %add3A_2699 = arith.addf %add3A_2693, %get3A_2698 : vector<16xf32>
        %add3A_2700 = arith.constant 336 : i32
        %add3A_2701 = arith.addi %add3A_2700, %scan3A_2571 : i32
        %get3A_2702 = arith.index_cast %add3A_2701 : i32 to index
        %get3A_2703 = arith.constant 0 : index
        %get3A_2704 = tpu.vector_load %arg19[%get3A_2702, %get3A_2703] {strides = array<i32>} : memref<448x128xf32, #tpu.memory_space<vmem>>, vector<16xf32>,
        %add3A_2705 = arith.addf %add3A_2699, %get3A_2704 : vector<16xf32>
        %add3A_2706 = arith.constant 352 : i32
        %add3A_2707 = arith.addi %add3A_2706, %scan3A_2571 : i32
        %get3A_2708 = arith.index_cast %add3A_2707 : i32 to index
        %get3A_2709 = arith.constant 0 : index
        %get3A_2710 = tpu.vector_load %arg19[%get3A_2708, %get3A_2709] {strides = array<i32>} : memref<448x128xf32, #tpu.memory_space<vmem>>, vector<16xf32>,
        %add3A_2711 = arith.addf %add3A_2705, %get3A_2710 : vector<16xf32>
        %add3A_2712 = arith.constant 368 : i32
        %add3A_2713 = arith.addi %add3A_2712, %scan3A_2571 : i32
        %get3A_2714 = arith.index_cast %add3A_2713 : i32 to index
        %get3A_2715 = arith.constant 0 : index
        %get3A_2716 = tpu.vector_load %arg19[%get3A_2714, %get3A_2715] {strides = array<i32>} : memref<448x128xf32, #tpu.memory_space<vmem>>, vector<16xf32>,
        %add3A_2717 = arith.addf %add3A_2711, %get3A_2716 : vector<16xf32>
        %add3A_2718 = arith.constant 384 : i32
        %add3A_2719 = arith.addi %add3A_2718, %scan3A_2571 : i32
        %get3A_2720 = arith.index_cast %add3A_2719 : i32 to index
        %get3A_2721 = arith.constant 0 : index
        %get3A_2722 = tpu.vector_load %arg19[%get3A_2720, %get3A_2721] {strides = array<i32>} : memref<448x128xf32, #tpu.memory_space<vmem>>, vector<16xf32>,
        %add3A_2723 = arith.addf %add3A_2717, %get3A_2722 : vector<16xf32>
        %add3A_2724 = arith.constant 400 : i32
        %add3A_2725 = arith.addi %add3A_2724, %scan3A_2571 : i32
        %get3A_2726 = arith.index_cast %add3A_2725 : i32 to index
        %get3A_2727 = arith.constant 0 : index
        %get3A_2728 = tpu.vector_load %arg19[%get3A_2726, %get3A_2727] {strides = array<i32>} : memref<448x128xf32, #tpu.memory_space<vmem>>, vector<16xf32>,
        %add3A_2729 = arith.addf %add3A_2723, %get3A_2728 : vector<16xf32>
        %add3A_2730 = arith.constant 416 : i32
        %add3A_2731 = arith.addi %add3A_2730, %scan3A_2571 : i32
        %get3A_2732 = arith.index_cast %add3A_2731 : i32 to index
        %get3A_2733 = arith.constant 0 : index
        %get3A_2734 = tpu.vector_load %arg19[%get3A_2732, %get3A_2733] {strides = array<i32>} : memref<448x128xf32, #tpu.memory_space<vmem>>, vector<16xf32>,
        %add3A_2735 = arith.addf %add3A_2729, %get3A_2734 : vector<16xf32>
        %swap3A_2736 = arith.index_cast %scan3A_2571 : i32 to index
        %swap3A_2737 = arith.constant 0 : index
        %swap3A_2738 = tpu.vector_load %arg20[%swap3A_2736, %swap3A_2737] {strides = array<i32>} : memref<16x64xf32, #tpu.memory_space<vmem>>, vector<16xf32>,
        tpu.vector_store %arg20[%swap3A_2736, %swap3A_2737], %add3A_2735 {strides = array<i32>} : memref<16x64xf32, #tpu.memory_space<vmem>>, vector<16xf32>,
        %broadcast_in_dim3A_2739 = arith.constant 0.000000e+00 : f32
        %broadcast_in_dim3A_2740 = vector.broadcast %broadcast_in_dim3A_2739 : f32 to vector<16xf32>
        %add3A_2741 = arith.constant 0 : i32
        %add3A_2742 = arith.addi %add3A_2741, %scan3A_2571 : i32
        %get3A_2743 = arith.index_cast %add3A_2742 : i32 to index
        %get3A_2744 = arith.constant 16 : index
        %get3A_2745 = tpu.vector_load %arg19[%get3A_2743, %get3A_2744] {strides = array<i32>} : memref<448x128xf32, #tpu.memory_space<vmem>>, vector<16xf32>,
        %add3A_2746 = arith.addf %broadcast_in_dim3A_2740, %get3A_2745 : vector<16xf32>
        %add3A_2747 = arith.constant 16 : i32
        %add3A_2748 = arith.addi %add3A_2747, %scan3A_2571 : i32
        %get3A_2749 = arith.index_cast %add3A_2748 : i32 to index
        %get3A_2750 = arith.constant 16 : index
        %get3A_2751 = tpu.vector_load %arg19[%get3A_2749, %get3A_2750] {strides = array<i32>} : memref<448x128xf32, #tpu.memory_space<vmem>>, vector<16xf32>,
        %add3A_2752 = arith.addf %add3A_2746, %get3A_2751 : vector<16xf32>
        %add3A_2753 = arith.constant 32 : i32
        %add3A_2754 = arith.addi %add3A_2753, %scan3A_2571 : i32
        %get3A_2755 = arith.index_cast %add3A_2754 : i32 to index
        %get3A_2756 = arith.constant 16 : index
        %get3A_2757 = tpu.vector_load %arg19[%get3A_2755, %get3A_2756] {strides = array<i32>} : memref<448x128xf32, #tpu.memory_space<vmem>>, vector<16xf32>,
        %add3A_2758 = arith.addf %add3A_2752, %get3A_2757 : vector<16xf32>
        %add3A_2759 = arith.constant 48 : i32
        %add3A_2760 = arith.addi %add3A_2759, %scan3A_2571 : i32
        %get3A_2761 = arith.index_cast %add3A_2760 : i32 to index
        %get3A_2762 = arith.constant 16 : index
        %get3A_2763 = tpu.vector_load %arg19[%get3A_2761, %get3A_2762] {strides = array<i32>} : memref<448x128xf32, #tpu.memory_space<vmem>>, vector<16xf32>,
        %add3A_2764 = arith.addf %add3A_2758, %get3A_2763 : vector<16xf32>
        %add3A_2765 = arith.constant 64 : i32
        %add3A_2766 = arith.addi %add3A_2765, %scan3A_2571 : i32
        %get3A_2767 = arith.index_cast %add3A_2766 : i32 to index
        %get3A_2768 = arith.constant 16 : index
        %get3A_2769 = tpu.vector_load %arg19[%get3A_2767, %get3A_2768] {strides = array<i32>} : memref<448x128xf32, #tpu.memory_space<vmem>>, vector<16xf32>,
        %add3A_2770 = arith.addf %add3A_2764, %get3A_2769 : vector<16xf32>
        %add3A_2771 = arith.constant 80 : i32
        %add3A_2772 = arith.addi %add3A_2771, %scan3A_2571 : i32
        %get3A_2773 = arith.index_cast %add3A_2772 : i32 to index
        %get3A_2774 = arith.constant 16 : index
        %get3A_2775 = tpu.vector_load %arg19[%get3A_2773, %get3A_2774] {strides = array<i32>} : memref<448x128xf32, #tpu.memory_space<vmem>>, vector<16xf32>,
        %add3A_2776 = arith.addf %add3A_2770, %get3A_2775 : vector<16xf32>
        %add3A_2777 = arith.constant 96 : i32
        %add3A_2778 = arith.addi %add3A_2777, %scan3A_2571 : i32
        %get3A_2779 = arith.index_cast %add3A_2778 : i32 to index
        %get3A_2780 = arith.constant 16 : index
        %get3A_2781 = tpu.vector_load %arg19[%get3A_2779, %get3A_2780] {strides = array<i32>} : memref<448x128xf32, #tpu.memory_space<vmem>>, vector<16xf32>,
        %add3A_2782 = arith.addf %add3A_2776, %get3A_2781 : vector<16xf32>
        %add3A_2783 = arith.constant 112 : i32
        %add3A_2784 = arith.addi %add3A_2783, %scan3A_2571 : i32
        %get3A_2785 = arith.index_cast %add3A_2784 : i32 to index
        %get3A_2786 = arith.constant 16 : index
        %get3A_2787 = tpu.vector_load %arg19[%get3A_2785, %get3A_2786] {strides = array<i32>} : memref<448x128xf32, #tpu.memory_space<vmem>>, vector<16xf32>,
        %add3A_2788 = arith.addf %add3A_2782, %get3A_2787 : vector<16xf32>
        %add3A_2789 = arith.constant 128 : i32
        %add3A_2790 = arith.addi %add3A_2789, %scan3A_2571 : i32
        %get3A_2791 = arith.index_cast %add3A_2790 : i32 to index
        %get3A_2792 = arith.constant 16 : index
        %get3A_2793 = tpu.vector_load %arg19[%get3A_2791, %get3A_2792] {strides = array<i32>} : memref<448x128xf32, #tpu.memory_space<vmem>>, vector<16xf32>,
        %add3A_2794 = arith.addf %add3A_2788, %get3A_2793 : vector<16xf32>
        %add3A_2795 = arith.constant 144 : i32
        %add3A_2796 = arith.addi %add3A_2795, %scan3A_2571 : i32
        %get3A_2797 = arith.index_cast %add3A_2796 : i32 to index
        %get3A_2798 = arith.constant 16 : index
        %get3A_2799 = tpu.vector_load %arg19[%get3A_2797, %get3A_2798] {strides = array<i32>} : memref<448x128xf32, #tpu.memory_space<vmem>>, vector<16xf32>,
        %add3A_2800 = arith.addf %add3A_2794, %get3A_2799 : vector<16xf32>
        %add3A_2801 = arith.constant 160 : i32
        %add3A_2802 = arith.addi %add3A_2801, %scan3A_2571 : i32
        %get3A_2803 = arith.index_cast %add3A_2802 : i32 to index
        %get3A_2804 = arith.constant 16 : index
        %get3A_2805 = tpu.vector_load %arg19[%get3A_2803, %get3A_2804] {strides = array<i32>} : memref<448x128xf32, #tpu.memory_space<vmem>>, vector<16xf32>,
        %add3A_2806 = arith.addf %add3A_2800, %get3A_2805 : vector<16xf32>
        %add3A_2807 = arith.constant 176 : i32
        %add3A_2808 = arith.addi %add3A_2807, %scan3A_2571 : i32
        %get3A_2809 = arith.index_cast %add3A_2808 : i32 to index
        %get3A_2810 = arith.constant 16 : index
        %get3A_2811 = tpu.vector_load %arg19[%get3A_2809, %get3A_2810] {strides = array<i32>} : memref<448x128xf32, #tpu.memory_space<vmem>>, vector<16xf32>,
        %add3A_2812 = arith.addf %add3A_2806, %get3A_2811 : vector<16xf32>
        %add3A_2813 = arith.constant 192 : i32
        %add3A_2814 = arith.addi %add3A_2813, %scan3A_2571 : i32
        %get3A_2815 = arith.index_cast %add3A_2814 : i32 to index
        %get3A_2816 = arith.constant 16 : index
        %get3A_2817 = tpu.vector_load %arg19[%get3A_2815, %get3A_2816] {strides = array<i32>} : memref<448x128xf32, #tpu.memory_space<vmem>>, vector<16xf32>,
        %add3A_2818 = arith.addf %add3A_2812, %get3A_2817 : vector<16xf32>
        %add3A_2819 = arith.constant 208 : i32
        %add3A_2820 = arith.addi %add3A_2819, %scan3A_2571 : i32
        %get3A_2821 = arith.index_cast %add3A_2820 : i32 to index
        %get3A_2822 = arith.constant 16 : index
        %get3A_2823 = tpu.vector_load %arg19[%get3A_2821, %get3A_2822] {strides = array<i32>} : memref<448x128xf32, #tpu.memory_space<vmem>>, vector<16xf32>,
        %add3A_2824 = arith.addf %add3A_2818, %get3A_2823 : vector<16xf32>
        %add3A_2825 = arith.constant 224 : i32
        %add3A_2826 = arith.addi %add3A_2825, %scan3A_2571 : i32
        %get3A_2827 = arith.index_cast %add3A_2826 : i32 to index
        %get3A_2828 = arith.constant 16 : index
        %get3A_2829 = tpu.vector_load %arg19[%get3A_2827, %get3A_2828] {strides = array<i32>} : memref<448x128xf32, #tpu.memory_space<vmem>>, vector<16xf32>,
        %add3A_2830 = arith.addf %add3A_2824, %get3A_2829 : vector<16xf32>
        %add3A_2831 = arith.constant 240 : i32
        %add3A_2832 = arith.addi %add3A_2831, %scan3A_2571 : i32
        %get3A_2833 = arith.index_cast %add3A_2832 : i32 to index
        %get3A_2834 = arith.constant 16 : index
        %get3A_2835 = tpu.vector_load %arg19[%get3A_2833, %get3A_2834] {strides = array<i32>} : memref<448x128xf32, #tpu.memory_space<vmem>>, vector<16xf32>,
        %add3A_2836 = arith.addf %add3A_2830, %get3A_2835 : vector<16xf32>
        %add3A_2837 = arith.constant 256 : i32
        %add3A_2838 = arith.addi %add3A_2837, %scan3A_2571 : i32
        %get3A_2839 = arith.index_cast %add3A_2838 : i32 to index
        %get3A_2840 = arith.constant 16 : index
        %get3A_2841 = tpu.vector_load %arg19[%get3A_2839, %get3A_2840] {strides = array<i32>} : memref<448x128xf32, #tpu.memory_space<vmem>>, vector<16xf32>,
        %add3A_2842 = arith.addf %add3A_2836, %get3A_2841 : vector<16xf32>
        %add3A_2843 = arith.constant 272 : i32
        %add3A_2844 = arith.addi %add3A_2843, %scan3A_2571 : i32
        %get3A_2845 = arith.index_cast %add3A_2844 : i32 to index
        %get3A_2846 = arith.constant 16 : index
        %get3A_2847 = tpu.vector_load %arg19[%get3A_2845, %get3A_2846] {strides = array<i32>} : memref<448x128xf32, #tpu.memory_space<vmem>>, vector<16xf32>,
        %add3A_2848 = arith.addf %add3A_2842, %get3A_2847 : vector<16xf32>
        %add3A_2849 = arith.constant 288 : i32
        %add3A_2850 = arith.addi %add3A_2849, %scan3A_2571 : i32
        %get3A_2851 = arith.index_cast %add3A_2850 : i32 to index
        %get3A_2852 = arith.constant 16 : index
        %get3A_2853 = tpu.vector_load %arg19[%get3A_2851, %get3A_2852] {strides = array<i32>} : memref<448x128xf32, #tpu.memory_space<vmem>>, vector<16xf32>,
        %add3A_2854 = arith.addf %add3A_2848, %get3A_2853 : vector<16xf32>
        %add3A_2855 = arith.constant 304 : i32
        %add3A_2856 = arith.addi %add3A_2855, %scan3A_2571 : i32
        %get3A_2857 = arith.index_cast %add3A_2856 : i32 to index
        %get3A_2858 = arith.constant 16 : index
        %get3A_2859 = tpu.vector_load %arg19[%get3A_2857, %get3A_2858] {strides = array<i32>} : memref<448x128xf32, #tpu.memory_space<vmem>>, vector<16xf32>,
        %add3A_2860 = arith.addf %add3A_2854, %get3A_2859 : vector<16xf32>
        %add3A_2861 = arith.constant 320 : i32
        %add3A_2862 = arith.addi %add3A_2861, %scan3A_2571 : i32
        %get3A_2863 = arith.index_cast %add3A_2862 : i32 to index
        %get3A_2864 = arith.constant 16 : index
        %get3A_2865 = tpu.vector_load %arg19[%get3A_2863, %get3A_2864] {strides = array<i32>} : memref<448x128xf32, #tpu.memory_space<vmem>>, vector<16xf32>,
        %add3A_2866 = arith.addf %add3A_2860, %get3A_2865 : vector<16xf32>
        %add3A_2867 = arith.constant 336 : i32
        %add3A_2868 = arith.addi %add3A_2867, %scan3A_2571 : i32
        %get3A_2869 = arith.index_cast %add3A_2868 : i32 to index
        %get3A_2870 = arith.constant 16 : index
        %get3A_2871 = tpu.vector_load %arg19[%get3A_2869, %get3A_2870] {strides = array<i32>} : memref<448x128xf32, #tpu.memory_space<vmem>>, vector<16xf32>,
        %add3A_2872 = arith.addf %add3A_2866, %get3A_2871 : vector<16xf32>
        %add3A_2873 = arith.constant 352 : i32
        %add3A_2874 = arith.addi %add3A_2873, %scan3A_2571 : i32
        %get3A_2875 = arith.index_cast %add3A_2874 : i32 to index
        %get3A_2876 = arith.constant 16 : index
        %get3A_2877 = tpu.vector_load %arg19[%get3A_2875, %get3A_2876] {strides = array<i32>} : memref<448x128xf32, #tpu.memory_space<vmem>>, vector<16xf32>,
        %add3A_2878 = arith.addf %add3A_2872, %get3A_2877 : vector<16xf32>
        %add3A_2879 = arith.constant 368 : i32
        %add3A_2880 = arith.addi %add3A_2879, %scan3A_2571 : i32
        %get3A_2881 = arith.index_cast %add3A_2880 : i32 to index
        %get3A_2882 = arith.constant 16 : index
        %get3A_2883 = tpu.vector_load %arg19[%get3A_2881, %get3A_2882] {strides = array<i32>} : memref<448x128xf32, #tpu.memory_space<vmem>>, vector<16xf32>,
        %add3A_2884 = arith.addf %add3A_2878, %get3A_2883 : vector<16xf32>
        %add3A_2885 = arith.constant 384 : i32
        %add3A_2886 = arith.addi %add3A_2885, %scan3A_2571 : i32
        %get3A_2887 = arith.index_cast %add3A_2886 : i32 to index
        %get3A_2888 = arith.constant 16 : index
        %get3A_2889 = tpu.vector_load %arg19[%get3A_2887, %get3A_2888] {strides = array<i32>} : memref<448x128xf32, #tpu.memory_space<vmem>>, vector<16xf32>,
        %add3A_2890 = arith.addf %add3A_2884, %get3A_2889 : vector<16xf32>
        %add3A_2891 = arith.constant 400 : i32
        %add3A_2892 = arith.addi %add3A_2891, %scan3A_2571 : i32
        %get3A_2893 = arith.index_cast %add3A_2892 : i32 to index
        %get3A_2894 = arith.constant 16 : index
        %get3A_2895 = tpu.vector_load %arg19[%get3A_2893, %get3A_2894] {strides = array<i32>} : memref<448x128xf32, #tpu.memory_space<vmem>>, vector<16xf32>,
        %add3A_2896 = arith.addf %add3A_2890, %get3A_2895 : vector<16xf32>
        %add3A_2897 = arith.constant 416 : i32
        %add3A_2898 = arith.addi %add3A_2897, %scan3A_2571 : i32
        %get3A_2899 = arith.index_cast %add3A_2898 : i32 to index
        %get3A_2900 = arith.constant 16 : index
        %get3A_2901 = tpu.vector_load %arg19[%get3A_2899, %get3A_2900] {strides = array<i32>} : memref<448x128xf32, #tpu.memory_space<vmem>>, vector<16xf32>,
        %add3A_2902 = arith.addf %add3A_2896, %get3A_2901 : vector<16xf32>
        %swap3A_2903 = arith.index_cast %scan3A_2571 : i32 to index
        %swap3A_2904 = arith.constant 16 : index
        %swap3A_2905 = tpu.vector_load %arg20[%swap3A_2903, %swap3A_2904] {strides = array<i32>} : memref<16x64xf32, #tpu.memory_space<vmem>>, vector<16xf32>,
        tpu.vector_store %arg20[%swap3A_2903, %swap3A_2904], %add3A_2902 {strides = array<i32>} : memref<16x64xf32, #tpu.memory_space<vmem>>, vector<16xf32>,
        %broadcast_in_dim3A_2906 = arith.constant 0.000000e+00 : f32
        %broadcast_in_dim3A_2907 = vector.broadcast %broadcast_in_dim3A_2906 : f32 to vector<16xf32>
        %add3A_2908 = arith.constant 0 : i32
        %add3A_2909 = arith.addi %add3A_2908, %scan3A_2571 : i32
        %get3A_2910 = arith.index_cast %add3A_2909 : i32 to index
        %get3A_2911 = arith.constant 32 : index
        %get3A_2912 = tpu.vector_load %arg19[%get3A_2910, %get3A_2911] {strides = array<i32>} : memref<448x128xf32, #tpu.memory_space<vmem>>, vector<16xf32>,
        %add3A_2913 = arith.addf %broadcast_in_dim3A_2907, %get3A_2912 : vector<16xf32>
        %add3A_2914 = arith.constant 16 : i32
        %add3A_2915 = arith.addi %add3A_2914, %scan3A_2571 : i32
        %get3A_2916 = arith.index_cast %add3A_2915 : i32 to index
        %get3A_2917 = arith.constant 32 : index
        %get3A_2918 = tpu.vector_load %arg19[%get3A_2916, %get3A_2917] {strides = array<i32>} : memref<448x128xf32, #tpu.memory_space<vmem>>, vector<16xf32>,
        %add3A_2919 = arith.addf %add3A_2913, %get3A_2918 : vector<16xf32>
        %add3A_2920 = arith.constant 32 : i32
        %add3A_2921 = arith.addi %add3A_2920, %scan3A_2571 : i32
        %get3A_2922 = arith.index_cast %add3A_2921 : i32 to index
        %get3A_2923 = arith.constant 32 : index
        %get3A_2924 = tpu.vector_load %arg19[%get3A_2922, %get3A_2923] {strides = array<i32>} : memref<448x128xf32, #tpu.memory_space<vmem>>, vector<16xf32>,
        %add3A_2925 = arith.addf %add3A_2919, %get3A_2924 : vector<16xf32>
        %add3A_2926 = arith.constant 48 : i32
        %add3A_2927 = arith.addi %add3A_2926, %scan3A_2571 : i32
        %get3A_2928 = arith.index_cast %add3A_2927 : i32 to index
        %get3A_2929 = arith.constant 32 : index
        %get3A_2930 = tpu.vector_load %arg19[%get3A_2928, %get3A_2929] {strides = array<i32>} : memref<448x128xf32, #tpu.memory_space<vmem>>, vector<16xf32>,
        %add3A_2931 = arith.addf %add3A_2925, %get3A_2930 : vector<16xf32>
        %add3A_2932 = arith.constant 64 : i32
        %add3A_2933 = arith.addi %add3A_2932, %scan3A_2571 : i32
        %get3A_2934 = arith.index_cast %add3A_2933 : i32 to index
        %get3A_2935 = arith.constant 32 : index
        %get3A_2936 = tpu.vector_load %arg19[%get3A_2934, %get3A_2935] {strides = array<i32>} : memref<448x128xf32, #tpu.memory_space<vmem>>, vector<16xf32>,
        %add3A_2937 = arith.addf %add3A_2931, %get3A_2936 : vector<16xf32>
        %add3A_2938 = arith.constant 80 : i32
        %add3A_2939 = arith.addi %add3A_2938, %scan3A_2571 : i32
        %get3A_2940 = arith.index_cast %add3A_2939 : i32 to index
        %get3A_2941 = arith.constant 32 : index
        %get3A_2942 = tpu.vector_load %arg19[%get3A_2940, %get3A_2941] {strides = array<i32>} : memref<448x128xf32, #tpu.memory_space<vmem>>, vector<16xf32>,
        %add3A_2943 = arith.addf %add3A_2937, %get3A_2942 : vector<16xf32>
        %add3A_2944 = arith.constant 96 : i32
        %add3A_2945 = arith.addi %add3A_2944, %scan3A_2571 : i32
        %get3A_2946 = arith.index_cast %add3A_2945 : i32 to index
        %get3A_2947 = arith.constant 32 : index
        %get3A_2948 = tpu.vector_load %arg19[%get3A_2946, %get3A_2947] {strides = array<i32>} : memref<448x128xf32, #tpu.memory_space<vmem>>, vector<16xf32>,
        %add3A_2949 = arith.addf %add3A_2943, %get3A_2948 : vector<16xf32>
        %add3A_2950 = arith.constant 112 : i32
        %add3A_2951 = arith.addi %add3A_2950, %scan3A_2571 : i32
        %get3A_2952 = arith.index_cast %add3A_2951 : i32 to index
        %get3A_2953 = arith.constant 32 : index
        %get3A_2954 = tpu.vector_load %arg19[%get3A_2952, %get3A_2953] {strides = array<i32>} : memref<448x128xf32, #tpu.memory_space<vmem>>, vector<16xf32>,
        %add3A_2955 = arith.addf %add3A_2949, %get3A_2954 : vector<16xf32>
        %add3A_2956 = arith.constant 128 : i32
        %add3A_2957 = arith.addi %add3A_2956, %scan3A_2571 : i32
        %get3A_2958 = arith.index_cast %add3A_2957 : i32 to index
        %get3A_2959 = arith.constant 32 : index
        %get3A_2960 = tpu.vector_load %arg19[%get3A_2958, %get3A_2959] {strides = array<i32>} : memref<448x128xf32, #tpu.memory_space<vmem>>, vector<16xf32>,
        %add3A_2961 = arith.addf %add3A_2955, %get3A_2960 : vector<16xf32>
        %add3A_2962 = arith.constant 144 : i32
        %add3A_2963 = arith.addi %add3A_2962, %scan3A_2571 : i32
        %get3A_2964 = arith.index_cast %add3A_2963 : i32 to index
        %get3A_2965 = arith.constant 32 : index
        %get3A_2966 = tpu.vector_load %arg19[%get3A_2964, %get3A_2965] {strides = array<i32>} : memref<448x128xf32, #tpu.memory_space<vmem>>, vector<16xf32>,
        %add3A_2967 = arith.addf %add3A_2961, %get3A_2966 : vector<16xf32>
        %add3A_2968 = arith.constant 160 : i32
        %add3A_2969 = arith.addi %add3A_2968, %scan3A_2571 : i32
        %get3A_2970 = arith.index_cast %add3A_2969 : i32 to index
        %get3A_2971 = arith.constant 32 : index
        %get3A_2972 = tpu.vector_load %arg19[%get3A_2970, %get3A_2971] {strides = array<i32>} : memref<448x128xf32, #tpu.memory_space<vmem>>, vector<16xf32>,
        %add3A_2973 = arith.addf %add3A_2967, %get3A_2972 : vector<16xf32>
        %add3A_2974 = arith.constant 176 : i32
        %add3A_2975 = arith.addi %add3A_2974, %scan3A_2571 : i32
        %get3A_2976 = arith.index_cast %add3A_2975 : i32 to index
        %get3A_2977 = arith.constant 32 : index
        %get3A_2978 = tpu.vector_load %arg19[%get3A_2976, %get3A_2977] {strides = array<i32>} : memref<448x128xf32, #tpu.memory_space<vmem>>, vector<16xf32>,
        %add3A_2979 = arith.addf %add3A_2973, %get3A_2978 : vector<16xf32>
        %add3A_2980 = arith.constant 192 : i32
        %add3A_2981 = arith.addi %add3A_2980, %scan3A_2571 : i32
        %get3A_2982 = arith.index_cast %add3A_2981 : i32 to index
        %get3A_2983 = arith.constant 32 : index
        %get3A_2984 = tpu.vector_load %arg19[%get3A_2982, %get3A_2983] {strides = array<i32>} : memref<448x128xf32, #tpu.memory_space<vmem>>, vector<16xf32>,
        %add3A_2985 = arith.addf %add3A_2979, %get3A_2984 : vector<16xf32>
        %add3A_2986 = arith.constant 208 : i32
        %add3A_2987 = arith.addi %add3A_2986, %scan3A_2571 : i32
        %get3A_2988 = arith.index_cast %add3A_2987 : i32 to index
        %get3A_2989 = arith.constant 32 : index
        %get3A_2990 = tpu.vector_load %arg19[%get3A_2988, %get3A_2989] {strides = array<i32>} : memref<448x128xf32, #tpu.memory_space<vmem>>, vector<16xf32>,
        %add3A_2991 = arith.addf %add3A_2985, %get3A_2990 : vector<16xf32>
        %add3A_2992 = arith.constant 224 : i32
        %add3A_2993 = arith.addi %add3A_2992, %scan3A_2571 : i32
        %get3A_2994 = arith.index_cast %add3A_2993 : i32 to index
        %get3A_2995 = arith.constant 32 : index
        %get3A_2996 = tpu.vector_load %arg19[%get3A_2994, %get3A_2995] {strides = array<i32>} : memref<448x128xf32, #tpu.memory_space<vmem>>, vector<16xf32>,
        %add3A_2997 = arith.addf %add3A_2991, %get3A_2996 : vector<16xf32>
        %add3A_2998 = arith.constant 240 : i32
        %add3A_2999 = arith.addi %add3A_2998, %scan3A_2571 : i32
        %get3A_3000 = arith.index_cast %add3A_2999 : i32 to index
        %get3A_3001 = arith.constant 32 : index
        %get3A_3002 = tpu.vector_load %arg19[%get3A_3000, %get3A_3001] {strides = array<i32>} : memref<448x128xf32, #tpu.memory_space<vmem>>, vector<16xf32>,
        %add3A_3003 = arith.addf %add3A_2997, %get3A_3002 : vector<16xf32>
        %add3A_3004 = arith.constant 256 : i32
        %add3A_3005 = arith.addi %add3A_3004, %scan3A_2571 : i32
        %get3A_3006 = arith.index_cast %add3A_3005 : i32 to index
        %get3A_3007 = arith.constant 32 : index
        %get3A_3008 = tpu.vector_load %arg19[%get3A_3006, %get3A_3007] {strides = array<i32>} : memref<448x128xf32, #tpu.memory_space<vmem>>, vector<16xf32>,
        %add3A_3009 = arith.addf %add3A_3003, %get3A_3008 : vector<16xf32>
        %add3A_3010 = arith.constant 272 : i32
        %add3A_3011 = arith.addi %add3A_3010, %scan3A_2571 : i32
        %get3A_3012 = arith.index_cast %add3A_3011 : i32 to index
        %get3A_3013 = arith.constant 32 : index
        %get3A_3014 = tpu.vector_load %arg19[%get3A_3012, %get3A_3013] {strides = array<i32>} : memref<448x128xf32, #tpu.memory_space<vmem>>, vector<16xf32>,
        %add3A_3015 = arith.addf %add3A_3009, %get3A_3014 : vector<16xf32>
        %add3A_3016 = arith.constant 288 : i32
        %add3A_3017 = arith.addi %add3A_3016, %scan3A_2571 : i32
        %get3A_3018 = arith.index_cast %add3A_3017 : i32 to index
        %get3A_3019 = arith.constant 32 : index
        %get3A_3020 = tpu.vector_load %arg19[%get3A_3018, %get3A_3019] {strides = array<i32>} : memref<448x128xf32, #tpu.memory_space<vmem>>, vector<16xf32>,
        %add3A_3021 = arith.addf %add3A_3015, %get3A_3020 : vector<16xf32>
        %add3A_3022 = arith.constant 304 : i32
        %add3A_3023 = arith.addi %add3A_3022, %scan3A_2571 : i32
        %get3A_3024 = arith.index_cast %add3A_3023 : i32 to index
        %get3A_3025 = arith.constant 32 : index
        %get3A_3026 = tpu.vector_load %arg19[%get3A_3024, %get3A_3025] {strides = array<i32>} : memref<448x128xf32, #tpu.memory_space<vmem>>, vector<16xf32>,
        %add3A_3027 = arith.addf %add3A_3021, %get3A_3026 : vector<16xf32>
        %add3A_3028 = arith.constant 320 : i32
        %add3A_3029 = arith.addi %add3A_3028, %scan3A_2571 : i32
        %get3A_3030 = arith.index_cast %add3A_3029 : i32 to index
        %get3A_3031 = arith.constant 32 : index
        %get3A_3032 = tpu.vector_load %arg19[%get3A_3030, %get3A_3031] {strides = array<i32>} : memref<448x128xf32, #tpu.memory_space<vmem>>, vector<16xf32>,
        %add3A_3033 = arith.addf %add3A_3027, %get3A_3032 : vector<16xf32>
        %add3A_3034 = arith.constant 336 : i32
        %add3A_3035 = arith.addi %add3A_3034, %scan3A_2571 : i32
        %get3A_3036 = arith.index_cast %add3A_3035 : i32 to index
        %get3A_3037 = arith.constant 32 : index
        %get3A_3038 = tpu.vector_load %arg19[%get3A_3036, %get3A_3037] {strides = array<i32>} : memref<448x128xf32, #tpu.memory_space<vmem>>, vector<16xf32>,
        %add3A_3039 = arith.addf %add3A_3033, %get3A_3038 : vector<16xf32>
        %add3A_3040 = arith.constant 352 : i32
        %add3A_3041 = arith.addi %add3A_3040, %scan3A_2571 : i32
        %get3A_3042 = arith.index_cast %add3A_3041 : i32 to index
        %get3A_3043 = arith.constant 32 : index
        %get3A_3044 = tpu.vector_load %arg19[%get3A_3042, %get3A_3043] {strides = array<i32>} : memref<448x128xf32, #tpu.memory_space<vmem>>, vector<16xf32>,
        %add3A_3045 = arith.addf %add3A_3039, %get3A_3044 : vector<16xf32>
        %add3A_3046 = arith.constant 368 : i32
        %add3A_3047 = arith.addi %add3A_3046, %scan3A_2571 : i32
        %get3A_3048 = arith.index_cast %add3A_3047 : i32 to index
        %get3A_3049 = arith.constant 32 : index
        %get3A_3050 = tpu.vector_load %arg19[%get3A_3048, %get3A_3049] {strides = array<i32>} : memref<448x128xf32, #tpu.memory_space<vmem>>, vector<16xf32>,
        %add3A_3051 = arith.addf %add3A_3045, %get3A_3050 : vector<16xf32>
        %add3A_3052 = arith.constant 384 : i32
        %add3A_3053 = arith.addi %add3A_3052, %scan3A_2571 : i32
        %get3A_3054 = arith.index_cast %add3A_3053 : i32 to index
        %get3A_3055 = arith.constant 32 : index
        %get3A_3056 = tpu.vector_load %arg19[%get3A_3054, %get3A_3055] {strides = array<i32>} : memref<448x128xf32, #tpu.memory_space<vmem>>, vector<16xf32>,
        %add3A_3057 = arith.addf %add3A_3051, %get3A_3056 : vector<16xf32>
        %add3A_3058 = arith.constant 400 : i32
        %add3A_3059 = arith.addi %add3A_3058, %scan3A_2571 : i32
        %get3A_3060 = arith.index_cast %add3A_3059 : i32 to index
        %get3A_3061 = arith.constant 32 : index
        %get3A_3062 = tpu.vector_load %arg19[%get3A_3060, %get3A_3061] {strides = array<i32>} : memref<448x128xf32, #tpu.memory_space<vmem>>, vector<16xf32>,
        %add3A_3063 = arith.addf %add3A_3057, %get3A_3062 : vector<16xf32>
        %add3A_3064 = arith.constant 416 : i32
        %add3A_3065 = arith.addi %add3A_3064, %scan3A_2571 : i32
        %get3A_3066 = arith.index_cast %add3A_3065 : i32 to index
        %get3A_3067 = arith.constant 32 : index
        %get3A_3068 = tpu.vector_load %arg19[%get3A_3066, %get3A_3067] {strides = array<i32>} : memref<448x128xf32, #tpu.memory_space<vmem>>, vector<16xf32>,
        %add3A_3069 = arith.addf %add3A_3063, %get3A_3068 : vector<16xf32>
        %swap3A_3070 = arith.index_cast %scan3A_2571 : i32 to index
        %swap3A_3071 = arith.constant 32 : index
        %swap3A_3072 = tpu.vector_load %arg20[%swap3A_3070, %swap3A_3071] {strides = array<i32>} : memref<16x64xf32, #tpu.memory_space<vmem>>, vector<16xf32>,
        tpu.vector_store %arg20[%swap3A_3070, %swap3A_3071], %add3A_3069 {strides = array<i32>} : memref<16x64xf32, #tpu.memory_space<vmem>>, vector<16xf32>,
        %broadcast_in_dim3A_3073 = arith.constant 0.000000e+00 : f32
        %broadcast_in_dim3A_3074 = vector.broadcast %broadcast_in_dim3A_3073 : f32 to vector<16xf32>
        %add3A_3075 = arith.constant 0 : i32
        %add3A_3076 = arith.addi %add3A_3075, %scan3A_2571 : i32
        %get3A_3077 = arith.index_cast %add3A_3076 : i32 to index
        %get3A_3078 = arith.constant 48 : index
        %get3A_3079 = tpu.vector_load %arg19[%get3A_3077, %get3A_3078] {strides = array<i32>} : memref<448x128xf32, #tpu.memory_space<vmem>>, vector<16xf32>,
        %add3A_3080 = arith.addf %broadcast_in_dim3A_3074, %get3A_3079 : vector<16xf32>
        %add3A_3081 = arith.constant 16 : i32
        %add3A_3082 = arith.addi %add3A_3081, %scan3A_2571 : i32
        %get3A_3083 = arith.index_cast %add3A_3082 : i32 to index
        %get3A_3084 = arith.constant 48 : index
        %get3A_3085 = tpu.vector_load %arg19[%get3A_3083, %get3A_3084] {strides = array<i32>} : memref<448x128xf32, #tpu.memory_space<vmem>>, vector<16xf32>,
        %add3A_3086 = arith.addf %add3A_3080, %get3A_3085 : vector<16xf32>
        %add3A_3087 = arith.constant 32 : i32
        %add3A_3088 = arith.addi %add3A_3087, %scan3A_2571 : i32
        %get3A_3089 = arith.index_cast %add3A_3088 : i32 to index
        %get3A_3090 = arith.constant 48 : index
        %get3A_3091 = tpu.vector_load %arg19[%get3A_3089, %get3A_3090] {strides = array<i32>} : memref<448x128xf32, #tpu.memory_space<vmem>>, vector<16xf32>,
        %add3A_3092 = arith.addf %add3A_3086, %get3A_3091 : vector<16xf32>
        %add3A_3093 = arith.constant 48 : i32
        %add3A_3094 = arith.addi %add3A_3093, %scan3A_2571 : i32
        %get3A_3095 = arith.index_cast %add3A_3094 : i32 to index
        %get3A_3096 = arith.constant 48 : index
        %get3A_3097 = tpu.vector_load %arg19[%get3A_3095, %get3A_3096] {strides = array<i32>} : memref<448x128xf32, #tpu.memory_space<vmem>>, vector<16xf32>,
        %add3A_3098 = arith.addf %add3A_3092, %get3A_3097 : vector<16xf32>
        %add3A_3099 = arith.constant 64 : i32
        %add3A_3100 = arith.addi %add3A_3099, %scan3A_2571 : i32
        %get3A_3101 = arith.index_cast %add3A_3100 : i32 to index
        %get3A_3102 = arith.constant 48 : index
        %get3A_3103 = tpu.vector_load %arg19[%get3A_3101, %get3A_3102] {strides = array<i32>} : memref<448x128xf32, #tpu.memory_space<vmem>>, vector<16xf32>,
        %add3A_3104 = arith.addf %add3A_3098, %get3A_3103 : vector<16xf32>
        %add3A_3105 = arith.constant 80 : i32
        %add3A_3106 = arith.addi %add3A_3105, %scan3A_2571 : i32
        %get3A_3107 = arith.index_cast %add3A_3106 : i32 to index
        %get3A_3108 = arith.constant 48 : index
        %get3A_3109 = tpu.vector_load %arg19[%get3A_3107, %get3A_3108] {strides = array<i32>} : memref<448x128xf32, #tpu.memory_space<vmem>>, vector<16xf32>,
        %add3A_3110 = arith.addf %add3A_3104, %get3A_3109 : vector<16xf32>
        %add3A_3111 = arith.constant 96 : i32
        %add3A_3112 = arith.addi %add3A_3111, %scan3A_2571 : i32
        %get3A_3113 = arith.index_cast %add3A_3112 : i32 to index
        %get3A_3114 = arith.constant 48 : index
        %get3A_3115 = tpu.vector_load %arg19[%get3A_3113, %get3A_3114] {strides = array<i32>} : memref<448x128xf32, #tpu.memory_space<vmem>>, vector<16xf32>,
        %add3A_3116 = arith.addf %add3A_3110, %get3A_3115 : vector<16xf32>
        %add3A_3117 = arith.constant 112 : i32
        %add3A_3118 = arith.addi %add3A_3117, %scan3A_2571 : i32
        %get3A_3119 = arith.index_cast %add3A_3118 : i32 to index
        %get3A_3120 = arith.constant 48 : index
        %get3A_3121 = tpu.vector_load %arg19[%get3A_3119, %get3A_3120] {strides = array<i32>} : memref<448x128xf32, #tpu.memory_space<vmem>>, vector<16xf32>,
        %add3A_3122 = arith.addf %add3A_3116, %get3A_3121 : vector<16xf32>
        %add3A_3123 = arith.constant 128 : i32
        %add3A_3124 = arith.addi %add3A_3123, %scan3A_2571 : i32
        %get3A_3125 = arith.index_cast %add3A_3124 : i32 to index
        %get3A_3126 = arith.constant 48 : index
        %get3A_3127 = tpu.vector_load %arg19[%get3A_3125, %get3A_3126] {strides = array<i32>} : memref<448x128xf32, #tpu.memory_space<vmem>>, vector<16xf32>,
        %add3A_3128 = arith.addf %add3A_3122, %get3A_3127 : vector<16xf32>
        %add3A_3129 = arith.constant 144 : i32
        %add3A_3130 = arith.addi %add3A_3129, %scan3A_2571 : i32
        %get3A_3131 = arith.index_cast %add3A_3130 : i32 to index
        %get3A_3132 = arith.constant 48 : index
        %get3A_3133 = tpu.vector_load %arg19[%get3A_3131, %get3A_3132] {strides = array<i32>} : memref<448x128xf32, #tpu.memory_space<vmem>>, vector<16xf32>,
        %add3A_3134 = arith.addf %add3A_3128, %get3A_3133 : vector<16xf32>
        %add3A_3135 = arith.constant 160 : i32
        %add3A_3136 = arith.addi %add3A_3135, %scan3A_2571 : i32
        %get3A_3137 = arith.index_cast %add3A_3136 : i32 to index
        %get3A_3138 = arith.constant 48 : index
        %get3A_3139 = tpu.vector_load %arg19[%get3A_3137, %get3A_3138] {strides = array<i32>} : memref<448x128xf32, #tpu.memory_space<vmem>>, vector<16xf32>,
        %add3A_3140 = arith.addf %add3A_3134, %get3A_3139 : vector<16xf32>
        %add3A_3141 = arith.constant 176 : i32
        %add3A_3142 = arith.addi %add3A_3141, %scan3A_2571 : i32
        %get3A_3143 = arith.index_cast %add3A_3142 : i32 to index
        %get3A_3144 = arith.constant 48 : index
        %get3A_3145 = tpu.vector_load %arg19[%get3A_3143, %get3A_3144] {strides = array<i32>} : memref<448x128xf32, #tpu.memory_space<vmem>>, vector<16xf32>,
        %add3A_3146 = arith.addf %add3A_3140, %get3A_3145 : vector<16xf32>
        %add3A_3147 = arith.constant 192 : i32
        %add3A_3148 = arith.addi %add3A_3147, %scan3A_2571 : i32
        %get3A_3149 = arith.index_cast %add3A_3148 : i32 to index
        %get3A_3150 = arith.constant 48 : index
        %get3A_3151 = tpu.vector_load %arg19[%get3A_3149, %get3A_3150] {strides = array<i32>} : memref<448x128xf32, #tpu.memory_space<vmem>>, vector<16xf32>,
        %add3A_3152 = arith.addf %add3A_3146, %get3A_3151 : vector<16xf32>
        %add3A_3153 = arith.constant 208 : i32
        %add3A_3154 = arith.addi %add3A_3153, %scan3A_2571 : i32
        %get3A_3155 = arith.index_cast %add3A_3154 : i32 to index
        %get3A_3156 = arith.constant 48 : index
        %get3A_3157 = tpu.vector_load %arg19[%get3A_3155, %get3A_3156] {strides = array<i32>} : memref<448x128xf32, #tpu.memory_space<vmem>>, vector<16xf32>,
        %add3A_3158 = arith.addf %add3A_3152, %get3A_3157 : vector<16xf32>
        %add3A_3159 = arith.constant 224 : i32
        %add3A_3160 = arith.addi %add3A_3159, %scan3A_2571 : i32
        %get3A_3161 = arith.index_cast %add3A_3160 : i32 to index
        %get3A_3162 = arith.constant 48 : index
        %get3A_3163 = tpu.vector_load %arg19[%get3A_3161, %get3A_3162] {strides = array<i32>} : memref<448x128xf32, #tpu.memory_space<vmem>>, vector<16xf32>,
        %add3A_3164 = arith.addf %add3A_3158, %get3A_3163 : vector<16xf32>
        %add3A_3165 = arith.constant 240 : i32
        %add3A_3166 = arith.addi %add3A_3165, %scan3A_2571 : i32
        %get3A_3167 = arith.index_cast %add3A_3166 : i32 to index
        %get3A_3168 = arith.constant 48 : index
        %get3A_3169 = tpu.vector_load %arg19[%get3A_3167, %get3A_3168] {strides = array<i32>} : memref<448x128xf32, #tpu.memory_space<vmem>>, vector<16xf32>,
        %add3A_3170 = arith.addf %add3A_3164, %get3A_3169 : vector<16xf32>
        %add3A_3171 = arith.constant 256 : i32
        %add3A_3172 = arith.addi %add3A_3171, %scan3A_2571 : i32
        %get3A_3173 = arith.index_cast %add3A_3172 : i32 to index
        %get3A_3174 = arith.constant 48 : index
        %get3A_3175 = tpu.vector_load %arg19[%get3A_3173, %get3A_3174] {strides = array<i32>} : memref<448x128xf32, #tpu.memory_space<vmem>>, vector<16xf32>,
        %add3A_3176 = arith.addf %add3A_3170, %get3A_3175 : vector<16xf32>
        %add3A_3177 = arith.constant 272 : i32
        %add3A_3178 = arith.addi %add3A_3177, %scan3A_2571 : i32
        %get3A_3179 = arith.index_cast %add3A_3178 : i32 to index
        %get3A_3180 = arith.constant 48 : index
        %get3A_3181 = tpu.vector_load %arg19[%get3A_3179, %get3A_3180] {strides = array<i32>} : memref<448x128xf32, #tpu.memory_space<vmem>>, vector<16xf32>,
        %add3A_3182 = arith.addf %add3A_3176, %get3A_3181 : vector<16xf32>
        %add3A_3183 = arith.constant 288 : i32
        %add3A_3184 = arith.addi %add3A_3183, %scan3A_2571 : i32
        %get3A_3185 = arith.index_cast %add3A_3184 : i32 to index
        %get3A_3186 = arith.constant 48 : index
        %get3A_3187 = tpu.vector_load %arg19[%get3A_3185, %get3A_3186] {strides = array<i32>} : memref<448x128xf32, #tpu.memory_space<vmem>>, vector<16xf32>,
        %add3A_3188 = arith.addf %add3A_3182, %get3A_3187 : vector<16xf32>
        %add3A_3189 = arith.constant 304 : i32
        %add3A_3190 = arith.addi %add3A_3189, %scan3A_2571 : i32
        %get3A_3191 = arith.index_cast %add3A_3190 : i32 to index
        %get3A_3192 = arith.constant 48 : index
        %get3A_3193 = tpu.vector_load %arg19[%get3A_3191, %get3A_3192] {strides = array<i32>} : memref<448x128xf32, #tpu.memory_space<vmem>>, vector<16xf32>,
        %add3A_3194 = arith.addf %add3A_3188, %get3A_3193 : vector<16xf32>
        %add3A_3195 = arith.constant 320 : i32
        %add3A_3196 = arith.addi %add3A_3195, %scan3A_2571 : i32
        %get3A_3197 = arith.index_cast %add3A_3196 : i32 to index
        %get3A_3198 = arith.constant 48 : index
        %get3A_3199 = tpu.vector_load %arg19[%get3A_3197, %get3A_3198] {strides = array<i32>} : memref<448x128xf32, #tpu.memory_space<vmem>>, vector<16xf32>,
        %add3A_3200 = arith.addf %add3A_3194, %get3A_3199 : vector<16xf32>
        %add3A_3201 = arith.constant 336 : i32
        %add3A_3202 = arith.addi %add3A_3201, %scan3A_2571 : i32
        %get3A_3203 = arith.index_cast %add3A_3202 : i32 to index
        %get3A_3204 = arith.constant 48 : index
        %get3A_3205 = tpu.vector_load %arg19[%get3A_3203, %get3A_3204] {strides = array<i32>} : memref<448x128xf32, #tpu.memory_space<vmem>>, vector<16xf32>,
        %add3A_3206 = arith.addf %add3A_3200, %get3A_3205 : vector<16xf32>
        %add3A_3207 = arith.constant 352 : i32
        %add3A_3208 = arith.addi %add3A_3207, %scan3A_2571 : i32
        %get3A_3209 = arith.index_cast %add3A_3208 : i32 to index
        %get3A_3210 = arith.constant 48 : index
        %get3A_3211 = tpu.vector_load %arg19[%get3A_3209, %get3A_3210] {strides = array<i32>} : memref<448x128xf32, #tpu.memory_space<vmem>>, vector<16xf32>,
        %add3A_3212 = arith.addf %add3A_3206, %get3A_3211 : vector<16xf32>
        %add3A_3213 = arith.constant 368 : i32
        %add3A_3214 = arith.addi %add3A_3213, %scan3A_2571 : i32
        %get3A_3215 = arith.index_cast %add3A_3214 : i32 to index
        %get3A_3216 = arith.constant 48 : index
        %get3A_3217 = tpu.vector_load %arg19[%get3A_3215, %get3A_3216] {strides = array<i32>} : memref<448x128xf32, #tpu.memory_space<vmem>>, vector<16xf32>,
        %add3A_3218 = arith.addf %add3A_3212, %get3A_3217 : vector<16xf32>
        %add3A_3219 = arith.constant 384 : i32
        %add3A_3220 = arith.addi %add3A_3219, %scan3A_2571 : i32
        %get3A_3221 = arith.index_cast %add3A_3220 : i32 to index
        %get3A_3222 = arith.constant 48 : index
        %get3A_3223 = tpu.vector_load %arg19[%get3A_3221, %get3A_3222] {strides = array<i32>} : memref<448x128xf32, #tpu.memory_space<vmem>>, vector<16xf32>,
        %add3A_3224 = arith.addf %add3A_3218, %get3A_3223 : vector<16xf32>
        %add3A_3225 = arith.constant 400 : i32
        %add3A_3226 = arith.addi %add3A_3225, %scan3A_2571 : i32
        %get3A_3227 = arith.index_cast %add3A_3226 : i32 to index
        %get3A_3228 = arith.constant 48 : index
        %get3A_3229 = tpu.vector_load %arg19[%get3A_3227, %get3A_3228] {strides = array<i32>} : memref<448x128xf32, #tpu.memory_space<vmem>>, vector<16xf32>,
        %add3A_3230 = arith.addf %add3A_3224, %get3A_3229 : vector<16xf32>
        %add3A_3231 = arith.constant 416 : i32
        %add3A_3232 = arith.addi %add3A_3231, %scan3A_2571 : i32
        %get3A_3233 = arith.index_cast %add3A_3232 : i32 to index
        %get3A_3234 = arith.constant 48 : index
        %get3A_3235 = tpu.vector_load %arg19[%get3A_3233, %get3A_3234] {strides = array<i32>} : memref<448x128xf32, #tpu.memory_space<vmem>>, vector<16xf32>,
        %add3A_3236 = arith.addf %add3A_3230, %get3A_3235 : vector<16xf32>
        %swap3A_3237 = arith.index_cast %scan3A_2571 : i32 to index
        %swap3A_3238 = arith.constant 48 : index
        %swap3A_3239 = tpu.vector_load %arg20[%swap3A_3237, %swap3A_3238] {strides = array<i32>} : memref<16x64xf32, #tpu.memory_space<vmem>>, vector<16xf32>,
        tpu.vector_store %arg20[%swap3A_3237, %swap3A_3238], %add3A_3236 {strides = array<i32>} : memref<16x64xf32, #tpu.memory_space<vmem>>, vector<16xf32>,
      }
      %scan3A_2570 = arith.constant 16 : i32
      "tpu.region"() ({
        %run_scoped3A = tpu.sem_alloc : memref<!tpu.dma_semaphore, #tpu.memory_space<semaphore_mem>>
        %dma_start3A_2571 = arith.constant 0 : i32
        %dma_start3A_2572 = tpu.memref_slice %arg9[%mul3A_4, %dma_start3A_2571] : memref<256x64xf32, #tpu.memory_space<hbm>> -> memref<16x64xf32, #tpu.memory_space<hbm>>
        %dma_start3A_2573 = arith.constant 0 : i32
        %dma_start3A_2574 = tpu.memref_slice %arg9[%mul3A_4, %dma_start3A_2573] : memref<256x64xf32, #tpu.memory_space<hbm>> -> memref<16x64xf32, #tpu.memory_space<hbm>>
        tpu.enqueue_dma source(%arg20 : memref<16x64xf32, #tpu.memory_space<vmem>>) target(%dma_start3A_2574 : memref<16x64xf32, #tpu.memory_space<hbm>>) target_semaphore(%run_scoped3A : memref<!tpu.dma_semaphore, #tpu.memory_space<semaphore_mem>>)
        %dma_wait3A_2575 = arith.constant 0 : i32
        %dma_wait3A_2576 = tpu.memref_slice %arg9[%mul3A_4, %dma_wait3A_2575] : memref<256x64xf32, #tpu.memory_space<hbm>> -> memref<16x64xf32, #tpu.memory_space<hbm>>
        %dma_wait3A_2577 = arith.constant 0 : i32
        %dma_wait3A_2578 = tpu.memref_slice %arg9[%mul3A_4, %dma_wait3A_2577] : memref<256x64xf32, #tpu.memory_space<hbm>> -> memref<16x64xf32, #tpu.memory_space<hbm>>
        tpu.wait_dma2 semaphore(%run_scoped3A : memref<!tpu.dma_semaphore, #tpu.memory_space<semaphore_mem>>) src(%arg20 : memref<16x64xf32, #tpu.memory_space<vmem>>) dst(%dma_wait3A_2578 : memref<16x64xf32, #tpu.memory_space<hbm>>)
        tpu.yield
      }) : () -> ()
      "tpu.region"() ({
        %run_scoped3A = tpu.sem_alloc : memref<!tpu.dma_semaphore, #tpu.memory_space<semaphore_mem>>
        %dma_start3A_2571 = tpu.memref_slice %arg10[%mul3A_4] : memref<256xf32, #tpu.memory_space<hbm>> -> memref<16xf32, #tpu.memory_space<hbm>>
        %dma_start3A_2572 = tpu.memref_slice %arg10[%mul3A_4] : memref<256xf32, #tpu.memory_space<hbm>> -> memref<16xf32, #tpu.memory_space<hbm>>
        tpu.enqueue_dma source(%arg21 : memref<16xf32, #tpu.memory_space<vmem>>) target(%dma_start3A_2572 : memref<16xf32, #tpu.memory_space<hbm>>) target_semaphore(%run_scoped3A : memref<!tpu.dma_semaphore, #tpu.memory_space<semaphore_mem>>)
        %dma_wait3A_2573 = tpu.memref_slice %arg10[%mul3A_4] : memref<256xf32, #tpu.memory_space<hbm>> -> memref<16xf32, #tpu.memory_space<hbm>>
        %dma_wait3A_2574 = tpu.memref_slice %arg10[%mul3A_4] : memref<256xf32, #tpu.memory_space<hbm>> -> memref<16xf32, #tpu.memory_space<hbm>>
        tpu.wait_dma2 semaphore(%run_scoped3A : memref<!tpu.dma_semaphore, #tpu.memory_space<semaphore_mem>>) src(%arg21 : memref<16xf32, #tpu.memory_space<vmem>>) dst(%dma_wait3A_2574 : memref<16xf32, #tpu.memory_space<hbm>>)
        tpu.yield
      }) : () -> ()
    } else {
    }
    return
  }
}

#map = affine_map<(d0, d1) -> (0)>
module attributes {stable_mosaic.version = 14 : i64} {
  func.func @_kb_body(%arg0: i32, %arg1: i32, %arg2: memref<100352xi32, #tpu.memory_space<hbm>>, %arg3: memref<100352xf32, #tpu.memory_space<hbm>>, %arg4: memref<16xi32, #tpu.memory_space<hbm>>, %arg5: memref<524288xi32, #tpu.memory_space<hbm>>, %arg6: memref<524288xf32, #tpu.memory_space<hbm>>, %arg7: memref<2048xi32, #tpu.memory_space<vmem>>, %arg8: memref<2048xf32, #tpu.memory_space<vmem>>, %arg9: memref<16xi32, #tpu.memory_space<vmem>>, %arg10: memref<16384xi32, #tpu.memory_space<vmem>>, %arg11: memref<16384xf32, #tpu.memory_space<vmem>>) attributes {dimension_semantics = [#tpu.dimension_semantics<core_parallel>, #tpu.dimension_semantics<subcore_parallel>], iteration_bounds = array<i64: 2, 16>, scalar_prefetch = 0 : i64, scratch_operands = 5 : i64, tpu.core_type = #tpu.core_type<sc_vector_subcore>, window_params = [{transform_indices = #map}, {transform_indices = #map}, {transform_indices = #map}, {transform_indices = #map}, {transform_indices = #map}]} {
    %mul3A = arith.constant 2 : i32
    %mul3A_0 = arith.muli %arg1, %mul3A : i32
    %add3A = arith.addi %mul3A_0, %arg0 : i32
    %mul3A_1 = arith.constant 16384 : i32
    %mul3A_2 = arith.muli %add3A, %mul3A_1 : i32
    %broadcast_in_dim3A = arith.constant 0 : i32
    %broadcast_in_dim3A_3 = vector.broadcast %broadcast_in_dim3A : i32 to vector<16xi32>
    %broadcast_in_dim3A_4 = arith.constant 0xFF800000 : f32
    %broadcast_in_dim3A_5 = vector.broadcast %broadcast_in_dim3A_4 : f32 to vector<16xf32>
    %scan3A = arith.constant 0 : i32
    %scan3A_6 = arith.constant 0 : i32
    %scan3A_7 = arith.constant 1024 : i32
    %scan3A_8 = arith.addi %scan3A_6, %scan3A_7 : i32
    %scan3A_9 = arith.constant 1 : i32
    scf.for %scan3A_49 = %scan3A_6 to %scan3A_8 step %scan3A_9  : i32 {
      %mul3A_50 = arith.constant 16 : i32
      %mul3A_51 = arith.muli %scan3A_49, %mul3A_50 : i32
      %swap3A = arith.index_cast %mul3A_51 : i32 to index
      %swap3A_52 = tpu.vector_load %arg10[%swap3A] {strides = array<i32>} : memref<16384xi32, #tpu.memory_space<vmem>>, vector<16xi32>,
      tpu.vector_store %arg10[%swap3A], %broadcast_in_dim3A_3 {strides = array<i32>} : memref<16384xi32, #tpu.memory_space<vmem>>, vector<16xi32>,
      %mul3A_53 = arith.constant 16 : i32
      %mul3A_54 = arith.muli %scan3A_49, %mul3A_53 : i32
      %swap3A_55 = arith.index_cast %mul3A_54 : i32 to index
      %swap3A_56 = tpu.vector_load %arg11[%swap3A_55] {strides = array<i32>} : memref<16384xf32, #tpu.memory_space<vmem>>, vector<16xf32>,
      tpu.vector_store %arg11[%swap3A_55], %broadcast_in_dim3A_5 {strides = array<i32>} : memref<16384xf32, #tpu.memory_space<vmem>>, vector<16xf32>,
    }
    %scan3A_10 = arith.constant 1024 : i32
    "tpu.region"() ({
      %run_scoped3A = tpu.sem_alloc : memref<!tpu.dma_semaphore, #tpu.memory_space<semaphore_mem>>
      tpu.enqueue_dma source(%arg4 : memref<16xi32, #tpu.memory_space<hbm>>) target(%arg9 : memref<16xi32, #tpu.memory_space<vmem>>) target_semaphore(%run_scoped3A : memref<!tpu.dma_semaphore, #tpu.memory_space<semaphore_mem>>)
      tpu.wait_dma2 semaphore(%run_scoped3A : memref<!tpu.dma_semaphore, #tpu.memory_space<semaphore_mem>>) src(%arg4 : memref<16xi32, #tpu.memory_space<hbm>>) dst(%arg9 : memref<16xi32, #tpu.memory_space<vmem>>)
      tpu.yield
    }) : () -> ()
    %get3A = arith.constant 0 : index
    %get3A_11 = tpu.vector_load %arg9[%get3A] {strides = array<i32>} : memref<16xi32, #tpu.memory_space<vmem>>, vector<16xi32>,
    %slice3A = vector.extract_strided_slice %get3A_11 {offsets = [0], sizes = [1], strides = [1]} : vector<16xi32> to vector<1xi32>
    %squeeze3A = vector.extract %slice3A[0] : i32 from vector<1xi32>
    %jit3A = arith.constant 16 : i32
    %div3A = arith.divsi %add3A, %jit3A : i32
    %sign3A = arith.constant 0 : i32
    %sign3A_12 = arith.cmpi sgt, %add3A, %sign3A : i32
    %sign3A_13 = arith.extui %sign3A_12 : i1 to i32
    %sign3A_14 = arith.constant 0 : i32
    %sign3A_15 = arith.cmpi slt, %add3A, %sign3A_14 : i32
    %sign3A_16 = arith.extui %sign3A_15 : i1 to i32
    %sign3A_17 = arith.subi %sign3A_13, %sign3A_16 : i32
    %sign3A_18 = arith.constant 0 : i32
    %sign3A_19 = arith.cmpi sgt, %jit3A, %sign3A_18 : i32
    %sign3A_20 = arith.extui %sign3A_19 : i1 to i32
    %sign3A_21 = arith.constant 0 : i32
    %sign3A_22 = arith.cmpi slt, %jit3A, %sign3A_21 : i32
    %sign3A_23 = arith.extui %sign3A_22 : i1 to i32
    %sign3A_24 = arith.subi %sign3A_20, %sign3A_23 : i32
    %ne3A = arith.cmpi ne, %sign3A_17, %sign3A_24 : i32
    %rem3A = arith.remsi %add3A, %jit3A : i32
    %ne3A_25 = arith.constant 0 : i32
    %ne3A_26 = arith.cmpi ne, %rem3A, %ne3A_25 : i32
    %and3A = arith.andi %ne3A, %ne3A_26 : i1
    %sub3A = arith.constant 1 : i32
    %sub3A_27 = arith.subi %div3A, %sub3A : i32
    %select_n3A = arith.select %and3A, %sub3A_27, %div3A : i32
    %eq3A = arith.constant 0 : i32
    %eq3A_28 = arith.cmpi eq, %select_n3A, %eq3A : i32
    %jit3A_29 = arith.constant 0 : i32
    %select_n3A_30 = arith.select %eq3A_28, %jit3A_29, %squeeze3A : i32
    %eq3A_31 = arith.constant 0 : i32
    %eq3A_32 = arith.cmpi eq, %select_n3A, %eq3A_31 : i32
    %jit3A_33 = arith.constant 100000 : i32
    %select_n3A_34 = arith.select %eq3A_32, %squeeze3A, %jit3A_33 : i32
    %div3A_35 = arith.constant 2048 : i32
    %div3A_36 = arith.divsi %select_n3A_30, %div3A_35 : i32
    %add3A_37 = arith.constant 2047 : i32
    %add3A_38 = arith.addi %select_n3A_34, %add3A_37 : i32
    %div3A_39 = arith.constant 2048 : i32
    %div3A_40 = arith.divsi %add3A_38, %div3A_39 : i32
    %iota3A = tpu.iota {dimensions = array<i32: 0>} : vector<16xi32>
    %while3A = arith.constant 0 : i32
    %while3A_41 = arith.subi %div3A_40, %div3A_36 : i32
    %while3A_42 = arith.addi %div3A_36, %while3A_41 : i32
    %while3A_43 = arith.constant 1 : i32
    %while3A_44 = arith.divsi %while3A_41, %while3A_43 : i32
    %while3A_45 = arith.muli %while3A_44, %while3A_43 : i32
    %while3A_46 = arith.addi %div3A_36, %while3A_45 : i32
    %while3A_47 = arith.constant 1 : i32
    scf.for %while3A_49 = %div3A_36 to %while3A_46 step %while3A_47  : i32 {
      %mul3A_50 = arith.constant 2048 : i32
      %mul3A_51 = arith.muli %while3A_49, %mul3A_50 : i32
      "tpu.region"() ({
        %run_scoped3A = tpu.sem_alloc : memref<!tpu.dma_semaphore, #tpu.memory_space<semaphore_mem>>
        %dma_start3A = tpu.memref_slice %arg2[%mul3A_51] : memref<100352xi32, #tpu.memory_space<hbm>> -> memref<2048xi32, #tpu.memory_space<hbm>>
        %dma_start3A_60 = tpu.memref_slice %arg2[%mul3A_51] : memref<100352xi32, #tpu.memory_space<hbm>> -> memref<2048xi32, #tpu.memory_space<hbm>>
        tpu.enqueue_dma source(%dma_start3A_60 : memref<2048xi32, #tpu.memory_space<hbm>>) target(%arg7 : memref<2048xi32, #tpu.memory_space<vmem>>) target_semaphore(%run_scoped3A : memref<!tpu.dma_semaphore, #tpu.memory_space<semaphore_mem>>)
        %dma_wait3A = tpu.memref_slice %arg2[%mul3A_51] : memref<100352xi32, #tpu.memory_space<hbm>> -> memref<2048xi32, #tpu.memory_space<hbm>>
        %dma_wait3A_61 = tpu.memref_slice %arg2[%mul3A_51] : memref<100352xi32, #tpu.memory_space<hbm>> -> memref<2048xi32, #tpu.memory_space<hbm>>
        tpu.wait_dma2 semaphore(%run_scoped3A : memref<!tpu.dma_semaphore, #tpu.memory_space<semaphore_mem>>) src(%dma_wait3A_61 : memref<2048xi32, #tpu.memory_space<hbm>>) dst(%arg7 : memref<2048xi32, #tpu.memory_space<vmem>>)
        tpu.yield
      }) : () -> ()
      %mul3A_52 = arith.constant 2048 : i32
      %mul3A_53 = arith.muli %while3A_49, %mul3A_52 : i32
      "tpu.region"() ({
        %run_scoped3A = tpu.sem_alloc : memref<!tpu.dma_semaphore, #tpu.memory_space<semaphore_mem>>
        %dma_start3A = tpu.memref_slice %arg3[%mul3A_53] : memref<100352xf32, #tpu.memory_space<hbm>> -> memref<2048xf32, #tpu.memory_space<hbm>>
        %dma_start3A_60 = tpu.memref_slice %arg3[%mul3A_53] : memref<100352xf32, #tpu.memory_space<hbm>> -> memref<2048xf32, #tpu.memory_space<hbm>>
        tpu.enqueue_dma source(%dma_start3A_60 : memref<2048xf32, #tpu.memory_space<hbm>>) target(%arg8 : memref<2048xf32, #tpu.memory_space<vmem>>) target_semaphore(%run_scoped3A : memref<!tpu.dma_semaphore, #tpu.memory_space<semaphore_mem>>)
        %dma_wait3A = tpu.memref_slice %arg3[%mul3A_53] : memref<100352xf32, #tpu.memory_space<hbm>> -> memref<2048xf32, #tpu.memory_space<hbm>>
        %dma_wait3A_61 = tpu.memref_slice %arg3[%mul3A_53] : memref<100352xf32, #tpu.memory_space<hbm>> -> memref<2048xf32, #tpu.memory_space<hbm>>
        tpu.wait_dma2 semaphore(%run_scoped3A : memref<!tpu.dma_semaphore, #tpu.memory_space<semaphore_mem>>) src(%dma_wait3A_61 : memref<2048xf32, #tpu.memory_space<hbm>>) dst(%arg8 : memref<2048xf32, #tpu.memory_space<vmem>>)
        tpu.yield
      }) : () -> ()
      %scan3A_54 = arith.constant 0 : i32
      %scan3A_55 = arith.constant 0 : i32
      %scan3A_56 = arith.constant 128 : i32
      %scan3A_57 = arith.addi %scan3A_55, %scan3A_56 : i32
      %scan3A_58 = arith.constant 1 : i32
      scf.for %scan3A_60 = %scan3A_55 to %scan3A_57 step %scan3A_58  : i32 {
        %mul3A_61 = arith.constant 16 : i32
        %mul3A_62 = arith.muli %scan3A_60, %mul3A_61 : i32
        %get3A_63 = arith.index_cast %mul3A_62 : i32 to index
        %get3A_64 = tpu.vector_load %arg7[%get3A_63] {strides = array<i32>} : memref<2048xi32, #tpu.memory_space<vmem>>, vector<16xi32>,
        %mul3A_65 = arith.constant 16 : i32
        %mul3A_66 = arith.muli %scan3A_60, %mul3A_65 : i32
        %get3A_67 = arith.index_cast %mul3A_66 : i32 to index
        %get3A_68 = tpu.vector_load %arg8[%get3A_67] {strides = array<i32>} : memref<2048xf32, #tpu.memory_space<vmem>>, vector<16xf32>,
        %shift_right_logical3A = arith.constant 14 : i32
        %shift_right_logical3A_69 = vector.broadcast %shift_right_logical3A : i32 to vector<16xi32>
        %shift_right_logical3A_70 = arith.shrui %get3A_64, %shift_right_logical3A_69 : vector<16xi32>
        %eq3A_71 = vector.broadcast %add3A : i32 to vector<16xi32>
        %eq3A_72 = arith.cmpi eq, %shift_right_logical3A_70, %eq3A_71 : vector<16xi32>
        %and3A_73 = arith.constant 16383 : i32
        %and3A_74 = vector.broadcast %and3A_73 : i32 to vector<16xi32>
        %and3A_75 = arith.andi %get3A_64, %and3A_74 : vector<16xi32>
        %jit3A_76 = arith.constant 0 : i32
        %broadcast_in_dim3A_77 = vector.broadcast %jit3A_76 : i32 to vector<16xi32>
        %select_n3A_78 = arith.select %eq3A_72, %and3A_75, %broadcast_in_dim3A_77 : vector<16xi1>, vector<16xi32>
        %mul3A_79 = arith.constant 2048 : i32
        %mul3A_80 = arith.muli %while3A_49, %mul3A_79 : i32
        %mul3A_81 = arith.constant 16 : i32
        %mul3A_82 = arith.muli %scan3A_60, %mul3A_81 : i32
        %add3A_83 = arith.addi %mul3A_80, %mul3A_82 : i32
        %add3A_84 = vector.broadcast %add3A_83 : i32 to vector<16xi32>
        %add3A_85 = arith.addi %add3A_84, %iota3A : vector<16xi32>
        %add3A_86 = arith.constant 1 : i32
        %add3A_87 = vector.broadcast %add3A_86 : i32 to vector<16xi32>
        %add3A_88 = arith.addi %add3A_85, %add3A_87 : vector<16xi32>
        tpu.vector_store_idx %arg10[%select_n3A_78], %add3A_88 masked %eq3A_72 : memref<16384xi32, #tpu.memory_space<vmem>>[vector<16xi32>], vector<16xi32>, vector<16xi1>
        %gather3A = tpu.vector_load_idx %arg10[%select_n3A_78] : memref<16384xi32, #tpu.memory_space<vmem>>[vector<16xi32>], vector<16xi32>,
        %lt3A = arith.cmpi slt, %gather3A, %add3A_88 : vector<16xi32>
        %and3A_89 = arith.andi %eq3A_72, %lt3A : vector<16xi1>
        tpu.vector_store_idx %arg10[%select_n3A_78], %add3A_88 masked %and3A_89 : memref<16384xi32, #tpu.memory_space<vmem>>[vector<16xi32>], vector<16xi32>, vector<16xi1>
        %gather3A_90 = tpu.vector_load_idx %arg10[%select_n3A_78] : memref<16384xi32, #tpu.memory_space<vmem>>[vector<16xi32>], vector<16xi32>,
        %eq3A_91 = arith.cmpi eq, %gather3A_90, %add3A_88 : vector<16xi32>
        %and3A_92 = arith.andi %eq3A_72, %eq3A_91 : vector<16xi1>
        tpu.vector_store_idx %arg11[%select_n3A_78], %get3A_68 masked %and3A_92 : memref<16384xf32, #tpu.memory_space<vmem>>[vector<16xi32>], vector<16xf32>, vector<16xi1>
      }
      %scan3A_59 = arith.constant 128 : i32
    }
    %while3A_48 = arith.constant 1 : i32
    scf.for %while3A_49 = %while3A_46 to %while3A_42 step %while3A_48  : i32 {
      %mul3A_50 = arith.constant 2048 : i32
      %mul3A_51 = arith.muli %while3A_49, %mul3A_50 : i32
      "tpu.region"() ({
        %run_scoped3A = tpu.sem_alloc : memref<!tpu.dma_semaphore, #tpu.memory_space<semaphore_mem>>
        %dma_start3A = tpu.memref_slice %arg2[%mul3A_51] : memref<100352xi32, #tpu.memory_space<hbm>> -> memref<2048xi32, #tpu.memory_space<hbm>>
        %dma_start3A_60 = tpu.memref_slice %arg2[%mul3A_51] : memref<100352xi32, #tpu.memory_space<hbm>> -> memref<2048xi32, #tpu.memory_space<hbm>>
        tpu.enqueue_dma source(%dma_start3A_60 : memref<2048xi32, #tpu.memory_space<hbm>>) target(%arg7 : memref<2048xi32, #tpu.memory_space<vmem>>) target_semaphore(%run_scoped3A : memref<!tpu.dma_semaphore, #tpu.memory_space<semaphore_mem>>)
        %dma_wait3A = tpu.memref_slice %arg2[%mul3A_51] : memref<100352xi32, #tpu.memory_space<hbm>> -> memref<2048xi32, #tpu.memory_space<hbm>>
        %dma_wait3A_61 = tpu.memref_slice %arg2[%mul3A_51] : memref<100352xi32, #tpu.memory_space<hbm>> -> memref<2048xi32, #tpu.memory_space<hbm>>
        tpu.wait_dma2 semaphore(%run_scoped3A : memref<!tpu.dma_semaphore, #tpu.memory_space<semaphore_mem>>) src(%dma_wait3A_61 : memref<2048xi32, #tpu.memory_space<hbm>>) dst(%arg7 : memref<2048xi32, #tpu.memory_space<vmem>>)
        tpu.yield
      }) : () -> ()
      %mul3A_52 = arith.constant 2048 : i32
      %mul3A_53 = arith.muli %while3A_49, %mul3A_52 : i32
      "tpu.region"() ({
        %run_scoped3A = tpu.sem_alloc : memref<!tpu.dma_semaphore, #tpu.memory_space<semaphore_mem>>
        %dma_start3A = tpu.memref_slice %arg3[%mul3A_53] : memref<100352xf32, #tpu.memory_space<hbm>> -> memref<2048xf32, #tpu.memory_space<hbm>>
        %dma_start3A_60 = tpu.memref_slice %arg3[%mul3A_53] : memref<100352xf32, #tpu.memory_space<hbm>> -> memref<2048xf32, #tpu.memory_space<hbm>>
        tpu.enqueue_dma source(%dma_start3A_60 : memref<2048xf32, #tpu.memory_space<hbm>>) target(%arg8 : memref<2048xf32, #tpu.memory_space<vmem>>) target_semaphore(%run_scoped3A : memref<!tpu.dma_semaphore, #tpu.memory_space<semaphore_mem>>)
        %dma_wait3A = tpu.memref_slice %arg3[%mul3A_53] : memref<100352xf32, #tpu.memory_space<hbm>> -> memref<2048xf32, #tpu.memory_space<hbm>>
        %dma_wait3A_61 = tpu.memref_slice %arg3[%mul3A_53] : memref<100352xf32, #tpu.memory_space<hbm>> -> memref<2048xf32, #tpu.memory_space<hbm>>
        tpu.wait_dma2 semaphore(%run_scoped3A : memref<!tpu.dma_semaphore, #tpu.memory_space<semaphore_mem>>) src(%dma_wait3A_61 : memref<2048xf32, #tpu.memory_space<hbm>>) dst(%arg8 : memref<2048xf32, #tpu.memory_space<vmem>>)
        tpu.yield
      }) : () -> ()
      %scan3A_54 = arith.constant 0 : i32
      %scan3A_55 = arith.constant 0 : i32
      %scan3A_56 = arith.constant 128 : i32
      %scan3A_57 = arith.addi %scan3A_55, %scan3A_56 : i32
      %scan3A_58 = arith.constant 1 : i32
      scf.for %scan3A_60 = %scan3A_55 to %scan3A_57 step %scan3A_58  : i32 {
        %mul3A_61 = arith.constant 16 : i32
        %mul3A_62 = arith.muli %scan3A_60, %mul3A_61 : i32
        %get3A_63 = arith.index_cast %mul3A_62 : i32 to index
        %get3A_64 = tpu.vector_load %arg7[%get3A_63] {strides = array<i32>} : memref<2048xi32, #tpu.memory_space<vmem>>, vector<16xi32>,
        %mul3A_65 = arith.constant 16 : i32
        %mul3A_66 = arith.muli %scan3A_60, %mul3A_65 : i32
        %get3A_67 = arith.index_cast %mul3A_66 : i32 to index
        %get3A_68 = tpu.vector_load %arg8[%get3A_67] {strides = array<i32>} : memref<2048xf32, #tpu.memory_space<vmem>>, vector<16xf32>,
        %shift_right_logical3A = arith.constant 14 : i32
        %shift_right_logical3A_69 = vector.broadcast %shift_right_logical3A : i32 to vector<16xi32>
        %shift_right_logical3A_70 = arith.shrui %get3A_64, %shift_right_logical3A_69 : vector<16xi32>
        %eq3A_71 = vector.broadcast %add3A : i32 to vector<16xi32>
        %eq3A_72 = arith.cmpi eq, %shift_right_logical3A_70, %eq3A_71 : vector<16xi32>
        %and3A_73 = arith.constant 16383 : i32
        %and3A_74 = vector.broadcast %and3A_73 : i32 to vector<16xi32>
        %and3A_75 = arith.andi %get3A_64, %and3A_74 : vector<16xi32>
        %jit3A_76 = arith.constant 0 : i32
        %broadcast_in_dim3A_77 = vector.broadcast %jit3A_76 : i32 to vector<16xi32>
        %select_n3A_78 = arith.select %eq3A_72, %and3A_75, %broadcast_in_dim3A_77 : vector<16xi1>, vector<16xi32>
        %mul3A_79 = arith.constant 2048 : i32
        %mul3A_80 = arith.muli %while3A_49, %mul3A_79 : i32
        %mul3A_81 = arith.constant 16 : i32
        %mul3A_82 = arith.muli %scan3A_60, %mul3A_81 : i32
        %add3A_83 = arith.addi %mul3A_80, %mul3A_82 : i32
        %add3A_84 = vector.broadcast %add3A_83 : i32 to vector<16xi32>
        %add3A_85 = arith.addi %add3A_84, %iota3A : vector<16xi32>
        %add3A_86 = arith.constant 1 : i32
        %add3A_87 = vector.broadcast %add3A_86 : i32 to vector<16xi32>
        %add3A_88 = arith.addi %add3A_85, %add3A_87 : vector<16xi32>
        tpu.vector_store_idx %arg10[%select_n3A_78], %add3A_88 masked %eq3A_72 : memref<16384xi32, #tpu.memory_space<vmem>>[vector<16xi32>], vector<16xi32>, vector<16xi1>
        %gather3A = tpu.vector_load_idx %arg10[%select_n3A_78] : memref<16384xi32, #tpu.memory_space<vmem>>[vector<16xi32>], vector<16xi32>,
        %lt3A = arith.cmpi slt, %gather3A, %add3A_88 : vector<16xi32>
        %and3A_89 = arith.andi %eq3A_72, %lt3A : vector<16xi1>
        tpu.vector_store_idx %arg10[%select_n3A_78], %add3A_88 masked %and3A_89 : memref<16384xi32, #tpu.memory_space<vmem>>[vector<16xi32>], vector<16xi32>, vector<16xi1>
        %gather3A_90 = tpu.vector_load_idx %arg10[%select_n3A_78] : memref<16384xi32, #tpu.memory_space<vmem>>[vector<16xi32>], vector<16xi32>,
        %eq3A_91 = arith.cmpi eq, %gather3A_90, %add3A_88 : vector<16xi32>
        %and3A_92 = arith.andi %eq3A_72, %eq3A_91 : vector<16xi1>
        tpu.vector_store_idx %arg11[%select_n3A_78], %get3A_68 masked %and3A_92 : memref<16384xf32, #tpu.memory_space<vmem>>[vector<16xi32>], vector<16xf32>, vector<16xi1>
      }
      %scan3A_59 = arith.constant 128 : i32
    }
    "tpu.region"() ({
      %run_scoped3A = tpu.sem_alloc : memref<!tpu.dma_semaphore, #tpu.memory_space<semaphore_mem>>
      %dma_start3A = tpu.memref_slice %arg5[%mul3A_2] : memref<524288xi32, #tpu.memory_space<hbm>> -> memref<16384xi32, #tpu.memory_space<hbm>>
      %dma_start3A_49 = tpu.memref_slice %arg5[%mul3A_2] : memref<524288xi32, #tpu.memory_space<hbm>> -> memref<16384xi32, #tpu.memory_space<hbm>>
      tpu.enqueue_dma source(%arg10 : memref<16384xi32, #tpu.memory_space<vmem>>) target(%dma_start3A_49 : memref<16384xi32, #tpu.memory_space<hbm>>) target_semaphore(%run_scoped3A : memref<!tpu.dma_semaphore, #tpu.memory_space<semaphore_mem>>)
      %dma_wait3A = tpu.memref_slice %arg5[%mul3A_2] : memref<524288xi32, #tpu.memory_space<hbm>> -> memref<16384xi32, #tpu.memory_space<hbm>>
      %dma_wait3A_50 = tpu.memref_slice %arg5[%mul3A_2] : memref<524288xi32, #tpu.memory_space<hbm>> -> memref<16384xi32, #tpu.memory_space<hbm>>
      tpu.wait_dma2 semaphore(%run_scoped3A : memref<!tpu.dma_semaphore, #tpu.memory_space<semaphore_mem>>) src(%arg10 : memref<16384xi32, #tpu.memory_space<vmem>>) dst(%dma_wait3A_50 : memref<16384xi32, #tpu.memory_space<hbm>>)
      tpu.yield
    }) : () -> ()
    "tpu.region"() ({
      %run_scoped3A = tpu.sem_alloc : memref<!tpu.dma_semaphore, #tpu.memory_space<semaphore_mem>>
      %dma_start3A = tpu.memref_slice %arg6[%mul3A_2] : memref<524288xf32, #tpu.memory_space<hbm>> -> memref<16384xf32, #tpu.memory_space<hbm>>
      %dma_start3A_49 = tpu.memref_slice %arg6[%mul3A_2] : memref<524288xf32, #tpu.memory_space<hbm>> -> memref<16384xf32, #tpu.memory_space<hbm>>
      tpu.enqueue_dma source(%arg11 : memref<16384xf32, #tpu.memory_space<vmem>>) target(%dma_start3A_49 : memref<16384xf32, #tpu.memory_space<hbm>>) target_semaphore(%run_scoped3A : memref<!tpu.dma_semaphore, #tpu.memory_space<semaphore_mem>>)
      %dma_wait3A = tpu.memref_slice %arg6[%mul3A_2] : memref<524288xf32, #tpu.memory_space<hbm>> -> memref<16384xf32, #tpu.memory_space<hbm>>
      %dma_wait3A_50 = tpu.memref_slice %arg6[%mul3A_2] : memref<524288xf32, #tpu.memory_space<hbm>> -> memref<16384xf32, #tpu.memory_space<hbm>>
      tpu.wait_dma2 semaphore(%run_scoped3A : memref<!tpu.dma_semaphore, #tpu.memory_space<semaphore_mem>>) src(%arg11 : memref<16384xf32, #tpu.memory_space<vmem>>) dst(%dma_wait3A_50 : memref<16384xf32, #tpu.memory_space<hbm>>)
      tpu.yield
    }) : () -> ()
    return
  }
}

module attributes {stable_mosaic.version = 14 : i64} {
  func.func @_keys_body(%arg0: memref<784x128xi32, #tpu.memory_space<vmem>>, %arg1: memref<784x128xi32, #tpu.memory_space<vmem>>, %arg2: memref<784x128xi32, #tpu.memory_space<vmem>>, %arg3: memref<784x128xi32, #tpu.memory_space<vmem>>, %arg4: memref<784x128xf32, #tpu.memory_space<vmem>>, %arg5: memref<784x128xi32, #tpu.memory_space<vmem>>, %arg6: memref<1x128xi32, #tpu.memory_space<vmem>>) attributes {dimension_semantics = [], scalar_prefetch = 0 : i64, scratch_operands = 0 : i64, tpu.core_type = #tpu.core_type<tc>} {
    %get3A = arith.constant 0 : index
    %get3A_0 = arith.constant 0 : index
    %get3A_1 = vector.load %arg0[%get3A, %get3A_0] : memref<784x128xi32, #tpu.memory_space<vmem>>, vector<784x128xi32>
    %mul3A = arith.constant 64 : i32
    %mul3A_2 = vector.broadcast %mul3A : i32 to vector<784x128xi32>
    %mul3A_3 = arith.muli %get3A_1, %mul3A_2 : vector<784x128xi32>
    %get3A_4 = arith.constant 0 : index
    %get3A_5 = arith.constant 0 : index
    %get3A_6 = vector.load %arg1[%get3A_4, %get3A_5] : memref<784x128xi32, #tpu.memory_space<vmem>>, vector<784x128xi32>
    %add3A = arith.addi %mul3A_3, %get3A_6 : vector<784x128xi32>
    %mul3A_7 = arith.constant 64 : i32
    %mul3A_8 = vector.broadcast %mul3A_7 : i32 to vector<784x128xi32>
    %mul3A_9 = arith.muli %add3A, %mul3A_8 : vector<784x128xi32>
    %get3A_10 = arith.constant 0 : index
    %get3A_11 = arith.constant 0 : index
    %get3A_12 = vector.load %arg2[%get3A_10, %get3A_11] : memref<784x128xi32, #tpu.memory_space<vmem>>, vector<784x128xi32>
    %add3A_13 = arith.addi %mul3A_9, %get3A_12 : vector<784x128xi32>
    %mul3A_14 = arith.constant 64 : i32
    %mul3A_15 = vector.broadcast %mul3A_14 : i32 to vector<784x128xi32>
    %mul3A_16 = arith.muli %add3A_13, %mul3A_15 : vector<784x128xi32>
    %get3A_17 = arith.constant 0 : index
    %get3A_18 = arith.constant 0 : index
    %get3A_19 = vector.load %arg3[%get3A_17, %get3A_18] : memref<784x128xi32, #tpu.memory_space<vmem>>, vector<784x128xi32>
    %add3A_20 = arith.addi %mul3A_16, %get3A_19 : vector<784x128xi32>
    %get3A_21 = arith.constant 0 : index
    %get3A_22 = arith.constant 0 : index
    %get3A_23 = vector.load %arg4[%get3A_21, %get3A_22] : memref<784x128xf32, #tpu.memory_space<vmem>>, vector<784x128xf32>
    %gt3A = arith.constant 1.000000e-01 : f32
    %gt3A_24 = vector.broadcast %gt3A : f32 to vector<784x128xf32>
    %gt3A_25 = arith.cmpf ogt, %get3A_23, %gt3A_24 : vector<784x128xf32>
    %jit3A = arith.constant 524288 : i32
    %broadcast_in_dim3A = vector.broadcast %jit3A : i32 to vector<784x128xi32>
    %select_n3A = arith.select %gt3A_25, %add3A_20, %broadcast_in_dim3A : vector<784x128xi1>, vector<784x128xi32>
    %swap3A = arith.constant 0 : index
    %swap3A_26 = arith.constant 0 : index
    %swap3A_27 = vector.load %arg5[%swap3A, %swap3A_26] : memref<784x128xi32, #tpu.memory_space<vmem>>, vector<784x128xi32>
    tpu.vector_store %arg5[%swap3A, %swap3A_26], %select_n3A {strides = array<i32>} : memref<784x128xi32, #tpu.memory_space<vmem>>, vector<784x128xi32>,
    %eq3A = arith.constant 0 : i32
    %eq3A_28 = vector.broadcast %eq3A : i32 to vector<784x128xi32>
    %eq3A_29 = arith.cmpi eq, %get3A_1, %eq3A_28 : vector<784x128xi32>
    %convert_element_type3A = arith.extui %eq3A_29 : vector<784x128xi1> to vector<784x128xi32>
    %reduce_sum3A = vector.shape_cast %convert_element_type3A : vector<784x128xi32> to vector<1x784x128xi32>
    %reduce_sum3A_30 = arith.constant dense<0> : vector<1xi32>
    %reduce_sum3A_31 = vector.multi_reduction <add>, %reduce_sum3A, %reduce_sum3A_30 [1, 2] : vector<1x784x128xi32> to vector<1xi32>
    %reduce_sum3A_32 = vector.shape_cast %reduce_sum3A_31 : vector<1xi32> to vector<1x1x1xi32>
    %reduce_sum3A_33 = vector.extract %reduce_sum3A_32[0, 0, 0] : i32 from vector<1x1x1xi32>
    %sub3A = arith.constant 352 : i32
    %sub3A_34 = arith.subi %reduce_sum3A_33, %sub3A : i32
    %broadcast_in_dim3A_35 = arith.constant 1 : i32
    %broadcast_in_dim3A_36 = vector.broadcast %broadcast_in_dim3A_35 : i32 to vector<1x128xi32>
    %mul3A_37 = vector.broadcast %sub3A_34 : i32 to vector<1x128xi32>
    %mul3A_38 = arith.muli %broadcast_in_dim3A_36, %mul3A_37 : vector<1x128xi32>
    %swap3A_39 = arith.constant 0 : index
    %swap3A_40 = arith.constant 0 : index
    %swap3A_41 = vector.load %arg6[%swap3A_39, %swap3A_40] : memref<1x128xi32, #tpu.memory_space<vmem>>, vector<1x128xi32>
    tpu.vector_store %arg6[%swap3A_39, %swap3A_40], %mul3A_38 {strides = array<i32>} : memref<1x128xi32, #tpu.memory_space<vmem>>, vector<1x128xi32>,
    return
  }
}

module attributes {stable_mosaic.version = 14 : i64} {
  func.func @_pool_body(%arg0: memref<8192x64xf32, #tpu.memory_space<vmem>>, %arg1: memref<8192x64xf32, #tpu.memory_space<vmem>>, %arg2: memref<1x128xf32, #tpu.memory_space<vmem>>) attributes {dimension_semantics = [], scalar_prefetch = 0 : i64, scratch_operands = 0 : i64, tpu.core_type = #tpu.core_type<tc>} {
    %get3A = arith.constant 0 : index
    %get3A_0 = arith.constant 0 : index
    %get3A_1 = vector.load %arg0[%get3A, %get3A_0] : memref<8192x64xf32, #tpu.memory_space<vmem>>, vector<8192x64xf32>
    %iota3A = tpu.iota {dimensions = array<i32: 0>} : vector<8192x1xi32>
    %broadcast_in_dim3A = arith.constant 0xFF800000 : f32
    %broadcast_in_dim3A_2 = vector.broadcast %broadcast_in_dim3A : f32 to vector<8192x1xf32>
    %slice3A = vector.extract_strided_slice %get3A_1 {offsets = [0, 1], sizes = [8192, 63], strides = [1, 1]} : vector<8192x64xf32> to vector<8192x63xf32>
    %concatenate3A = tpu.concatenate %slice3A, %broadcast_in_dim3A_2 in 1 : vector<8192x63xf32>, vector<8192x1xf32> -> vector<8192x64xf32>
    %slice3A_3 = vector.extract_strided_slice %get3A_1 {offsets = [0, 0], sizes = [8192, 63], strides = [1, 1]} : vector<8192x64xf32> to vector<8192x63xf32>
    %concatenate3A_4 = tpu.concatenate %broadcast_in_dim3A_2, %slice3A_3 in 1 : vector<8192x1xf32>, vector<8192x63xf32> -> vector<8192x64xf32>
    %max3A = arith.maximumf %concatenate3A, %concatenate3A_4 : vector<8192x64xf32>
    %max3A_5 = arith.maximumf %get3A_1, %max3A : vector<8192x64xf32>
    %broadcast_in_dim3A_6 = arith.constant 0xFF800000 : f32
    %broadcast_in_dim3A_7 = vector.broadcast %broadcast_in_dim3A_6 : f32 to vector<1x64xf32>
    %slice3A_8 = vector.extract_strided_slice %max3A_5 {offsets = [1, 0], sizes = [8191, 64], strides = [1, 1]} : vector<8192x64xf32> to vector<8191x64xf32>
    %concatenate3A_9 = tpu.concatenate %slice3A_8, %broadcast_in_dim3A_7 in 0 : vector<8191x64xf32>, vector<1x64xf32> -> vector<8192x64xf32>
    %slice3A_10 = vector.extract_strided_slice %max3A_5 {offsets = [0, 0], sizes = [8191, 64], strides = [1, 1]} : vector<8192x64xf32> to vector<8191x64xf32>
    %concatenate3A_11 = tpu.concatenate %broadcast_in_dim3A_7, %slice3A_10 in 0 : vector<1x64xf32>, vector<8191x64xf32> -> vector<8192x64xf32>
    %jit3A = arith.constant 64 : i32
    %eq3A = arith.constant 0 : i32
    %eq3A_12 = arith.cmpi eq, %jit3A, %eq3A : i32
    %jit3A_13 = arith.constant 1 : i32
    %select_n3A = arith.select %eq3A_12, %jit3A_13, %jit3A : i32
    %rem3A = vector.broadcast %select_n3A : i32 to vector<8192x1xi32>
    %rem3A_14 = arith.remsi %iota3A, %rem3A : vector<8192x1xi32>
    %ne3A = arith.constant 0 : i32
    %ne3A_15 = vector.broadcast %ne3A : i32 to vector<8192x1xi32>
    %ne3A_16 = arith.cmpi ne, %rem3A_14, %ne3A_15 : vector<8192x1xi32>
    %lt3A = arith.constant 0 : i32
    %lt3A_17 = vector.broadcast %lt3A : i32 to vector<8192x1xi32>
    %lt3A_18 = arith.cmpi slt, %rem3A_14, %lt3A_17 : vector<8192x1xi32>
    %lt3A_19 = arith.constant 0 : i32
    %lt3A_20 = arith.cmpi slt, %select_n3A, %lt3A_19 : i32
    %ne3A_21 = vector.broadcast %lt3A_20 : i1 to vector<8192x1xi1>
    %ne3A_22 = vector.broadcast %ne3A_21 : vector<8192x1xi1> to vector<8192x1xi1>
    %ne3A_23 = arith.xori %lt3A_18, %ne3A_22 : vector<8192x1xi1>
    %and3A = arith.andi %ne3A_23, %ne3A_16 : vector<8192x1xi1>
    %add3A = vector.broadcast %select_n3A : i32 to vector<8192x1xi32>
    %add3A_24 = arith.addi %rem3A_14, %add3A : vector<8192x1xi32>
    %select_n3A_25 = arith.select %and3A, %add3A_24, %rem3A_14 : vector<8192x1xi1>, vector<8192x1xi32>
    %ne3A_26 = arith.constant 63 : i32
    %ne3A_27 = vector.broadcast %ne3A_26 : i32 to vector<8192x1xi32>
    %ne3A_28 = arith.cmpi ne, %select_n3A_25, %ne3A_27 : vector<8192x1xi32>
    %jit3A_29 = arith.constant 0xFF800000 : f32
    %broadcast_in_dim3A_30 = vector.shape_cast %ne3A_28 : vector<8192x1xi1> to vector<8192x1xi1>
    %broadcast_in_dim3A_31 = vector.broadcast %broadcast_in_dim3A_30 : vector<8192x1xi1> to vector<8192x64xi1>
    %broadcast_in_dim3A_32 = vector.broadcast %jit3A_29 : f32 to vector<8192x64xf32>
    %select_n3A_33 = arith.select %broadcast_in_dim3A_31, %concatenate3A_9, %broadcast_in_dim3A_32 : vector<8192x64xi1>, vector<8192x64xf32>
    %ne3A_34 = arith.constant 0 : i32
    %ne3A_35 = vector.broadcast %ne3A_34 : i32 to vector<8192x1xi32>
    %ne3A_36 = arith.cmpi ne, %select_n3A_25, %ne3A_35 : vector<8192x1xi32>
    %jit3A_37 = arith.constant 0xFF800000 : f32
    %broadcast_in_dim3A_38 = vector.shape_cast %ne3A_36 : vector<8192x1xi1> to vector<8192x1xi1>
    %broadcast_in_dim3A_39 = vector.broadcast %broadcast_in_dim3A_38 : vector<8192x1xi1> to vector<8192x64xi1>
    %broadcast_in_dim3A_40 = vector.broadcast %jit3A_37 : f32 to vector<8192x64xf32>
    %select_n3A_41 = arith.select %broadcast_in_dim3A_39, %concatenate3A_11, %broadcast_in_dim3A_40 : vector<8192x64xi1>, vector<8192x64xf32>
    %max3A_42 = arith.maximumf %select_n3A_33, %select_n3A_41 : vector<8192x64xf32>
    %max3A_43 = arith.maximumf %max3A_5, %max3A_42 : vector<8192x64xf32>
    %broadcast_in_dim3A_44 = arith.constant 0xFF800000 : f32
    %broadcast_in_dim3A_45 = vector.broadcast %broadcast_in_dim3A_44 : f32 to vector<64x64xf32>
    %slice3A_46 = vector.extract_strided_slice %max3A_43 {offsets = [64, 0], sizes = [8128, 64], strides = [1, 1]} : vector<8192x64xf32> to vector<8128x64xf32>
    %concatenate3A_47 = tpu.concatenate %slice3A_46, %broadcast_in_dim3A_45 in 0 : vector<8128x64xf32>, vector<64x64xf32> -> vector<8192x64xf32>
    %slice3A_48 = vector.extract_strided_slice %max3A_43 {offsets = [0, 0], sizes = [8128, 64], strides = [1, 1]} : vector<8192x64xf32> to vector<8128x64xf32>
    %concatenate3A_49 = tpu.concatenate %broadcast_in_dim3A_45, %slice3A_48 in 0 : vector<64x64xf32>, vector<8128x64xf32> -> vector<8192x64xf32>
    %jit3A_50 = arith.constant 64 : i32
    %div3A = vector.broadcast %jit3A_50 : i32 to vector<8192x1xi32>
    %div3A_51 = arith.divsi %iota3A, %div3A : vector<8192x1xi32>
    %sign3A = arith.constant 0 : i32
    %sign3A_52 = vector.broadcast %sign3A : i32 to vector<8192x1xi32>
    %sign3A_53 = arith.cmpi sgt, %iota3A, %sign3A_52 : vector<8192x1xi32>
    %sign3A_54 = arith.extui %sign3A_53 : vector<8192x1xi1> to vector<8192x1xi32>
    %sign3A_55 = arith.constant 0 : i32
    %sign3A_56 = vector.broadcast %sign3A_55 : i32 to vector<8192x1xi32>
    %sign3A_57 = arith.cmpi slt, %iota3A, %sign3A_56 : vector<8192x1xi32>
    %sign3A_58 = arith.extui %sign3A_57 : vector<8192x1xi1> to vector<8192x1xi32>
    %sign3A_59 = arith.subi %sign3A_54, %sign3A_58 : vector<8192x1xi32>
    %sign3A_60 = arith.constant 0 : i32
    %sign3A_61 = arith.cmpi sgt, %jit3A_50, %sign3A_60 : i32
    %sign3A_62 = arith.extui %sign3A_61 : i1 to i32
    %sign3A_63 = arith.constant 0 : i32
    %sign3A_64 = arith.cmpi slt, %jit3A_50, %sign3A_63 : i32
    %sign3A_65 = arith.extui %sign3A_64 : i1 to i32
    %sign3A_66 = arith.subi %sign3A_62, %sign3A_65 : i32
    %ne3A_67 = vector.broadcast %sign3A_66 : i32 to vector<8192x1xi32>
    %ne3A_68 = arith.cmpi ne, %sign3A_59, %ne3A_67 : vector<8192x1xi32>
    %rem3A_69 = vector.broadcast %jit3A_50 : i32 to vector<8192x1xi32>
    %rem3A_70 = arith.remsi %iota3A, %rem3A_69 : vector<8192x1xi32>
    %ne3A_71 = arith.constant 0 : i32
    %ne3A_72 = vector.broadcast %ne3A_71 : i32 to vector<8192x1xi32>
    %ne3A_73 = arith.cmpi ne, %rem3A_70, %ne3A_72 : vector<8192x1xi32>
    %and3A_74 = arith.andi %ne3A_68, %ne3A_73 : vector<8192x1xi1>
    %sub3A = arith.constant 1 : i32
    %sub3A_75 = vector.broadcast %sub3A : i32 to vector<8192x1xi32>
    %sub3A_76 = arith.subi %div3A_51, %sub3A_75 : vector<8192x1xi32>
    %select_n3A_77 = arith.select %and3A_74, %sub3A_76, %div3A_51 : vector<8192x1xi1>, vector<8192x1xi32>
    %jit3A_78 = arith.constant 64 : i32
    %eq3A_79 = arith.constant 0 : i32
    %eq3A_80 = arith.cmpi eq, %jit3A_78, %eq3A_79 : i32
    %jit3A_81 = arith.constant 1 : i32
    %select_n3A_82 = arith.select %eq3A_80, %jit3A_81, %jit3A_78 : i32
    %rem3A_83 = vector.broadcast %select_n3A_82 : i32 to vector<8192x1xi32>
    %rem3A_84 = arith.remsi %select_n3A_77, %rem3A_83 : vector<8192x1xi32>
    %ne3A_85 = arith.constant 0 : i32
    %ne3A_86 = vector.broadcast %ne3A_85 : i32 to vector<8192x1xi32>
    %ne3A_87 = arith.cmpi ne, %rem3A_84, %ne3A_86 : vector<8192x1xi32>
    %lt3A_88 = arith.constant 0 : i32
    %lt3A_89 = vector.broadcast %lt3A_88 : i32 to vector<8192x1xi32>
    %lt3A_90 = arith.cmpi slt, %rem3A_84, %lt3A_89 : vector<8192x1xi32>
    %lt3A_91 = arith.constant 0 : i32
    %lt3A_92 = arith.cmpi slt, %select_n3A_82, %lt3A_91 : i32
    %ne3A_93 = vector.broadcast %lt3A_92 : i1 to vector<8192x1xi1>
    %ne3A_94 = vector.broadcast %ne3A_93 : vector<8192x1xi1> to vector<8192x1xi1>
    %ne3A_95 = arith.xori %lt3A_90, %ne3A_94 : vector<8192x1xi1>
    %and3A_96 = arith.andi %ne3A_95, %ne3A_87 : vector<8192x1xi1>
    %add3A_97 = vector.broadcast %select_n3A_82 : i32 to vector<8192x1xi32>
    %add3A_98 = arith.addi %rem3A_84, %add3A_97 : vector<8192x1xi32>
    %select_n3A_99 = arith.select %and3A_96, %add3A_98, %rem3A_84 : vector<8192x1xi1>, vector<8192x1xi32>
    %ne3A_100 = arith.constant 63 : i32
    %ne3A_101 = vector.broadcast %ne3A_100 : i32 to vector<8192x1xi32>
    %ne3A_102 = arith.cmpi ne, %select_n3A_99, %ne3A_101 : vector<8192x1xi32>
    %jit3A_103 = arith.constant 0xFF800000 : f32
    %broadcast_in_dim3A_104 = vector.shape_cast %ne3A_102 : vector<8192x1xi1> to vector<8192x1xi1>
    %broadcast_in_dim3A_105 = vector.broadcast %broadcast_in_dim3A_104 : vector<8192x1xi1> to vector<8192x64xi1>
    %broadcast_in_dim3A_106 = vector.broadcast %jit3A_103 : f32 to vector<8192x64xf32>
    %select_n3A_107 = arith.select %broadcast_in_dim3A_105, %concatenate3A_47, %broadcast_in_dim3A_106 : vector<8192x64xi1>, vector<8192x64xf32>
    %ne3A_108 = arith.constant 0 : i32
    %ne3A_109 = vector.broadcast %ne3A_108 : i32 to vector<8192x1xi32>
    %ne3A_110 = arith.cmpi ne, %select_n3A_99, %ne3A_109 : vector<8192x1xi32>
    %jit3A_111 = arith.constant 0xFF800000 : f32
    %broadcast_in_dim3A_112 = vector.shape_cast %ne3A_110 : vector<8192x1xi1> to vector<8192x1xi1>
    %broadcast_in_dim3A_113 = vector.broadcast %broadcast_in_dim3A_112 : vector<8192x1xi1> to vector<8192x64xi1>
    %broadcast_in_dim3A_114 = vector.broadcast %jit3A_111 : f32 to vector<8192x64xf32>
    %select_n3A_115 = arith.select %broadcast_in_dim3A_113, %concatenate3A_49, %broadcast_in_dim3A_114 : vector<8192x64xi1>, vector<8192x64xf32>
    %max3A_116 = arith.maximumf %select_n3A_107, %select_n3A_115 : vector<8192x64xf32>
    %max3A_117 = arith.maximumf %max3A_43, %max3A_116 : vector<8192x64xf32>
    %eq3A_118 = arith.cmpf oeq, %get3A_1, %max3A_117 : vector<8192x64xf32>
    %ne3A_119 = arith.constant 0xFF800000 : f32
    %ne3A_120 = vector.broadcast %ne3A_119 : f32 to vector<8192x64xf32>
    %ne3A_121 = arith.cmpf one, %get3A_1, %ne3A_120 : vector<8192x64xf32>
    %and3A_122 = arith.andi %eq3A_118, %ne3A_121 : vector<8192x64xi1>
    %jit3A_123 = arith.constant 0xFF800000 : f32
    %broadcast_in_dim3A_124 = vector.broadcast %jit3A_123 : f32 to vector<8192x64xf32>
    %select_n3A_125 = arith.select %and3A_122, %get3A_1, %broadcast_in_dim3A_124 : vector<8192x64xi1>, vector<8192x64xf32>
    %swap3A = arith.constant 0 : index
    %swap3A_126 = arith.constant 0 : index
    %swap3A_127 = vector.load %arg1[%swap3A, %swap3A_126] : memref<8192x64xf32, #tpu.memory_space<vmem>>, vector<8192x64xf32>
    tpu.vector_store %arg1[%swap3A, %swap3A_126], %select_n3A_125 {strides = array<i32>} : memref<8192x64xf32, #tpu.memory_space<vmem>>, vector<8192x64xf32>,
    %bitcast_convert_type3A = tpu.bitcast %select_n3A_125 : vector<8192x64xf32> -> vector<8192x64xi32>
    %scan3A = arith.constant -8388608 : i32
    %scan3A_128 = arith.constant 1065353217 : i32
    %scan3A_129 = arith.constant 0 : i32
    %scan3A_130 = arith.constant 31 : i32
    %scan3A_131 = arith.addi %scan3A_129, %scan3A_130 : i32
    %scan3A_132 = arith.constant 1 : i32
    %scan3A_133:2 = scf.for %scan3A_141 = %scan3A_129 to %scan3A_131 step %scan3A_132 iter_args(%scan3A_142 = %scan3A, %scan3A_143 = %scan3A_128) -> (i32, i32)  : i32 {
      %sub3A_144 = arith.subi %scan3A_143, %scan3A_142 : i32
      %div3A_145 = arith.constant 2 : i32
      %div3A_146 = arith.divsi %sub3A_144, %div3A_145 : i32
      %add3A_147 = arith.addi %scan3A_142, %div3A_146 : i32
      %ge3A = vector.broadcast %add3A_147 : i32 to vector<8192x64xi32>
      %ge3A_148 = arith.cmpi sge, %bitcast_convert_type3A, %ge3A : vector<8192x64xi32>
      %convert_element_type3A = arith.extui %ge3A_148 : vector<8192x64xi1> to vector<8192x64xi32>
      %reduce_sum3A = vector.shape_cast %convert_element_type3A : vector<8192x64xi32> to vector<1x8192x64xi32>
      %reduce_sum3A_149 = arith.constant dense<0> : vector<1xi32>
      %reduce_sum3A_150 = vector.multi_reduction <add>, %reduce_sum3A, %reduce_sum3A_149 [1, 2] : vector<1x8192x64xi32> to vector<1xi32>
      %reduce_sum3A_151 = vector.shape_cast %reduce_sum3A_150 : vector<1xi32> to vector<1x1x1xi32>
      %reduce_sum3A_152 = vector.extract %reduce_sum3A_151[0, 0, 0] : i32 from vector<1x1x1xi32>
      %ge3A_153 = arith.constant 256 : i32
      %ge3A_154 = arith.cmpi sge, %reduce_sum3A_152, %ge3A_153 : i32
      %select_n3A_155 = arith.select %ge3A_154, %add3A_147, %scan3A_142 : i32
      %select_n3A_156 = arith.select %ge3A_154, %scan3A_143, %add3A_147 : i32
      scf.yield %select_n3A_155, %select_n3A_156 : i32, i32
    }
    %broadcast_in_dim3A_134 = arith.constant 1.000000e+00 : f32
    %broadcast_in_dim3A_135 = vector.broadcast %broadcast_in_dim3A_134 : f32 to vector<1x128xf32>
    %bitcast_convert_type3A_136 = arith.bitcast %scan3A_133#0 : i32 to f32
    %mul3A = vector.broadcast %bitcast_convert_type3A_136 : f32 to vector<1x128xf32>
    %mul3A_137 = arith.mulf %broadcast_in_dim3A_135, %mul3A : vector<1x128xf32>
    %swap3A_138 = arith.constant 0 : index
    %swap3A_139 = arith.constant 0 : index
    %swap3A_140 = vector.load %arg2[%swap3A_138, %swap3A_139] : memref<1x128xf32, #tpu.memory_space<vmem>>, vector<1x128xf32>
    tpu.vector_store %arg2[%swap3A_138, %swap3A_139], %mul3A_137 {strides = array<i32>} : memref<1x128xf32, #tpu.memory_space<vmem>>, vector<1x128xf32>,
    return
  }
}

module attributes {stable_mosaic.version = 14 : i64} {
  func.func @_ke_body(%arg0: memref<1024x1xf32, #tpu.memory_space<vmem>>, %arg1: memref<1x1024xf32, #tpu.memory_space<vmem>>, %arg2: memref<1024x1xi32, #tpu.memory_space<vmem>>, %arg3: memref<1x1024xi32, #tpu.memory_space<vmem>>, %arg4: memref<256x256xf32, #tpu.memory_space<vmem>>, %arg5: memref<256x1xf32, #tpu.memory_space<vmem>>, %arg6: memref<256x1xi32, #tpu.memory_space<vmem>>, %arg7: memref<256x1xi32, #tpu.memory_space<vmem>>, %arg8: memref<256x1xi32, #tpu.memory_space<vmem>>, %arg9: memref<1x1xf32, #tpu.memory_space<vmem>>) attributes {dimension_semantics = [], scalar_prefetch = 0 : i64, scratch_operands = 0 : i64, tpu.core_type = #tpu.core_type<tc>} {
    %get3A = arith.constant 0 : index
    %get3A_0 = arith.constant 0 : index
    %get3A_1 = vector.load %arg0[%get3A, %get3A_0] : memref<1024x1xf32, #tpu.memory_space<vmem>>, vector<1024x1xf32>
    %get3A_2 = arith.constant 0 : index
    %get3A_3 = arith.constant 0 : index
    %get3A_4 = vector.load %arg1[%get3A_2, %get3A_3] : memref<1x1024xf32, #tpu.memory_space<vmem>>, vector<1x1024xf32>
    %get3A_5 = arith.constant 0 : index
    %get3A_6 = arith.constant 0 : index
    %get3A_7 = vector.load %arg2[%get3A_5, %get3A_6] : memref<1024x1xi32, #tpu.memory_space<vmem>>, vector<1024x1xi32>
    %get3A_8 = arith.constant 0 : index
    %get3A_9 = arith.constant 0 : index
    %get3A_10 = vector.load %arg3[%get3A_8, %get3A_9] : memref<1x1024xi32, #tpu.memory_space<vmem>>, vector<1x1024xi32>
    %gt3A = vector.broadcast %get3A_1 : vector<1024x1xf32> to vector<1024x1024xf32>
    %gt3A_11 = vector.broadcast %get3A_4 : vector<1x1024xf32> to vector<1024x1024xf32>
    %gt3A_12 = arith.cmpf ogt, %gt3A, %gt3A_11 : vector<1024x1024xf32>
    %eq3A = vector.broadcast %get3A_1 : vector<1024x1xf32> to vector<1024x1024xf32>
    %eq3A_13 = vector.broadcast %get3A_4 : vector<1x1024xf32> to vector<1024x1024xf32>
    %eq3A_14 = arith.cmpf oeq, %eq3A, %eq3A_13 : vector<1024x1024xf32>
    %lt3A = vector.broadcast %get3A_7 : vector<1024x1xi32> to vector<1024x1024xi32>
    %lt3A_15 = vector.broadcast %get3A_10 : vector<1x1024xi32> to vector<1024x1024xi32>
    %lt3A_16 = arith.cmpi slt, %lt3A, %lt3A_15 : vector<1024x1024xi32>
    %and3A = arith.andi %eq3A_14, %lt3A_16 : vector<1024x1024xi1>
    %or3A = arith.ori %gt3A_12, %and3A : vector<1024x1024xi1>
    %convert_element_type3A = arith.extui %or3A : vector<1024x1024xi1> to vector<1024x1024xi32>
    %convert_element_type3A_17 = arith.sitofp %convert_element_type3A : vector<1024x1024xi32> to vector<1024x1024xf32>
    %reduce_sum3A = arith.constant dense<0.000000e+00> : vector<1024xf32>
    %reduce_sum3A_18 = vector.multi_reduction <add>, %convert_element_type3A_17, %reduce_sum3A [0] : vector<1024x1024xf32> to vector<1024xf32>
    %broadcast_in_dim3A = vector.shape_cast %reduce_sum3A_18 : vector<1024xf32> to vector<1x1024xf32>
    %iota3A = tpu.iota {dimensions = array<i32: 0>} : vector<256x1xi32>
    %convert_element_type3A_19 = arith.sitofp %iota3A : vector<256x1xi32> to vector<256x1xf32>
    %eq3A_20 = vector.broadcast %broadcast_in_dim3A : vector<1x1024xf32> to vector<256x1024xf32>
    %eq3A_21 = vector.broadcast %convert_element_type3A_19 : vector<256x1xf32> to vector<256x1024xf32>
    %eq3A_22 = arith.cmpf oeq, %eq3A_20, %eq3A_21 : vector<256x1024xf32>
    %jit3A = arith.constant 0.000000e+00 : f32
    %broadcast_in_dim3A_23 = vector.shape_cast %get3A_4 : vector<1x1024xf32> to vector<1x1024xf32>
    %broadcast_in_dim3A_24 = vector.broadcast %broadcast_in_dim3A_23 : vector<1x1024xf32> to vector<256x1024xf32>
    %broadcast_in_dim3A_25 = vector.broadcast %jit3A : f32 to vector<256x1024xf32>
    %select_n3A = arith.select %eq3A_22, %broadcast_in_dim3A_24, %broadcast_in_dim3A_25 : vector<256x1024xi1>, vector<256x1024xf32>
    %reduce_sum3A_26 = arith.constant dense<0.000000e+00> : vector<256xf32>
    %reduce_sum3A_27 = vector.multi_reduction <add>, %select_n3A, %reduce_sum3A_26 [1] : vector<256x1024xf32> to vector<256xf32>
    %broadcast_in_dim3A_28 = vector.shape_cast %reduce_sum3A_27 : vector<256xf32> to vector<256x1xf32>
    %convert_element_type3A_29 = arith.sitofp %get3A_10 : vector<1x1024xi32> to vector<1x1024xf32>
    %jit3A_30 = arith.constant 0.000000e+00 : f32
    %broadcast_in_dim3A_31 = vector.shape_cast %convert_element_type3A_29 : vector<1x1024xf32> to vector<1x1024xf32>
    %broadcast_in_dim3A_32 = vector.broadcast %broadcast_in_dim3A_31 : vector<1x1024xf32> to vector<256x1024xf32>
    %broadcast_in_dim3A_33 = vector.broadcast %jit3A_30 : f32 to vector<256x1024xf32>
    %select_n3A_34 = arith.select %eq3A_22, %broadcast_in_dim3A_32, %broadcast_in_dim3A_33 : vector<256x1024xi1>, vector<256x1024xf32>
    %reduce_sum3A_35 = arith.constant dense<0.000000e+00> : vector<256xf32>
    %reduce_sum3A_36 = vector.multi_reduction <add>, %select_n3A_34, %reduce_sum3A_35 [1] : vector<256x1024xf32> to vector<256xf32>
    %broadcast_in_dim3A_37 = vector.shape_cast %reduce_sum3A_36 : vector<256xf32> to vector<256x1xf32>
    %iota3A_38 = tpu.iota {dimensions = array<i32: 1>} : vector<1x1024xi32>
    %jit3A_39 = arith.constant 512 : i32
    %div3A = vector.broadcast %jit3A_39 : i32 to vector<1x1024xi32>
    %div3A_40 = arith.divsi %iota3A_38, %div3A : vector<1x1024xi32>
    %sign3A = arith.constant 0 : i32
    %sign3A_41 = vector.broadcast %sign3A : i32 to vector<1x1024xi32>
    %sign3A_42 = arith.cmpi sgt, %iota3A_38, %sign3A_41 : vector<1x1024xi32>
    %sign3A_43 = arith.extui %sign3A_42 : vector<1x1024xi1> to vector<1x1024xi32>
    %sign3A_44 = arith.constant 0 : i32
    %sign3A_45 = vector.broadcast %sign3A_44 : i32 to vector<1x1024xi32>
    %sign3A_46 = arith.cmpi slt, %iota3A_38, %sign3A_45 : vector<1x1024xi32>
    %sign3A_47 = arith.extui %sign3A_46 : vector<1x1024xi1> to vector<1x1024xi32>
    %sign3A_48 = arith.subi %sign3A_43, %sign3A_47 : vector<1x1024xi32>
    %sign3A_49 = arith.constant 0 : i32
    %sign3A_50 = arith.cmpi sgt, %jit3A_39, %sign3A_49 : i32
    %sign3A_51 = arith.extui %sign3A_50 : i1 to i32
    %sign3A_52 = arith.constant 0 : i32
    %sign3A_53 = arith.cmpi slt, %jit3A_39, %sign3A_52 : i32
    %sign3A_54 = arith.extui %sign3A_53 : i1 to i32
    %sign3A_55 = arith.subi %sign3A_51, %sign3A_54 : i32
    %ne3A = vector.broadcast %sign3A_55 : i32 to vector<1x1024xi32>
    %ne3A_56 = arith.cmpi ne, %sign3A_48, %ne3A : vector<1x1024xi32>
    %rem3A = vector.broadcast %jit3A_39 : i32 to vector<1x1024xi32>
    %rem3A_57 = arith.remsi %iota3A_38, %rem3A : vector<1x1024xi32>
    %ne3A_58 = arith.constant 0 : i32
    %ne3A_59 = vector.broadcast %ne3A_58 : i32 to vector<1x1024xi32>
    %ne3A_60 = arith.cmpi ne, %rem3A_57, %ne3A_59 : vector<1x1024xi32>
    %and3A_61 = arith.andi %ne3A_56, %ne3A_60 : vector<1x1024xi1>
    %sub3A = arith.constant 1 : i32
    %sub3A_62 = vector.broadcast %sub3A : i32 to vector<1x1024xi32>
    %sub3A_63 = arith.subi %div3A_40, %sub3A_62 : vector<1x1024xi32>
    %select_n3A_64 = arith.select %and3A_61, %sub3A_63, %div3A_40 : vector<1x1024xi1>, vector<1x1024xi32>
    %convert_element_type3A_65 = arith.sitofp %select_n3A_64 : vector<1x1024xi32> to vector<1x1024xf32>
    %jit3A_66 = arith.constant 0.000000e+00 : f32
    %broadcast_in_dim3A_67 = vector.shape_cast %convert_element_type3A_65 : vector<1x1024xf32> to vector<1x1024xf32>
    %broadcast_in_dim3A_68 = vector.broadcast %broadcast_in_dim3A_67 : vector<1x1024xf32> to vector<256x1024xf32>
    %broadcast_in_dim3A_69 = vector.broadcast %jit3A_66 : f32 to vector<256x1024xf32>
    %select_n3A_70 = arith.select %eq3A_22, %broadcast_in_dim3A_68, %broadcast_in_dim3A_69 : vector<256x1024xi1>, vector<256x1024xf32>
    %reduce_sum3A_71 = arith.constant dense<0.000000e+00> : vector<256xf32>
    %reduce_sum3A_72 = vector.multi_reduction <add>, %select_n3A_70, %reduce_sum3A_71 [1] : vector<256x1024xf32> to vector<256xf32>
    %broadcast_in_dim3A_73 = vector.shape_cast %reduce_sum3A_72 : vector<256xf32> to vector<256x1xf32>
    %eq3A_74 = arith.constant 0.000000e+00 : f32
    %eq3A_75 = vector.broadcast %eq3A_74 : f32 to vector<256x1xf32>
    %eq3A_76 = arith.cmpf oeq, %broadcast_in_dim3A_73, %eq3A_75 : vector<256x1xf32>
    %convert_element_type3A_77 = arith.extui %eq3A_76 : vector<256x1xi1> to vector<256x1xi32>
    %convert_element_type3A_78 = arith.sitofp %convert_element_type3A_77 : vector<256x1xi32> to vector<256x1xf32>
    %get3A_79 = arith.constant 0 : index
    %get3A_80 = arith.constant 0 : index
    %get3A_81 = vector.load %arg4[%get3A_79, %get3A_80] : memref<256x256xf32, #tpu.memory_space<vmem>>, vector<256x256xf32>
    %dot_general3A = arith.constant dense<0.000000e+00> : vector<256x1xf32>
    %dot_general3A_82 = tpu.matmul %get3A_81, %convert_element_type3A_78, %dot_general3A {dimension_numbers = #tpu.dot_dimension_numbers<[1], [0], [0], [1], [0, 0, 1, 1], [], []>, transpose_lhs_hint = false} : vector<256x256xf32>, vector<256x1xf32>, vector<256x1xf32> -> vector<256x1xf32>
    %reduce_sum3A_83 = vector.shape_cast %convert_element_type3A_78 : vector<256x1xf32> to vector<1x256x1xf32>
    %reduce_sum3A_84 = arith.constant dense<0.000000e+00> : vector<1xf32>
    %reduce_sum3A_85 = vector.multi_reduction <add>, %reduce_sum3A_83, %reduce_sum3A_84 [1, 2] : vector<1x256x1xf32> to vector<1xf32>
    %reduce_sum3A_86 = vector.shape_cast %reduce_sum3A_85 : vector<1xf32> to vector<1x1x1xf32>
    %reduce_sum3A_87 = vector.extract %reduce_sum3A_86[0, 0, 0] : f32 from vector<1x1x1xf32>
    %eq3A_88 = arith.constant 0.000000e+00 : f32
    %eq3A_89 = vector.broadcast %eq3A_88 : f32 to vector<256x1xf32>
    %eq3A_90 = arith.cmpf oeq, %broadcast_in_dim3A_73, %eq3A_89 : vector<256x1xf32>
    %sub3A_91 = arith.subf %convert_element_type3A_19, %dot_general3A_82 : vector<256x1xf32>
    %add3A = vector.broadcast %reduce_sum3A_87 : f32 to vector<256x1xf32>
    %add3A_92 = arith.addf %add3A, %sub3A_91 : vector<256x1xf32>
    %select_n3A_93 = arith.select %eq3A_90, %dot_general3A_82, %add3A_92 : vector<256x1xi1>, vector<256x1xf32>
    %add3A_94 = arith.constant 1.000000e+00 : f32
    %add3A_95 = vector.broadcast %add3A_94 : f32 to vector<256x1xf32>
    %add3A_96 = arith.addf %broadcast_in_dim3A_73, %add3A_95 : vector<256x1xf32>
    %add3A_97 = arith.addf %add3A_96, %select_n3A_93 : vector<256x1xf32>
    %swap3A = arith.constant 0 : index
    %swap3A_98 = arith.constant 0 : index
    %swap3A_99 = vector.load %arg5[%swap3A, %swap3A_98] : memref<256x1xf32, #tpu.memory_space<vmem>>, vector<256x1xf32>
    tpu.vector_store %arg5[%swap3A, %swap3A_98], %broadcast_in_dim3A_28 {strides = array<i32>} : memref<256x1xf32, #tpu.memory_space<vmem>>, vector<256x1xf32>,
    %convert_element_type3A_100 = arith.fptosi %broadcast_in_dim3A_37 : vector<256x1xf32> to vector<256x1xi32>
    %swap3A_101 = arith.constant 0 : index
    %swap3A_102 = arith.constant 0 : index
    %swap3A_103 = vector.load %arg6[%swap3A_101, %swap3A_102] : memref<256x1xi32, #tpu.memory_space<vmem>>, vector<256x1xi32>
    tpu.vector_store %arg6[%swap3A_101, %swap3A_102], %convert_element_type3A_100 {strides = array<i32>} : memref<256x1xi32, #tpu.memory_space<vmem>>, vector<256x1xi32>,
    %convert_element_type3A_104 = arith.fptosi %broadcast_in_dim3A_73 : vector<256x1xf32> to vector<256x1xi32>
    %swap3A_105 = arith.constant 0 : index
    %swap3A_106 = arith.constant 0 : index
    %swap3A_107 = vector.load %arg7[%swap3A_105, %swap3A_106] : memref<256x1xi32, #tpu.memory_space<vmem>>, vector<256x1xi32>
    tpu.vector_store %arg7[%swap3A_105, %swap3A_106], %convert_element_type3A_104 {strides = array<i32>} : memref<256x1xi32, #tpu.memory_space<vmem>>, vector<256x1xi32>,
    %convert_element_type3A_108 = arith.fptosi %add3A_97 : vector<256x1xf32> to vector<256x1xi32>
    %swap3A_109 = arith.constant 0 : index
    %swap3A_110 = arith.constant 0 : index
    %swap3A_111 = vector.load %arg8[%swap3A_109, %swap3A_110] : memref<256x1xi32, #tpu.memory_space<vmem>>, vector<256x1xi32>
    tpu.vector_store %arg8[%swap3A_109, %swap3A_110], %convert_element_type3A_108 {strides = array<i32>} : memref<256x1xi32, #tpu.memory_space<vmem>>, vector<256x1xi32>,
    %broadcast_in_dim3A_112 = arith.constant 1.000000e+00 : f32
    %broadcast_in_dim3A_113 = vector.broadcast %broadcast_in_dim3A_112 : f32 to vector<1x1xf32>
    %mul3A = vector.broadcast %reduce_sum3A_87 : f32 to vector<1x1xf32>
    %mul3A_114 = arith.mulf %broadcast_in_dim3A_113, %mul3A : vector<1x1xf32>
    %swap3A_115 = arith.constant 0 : index
    %swap3A_116 = arith.constant 0 : index
    %swap3A_117 = vector.load %arg9[%swap3A_115, %swap3A_116] : memref<1x1xf32, #tpu.memory_space<vmem>>, vector<1x1xf32>
    tpu.vector_store %arg9[%swap3A_115, %swap3A_116], %mul3A_114 {strides = array<i32>} : memref<1x1xf32, #tpu.memory_space<vmem>>, vector<1x1xf32>,
    return
  }
}

module attributes {stable_mosaic.version = 14 : i64} {
  func.func @_desc_body(%arg0: i32, %arg1: memref<2048x64xf32, #tpu.memory_space<vmem>>, %arg2: memref<64x32xf32, #tpu.memory_space<vmem>>, %arg3: memref<1x32xf32, #tpu.memory_space<vmem>>, %arg4: memref<2048x32xf32, #tpu.memory_space<vmem>>) attributes {dimension_semantics = [#tpu.dimension_semantics<arbitrary>], iteration_bounds = array<i64: 49>, scalar_prefetch = 0 : i64, scratch_operands = 0 : i64, tpu.core_type = #tpu.core_type<tc>, window_params = [{transform_indices = @transform_0, window_bounds = array<i64: 2048, 64>}, {pipeline_mode = #tpu.pipeline_mode<synchronous>, transform_indices = @transform_1, window_bounds = array<i64: 64, 32>}, {pipeline_mode = #tpu.pipeline_mode<synchronous>, transform_indices = @transform_2, window_bounds = array<i64: 1, 32>}, {transform_indices = @transform_3, window_bounds = array<i64: 2048, 32>}]} {
    %get3A = arith.constant 0 : index
    %get3A_0 = arith.constant 0 : index
    %get3A_1 = vector.load %arg1[%get3A, %get3A_0] : memref<2048x64xf32, #tpu.memory_space<vmem>>, vector<2048x64xf32>
    %get3A_2 = arith.constant 0 : index
    %get3A_3 = arith.constant 0 : index
    %get3A_4 = vector.load %arg2[%get3A_2, %get3A_3] : memref<64x32xf32, #tpu.memory_space<vmem>>, vector<64x32xf32>
    %dot_general3A = arith.constant dense<0.000000e+00> : vector<2048x32xf32>
    %dot_general3A_5 = tpu.matmul %get3A_1, %get3A_4, %dot_general3A {dimension_numbers = #tpu.dot_dimension_numbers<[1], [0], [0], [1], [0, 0, 1, 1], [], []>, transpose_lhs_hint = false} : vector<2048x64xf32>, vector<64x32xf32>, vector<2048x32xf32> -> vector<2048x32xf32>
    %get3A_6 = arith.constant 0 : index
    %get3A_7 = arith.constant 0 : index
    %get3A_8 = vector.load %arg3[%get3A_6, %get3A_7] : memref<1x32xf32, #tpu.memory_space<vmem>>, vector<1x32xf32>
    %add3A = vector.broadcast %get3A_8 : vector<1x32xf32> to vector<2048x32xf32>
    %add3A_9 = arith.addf %dot_general3A_5, %add3A : vector<2048x32xf32>
    %mul3A = arith.mulf %add3A_9, %add3A_9 : vector<2048x32xf32>
    %reduce_sum3A = arith.constant dense<0.000000e+00> : vector<2048xf32>
    %reduce_sum3A_10 = vector.multi_reduction <add>, %mul3A, %reduce_sum3A [1] : vector<2048x32xf32> to vector<2048xf32>
    %broadcast_in_dim3A = vector.shape_cast %reduce_sum3A_10 : vector<2048xf32> to vector<2048x1xf32>
    %sqrt3A = math.sqrt %broadcast_in_dim3A : vector<2048x1xf32>
    %max3A = arith.constant 9.99999996E-13 : f32
    %max3A_11 = vector.broadcast %max3A : f32 to vector<2048x1xf32>
    %max3A_12 = arith.maximumf %sqrt3A, %max3A_11 : vector<2048x1xf32>
    %div3A = vector.broadcast %max3A_12 : vector<2048x1xf32> to vector<2048x32xf32>
    %div3A_13 = arith.divf %add3A_9, %div3A : vector<2048x32xf32>
    %swap3A = arith.constant 0 : index
    %swap3A_14 = arith.constant 0 : index
    %swap3A_15 = vector.load %arg4[%swap3A, %swap3A_14] : memref<2048x32xf32, #tpu.memory_space<vmem>>, vector<2048x32xf32>
    tpu.vector_store %arg4[%swap3A, %swap3A_14], %div3A_13 {strides = array<i32>} : memref<2048x32xf32, #tpu.memory_space<vmem>>, vector<2048x32xf32>,
    return
  }
  func.func @transform_0(%arg0: i32) -> (i32, i32) {
    %c0_i32 = arith.constant 0 : i32
    %c0_i32_0 = arith.constant 0 : i32
    return %arg0, %c0_i32 : i32, i32
  }
  func.func @transform_1(%arg0: i32) -> (i32, i32) {
    %c0_i32 = arith.constant 0 : i32
    %c0_i32_0 = arith.constant 0 : i32
    %c0_i32_1 = arith.constant 0 : i32
    return %c0_i32, %c0_i32_0 : i32, i32
  }
  func.func @transform_2(%arg0: i32) -> (i32, i32) {
    %c0_i32 = arith.constant 0 : i32
    %c0_i32_0 = arith.constant 0 : i32
    %c0_i32_1 = arith.constant 0 : i32
    return %c0_i32, %c0_i32_0 : i32, i32
  }
  func.func @transform_3(%arg0: i32) -> (i32, i32) {
    %c0_i32 = arith.constant 0 : i32
    %c0_i32_0 = arith.constant 0 : i32
    return %arg0, %c0_i32 : i32, i32
  }
}

module attributes {stable_mosaic.version = 14 : i64} {
  func.func @_kh_body(%arg0: memref<256x64xf32, #tpu.memory_space<vmem>>, %arg1: memref<256x1xf32, #tpu.memory_space<vmem>>, %arg2: memref<64x32xf32, #tpu.memory_space<vmem>>, %arg3: memref<1x32xf32, #tpu.memory_space<vmem>>, %arg4: memref<1x32xf32, #tpu.memory_space<vmem>>, %arg5: memref<1x256xi32, #tpu.memory_space<vmem>>, %arg6: memref<1x1xf32, #tpu.memory_space<vmem>>, %arg7: memref<264x32xf32, #tpu.memory_space<vmem>>) attributes {dimension_semantics = [], scalar_prefetch = 0 : i64, scratch_operands = 0 : i64, tpu.core_type = #tpu.core_type<tc>} {
    %get3A = arith.constant 0 : index
    %get3A_0 = arith.constant 0 : index
    %get3A_1 = vector.load %arg0[%get3A, %get3A_0] : memref<256x64xf32, #tpu.memory_space<vmem>>, vector<256x64xf32>
    %get3A_2 = arith.constant 0 : index
    %get3A_3 = arith.constant 0 : index
    %get3A_4 = vector.load %arg1[%get3A_2, %get3A_3] : memref<256x1xf32, #tpu.memory_space<vmem>>, vector<256x1xf32>
    %max3A = arith.constant 1.000000e+00 : f32
    %max3A_5 = vector.broadcast %max3A : f32 to vector<256x1xf32>
    %max3A_6 = arith.maximumf %get3A_4, %max3A_5 : vector<256x1xf32>
    %div3A = vector.broadcast %max3A_6 : vector<256x1xf32> to vector<256x64xf32>
    %div3A_7 = arith.divf %get3A_1, %div3A : vector<256x64xf32>
    %get3A_8 = arith.constant 0 : index
    %get3A_9 = arith.constant 0 : index
    %get3A_10 = vector.load %arg2[%get3A_8, %get3A_9] : memref<64x32xf32, #tpu.memory_space<vmem>>, vector<64x32xf32>
    %dot_general3A = arith.constant dense<0.000000e+00> : vector<256x32xf32>
    %dot_general3A_11 = tpu.matmul %div3A_7, %get3A_10, %dot_general3A {dimension_numbers = #tpu.dot_dimension_numbers<[1], [0], [0], [1], [0, 0, 1, 1], [], []>, transpose_lhs_hint = false} : vector<256x64xf32>, vector<64x32xf32>, vector<256x32xf32> -> vector<256x32xf32>
    %get3A_12 = arith.constant 0 : index
    %get3A_13 = arith.constant 0 : index
    %get3A_14 = vector.load %arg3[%get3A_12, %get3A_13] : memref<1x32xf32, #tpu.memory_space<vmem>>, vector<1x32xf32>
    %add3A = vector.broadcast %get3A_14 : vector<1x32xf32> to vector<256x32xf32>
    %add3A_15 = arith.addf %dot_general3A_11, %add3A : vector<256x32xf32>
    %mul3A = arith.mulf %add3A_15, %add3A_15 : vector<256x32xf32>
    %reduce_sum3A = arith.constant dense<0.000000e+00> : vector<256xf32>
    %reduce_sum3A_16 = vector.multi_reduction <add>, %mul3A, %reduce_sum3A [1] : vector<256x32xf32> to vector<256xf32>
    %broadcast_in_dim3A = vector.shape_cast %reduce_sum3A_16 : vector<256xf32> to vector<256x1xf32>
    %sqrt3A = math.sqrt %broadcast_in_dim3A : vector<256x1xf32>
    %max3A_17 = arith.constant 9.99999996E-13 : f32
    %max3A_18 = vector.broadcast %max3A_17 : f32 to vector<256x1xf32>
    %max3A_19 = arith.maximumf %sqrt3A, %max3A_18 : vector<256x1xf32>
    %div3A_20 = vector.broadcast %max3A_19 : vector<256x1xf32> to vector<256x32xf32>
    %div3A_21 = arith.divf %add3A_15, %div3A_20 : vector<256x32xf32>
    %iota3A = tpu.iota {dimensions = array<i32: 0>} : vector<264x1xi32>
    %convert_element_type3A = arith.sitofp %iota3A : vector<264x1xi32> to vector<264x1xf32>
    %get3A_22 = arith.constant 0 : index
    %get3A_23 = arith.constant 0 : index
    %get3A_24 = vector.load %arg5[%get3A_22, %get3A_23] : memref<1x256xi32, #tpu.memory_space<vmem>>, vector<1x256xi32>
    %convert_element_type3A_25 = arith.sitofp %get3A_24 : vector<1x256xi32> to vector<1x256xf32>
    %eq3A = vector.broadcast %convert_element_type3A : vector<264x1xf32> to vector<264x256xf32>
    %eq3A_26 = vector.broadcast %convert_element_type3A_25 : vector<1x256xf32> to vector<264x256xf32>
    %eq3A_27 = arith.cmpf oeq, %eq3A, %eq3A_26 : vector<264x256xf32>
    %convert_element_type3A_28 = arith.extui %eq3A_27 : vector<264x256xi1> to vector<264x256xi32>
    %convert_element_type3A_29 = arith.sitofp %convert_element_type3A_28 : vector<264x256xi32> to vector<264x256xf32>
    %dot_general3A_30 = arith.constant dense<0.000000e+00> : vector<264x32xf32>
    %dot_general3A_31 = tpu.matmul %convert_element_type3A_29, %div3A_21, %dot_general3A_30 {dimension_numbers = #tpu.dot_dimension_numbers<[1], [0], [0], [1], [0, 0, 1, 1], [], []>, precision = #tpu.contract_precision<fp32>, transpose_lhs_hint = false} : vector<264x256xf32>, vector<256x32xf32>, vector<264x32xf32> -> vector<264x32xf32>
    %eq3A_32 = arith.constant 0.000000e+00 : f32
    %eq3A_33 = vector.broadcast %eq3A_32 : f32 to vector<264x1xf32>
    %eq3A_34 = arith.cmpf oeq, %convert_element_type3A, %eq3A_33 : vector<264x1xf32>
    %get3A_35 = arith.constant 0 : index
    %get3A_36 = arith.constant 0 : index
    %get3A_37 = vector.load %arg6[%get3A_35, %get3A_36] : memref<1x1xf32, #tpu.memory_space<vmem>>, vector<1x1xf32>
    %add3A_38 = arith.constant 1.000000e+00 : f32
    %add3A_39 = vector.broadcast %add3A_38 : f32 to vector<1x1xf32>
    %add3A_40 = arith.addf %add3A_39, %get3A_37 : vector<1x1xf32>
    %eq3A_41 = vector.broadcast %add3A_40 : vector<1x1xf32> to vector<264x1xf32>
    %eq3A_42 = arith.cmpf oeq, %convert_element_type3A, %eq3A_41 : vector<264x1xf32>
    %or3A = arith.ori %eq3A_34, %eq3A_42 : vector<264x1xi1>
    %convert_element_type3A_43 = arith.extui %or3A : vector<264x1xi1> to vector<264x1xi32>
    %convert_element_type3A_44 = arith.sitofp %convert_element_type3A_43 : vector<264x1xi32> to vector<264x1xf32>
    %get3A_45 = arith.constant 0 : index
    %get3A_46 = arith.constant 0 : index
    %get3A_47 = vector.load %arg4[%get3A_45, %get3A_46] : memref<1x32xf32, #tpu.memory_space<vmem>>, vector<1x32xf32>
    %mul3A_48 = vector.broadcast %convert_element_type3A_44 : vector<264x1xf32> to vector<264x32xf32>
    %mul3A_49 = vector.broadcast %get3A_47 : vector<1x32xf32> to vector<264x32xf32>
    %mul3A_50 = arith.mulf %mul3A_48, %mul3A_49 : vector<264x32xf32>
    %add3A_51 = arith.addf %dot_general3A_31, %mul3A_50 : vector<264x32xf32>
    %swap3A = arith.constant 0 : index
    %swap3A_52 = arith.constant 0 : index
    %swap3A_53 = vector.load %arg7[%swap3A, %swap3A_52] : memref<264x32xf32, #tpu.memory_space<vmem>>, vector<264x32xf32>
    tpu.vector_store %arg7[%swap3A, %swap3A_52], %add3A_51 {strides = array<i32>} : memref<264x32xf32, #tpu.memory_space<vmem>>, vector<264x32xf32>,
    return
  }
}

</mosaic_0001>

<sc_bundles>
// kernel: kernel.10.cloned.1.call-start
scs
__scs_entry_jumppad:
0x0: {  	(pc) =	sbr.rel $0x88, $3  }
0x1: {  	(tag) =	ssettag $0x0;
	lr =	simm.s32 $0x1  }
0x2: {  	[smem:$0x3F9A] =	sst lr;
	_ =	strace $0xD0000000  }
0x3: {  	_ = 	snop  }
0x4: {  	_ = 	snop  }
0x5: {  	_ = 	snop  }
0x6: {  	_ = 	snop  }
0x7: {  	_ = 	snop  }
__scs_overlays_trampoline_lowered:
0x8: {  	[smem:$0x3FA9] =	sst s0  }
0x9: {  	[smem:$0x3FAA] =	sst s1  }
0xa: {  	[smem:$0x3FAB] =	sst s2  }
0xb: {  	[smem:$0x3FAC] =	sst s3  }
0xc: {  	[smem:$0x3FAD] =	sst s4  }
0xd: {  	[smem:$0x3FAE] =	sst s5  }
0xe: {  	[smem:$0x3FAF] =	sst s6  }
0xf: {  	[smem:$0x3FB0] =	sst s7  }
0x10: {  	[smem:$0x3FB1] =	sst s8  }
0x11: {  	[smem:$0x3FB2] =	sst s9;
	s0 =	simm.s32 @!p0 $0x0  }
0x12: {  	s1 =	sld [smem:$0x3F98];
	s0 =	simm.s32 @p0 $0x1  }
0x13: {  	[smem:$0x3FB3] =	sst s0;
	s0 =	simm.s32 @!p1 $0x0  }
0x14: {  	s2 =	sld [smem:$0x3F97];
	s0 =	simm.s32 @p1 $0x1  }
0x15: {  	[smem:$0x3FB4] =	sst s0;
	s0 =	simm.s32 @!p2 $0x0  }
0x16: {  	s3 =	sld [smem:$0x3FDB];
	s0 =	simm.s32 @p2 $0x1  }
0x17: {  	s4 =	simm.s32 $0x1BF5;
	[smem:$0x3FB6] =	sst s0  }
0x18: {  	s0 =	sld [smem:$0x3F99];
	_ =	swait.ge [sflag:s4], $0x0  }
0x19: {  	s7 =	sld [smem:$0x3F9A]  }
0x1a: {  	s8 =	sadd.s32 $0xFFFFE003, lr  }
0x1b: {  	s9 =	sadd.s32 $0xFFFFFEF7, lr;
	s5 =	simm.s32 $0xFFFFFFFF;
	p2 =	slt.u32 s8, $0xFFFFF086  }
0x1c: {  	p1 =	slt.u32 s9, $0xF7A;
	s5 =	simm.s32 @!p2 $0x0  }
0x1d: {  	s5 =	simm.s32 @p1 $0x1;
	p0 =	seq.s32 s7, s2  }
0x1e: {  	s7 =	smul.u32 @!p0 $0xF7A, s2;
	p2 =	seq.s32 @!p0 s5, $0x0  }
0x1f: {  	s9 =	smul.u32 $0xF7A, s1;
	s8 =	simm.s32 @!p0 $0x1BF5;
	p2 =	por !p2, p0  }
0x20: {  	[sflag:s8] =	ssyncset.s32 @!p0 $0xFFFFF086;
	s6 =	sadd.s32 @!p0 s3, s7;
	s7 =	simm.s32 @!p0 $0x108  }
0x21: {  	s3 =	sadd.s32 s3, s9;
	s6 =	sadd.s32 @!p0 $0x88, s6;
	s7 =	simm.s32 @p2 $0x1082  }
0x22: {  	[simem:s7], [sflag:s8] =	dma.local @!p0 [hbm:s6], $0xF7A  }
0x23: {  	s9 =	sor.u32 $0xD0000000, s2;
	s6 =	simm.s32 $0x108;
	_ =	swait.ge @!p0 [sflag:s8], $0x0  }
0x24: {  	s3 =	sadd.s32 $0x88, s3;
	s6 =	simm.s32 @!p1 $0x1082;
	[sflag:s4] =	ssyncset.s32 $0xFFFFF086  }
0x25: {  	[simem:s6], [sflag:s4] =	dma.local [hbm:s3], $0xF7A  }
0x26: {  	[smem:$0x3F9A] =	sst s1;
	(tag) =	ssettag s2;
	_ =	strace s9  }
0x27: {  	s1 =	sld [smem:$0x3FAA]  }
0x28: {  	s2 =	sld [smem:$0x3FAB]  }
0x29: {  	s4 =	sld [smem:$0x3FAD]  }
0x2a: {  	p0 =	seq.s32 s5, $0x0;
	s5 =	sld [smem:$0x3FAE]  }
0x2b: {  	s6 =	sld [smem:$0x3FAF]  }
0x2c: {  	s7 =	sld [smem:$0x3FB0]  }
0x2d: {  	s3 =	simm.s32 $0x108;
	s8 =	sld [smem:$0x3FB1]  }
0x2e: {  	s3 =	simm.s32 @!p0 $0x1082;
	s9 =	sld [smem:$0x3FB2]  }
0x2f: {  	lr =	sadd.s32 s0, s3;
	s0 =	sld [smem:$0x3FA9]  }
0x30: {  	s3 =	sld [smem:$0x3FAC]  }
0x31: {  	[smem:$0x3FB5] =	sst s10  }
0x32: {  	s10 =	sld [smem:$0x3FB3];
	_ =	sdelay $0x3  }
0x33: {  	p0 =	seq.s32 s10, $0x1;
	s10 =	sld [smem:$0x3FB5];
	_ =	sdelay $0x3  }
0x34: {  	[smem:$0x3FB5] =	sst s10  }
0x35: {  	s10 =	sld [smem:$0x3FB4];
	_ =	sdelay $0x3  }
0x36: {  	p1 =	seq.s32 s10, $0x1;
	s10 =	sld [smem:$0x3FB5];
	_ =	sdelay $0x3  }
0x37: {  	[smem:$0x3FB5] =	sst s10  }
0x38: {  	s10 =	sld [smem:$0x3FB6]  }
0x39: {  	_ = 	snop;
	(pc) =	sbr.ind lr, $3  }
0x3a: {  	_ = 	snop  }
0x3b: {  	_ = 	snop  }
0x3c: {  	p2 =	seq.s32 s10, $0x1;
	s10 =	sld [smem:$0x3FB5]  }
0x3d: {  	_ =	shalt  }
0x3e: {  	_ =	shalt  }
0x3f: {  	_ =	shalt  }
0x40: {  	_ =	shalt  }
0x41: {  	_ =	shalt  }
0x42: {  	_ =	shalt  }
0x43: {  	_ =	shalt  }
0x44: {  	_ =	shalt  }
0x45: {  	_ =	shalt  }
0x46: {  	_ =	shalt  }
0x47: {  	_ =	shalt  }
0x48: {  	_ =	shalt  }
0x49: {  	_ =	shalt  }
0x4a: {  	_ =	shalt  }
0x4b: {  	_ =	shalt  }
0x4c: {  	_ =	shalt  }
0x4d: {  	_ =	shalt  }
0x4e: {  	_ =	shalt  }
0x4f: {  	_ =	shalt  }
0x50: {  	_ =	shalt  }
0x51: {  	_ =	shalt  }
0x52: {  	_ =	shalt  }
0x53: {  	_ =	shalt  }
0x54: {  	_ =	shalt  }
0x55: {  	_ =	shalt  }
0x56: {  	_ =	shalt  }
0x57: {  	_ =	shalt  }
0x58: {  	_ =	shalt  }
0x59: {  	_ =	shalt  }
0x5a: {  	_ =	shalt  }
0x5b: {  	_ =	shalt  }
0x5c: {  	_ =	shalt  }
0x5d: {  	_ =	shalt  }
0x5e: {  	_ =	shalt  }
0x5f: {  	_ =	shalt  }
0x60: {  	_ =	shalt  }
0x61: {  	_ =	shalt  }
0x62: {  	_ =	shalt  }
0x63: {  	_ =	shalt  }
0x64: {  	_ =	shalt  }
0x65: {  	_ =	shalt  }
0x66: {  	_ =	shalt  }
0x67: {  	_ =	shalt  }
0x68: {  	_ =	shalt  }
0x69: {  	_ =	shalt  }
0x6a: {  	_ =	shalt  }
0x6b: {  	_ =	shalt  }
0x6c: {  	_ =	shalt  }
0x6d: {  	_ =	shalt  }
0x6e: {  	_ =	shalt  }
0x6f: {  	_ =	shalt  }
0x70: {  	_ =	shalt  }
0x71: {  	_ =	shalt  }
0x72: {  	_ =	shalt  }
0x73: {  	_ =	shalt  }
0x74: {  	_ =	shalt  }
0x75: {  	_ =	shalt  }
0x76: {  	_ =	shalt  }
0x77: {  	_ =	shalt  }
0x78: {  	_ =	shalt  }
0x79: {  	_ =	shalt  }
0x7a: {  	_ =	shalt  }
0x7b: {  	_ =	shalt  }
0x7c: {  	_ =	shalt  }
0x7d: {  	_ =	shalt  }
0x7e: {  	_ =	shalt  }
0x7f: {  	_ =	shalt  }
0x80: {  	_ =	shalt  }
0x81: {  	_ =	shalt  }
0x82: {  	_ =	shalt  }
0x83: {  	_ =	shalt  }
0x84: {  	_ =	shalt  }
0x85: {  	_ =	shalt  }
0x86: {  	_ =	shalt  }
0x87: {  	_ =	shalt  }
.Lfunc_end0:
.L_simem_size_0:
called_computation_lowered:
.L_overlay_start_0:
0x88: {  	s2 =	sld [smem:$0x3FD9]  }
0x89: {  	s3 =	sld [smem:$0x3FFE];
	_ =	sdelay $0x1  }
0x8a: {  	s1 =	srdreg.scid  }
0x8b: {  	s0 =	sand.u32 $0x1, s1  }
0x8c: {  	s14 =	sshll.u32 s0, $0xA;
	s2 =	sadd.s32 s3, s2  }
0x8d: {  	s2 =	sadd.s32 s2, s14  }
0x8e: {  	[smem:$0x3FC1] =	sst s2  }
0x8f: {  	_ = 	snop  }
0x90: {  	s2 =	sld [smem:$0x3FD0];
	_ =	sdelay $0x2  }
0x91: {  	s15 =	simm.s32 $0xA;
	s4 =	simm.s32 $0x10  }
0x92: {  	[smem:s4], [sflag:s15] =	dma.local [hbm:s2], $0x1  }
0x93: {  	_ =	swait.eq [sflag:s15], $0x1  }
0x94: {  	[sflag:s15] =	ssyncset.done $0x0  }
0x95: {  	s16 =	sld [smem:$0x10];
	[sflag:s15] =	ssyncadd.s32 $0xFFFFFFFF  }
0x96: {  	s17 =	sld [smem:$0x11];
	(tm) =	ssettm $0x1  }
0x97: {  	s18 =	sld [smem:$0x3FFB];
	_ =	sdelay $0x3  }
0x98: {  	_ =	strace s18  }
0x99: {  	s4 =	sld [smem:$0x3FFC];
	_ =	sdelay $0x3  }
0x9a: {  	_ =	strace s4  }
0x9b: {  	s4 =	sld [smem:$0x3FFD];
	_ =	sdelay $0x3  }
0x9c: {  	_ =	strace s4  }
0x9d: {  	_ =	strace $0x8FFFFFFF  }
0x9e: {  	s19 =	sld [smem:$0x3FDB];
	_ =	sdelay $0x1  }
0x9f: {  	s5 =	simm.s32 $_scs_section_size  }
0xa0: {  	s6 =	simm.s32 $_size__tile_overlayer_lowered;
	s7 =	simm.s32 $_tile_overlayer_lowered  }
0xa1: {  	s22 =	simm.s32 $0x1BFF;
	s21 =	sshll.u32 s7, $0x1;
	s4 =	sadd.s32 s5, s19  }
0xa2: {  	s8 =	simm.s32 $0x0;
	s20 =	sshll.u32 s6, $0x1;
	s6 =	sadd.s32 s21, s4  }
0xa3: {  	[timem:s8], [sflag:s22] =	dma.local [hbm:s6], s20  }
0xa4: {  	_ =	swait.ge [sflag:s22], s20  }
0xa5: {  	s5 =	ssub.s32 $0x0, s20;
	[sflag:s22] =	ssyncset.done $0x0  }
0xa6: {  	[sflag:s22] =	ssyncadd.s32 s5;
	_ =	sdelay $0x1  }
0xa7: {  	s23 =	simm.s32 $0x1B8B  }
0xa8: {  	_ =	swait.ge [sflag:s23], $0x1  }
0xa9: {  	[sflag:s23] =	ssyncset.done $0x0  }
0xaa: {  	s25 =	simm.s32 $0x1B8E;
	s24 =	sld [smem:$0x3FFE];
	[sflag:s23] =	ssyncadd.s32 $0xFFFFFFFF  }
0xab: {  	s26 =	simm.s32 $execute0_lowered;
	[smem:$0x3FD2] =	sst s25  }
0xac: {  	s6 =	sshll.u32 s26, $0x1;
	_ =	strace $0x80000046;
	[dreg:$0x1] =	wrdreg $0xFFFFFFFF  }
0xad: {  	s28 =	simm.s32 $_size_execute0_lowered;
	s4 =	sadd.s32 s4, s6;
	[dreg:$0x0] =	wrdreg $0x0  }
0xae: {  	s6 =	sshll.u32 s28, $0x1;
	[dreg:$0x2] =	wrdreg s4  }
0xaf: {  	[dreg:$0x3] =	wrdreg s6  }
0xb0: {  	[dreg:$0x4] =	wrdreg $0xC0  }
0xb1: {  	_ =	task [dreg:s8], $0x5FFFF  }
0xb2: {  	[dreg:$0x1] =	wrdreg $0xFFFFFFFF  }
0xb3: {  	[dreg:$0x0] =	wrdreg $0x60  }
0xb4: {  	[dreg:$0x2] =	wrdreg s24  }
0xb5: {  	[dreg:$0x3] =	wrdreg s16  }
0xb6: {  	[dreg:$0x4] =	wrdreg s17  }
0xb7: {  	[dreg:$0x5] =	wrdreg $0x9  }
0xb8: {  	_ =	task.clear_ibuf [dreg:s8], $0x6FFFF;
	_ =	strace $0x90000046  }
0xb9: {  	s29 =	simm.s32 $0x9;
	_ =	strace $0x80000048  }
0xba: {  	_ =	swait.ge [sflag:s29], $0x1  }
0xbb: {  	[sflag:s29] =	ssyncadd.s32 $0xFFFFFFFF  }
0xbc: {  	_ =	strace $0x90000048  }
0xbd: {  	_ =	sfence  }
0xbe: {  	s30 =	sld [smem:$0x0];
	_ =	sdelay $0x2  }
0xbf: {  	s31 =	sshll.u32 s1, $0xD;
	s1 =	sshrl.u32 s1, $0x2  }
0xc0: {  	s3 =	sand.u32 $0x4000, s31;
	s1 =	sadd.s32 s1, s30  }
0xc1: {  	s0 =	sor.u32 s3, s0;
	s1 =	sshll.u32 s1, $0x11  }
0xc2: {  	s0 =	sor.u32 s1, s0  }
0xc3: {  	s0 =	sadd.s32 $0x8F2B, s0  }
0xc4: {  	[sflag:s0] =	ssyncadd.remote.s32 $0x1  }
0xc5: {  	_ =	sfence.sel $0xFFFF  }
0xc6: {  	[dreg:$0x0] =	wrdreg $0xFFFFFFFF;
	(pc) =	sbr.abs _section_cstart, $3  }
0xc7: {  	[dreg:$0x1] =	wrdreg $0xFFFFFFFF  }
0xc8: {  	_ =	task.clear_ibuf [dreg:s8], $0x2FFFF;
	_ =	strace $0x9FFFFFFF  }
0xc9: {  	(tm) =	ssettm $0x7FFFFFFF  }
tec
execute0_lowered:
.L_overlay_start_1:
0x0: {  	(tag) =	ssettag $0x1  }
0x1: {  	s5 =	rddreg [dreg:$0x0]  }
0x2: {  	s2 =	rddreg [dreg:$0x1]  }
0x3: {  	s7 =	rddreg [dreg:$0x2]  }
0x4: {  	s0 =	rddreg [dreg:$0x3]  }
0x5: {  	s4 =	srdreg.scid;
	s1 =	stileid.u32  }
0x6: {  	s3 =	simm.s32 $0x0;
	s12 =	simm.s32 $0x1080;
	s13 =	simm.s32 $0x5080  }
0x7: {  	s14 =	simm.s32 $0x0;
	s4 =	sand.u32 $0x1, s4;
	s6 =	sshll.u32 s1, $0x1  }
0x8: {  	[smem:$0x7FF] =	sst s3;
	p0 =	slt.u32 s1, $0x8;
	s9 =	sor.u32 s4, s6  }
.Ltmp0:
0x9: {  	_ =	strace $0x80000047;
	s31 =	ssub.s32 $0x2, s4;
	(pc) =	sbr.rel .LBB2_1-.Ltmp0, $4  }
0xa: {  	s4 =	sadd.s32 $0xDA00, s5;
	s8 =	sshll.u32 s9, $0xB;
	s11 =	sshrl.u32 s31, $0x1  }
0xb: {  	v0 =	vmov s9;
	s9 =	simm.s32 $0x1000;
	s10 =	sadd.s32 s8, s5;
	s5 =	sadd.s32 $0x1200, s5  }
0xc: {  	v3 =	vlaneseq.u32;
	s11 =	ssub.s32 s31, s11;
	s7 =	sadd.s32 s7, s8;
	s6 =	sadd.s32 $0x10C00, s10  }
0xd: {  	v1 =	vimm.s32 $0x0;
	v2 =	vimm.f32 $-Inf;
	v3 =	vadd.s32 $0x1, v3;
	s8 =	smax.u32 s11, $0x1;
	s10 =	simm.s32 $0x1;
	s11 =	simm.s32 $0x800  }
.LBB2_8:
0xe: {  	[hbm4b:s6+s3] =	stream.linear.scatter [tilespmem:s12], [sflag:$0x1], $0x4000, $0x38;
	[tilespmem:$0x9080] =	vst v63  }
0xf: {  	s14 =	sadd.s32 $0x1, s14;
	_ =	swait.ge [sflag:s10], $0x4000  }
0x10: {  	p1 =	sne.s32 s14, s8;
	[sflag:s10] =	ssyncset.done $0x0  }
.Ltmp1:
0x11: {  	[sflag:s10] =	ssyncadd.s32 $0xFFFFC000;
	(pc) =	sbr.rel @!p1 .LBB2_9-.Ltmp1, $4  }
0x12: {  	[hbm4b:s7+s3] =	stream.linear.scatter [tilespmem:s13], [sflag:$0x1], $0x4000, $0x38;
	[tilespmem:$0x9080] =	vst v63  }
0x13: {  	_ =	swait.ge [sflag:s10], $0x4000  }
0x14: {  	[sflag:s10] =	ssyncset.done $0x0  }
0x15: {  	[sflag:s10] =	ssyncadd.s32 $0xFFFFC000  }
.LBB2_1:
0x16: {  	s15 =	simm.s32 $0x40;
	s16 =	simm.s32 $0x0  }
.LBB2_2:
0x17: {  	p1 =	sne.s32 s15, $0xFFC0;
	[tilespmem:s16+$0x1080] =	vst v1;
	s17 =	smov.u32 s15;
	s15 =	sadd.s32 $0x40, s15  }
.Ltmp2:
0x18: {  	[tilespmem:s16+$0x5080] =	vst v2;
	(pc) =	sbr.rel @p1 .LBB2_2-.Ltmp2, $2  }
0x19: {  	_ =	sdelay $0x2  }
0x1a: {  	s16 =	sshra.s32 s17, $0x2  }
0x1b: {  	[tilespmem:s16+$0x1080] =	vst v1  }
0x1c: {  	[tilespmem:s16+$0x5080] =	vst v2  }
0x1d: {  	[tilespmem:s9], [sflag:$0x1] =	stream.linear.gather [hbm4b:s2+s3], $0x80, $0x38;
	[tilespmem:$0x9080] =	vst v63  }
0x1e: {  	_ =	swait.ge [sflag:s10], $0x80  }
0x1f: {  	[sflag:s10] =	ssyncset.done $0x0  }
0x20: {  	[sflag:s10] =	ssyncadd.s32 $0xFFFFFF80  }
0x21: {  	v4 =	vld [tilespmem:$0x1000];
	_ =	sdelay $0x4  }
0x22: {  	(v2sf) =	vpush v4, $0x0;
	_ =	sdelay $0xe  }
0x23: {  	s15 =	spop (v2sf)  }
0x24: {  	s31 =	sadd.s32 $0x7FF, s15  }
0x25: {  	s17 =	sshra.s32 s15, $0x1F;
	s18 =	sshra.s32 s31, $0x1F  }
0x26: {  	s17 =	sshrl.u32 s17, $0x15;
	s18 =	sshrl.u32 s18, $0x15  }
0x27: {  	s15 =	sadd.s32 s17, s15;
	s16 =	sadd.s32 s18, s31  }
0x28: {  	s15 =	sshra.s32 s15, $0xB;
	s16 =	sshra.s32 s16, $0xB  }
0x29: {  	s15 =	simm.s32 @p0 $0x0;
	s16 =	simm.s32 @!p0 $0x31  }
0x2a: {  	p1 =	sge.s32 s15, s16  }
.Ltmp3:
0x2b: {  	_ = 	snop;
	(pc) =	sbr.rel @p1 .LBB2_8-.Ltmp3, $1  }
0x2c: {  	_ =	sdelay $0x3  }
0x2d: {  	s17 =	sshll.u32 s15, $0xB  }
.LBB2_5:
0x2e: {  	s18 =	sshll.u32 s15, $0x8  }
0x2f: {  	s19 =	sand.u32 $0x1FFFFF00, s18  }
0x30: {  	s18 =	simm.s32 $0x0;
	s20 =	sadd.s32 s4, s19  }
0x31: {  	[tilespmem:s18], [sflag:$0x1] =	stream.linear.gather [hbm4b:s20+s18], $0x800, $0x38;
	[tilespmem:$0x9080] =	vst v63  }
0x32: {  	_ =	swait.ge [sflag:s10], $0x800  }
0x33: {  	[sflag:s10] =	ssyncset.done $0x0  }
0x34: {  	s19 =	sadd.s32 s5, s19;
	[sflag:s10] =	ssyncadd.s32 $0xFFFFF800  }
0x35: {  	[tilespmem:s11], [sflag:$0x1] =	stream.linear.gather [hbm4b:s19+s18], $0x800, $0x38;
	[tilespmem:$0x9080] =	vst v63  }
0x36: {  	_ =	swait.ge [sflag:s10], $0x800  }
0x37: {  	[sflag:s10] =	ssyncset.done $0x0  }
0x38: {  	s19 =	smov.u32 s17;
	[sflag:s10] =	ssyncadd.s32 $0xFFFFF800  }
.LBB2_6:
0x39: {  	s20 =	sshra.s32 s18, $0x2  }
0x3a: {  	v4 =	vld [tilespmem:s20+$0x0];
	_ =	sdelay $0x4  }
0x3b: {  	v5 =	vshrl.u32 v4, $0xE  }
0x3c: {  	v4 =	vand.u32 $0x3FFF, v4;
	vm0 =	veq.s32 v5, v0  }
0x3d: {  	v4 =	vnsel vm0, $0x0, v4;
	_ =	sdelay $0x3  }
0x3e: {  	v6 =	vadd.s32 s19, v3  }
0x3f: {  	v5 =	vld [tilespmem:s20+$0x800];
	[tilespmem:v4+s12+$0x0] =	vst.idx.msk vm0, v6  }
0x40: {  	v7 =	vld.idx.msk [tilespmem:v4+s12+$0x0], $0xffff;
	_ =	sdelay $0x4  }
0x41: {  	vm1 =	vlt.s32 v7, v6  }
0x42: {  	vm1 =	vmand vm0, vm1;
	_ =	sdelay $0x5  }
0x43: {  	[tilespmem:v4+s12+$0x0] =	vst.idx.msk vm1, v6  }
0x44: {  	v63 =	vld.idx.msk [tilespmem:v4+s12+$0x0], $0xffff;
	_ =	sdelay $0x4  }
0x45: {  	vm15 =	veq.s32 v63, v6  }
0x46: {  	vm0 =	vmand vm0, vm15  }
0x47: {  	p1 =	sne.s32 s18, $0x1FC0  }
.Ltmp4:
0x48: {  	_ = 	snop;
	(pc) =	sbr.rel @p1 .LBB2_6-.Ltmp4, $2  }
0x49: {  	_ =	sdelay $0x2  }
0x4a: {  	s19 =	sadd.s32 $0x10, s19;
	s18 =	sadd.s32 $0x40, s18;
	[tilespmem:v4+s13+$0x0] =	vst.idx.msk vm0, v5  }
0x4b: {  	s15 =	sadd.s32 $0x1, s15  }
0x4c: {  	p1 =	sne.s32 s15, s16  }
.Ltmp5:
0x4d: {  	_ = 	snop;
	(pc) =	sbr.rel @p1 .LBB2_5-.Ltmp5, $4  }
.Ltmp6:
0x4e: {  	_ = 	snop;
	(pc) =	sbr.rel @!p1 .LBB2_8-.Ltmp6, $4  }
0x4f: {  	_ = 	snop  }
0x50: {  	_ = 	snop  }
0x51: {  	s17 =	sadd.s32 $0x800, s17  }
0x52: {  	_ = 	snop  }
.LBB2_9:
0x53: {  	_ =	sfence.sel $0x180000  }
0x54: {  	[bflag:$0x0] =	sbarrier.arrive $0xFFFF  }
0x55: {  	p0 =	sne.s32 s1, $0x0;
	_ =	strace $0x90000047  }
0x56: {  	s0 =	sadd.s32 @!p0 $0x100000, s0;
	[bflag:$0x2] =	sbarrier.arrive $0xFFFF  }
0x57: {  	[sflag:s0] =	ssyncadd.tile.s32 @!p0 $0x1;
	_ =	shalt  }
.Lfunc_end2:
_tile_overlayer_lowered:
.L_overlay_start_2:
0x58: {  	(tag) =	ssettag $0x2  }
0x59: {  	s0 =	rddreg [dreg:$0x0];
	s2 =	stileid.u32  }
0x5a: {  	s1 =	rddreg [dreg:$0x1];
	p0 =	sne.s32 s2, $0x0  }
0x5b: {  	s3 =	rddreg [dreg:$0x2];
	[bflag:$0x3] =	sbarrier.arrive $0xFFFF;
	s2 =	simm.s32 @!p0 $0x1C01  }
0x5c: {  	[timem:s3], [sflag:s2] =	dma.local @!p0 [hbm:s0], s1  }
0x5d: {  	s0 =	simm.s32 @!p0 $0x1  }
0x5e: {  	_ =	swait.ge @!p0 [sflag:s0], s1  }
0x5f: {  	s1 =	ssub.s32 @!p0 $0x0, s1;
	[sflag:s0] =	ssyncset.done @!p0 $0x0  }
0x60: {  	[sflag:s0] =	ssyncadd.s32 @!p0 s1  }
0x61: {  	[bflag:$0x3] =	sbarrier.arrive $0xFFFF  }
0x62: {  	_ =	shalt  }

// kernel: kernel.13.cloned.1.call-start
scs
__scs_entry_jumppad:
0x0: {  	(pc) =	sbr.rel $0x88, $3  }
0x1: {  	(tag) =	ssettag $0x0;
	lr =	simm.s32 $0x1  }
0x2: {  	[smem:$0x3F9A] =	sst lr;
	_ =	strace $0xD0000000  }
0x3: {  	_ = 	snop  }
0x4: {  	_ = 	snop  }
0x5: {  	_ = 	snop  }
0x6: {  	_ = 	snop  }
0x7: {  	_ = 	snop  }
__scs_overlays_trampoline_lowered:
0x8: {  	[smem:$0x3FA9] =	sst s0  }
0x9: {  	[smem:$0x3FAA] =	sst s1  }
0xa: {  	[smem:$0x3FAB] =	sst s2  }
0xb: {  	[smem:$0x3FAC] =	sst s3  }
0xc: {  	[smem:$0x3FAD] =	sst s4  }
0xd: {  	[smem:$0x3FAE] =	sst s5  }
0xe: {  	[smem:$0x3FAF] =	sst s6  }
0xf: {  	[smem:$0x3FB0] =	sst s7  }
0x10: {  	[smem:$0x3FB1] =	sst s8  }
0x11: {  	[smem:$0x3FB2] =	sst s9;
	s0 =	simm.s32 @!p0 $0x0  }
0x12: {  	s1 =	sld [smem:$0x3F98];
	s0 =	simm.s32 @p0 $0x1  }
0x13: {  	[smem:$0x3FB3] =	sst s0;
	s0 =	simm.s32 @!p1 $0x0  }
0x14: {  	s2 =	sld [smem:$0x3F97];
	s0 =	simm.s32 @p1 $0x1  }
0x15: {  	[smem:$0x3FB4] =	sst s0;
	s0 =	simm.s32 @!p2 $0x0  }
0x16: {  	s3 =	sld [smem:$0x3FDB];
	s0 =	simm.s32 @p2 $0x1  }
0x17: {  	s4 =	simm.s32 $0x1BF5;
	[smem:$0x3FB6] =	sst s0  }
0x18: {  	s0 =	sld [smem:$0x3F99];
	_ =	swait.ge [sflag:s4], $0x0  }
0x19: {  	s7 =	sld [smem:$0x3F9A]  }
0x1a: {  	s8 =	sadd.s32 $0xFFFFE003, lr  }
0x1b: {  	s9 =	sadd.s32 $0xFFFFFEF7, lr;
	s5 =	simm.s32 $0xFFFFFFFF;
	p2 =	slt.u32 s8, $0xFFFFF086  }
0x1c: {  	p1 =	slt.u32 s9, $0xF7A;
	s5 =	simm.s32 @!p2 $0x0  }
0x1d: {  	s5 =	simm.s32 @p1 $0x1;
	p0 =	seq.s32 s7, s2  }
0x1e: {  	s7 =	smul.u32 @!p0 $0xF7A, s2;
	p2 =	seq.s32 @!p0 s5, $0x0  }
0x1f: {  	s9 =	smul.u32 $0xF7A, s1;
	s8 =	simm.s32 @!p0 $0x1BF5;
	p2 =	por !p2, p0  }
0x20: {  	[sflag:s8] =	ssyncset.s32 @!p0 $0xFFFFF086;
	s6 =	sadd.s32 @!p0 s3, s7;
	s7 =	simm.s32 @!p0 $0x108  }
0x21: {  	s3 =	sadd.s32 s3, s9;
	s6 =	sadd.s32 @!p0 $0x88, s6;
	s7 =	simm.s32 @p2 $0x1082  }
0x22: {  	[simem:s7], [sflag:s8] =	dma.local @!p0 [hbm:s6], $0xF7A  }
0x23: {  	s9 =	sor.u32 $0xD0000000, s2;
	s6 =	simm.s32 $0x108;
	_ =	swait.ge @!p0 [sflag:s8], $0x0  }
0x24: {  	s3 =	sadd.s32 $0x88, s3;
	s6 =	simm.s32 @!p1 $0x1082;
	[sflag:s4] =	ssyncset.s32 $0xFFFFF086  }
0x25: {  	[simem:s6], [sflag:s4] =	dma.local [hbm:s3], $0xF7A  }
0x26: {  	[smem:$0x3F9A] =	sst s1;
	(tag) =	ssettag s2;
	_ =	strace s9  }
0x27: {  	s1 =	sld [smem:$0x3FAA]  }
0x28: {  	s2 =	sld [smem:$0x3FAB]  }
0x29: {  	s4 =	sld [smem:$0x3FAD]  }
0x2a: {  	p0 =	seq.s32 s5, $0x0;
	s5 =	sld [smem:$0x3FAE]  }
0x2b: {  	s6 =	sld [smem:$0x3FAF]  }
0x2c: {  	s7 =	sld [smem:$0x3FB0]  }
0x2d: {  	s3 =	simm.s32 $0x108;
	s8 =	sld [smem:$0x3FB1]  }
0x2e: {  	s3 =	simm.s32 @!p0 $0x1082;
	s9 =	sld [smem:$0x3FB2]  }
0x2f: {  	lr =	sadd.s32 s0, s3;
	s0 =	sld [smem:$0x3FA9]  }
0x30: {  	s3 =	sld [smem:$0x3FAC]  }
0x31: {  	[smem:$0x3FB5] =	sst s10  }
0x32: {  	s10 =	sld [smem:$0x3FB3];
	_ =	sdelay $0x3  }
0x33: {  	p0 =	seq.s32 s10, $0x1;
	s10 =	sld [smem:$0x3FB5];
	_ =	sdelay $0x3  }
0x34: {  	[smem:$0x3FB5] =	sst s10  }
0x35: {  	s10 =	sld [smem:$0x3FB4];
	_ =	sdelay $0x3  }
0x36: {  	p1 =	seq.s32 s10, $0x1;
	s10 =	sld [smem:$0x3FB5];
	_ =	sdelay $0x3  }
0x37: {  	[smem:$0x3FB5] =	sst s10  }
0x38: {  	s10 =	sld [smem:$0x3FB6]  }
0x39: {  	_ = 	snop;
	(pc) =	sbr.ind lr, $3  }
0x3a: {  	_ = 	snop  }
0x3b: {  	_ = 	snop  }
0x3c: {  	p2 =	seq.s32 s10, $0x1;
	s10 =	sld [smem:$0x3FB5]  }
0x3d: {  	_ =	shalt  }
0x3e: {  	_ =	shalt  }
0x3f: {  	_ =	shalt  }
0x40: {  	_ =	shalt  }
0x41: {  	_ =	shalt  }
0x42: {  	_ =	shalt  }
0x43: {  	_ =	shalt  }
0x44: {  	_ =	shalt  }
0x45: {  	_ =	shalt  }
0x46: {  	_ =	shalt  }
0x47: {  	_ =	shalt  }
0x48: {  	_ =	shalt  }
0x49: {  	_ =	shalt  }
0x4a: {  	_ =	shalt  }
0x4b: {  	_ =	shalt  }
0x4c: {  	_ =	shalt  }
0x4d: {  	_ =	shalt  }
0x4e: {  	_ =	shalt  }
0x4f: {  	_ =	shalt  }
0x50: {  	_ =	shalt  }
0x51: {  	_ =	shalt  }
0x52: {  	_ =	shalt  }
0x53: {  	_ =	shalt  }
0x54: {  	_ =	shalt  }
0x55: {  	_ =	shalt  }
0x56: {  	_ =	shalt  }
0x57: {  	_ =	shalt  }
0x58: {  	_ =	shalt  }
0x59: {  	_ =	shalt  }
0x5a: {  	_ =	shalt  }
0x5b: {  	_ =	shalt  }
0x5c: {  	_ =	shalt  }
0x5d: {  	_ =	shalt  }
0x5e: {  	_ =	shalt  }
0x5f: {  	_ =	shalt  }
0x60: {  	_ =	shalt  }
0x61: {  	_ =	shalt  }
0x62: {  	_ =	shalt  }
0x63: {  	_ =	shalt  }
0x64: {  	_ =	shalt  }
0x65: {  	_ =	shalt  }
0x66: {  	_ =	shalt  }
0x67: {  	_ =	shalt  }
0x68: {  	_ =	shalt  }
0x69: {  	_ =	shalt  }
0x6a: {  	_ =	shalt  }
0x6b: {  	_ =	shalt  }
0x6c: {  	_ =	shalt  }
0x6d: {  	_ =	shalt  }
0x6e: {  	_ =	shalt  }
0x6f: {  	_ =	shalt  }
0x70: {  	_ =	shalt  }
0x71: {  	_ =	shalt  }
0x72: {  	_ =	shalt  }
0x73: {  	_ =	shalt  }
0x74: {  	_ =	shalt  }
0x75: {  	_ =	shalt  }
0x76: {  	_ =	shalt  }
0x77: {  	_ =	shalt  }
0x78: {  	_ =	shalt  }
0x79: {  	_ =	shalt  }
0x7a: {  	_ =	shalt  }
0x7b: {  	_ =	shalt  }
0x7c: {  	_ =	shalt  }
0x7d: {  	_ =	shalt  }
0x7e: {  	_ =	shalt  }
0x7f: {  	_ =	shalt  }
0x80: {  	_ =	shalt  }
0x81: {  	_ =	shalt  }
0x82: {  	_ =	shalt  }
0x83: {  	_ =	shalt  }
0x84: {  	_ =	shalt  }
0x85: {  	_ =	shalt  }
0x86: {  	_ =	shalt  }
0x87: {  	_ =	shalt  }
.Lfunc_end0:
.L_simem_size_0:
called_computation.1_lowered:
.L_overlay_start_0:
0x88: {  	s2 =	sld [smem:$0x3FD9]  }
0x89: {  	s3 =	sld [smem:$0x3FFE];
	_ =	sdelay $0x1  }
0x8a: {  	s1 =	srdreg.scid  }
0x8b: {  	s0 =	sand.u32 $0x1, s1  }
0x8c: {  	s14 =	sshll.u32 s0, $0xA;
	s2 =	sadd.s32 s3, s2  }
0x8d: {  	s2 =	sadd.s32 s2, s14  }
0x8e: {  	[smem:$0x3FC1] =	sst s2  }
0x8f: {  	_ = 	snop  }
0x90: {  	s2 =	sld [smem:$0x3FD0];
	_ =	sdelay $0x2  }
0x91: {  	s15 =	simm.s32 $0xA;
	s4 =	simm.s32 $0x10  }
0x92: {  	[smem:s4], [sflag:s15] =	dma.local [hbm:s2], $0x1  }
0x93: {  	_ =	swait.eq [sflag:s15], $0x1  }
0x94: {  	s16 =	sld [smem:$0x10];
	[sflag:s15] =	ssyncset.done $0x0  }
0x95: {  	s17 =	sld [smem:$0x11];
	[sflag:s15] =	ssyncadd.s32 $0xFFFFFFFF  }
0x96: {  	s18 =	sld [smem:$0x12];
	(tm) =	ssettm $0x1  }
0x97: {  	s5 =	sld [smem:$0x3FFB];
	_ =	sdelay $0x3  }
0x98: {  	_ =	strace s5  }
0x99: {  	s5 =	sld [smem:$0x3FFC];
	_ =	sdelay $0x3  }
0x9a: {  	_ =	strace s5  }
0x9b: {  	s5 =	sld [smem:$0x3FFD];
	_ =	sdelay $0x3  }
0x9c: {  	_ =	strace s5  }
0x9d: {  	_ =	strace $0x8FFFFFFF  }
0x9e: {  	s19 =	sld [smem:$0x3FDB];
	_ =	sdelay $0x1  }
0x9f: {  	s6 =	simm.s32 $_scs_section_size  }
0xa0: {  	s7 =	simm.s32 $_size__tile_overlayer_lowered;
	s8 =	simm.s32 $_tile_overlayer_lowered  }
0xa1: {  	s22 =	simm.s32 $0x1BFF;
	s21 =	sshll.u32 s8, $0x1;
	s5 =	sadd.s32 s6, s19  }
0xa2: {  	s9 =	simm.s32 $0x0;
	s20 =	sshll.u32 s7, $0x1;
	s7 =	sadd.s32 s21, s5  }
0xa3: {  	[timem:s9], [sflag:s22] =	dma.local [hbm:s7], s20  }
0xa4: {  	_ =	swait.ge [sflag:s22], s20  }
0xa5: {  	s6 =	ssub.s32 $0x0, s20;
	[sflag:s22] =	ssyncset.done $0x0  }
0xa6: {  	[sflag:s22] =	ssyncadd.s32 s6;
	_ =	sdelay $0x1  }
0xa7: {  	s23 =	simm.s32 $0x1B8B  }
0xa8: {  	_ =	swait.ge [sflag:s23], $0x1  }
0xa9: {  	[sflag:s23] =	ssyncset.done $0x0  }
0xaa: {  	s25 =	simm.s32 $0x1B8E;
	s24 =	sld [smem:$0x3FFE];
	[sflag:s23] =	ssyncadd.s32 $0xFFFFFFFF  }
0xab: {  	s26 =	simm.s32 $execute0_lowered;
	[smem:$0x3FD2] =	sst s25  }
0xac: {  	s7 =	sshll.u32 s26, $0x1;
	_ =	strace $0x80000049;
	[dreg:$0x1] =	wrdreg $0xFFFFFFFF  }
0xad: {  	s28 =	simm.s32 $_size_execute0_lowered;
	s5 =	sadd.s32 s5, s7;
	[dreg:$0x0] =	wrdreg $0x0  }
0xae: {  	s7 =	sshll.u32 s28, $0x1;
	[dreg:$0x2] =	wrdreg s5  }
0xaf: {  	[dreg:$0x3] =	wrdreg s7  }
0xb0: {  	[dreg:$0x4] =	wrdreg $0xC0  }
0xb1: {  	_ =	task [dreg:s9], $0x5FFFF  }
0xb2: {  	[dreg:$0x1] =	wrdreg $0xFFFFFFFF  }
0xb3: {  	[dreg:$0x0] =	wrdreg $0x60  }
0xb4: {  	[dreg:$0x2] =	wrdreg s17  }
0xb5: {  	[dreg:$0x3] =	wrdreg s24  }
0xb6: {  	[dreg:$0x4] =	wrdreg s16  }
0xb7: {  	[dreg:$0x5] =	wrdreg s18  }
0xb8: {  	[dreg:$0x6] =	wrdreg $0x9  }
0xb9: {  	_ =	task.clear_ibuf [dreg:s9], $0x7FFFF;
	_ =	strace $0x90000049  }
0xba: {  	s29 =	simm.s32 $0x9;
	_ =	strace $0x8000004B  }
0xbb: {  	_ =	swait.ge [sflag:s29], $0x1  }
0xbc: {  	[sflag:s29] =	ssyncadd.s32 $0xFFFFFFFF  }
0xbd: {  	_ =	strace $0x9000004B  }
0xbe: {  	_ =	sfence  }
0xbf: {  	s30 =	sld [smem:$0x0];
	_ =	sdelay $0x2  }
0xc0: {  	s31 =	sshll.u32 s1, $0xD;
	s1 =	sshrl.u32 s1, $0x2  }
0xc1: {  	s3 =	sand.u32 $0x4000, s31;
	s1 =	sadd.s32 s1, s30  }
0xc2: {  	s0 =	sor.u32 s3, s0;
	s1 =	sshll.u32 s1, $0x11  }
0xc3: {  	s0 =	sor.u32 s1, s0  }
0xc4: {  	s0 =	sadd.s32 $0x8F2B, s0  }
0xc5: {  	[sflag:s0] =	ssyncadd.remote.s32 $0x1  }
0xc6: {  	_ =	sfence.sel $0xFFFF  }
0xc7: {  	[dreg:$0x0] =	wrdreg $0xFFFFFFFF;
	(pc) =	sbr.abs _section_cstart, $3  }
0xc8: {  	[dreg:$0x1] =	wrdreg $0xFFFFFFFF  }
0xc9: {  	_ =	task.clear_ibuf [dreg:s9], $0x2FFFF;
	_ =	strace $0x9FFFFFFF  }
0xca: {  	(tm) =	ssettm $0x7FFFFFFF  }
0xcb: {  	_ =	shalt  }
tec
execute0_lowered:
.L_overlay_start_1:
0x0: {  	(tag) =	ssettag $0x1  }
0x1: {  	s4 =	rddreg [dreg:$0x0]  }
0x2: {  	s5 =	rddreg [dreg:$0x1]  }
0x3: {  	s1 =	rddreg [dreg:$0x2]  }
0x4: {  	s6 =	rddreg [dreg:$0x3]  }
0x5: {  	s0 =	rddreg [dreg:$0x4];
	s3 =	simm.s32 $0x0;
	s7 =	srdreg.scid  }
0x6: {  	s2 =	stileid.u32;
	s13 =	simm.s32 $0x8100;
	s14 =	simm.s32 $0x0  }
0x7: {  	[smem:$0x7FF] =	sst s3;
	s7 =	sand.u32 $0x1, s7;
	s8 =	sshll.u32 s2, $0x1  }
0x8: {  	_ =	strace $0x8000004A;
	s8 =	sor.u32 s7, s8;
	s7 =	ssub.s32 $0x2, s7  }
0x9: {  	s9 =	sshll.u32 s8, $0xB;
	s8 =	sshll.u32 s8, $0x2;
	s31 =	sshrl.u32 s7, $0x1  }
0xa: {  	s10 =	sadd.s32 s9, s5;
	s11 =	sadd.s32 s8, s5;
	s12 =	ssub.s32 s7, s31  }
0xb: {  	s4 =	sadd.s32 s4, s9;
	s6 =	sadd.s32 s6, s8;
	s9 =	simm.s32 $0x8000  }
0xc: {  	s5 =	sadd.s32 $0x10C00, s10;
	s7 =	sadd.s32 $0x1200, s11;
	s8 =	smax.u32 s12, $0x1  }
0xd: {  	v0 =	vimm.f32 $-Inf;
	v1 =	vimm.s32 $0x0;
	s10 =	simm.s32 $0x1;
	s11 =	simm.s32 $0x4000;
	s12 =	simm.s32 $0x8080  }
.LBB2_1:
0xe: {  	[tilespmem:s9], [sflag:$0x1] =	stream.linear.gather [hbm4b:s1+s3], $0x80, $0x38;
	[tilespmem:$0x8180] =	vst v63  }
0xf: {  	_ =	swait.ge [sflag:s10], $0x80  }
0x10: {  	[sflag:s10] =	ssyncset.done $0x0  }
0x11: {  	[sflag:s10] =	ssyncadd.s32 $0xFFFFFF80  }
0x12: {  	[tilespmem:s3], [sflag:$0x1] =	stream.linear.gather [hbm4b:s4+s3], $0x4000, $0x38;
	[tilespmem:$0x8180] =	vst v63  }
0x13: {  	_ =	swait.ge [sflag:s10], $0x4000  }
0x14: {  	[sflag:s10] =	ssyncset.done $0x0  }
0x15: {  	[sflag:s10] =	ssyncadd.s32 $0xFFFFC000  }
0x16: {  	[tilespmem:s11], [sflag:$0x1] =	stream.linear.gather [hbm4b:s5+s3], $0x4000, $0x38;
	[tilespmem:$0x8180] =	vst v63  }
0x17: {  	_ =	swait.ge [sflag:s10], $0x4000  }
0x18: {  	[sflag:s10] =	ssyncset.done $0x0  }
0x19: {  	[sflag:s10] =	ssyncadd.s32 $0xFFFFC000  }
0x1a: {  	[tilespmem:$0x8080] =	vst v0  }
0x1b: {  	[tilespmem:$0x8100] =	vst v1  }
0x1c: {  	[tilespmem:$0x8090] =	vst v0  }
0x1d: {  	[tilespmem:$0x8110] =	vst v1  }
0x1e: {  	[tilespmem:$0x80A0] =	vst v0  }
0x1f: {  	s15 =	simm.s32 $0x0;
	v2 =	vld [tilespmem:$0x8000];
	[tilespmem:$0x8120] =	vst v1  }
0x20: {  	v3 =	vld [tilespmem:s15+$0x0];
	_ =	sdelay $0x4  }
0x21: {  	vm0 =	vge.f32 v3, v2  }
0x22: {  	v5 =	vmpcnt.ones.xlane vm0;
	_ =	sdelay $0x1  }
0x23: {  	(v2sf) =	vpush v5, $0x0  }
0x24: {  	v4 =	vld [tilespmem:s15+$0x4000];
	_ =	sdelay $0x2  }
0x25: {  	p0 =	por $0x1, $0x1;
	s15 =	simm.s32 $0x0  }
0x26: {  	s15 =	simm.s32 @!p0 $0x20  }
0x27: {  	v4 =	vadd.s32 $0xFFFFFFFF, v4;
	[tilespmem:s15+$0x8080] =	vst.msk vm0, v3  }
0x28: {  	s17 =	simm.s32 $0x10;
	s16 =	simm.s32 $0x80;
	[tilespmem:s15+$0x8100] =	vst.msk vm0, v4;
	s15 =	simm.s32 $0x0  }
.LBB2_2:
0x29: {  	p0 =	sne.s32 s16, $0xFFC0;
	v3 =	vld [tilespmem:s17+$0x0];
	_ =	sdelay $0x4  }
0x2a: {  	vm0 =	vge.f32 v3, v2  }
0x2b: {  	v4 =	vld [tilespmem:s17+$0x4000];
	v5 =	vmpcnt.ones.xlane vm0  }
0x2c: {  	s17 =	spop (v2sf)  }
0x2d: {  	(v2sf) =	vpush v5, $0x0;
	s15 =	sadd.s32 s15, s17  }
0x2e: {  	p1 =	slt.s32 s15, $0x20;
	s17 =	smov.u32 s15  }
0x2f: {  	s17 =	simm.s32 @!p1 $0x20  }
.Ltmp0:
0x30: {  	v4 =	vadd.s32 $0xFFFFFFFF, v4;
	[tilespmem:s17+$0x8080] =	vst.msk vm0, v3;
	(pc) =	sbr.rel @p0 .LBB2_2-.Ltmp0, $2  }
0x31: {  	[tilespmem:s17+$0x8100] =	vst.msk vm0, v4;
	_ =	sdelay $0x2  }
0x32: {  	s17 =	sshra.s32 s16, $0x2;
	s16 =	sadd.s32 $0x40, s16  }
0x33: {  	v3 =	vld [tilespmem:s17+$0x0];
	_ =	sdelay $0x4  }
0x34: {  	vm0 =	vge.f32 v3, v2  }
0x35: {  	v2 =	vmpcnt.ones.xlane vm0;
	_ =	sdelay $0x1  }
0x36: {  	(v2sf) =	vpush v2, $0x0;
	_ =	sdelay $0x6  }
0x37: {  	v2 =	vld [tilespmem:s17+$0x4000]  }
0x38: {  	s16 =	spop (v2sf)  }
0x39: {  	s15 =	sadd.s32 s15, s16  }
0x3a: {  	p0 =	slt.s32 s15, $0x20  }
0x3b: {  	s15 =	simm.s32 @!p0 $0x20  }
0x3c: {  	[tilespmem:s15+$0x8080] =	vst.msk vm0, v3;
	v2 =	vadd.s32 $0xFFFFFFFF, v2  }
0x3d: {  	[tilespmem:s15+$0x8100] =	vst.msk vm0, v2  }
0x3e: {  	[hbm4b:s6+s3] =	stream.linear.scatter [tilespmem:s12], [sflag:$0x1], $0x20, $0x38;
	[tilespmem:$0x8180] =	vst v63  }
0x3f: {  	s31 =	spop (v2sf)  }
0x40: {  	s14 =	sadd.s32 $0x1, s14;
	_ =	swait.ge [sflag:s10], $0x20  }
0x41: {  	p0 =	sne.s32 s14, s8;
	[sflag:s10] =	ssyncset.done $0x0  }
.Ltmp1:
0x42: {  	[sflag:s10] =	ssyncadd.s32 $0xFFFFFFE0;
	(pc) =	sbr.rel @p0 .LBB2_1-.Ltmp1, $4  }
0x43: {  	[hbm4b:s7+s3] =	stream.linear.scatter [tilespmem:s13], [sflag:$0x1], $0x20, $0x38;
	[tilespmem:$0x8180] =	vst v63  }
0x44: {  	_ =	swait.ge [sflag:s10], $0x20  }
0x45: {  	[sflag:s10] =	ssyncset.done $0x0  }
0x46: {  	[sflag:s10] =	ssyncadd.s32 $0xFFFFFFE0  }
0x47: {  	_ =	sfence.sel $0x180000  }
0x48: {  	[bflag:$0x0] =	sbarrier.arrive $0xFFFF  }
0x49: {  	p0 =	sne.s32 s2, $0x0;
	_ =	strace $0x9000004A  }
0x4a: {  	s0 =	sadd.s32 @!p0 $0x100000, s0;
	[bflag:$0x2] =	sbarrier.arrive $0xFFFF  }
0x4b: {  	[sflag:s0] =	ssyncadd.tile.s32 @!p0 $0x1;
	_ =	shalt  }
.Lfunc_end2:
_tile_overlayer_lowered:
.L_overlay_start_2:
0x4c: {  	(tag) =	ssettag $0x2  }
0x4d: {  	s0 =	rddreg [dreg:$0x0];
	s2 =	stileid.u32  }
0x4e: {  	s1 =	rddreg [dreg:$0x1];
	p0 =	sne.s32 s2, $0x0  }
0x4f: {  	s3 =	rddreg [dreg:$0x2];
	[bflag:$0x3] =	sbarrier.arrive $0xFFFF;
	s2 =	simm.s32 @!p0 $0x1C01  }
0x50: {  	[timem:s3], [sflag:s2] =	dma.local @!p0 [hbm:s0], s1  }
0x51: {  	s0 =	simm.s32 @!p0 $0x1  }
0x52: {  	_ =	swait.ge @!p0 [sflag:s0], s1  }
0x53: {  	s1 =	ssub.s32 @!p0 $0x0, s1;
	[sflag:s0] =	ssyncset.done @!p0 $0x0  }
0x54: {  	[sflag:s0] =	ssyncadd.s32 @!p0 s1  }
0x55: {  	[bflag:$0x3] =	sbarrier.arrive $0xFFFF  }
0x56: {  	_ =	shalt  }

// kernel: kernel.16.cloned.1.call-start
scs
__scs_entry_jumppad:
0x0: {  	(pc) =	sbr.rel $0x88, $3  }
0x1: {  	(tag) =	ssettag $0x0;
	lr =	simm.s32 $0x1  }
0x2: {  	[smem:$0x3F9A] =	sst lr;
	_ =	strace $0xD0000000  }
0x3: {  	_ = 	snop  }
0x4: {  	_ = 	snop  }
0x5: {  	_ = 	snop  }
0x6: {  	_ = 	snop  }
0x7: {  	_ = 	snop  }
__scs_overlays_trampoline_lowered:
0x8: {  	[smem:$0x3FA9] =	sst s0  }
0x9: {  	[smem:$0x3FAA] =	sst s1  }
0xa: {  	[smem:$0x3FAB] =	sst s2  }
0xb: {  	[smem:$0x3FAC] =	sst s3  }
0xc: {  	[smem:$0x3FAD] =	sst s4  }
0xd: {  	[smem:$0x3FAE] =	sst s5  }
0xe: {  	[smem:$0x3FAF] =	sst s6  }
0xf: {  	[smem:$0x3FB0] =	sst s7  }
0x10: {  	[smem:$0x3FB1] =	sst s8  }
0x11: {  	[smem:$0x3FB2] =	sst s9;
	s0 =	simm.s32 @!p0 $0x0  }
0x12: {  	s1 =	sld [smem:$0x3F98];
	s0 =	simm.s32 @p0 $0x1  }
0x13: {  	[smem:$0x3FB3] =	sst s0;
	s0 =	simm.s32 @!p1 $0x0  }
0x14: {  	s2 =	sld [smem:$0x3F97];
	s0 =	simm.s32 @p1 $0x1  }
0x15: {  	[smem:$0x3FB4] =	sst s0;
	s0 =	simm.s32 @!p2 $0x0  }
0x16: {  	s3 =	sld [smem:$0x3FDB];
	s0 =	simm.s32 @p2 $0x1  }
0x17: {  	s4 =	simm.s32 $0x1BF5;
	[smem:$0x3FB6] =	sst s0  }
0x18: {  	s0 =	sld [smem:$0x3F99];
	_ =	swait.ge [sflag:s4], $0x0  }
0x19: {  	s7 =	sld [smem:$0x3F9A]  }
0x1a: {  	s8 =	sadd.s32 $0xFFFFE003, lr  }
0x1b: {  	s9 =	sadd.s32 $0xFFFFFEF7, lr;
	s5 =	simm.s32 $0xFFFFFFFF;
	p2 =	slt.u32 s8, $0xFFFFF086  }
0x1c: {  	p1 =	slt.u32 s9, $0xF7A;
	s5 =	simm.s32 @!p2 $0x0  }
0x1d: {  	s5 =	simm.s32 @p1 $0x1;
	p0 =	seq.s32 s7, s2  }
0x1e: {  	s7 =	smul.u32 @!p0 $0xF7A, s2;
	p2 =	seq.s32 @!p0 s5, $0x0  }
0x1f: {  	s9 =	smul.u32 $0xF7A, s1;
	s8 =	simm.s32 @!p0 $0x1BF5;
	p2 =	por !p2, p0  }
0x20: {  	[sflag:s8] =	ssyncset.s32 @!p0 $0xFFFFF086;
	s6 =	sadd.s32 @!p0 s3, s7;
	s7 =	simm.s32 @!p0 $0x108  }
0x21: {  	s3 =	sadd.s32 s3, s9;
	s6 =	sadd.s32 @!p0 $0x88, s6;
	s7 =	simm.s32 @p2 $0x1082  }
0x22: {  	[simem:s7], [sflag:s8] =	dma.local @!p0 [hbm:s6], $0xF7A  }
0x23: {  	s9 =	sor.u32 $0xD0000000, s2;
	s6 =	simm.s32 $0x108;
	_ =	swait.ge @!p0 [sflag:s8], $0x0  }
0x24: {  	s3 =	sadd.s32 $0x88, s3;
	s6 =	simm.s32 @!p1 $0x1082;
	[sflag:s4] =	ssyncset.s32 $0xFFFFF086  }
0x25: {  	[simem:s6], [sflag:s4] =	dma.local [hbm:s3], $0xF7A  }
0x26: {  	[smem:$0x3F9A] =	sst s1;
	(tag) =	ssettag s2;
	_ =	strace s9  }
0x27: {  	s1 =	sld [smem:$0x3FAA]  }
0x28: {  	s2 =	sld [smem:$0x3FAB]  }
0x29: {  	s4 =	sld [smem:$0x3FAD]  }
0x2a: {  	p0 =	seq.s32 s5, $0x0;
	s5 =	sld [smem:$0x3FAE]  }
0x2b: {  	s6 =	sld [smem:$0x3FAF]  }
0x2c: {  	s7 =	sld [smem:$0x3FB0]  }
0x2d: {  	s3 =	simm.s32 $0x108;
	s8 =	sld [smem:$0x3FB1]  }
0x2e: {  	s3 =	simm.s32 @!p0 $0x1082;
	s9 =	sld [smem:$0x3FB2]  }
0x2f: {  	lr =	sadd.s32 s0, s3;
	s0 =	sld [smem:$0x3FA9]  }
0x30: {  	s3 =	sld [smem:$0x3FAC]  }
0x31: {  	[smem:$0x3FB5] =	sst s10  }
0x32: {  	s10 =	sld [smem:$0x3FB3];
	_ =	sdelay $0x3  }
0x33: {  	p0 =	seq.s32 s10, $0x1;
	s10 =	sld [smem:$0x3FB5];
	_ =	sdelay $0x3  }
0x34: {  	[smem:$0x3FB5] =	sst s10  }
0x35: {  	s10 =	sld [smem:$0x3FB4];
	_ =	sdelay $0x3  }
0x36: {  	p1 =	seq.s32 s10, $0x1;
	s10 =	sld [smem:$0x3FB5];
	_ =	sdelay $0x3  }
0x37: {  	[smem:$0x3FB5] =	sst s10  }
0x38: {  	s10 =	sld [smem:$0x3FB6]  }
0x39: {  	_ = 	snop;
	(pc) =	sbr.ind lr, $3  }
0x3a: {  	_ = 	snop  }
0x3b: {  	_ = 	snop  }
0x3c: {  	p2 =	seq.s32 s10, $0x1;
	s10 =	sld [smem:$0x3FB5]  }
0x3d: {  	_ =	shalt  }
0x3e: {  	_ =	shalt  }
0x3f: {  	_ =	shalt  }
0x40: {  	_ =	shalt  }
0x41: {  	_ =	shalt  }
0x42: {  	_ =	shalt  }
0x43: {  	_ =	shalt  }
0x44: {  	_ =	shalt  }
0x45: {  	_ =	shalt  }
0x46: {  	_ =	shalt  }
0x47: {  	_ =	shalt  }
0x48: {  	_ =	shalt  }
0x49: {  	_ =	shalt  }
0x4a: {  	_ =	shalt  }
0x4b: {  	_ =	shalt  }
0x4c: {  	_ =	shalt  }
0x4d: {  	_ =	shalt  }
0x4e: {  	_ =	shalt  }
0x4f: {  	_ =	shalt  }
0x50: {  	_ =	shalt  }
0x51: {  	_ =	shalt  }
0x52: {  	_ =	shalt  }
0x53: {  	_ =	shalt  }
0x54: {  	_ =	shalt  }
0x55: {  	_ =	shalt  }
0x56: {  	_ =	shalt  }
0x57: {  	_ =	shalt  }
0x58: {  	_ =	shalt  }
0x59: {  	_ =	shalt  }
0x5a: {  	_ =	shalt  }
0x5b: {  	_ =	shalt  }
0x5c: {  	_ =	shalt  }
0x5d: {  	_ =	shalt  }
0x5e: {  	_ =	shalt  }
0x5f: {  	_ =	shalt  }
0x60: {  	_ =	shalt  }
0x61: {  	_ =	shalt  }
0x62: {  	_ =	shalt  }
0x63: {  	_ =	shalt  }
0x64: {  	_ =	shalt  }
0x65: {  	_ =	shalt  }
0x66: {  	_ =	shalt  }
0x67: {  	_ =	shalt  }
0x68: {  	_ =	shalt  }
0x69: {  	_ =	shalt  }
0x6a: {  	_ =	shalt  }
0x6b: {  	_ =	shalt  }
0x6c: {  	_ =	shalt  }
0x6d: {  	_ =	shalt  }
0x6e: {  	_ =	shalt  }
0x6f: {  	_ =	shalt  }
0x70: {  	_ =	shalt  }
0x71: {  	_ =	shalt  }
0x72: {  	_ =	shalt  }
0x73: {  	_ =	shalt  }
0x74: {  	_ =	shalt  }
0x75: {  	_ =	shalt  }
0x76: {  	_ =	shalt  }
0x77: {  	_ =	shalt  }
0x78: {  	_ =	shalt  }
0x79: {  	_ =	shalt  }
0x7a: {  	_ =	shalt  }
0x7b: {  	_ =	shalt  }
0x7c: {  	_ =	shalt  }
0x7d: {  	_ =	shalt  }
0x7e: {  	_ =	shalt  }
0x7f: {  	_ =	shalt  }
0x80: {  	_ =	shalt  }
0x81: {  	_ =	shalt  }
0x82: {  	_ =	shalt  }
0x83: {  	_ =	shalt  }
0x84: {  	_ =	shalt  }
0x85: {  	_ =	shalt  }
0x86: {  	_ =	shalt  }
0x87: {  	_ =	shalt  }
.Lfunc_end0:
.L_simem_size_0:
called_computation.2_lowered:
.L_overlay_start_0:
0x88: {  	s2 =	sld [smem:$0x3FD9]  }
0x89: {  	s3 =	sld [smem:$0x3FFE];
	_ =	sdelay $0x1  }
0x8a: {  	s1 =	srdreg.scid  }
0x8b: {  	s0 =	sand.u32 $0x1, s1  }
0x8c: {  	s14 =	sshll.u32 s0, $0xA;
	s2 =	sadd.s32 s3, s2  }
0x8d: {  	s2 =	sadd.s32 s2, s14  }
0x8e: {  	[smem:$0x3FC1] =	sst s2  }
0x8f: {  	_ = 	snop  }
0x90: {  	s2 =	sld [smem:$0x3FD0];
	_ =	sdelay $0x2  }
0x91: {  	s15 =	simm.s32 $0xA;
	s4 =	simm.s32 $0x10  }
0x92: {  	[smem:s4], [sflag:s15] =	dma.local [hbm:s2], $0x1  }
0x93: {  	_ =	swait.eq [sflag:s15], $0x1  }
0x94: {  	[sflag:s15] =	ssyncset.done $0x0  }
0x95: {  	[sflag:s15] =	ssyncadd.s32 $0xFFFFFFFF  }
0x96: {  	s16 =	sld [smem:$0x12];
	(tm) =	ssettm $0x1  }
0x97: {  	s17 =	sld [smem:$0x3FFB];
	_ =	sdelay $0x3  }
0x98: {  	_ =	strace s17  }
0x99: {  	s3 =	sld [smem:$0x3FFC];
	_ =	sdelay $0x3  }
0x9a: {  	_ =	strace s3  }
0x9b: {  	s3 =	sld [smem:$0x3FFD];
	_ =	sdelay $0x3  }
0x9c: {  	_ =	strace s3  }
0x9d: {  	_ =	strace $0x8FFFFFFF  }
0x9e: {  	s18 =	sld [smem:$0x3FDB];
	_ =	sdelay $0x1  }
0x9f: {  	s19 =	simm.s32 $_scs_section_size  }
0xa0: {  	s5 =	simm.s32 $_size__tile_overlayer_lowered;
	s6 =	simm.s32 $_tile_overlayer_lowered  }
0xa1: {  	s22 =	simm.s32 $0x1BFF;
	s21 =	sshll.u32 s6, $0x1;
	s3 =	sadd.s32 s19, s18  }
0xa2: {  	s7 =	simm.s32 $0x0;
	s20 =	sshll.u32 s5, $0x1;
	s5 =	sadd.s32 s21, s3  }
0xa3: {  	[timem:s7], [sflag:s22] =	dma.local [hbm:s5], s20  }
0xa4: {  	_ =	swait.ge [sflag:s22], s20  }
0xa5: {  	s4 =	ssub.s32 $0x0, s20;
	[sflag:s22] =	ssyncset.done $0x0  }
0xa6: {  	[sflag:s22] =	ssyncadd.s32 s4;
	_ =	sdelay $0x1  }
0xa7: {  	s23 =	simm.s32 $0x1B8B  }
0xa8: {  	_ =	swait.ge [sflag:s23], $0x1  }
0xa9: {  	[sflag:s23] =	ssyncset.done $0x0  }
0xaa: {  	s25 =	simm.s32 $0x1B8E;
	s24 =	sld [smem:$0x3FFE];
	[sflag:s23] =	ssyncadd.s32 $0xFFFFFFFF  }
0xab: {  	s26 =	simm.s32 $execute0_lowered;
	[smem:$0x3FD2] =	sst s25  }
0xac: {  	s5 =	sshll.u32 s26, $0x1;
	_ =	strace $0x8000004C;
	[dreg:$0x1] =	wrdreg $0xFFFFFFFF  }
0xad: {  	s28 =	simm.s32 $_size_execute0_lowered;
	s3 =	sadd.s32 s3, s5;
	[dreg:$0x0] =	wrdreg $0x0  }
0xae: {  	s5 =	sshll.u32 s28, $0x1;
	[dreg:$0x2] =	wrdreg s3  }
0xaf: {  	[dreg:$0x3] =	wrdreg s5  }
0xb0: {  	[dreg:$0x4] =	wrdreg $0xC0  }
0xb1: {  	_ =	task [dreg:s7], $0x5FFFF  }
0xb2: {  	[dreg:$0x1] =	wrdreg $0xFFFFFFFF  }
0xb3: {  	[dreg:$0x0] =	wrdreg $0x60  }
0xb4: {  	[dreg:$0x2] =	wrdreg s16  }
0xb5: {  	[dreg:$0x3] =	wrdreg s24  }
0xb6: {  	[dreg:$0x4] =	wrdreg $0x9  }
0xb7: {  	_ =	task.clear_ibuf [dreg:s7], $0x5FFFF;
	_ =	strace $0x9000004C  }
0xb8: {  	s29 =	simm.s32 $0x9;
	_ =	strace $0x8000004E  }
0xb9: {  	_ =	swait.ge [sflag:s29], $0x1  }
0xba: {  	[sflag:s29] =	ssyncadd.s32 $0xFFFFFFFF  }
0xbb: {  	_ =	strace $0x9000004E  }
0xbc: {  	_ =	sfence  }
0xbd: {  	s30 =	sld [smem:$0x0];
	_ =	sdelay $0x2  }
0xbe: {  	s31 =	sshll.u32 s1, $0xD;
	s1 =	sshrl.u32 s1, $0x2  }
0xbf: {  	s3 =	sand.u32 $0x4000, s31;
	s1 =	sadd.s32 s1, s30  }
0xc0: {  	s0 =	sor.u32 s3, s0;
	s1 =	sshll.u32 s1, $0x11  }
0xc1: {  	s0 =	sor.u32 s1, s0  }
0xc2: {  	s0 =	sadd.s32 $0x8F2B, s0  }
0xc3: {  	[sflag:s0] =	ssyncadd.remote.s32 $0x1  }
0xc4: {  	_ =	sfence.sel $0xFFFF  }
0xc5: {  	[dreg:$0x0] =	wrdreg $0xFFFFFFFF;
	(pc) =	sbr.abs _section_cstart, $3  }
0xc6: {  	[dreg:$0x1] =	wrdreg $0xFFFFFFFF  }
0xc7: {  	_ =	task.clear_ibuf [dreg:s7], $0x2FFFF;
	_ =	strace $0x9FFFFFFF  }
0xc8: {  	(tm) =	ssettm $0x7FFFFFFF  }
0xc9: {  	_ =	shalt  }
tec
execute0_lowered:
.L_overlay_start_1:
0x0: {  	(tag) =	ssettag $0x1  }
0x1: {  	s3 =	stileid.u32  }
0x2: {  	p0 =	sgt.u32 s3, $0x7  }
.Ltmp0:
0x3: {  	_ = 	snop;
	(pc) =	sbr.rel @p0 .LBB2_5-.Ltmp0, $4  }
0x4: {  	_ = 	snop  }
0x5: {  	s0 =	rddreg [dreg:$0x0];
	s2 =	simm.s32 $0x0  }
0x6: {  	[smem:$0x7FF] =	sst s2  }
0x7: {  	s1 =	rddreg [dreg:$0x1];
	_ =	strace $0x8000004D  }
0x8: {  	s4 =	srdreg.scid;
	s3 =	sadd.s32 $0xA800, s1;
	s25 =	stileid.u32  }
0x9: {  	s5 =	sadd.s32 $0x4400, s1;
	s7 =	sadd.s32 $0x1A7600, s1;
	s15 =	simm.s32 $0x10  }
0xa: {  	s17 =	simm.s32 $0x1;
	s20 =	simm.s32 $0x70;
	s29 =	simm.s32 $0x5D0  }
0xb: {  	s30 =	simm.s32 $0x680;
	s31 =	simm.s32 $0x880;
	s14 =	simm.s32 $0x760  }
0xc: {  	s16 =	simm.s32 $0x7880;
	s18 =	simm.s32 $0x7D0;
	s19 =	simm.s32 $0xB080  }
0xd: {  	s21 =	simm.s32 $0x2;
	s22 =	simm.s32 $0xE880;
	s23 =	simm.s32 $0xF080  }
0xe: {  	s24 =	simm.s32 $0x0;
	s8 =	sand.u32 $0x1, s4;
	s6 =	sshll.u32 s25, $0x1  }
0xf: {  	s4 =	sadd.s32 $0x7600, s1;
	s9 =	sor.u32 s8, s6;
	s6 =	sadd.s32 $0x10C00, s1  }
0x10: {  	s12 =	ssub.s32 $0x2, s8;
	s11 =	sshll.u32 s9, $0x1;
	s9 =	sshll.u32 s9, $0x8  }
0x11: {  	s13 =	sshrl.u32 s12, $0x1;
	s10 =	sadd.s32 s11, s1;
	s26 =	sadd.s32 s9, s1  }
0x12: {  	s28 =	ssub.s32 s12, s13;
	s11 =	sadd.s32 s0, s11;
	s13 =	simm.s32 $0x3  }
0x13: {  	s0 =	simm.s32 $0x6F0;
	s1 =	simm.s32 $0x4080;
	s8 =	sadd.s32 $0x1400, s10  }
0x14: {  	v0 =	vimm.s32 $0x0;
	v1 =	vimm.s32 $0x186A0;
	s9 =	sadd.s32 $0x1800, s26;
	s10 =	sadd.s32 $0x1600, s10;
	s12 =	smax.u32 s28, $0x1  }
.LBB2_2:
0x15: {  	s25 =	simm.s32 $0x0  }
0x16: {  	[tilespmem:s25], [sflag:$0x3] =	stream.linear.gather [hbm4b:s11+s25], $0x10, $0x38;
	[tilespmem:$0xF100] =	vst v63  }
0x17: {  	_ =	swait.ge [sflag:s13], $0x10  }
0x18: {  	[sflag:s13] =	ssyncset.done $0x0  }
0x19: {  	s26 =	simm.s32 $0x80;
	[sflag:s13] =	ssyncadd.s32 $0xFFFFFFF0  }
0x1a: {  	[tilespmem:s26], [sflag:$0x3] =	stream.linear.gather [hbm4b:s8+s25], $0x10, $0x38;
	[tilespmem:$0xF100] =	vst v63  }
0x1b: {  	_ =	swait.ge [sflag:s13], $0x10  }
0x1c: {  	[sflag:s13] =	ssyncset.done $0x0  }
0x1d: {  	s26 =	simm.s32 $0x100;
	[sflag:s13] =	ssyncadd.s32 $0xFFFFFFF0  }
0x1e: {  	[tilespmem:s26], [sflag:$0x1] =	stream.indirect.gather [hbm4b:s3+s15], $0x1, s25, s15, $0xb8;
	[tilespmem:$0xF100] =	vst v63  }
0x1f: {  	_ =	swait.ge [sflag:s17], $0x10  }
0x20: {  	[sflag:s17] =	ssyncset.done $0x0  }
0x21: {  	s26 =	simm.s32 $0x180;
	[sflag:s17] =	ssyncadd.s32 $0xFFFFFFF0  }
0x22: {  	[tilespmem:s26], [sflag:$0x1] =	stream.indirect.gather [hbm4b:s4+s15], $0x1, s25, s15, $0xb8;
	[tilespmem:$0xF100] =	vst v63  }
0x23: {  	_ =	swait.ge [sflag:s17], $0x10  }
0x24: {  	[sflag:s17] =	ssyncset.done $0x0  }
0x25: {  	s26 =	simm.s32 $0x200;
	[sflag:s17] =	ssyncadd.s32 $0xFFFFFFF0  }
0x26: {  	[tilespmem:s26], [sflag:$0x1] =	stream.indirect.gather [hbm4b:s5+s15], $0x1, s25, s15, $0xb8;
	[tilespmem:$0xF100] =	vst v63  }
0x27: {  	_ =	swait.ge [sflag:s17], $0x10  }
0x28: {  	[sflag:s17] =	ssyncset.done $0x0  }
0x29: {  	[sflag:s17] =	ssyncadd.s32 $0xFFFFFFF0  }
0x2a: {  	v9 =	vld [tilespmem:$0x100]  }
0x2b: {  	v5 =	vld [tilespmem:$0x180]  }
0x2c: {  	v3 =	vld [tilespmem:$0x80]  }
0x2d: {  	v2 =	vld [tilespmem:$0x200];
	_ =	sdelay $0x3  }
0x2e: {  	v10 =	vadd.s32 $0xFFFFFFFF, v9;
	v7 =	vadd.s32 $0xFFFFFFFF, v5;
	v11 =	vshll.u32 v3, $0x6  }
0x2f: {  	vm10 =	vgt.s32 v2, $0x0;
	vm1 =	vgt.s32 v5, $0x0;
	vm13 =	vgt.s32 v9, $0x0  }
0x30: {  	vm0 =	vgt.s32 v10, $0x0;
	vm8 =	vgt.s32 v7, $0x0;
	v18 =	vnsel vm1, $0x0, v5  }
0x31: {  	v20 =	vnsel vm13, $0x0, v9;
	v4 =	vnsel vm0, $0x0, v10;
	v3 =	vnsel vm8, $0x0, v7  }
0x32: {  	v18 =	vmin.u32 v18, $0x3F;
	v6 =	vmin.u32 v4, $0x3F;
	v4 =	vadd.s32 $0xFFFFFFFF, v2  }
0x33: {  	v20 =	vmin.u32 v20, $0x3F;
	v6 =	vor.u32 v6, v11;
	vm9 =	vgt.s32 v4, $0x0  }
0x34: {  	v12 =	vmin.u32 v3, $0x3F;
	v8 =	vshll.u32 v6, $0x6;
	v3 =	vnsel vm9, $0x0, v4  }
0x35: {  	v48 =	vor.u32 v20, v11;
	v6 =	vor.u32 v12, v8;
	v13 =	vmin.u32 v3, $0x3F  }
0x36: {  	v3 =	vadd.s32 $0x1, v2;
	v14 =	vshll.u32 v6, $0x6;
	v6 =	vnsel vm10, $0x0, v2  }
0x37: {  	v43 =	vor.u32 v18, v8;
	vm11 =	vgt.s32 v3, $0x0;
	v16 =	vmin.u32 v6, $0x3F  }
0x38: {  	[tilespmem:$0x430] =	vst v0;
	v15 =	vor.u32 v13, v14;
	v6 =	vnsel vm11, $0x0, v3;
	v17 =	vor.u32 v16, v14  }
0x39: {  	v19 =	vmin.u32 v6, $0x3F;
	v6 =	vadd.s32 $0x1, v5;
	[tilespmem:$0x280] =	vst v15;
	v15 =	vshll.u32 v43, $0x6  }
0x3a: {  	v14 =	vor.u32 v19, v14;
	vm12 =	vgt.s32 v6, $0x0;
	[tilespmem:$0x290] =	vst v17;
	v45 =	vor.u32 v13, v15  }
0x3b: {  	v46 =	vor.u32 v16, v15;
	v47 =	vor.u32 v19, v15;
	v15 =	vshll.u32 v48, $0x6;
	[tilespmem:$0x2A0] =	vst v14  }
0x3c: {  	v44 =	vnsel vm12, $0x0, v6;
	[tilespmem:$0x2B0] =	vst v45;
	v51 =	vor.u32 v12, v15  }
0x3d: {  	[tilespmem:$0x2C0] =	vst v46;
	v17 =	vmin.u32 v44, $0x3F;
	v52 =	vshll.u32 v51, $0x6  }
0x3e: {  	[tilespmem:$0x2D0] =	vst v47;
	v8 =	vor.u32 v17, v8;
	v20 =	vor.u32 v16, v52  }
0x3f: {  	v21 =	vor.u32 v18, v15;
	v14 =	vor.u32 v19, v52;
	v8 =	vshll.u32 v8, $0x6;
	[tilespmem:$0x320] =	vst v20  }
0x40: {  	[tilespmem:$0x330] =	vst v14;
	v49 =	vor.u32 v13, v8;
	v50 =	vor.u32 v16, v8;
	v8 =	vor.u32 v19, v8  }
0x41: {  	v53 =	vshll.u32 v21, $0x6;
	[tilespmem:$0x300] =	vst v8;
	v8 =	vor.u32 v13, v52  }
0x42: {  	v54 =	vor.u32 v13, v53;
	[tilespmem:$0x310] =	vst v8;
	v8 =	vadd.s32 $0x1, v9  }
0x43: {  	v56 =	vor.u32 v16, v53;
	[tilespmem:$0x340] =	vst v54;
	vm14 =	vgt.s32 v8, $0x0  }
0x44: {  	v57 =	vor.u32 v19, v53;
	[tilespmem:$0x350] =	vst v56;
	v55 =	vnsel vm14, $0x0, v8  }
0x45: {  	v15 =	vor.u32 v17, v15;
	[tilespmem:$0x360] =	vst v57;
	v21 =	vmin.u32 v55, $0x3F  }
0x46: {  	v15 =	vshll.u32 v15, $0x6;
	[tilespmem:$0x2E0] =	vst v49;
	v11 =	vor.u32 v21, v11  }
0x47: {  	v58 =	vor.u32 v13, v15;
	[tilespmem:$0x2F0] =	vst v50;
	v11 =	vshll.u32 v11, $0x6  }
0x48: {  	v59 =	vor.u32 v16, v15;
	[tilespmem:$0x370] =	vst v58;
	v12 =	vor.u32 v12, v11  }
0x49: {  	v60 =	vor.u32 v19, v15;
	[tilespmem:$0x380] =	vst v59;
	v12 =	vshll.u32 v12, $0x6  }
0x4a: {  	[tilespmem:$0x390] =	vst v60;
	v61 =	vor.u32 v13, v12  }
0x4b: {  	v63 =	vor.u32 v18, v11;
	v62 =	vor.u32 v16, v12;
	[tilespmem:$0x3A0] =	vst v61  }
0x4c: {  	v18 =	vshll.u32 v63, $0x6;
	v12 =	vor.u32 v19, v12;
	[tilespmem:$0x3B0] =	vst v62  }
0x4d: {  	v20 =	vor.u32 v13, v18;
	[tilespmem:$0x3C0] =	vst v12  }
0x4e: {  	v11 =	vor.u32 v17, v11;
	v21 =	vor.u32 v16, v18;
	[tilespmem:$0x3D0] =	vst v20  }
0x4f: {  	v11 =	vshll.u32 v11, $0x6;
	v22 =	vor.u32 v19, v18;
	[tilespmem:$0x3E0] =	vst v21  }
0x50: {  	v23 =	vor.u32 v13, v11;
	[tilespmem:$0x3F0] =	vst v22  }
0x51: {  	v24 =	vor.u32 v16, v11;
	[tilespmem:$0x400] =	vst v23  }
0x52: {  	v11 =	vor.u32 v19, v11;
	[tilespmem:$0x410] =	vst v24  }
0x53: {  	s25 =	simm.s32 $0x280;
	s26 =	simm.s32 $0x480;
	[tilespmem:$0x420] =	vst v11  }
0x54: {  	[tilespmem:s26], [sflag:$0x1] =	stream.indirect.gather [hbm4b:s6+s20], $0x1, s25, s20, $0xb8;
	[tilespmem:$0xF100] =	vst v63  }
0x55: {  	s25 =	simm.s32 $0x2F0;
	s26 =	simm.s32 $0x4F0  }
0x56: {  	[tilespmem:s26], [sflag:$0x1] =	stream.indirect.gather [hbm4b:s6+s20], $0x1, s25, s20, $0xb8;
	[tilespmem:$0xF100] =	vst v63  }
0x57: {  	s25 =	simm.s32 $0x360;
	s26 =	simm.s32 $0x560  }
0x58: {  	[tilespmem:s26], [sflag:$0x1] =	stream.indirect.gather [hbm4b:s6+s20], $0x1, s25, s20, $0xb8;
	[tilespmem:$0xF100] =	vst v63  }
0x59: {  	s26 =	simm.s32 $0x3D0  }
0x5a: {  	[tilespmem:s29], [sflag:$0x1] =	stream.indirect.gather [hbm4b:s6+s20], $0x1, s26, s20, $0xb8;
	[tilespmem:$0xF100] =	vst v63  }
0x5b: {  	_ =	swait.ge [sflag:s17], $0x70  }
0x5c: {  	[sflag:s17] =	ssyncset.done $0x0  }
0x5d: {  	[sflag:s17] =	ssyncadd.s32 $0xFFFFFF90  }
0x5e: {  	_ =	swait.ge [sflag:s17], $0x70  }
0x5f: {  	[sflag:s17] =	ssyncset.done $0x0  }
0x60: {  	[sflag:s17] =	ssyncadd.s32 $0xFFFFFF90  }
0x61: {  	_ =	swait.ge [sflag:s17], $0x70  }
0x62: {  	[sflag:s17] =	ssyncset.done $0x0  }
0x63: {  	[sflag:s17] =	ssyncadd.s32 $0xFFFFFF90  }
0x64: {  	_ =	swait.ge [sflag:s17], $0x70  }
0x65: {  	[sflag:s17] =	ssyncset.done $0x0  }
0x66: {  	[sflag:s17] =	ssyncadd.s32 $0xFFFFFF90  }
0x67: {  	v11 =	vld [tilespmem:$0x480]  }
0x68: {  	v25 =	vld [tilespmem:$0x490]  }
0x69: {  	v28 =	vld [tilespmem:$0x4A0]  }
0x6a: {  	v26 =	vor.u32 v10, v7;
	v34 =	vor.u32 v5, v10;
	v31 =	vld [tilespmem:$0x4B0]  }
0x6b: {  	v29 =	vor.u32 v2, v26;
	v38 =	vor.u32 v2, v34;
	v27 =	vor.u32 v4, v26;
	v33 =	vld [tilespmem:$0x4C0]  }
0x6c: {  	vm5 =	vlt.u32 v29, $0x40;
	v36 =	vor.u32 v34, v4;
	vm15 =	vlt.u32 v27, $0x40;
	v37 =	vld [tilespmem:$0x4D0]  }
0x6d: {  	vm9 =	vlt.u32 v36, $0x40;
	vm11 =	vlt.u32 v38, $0x40;
	v10 =	vor.u32 v10, v6;
	v40 =	vld [tilespmem:$0x4E0]  }
0x6e: {  	v43 =	vor.u32 v4, v10;
	v45 =	vor.u32 v2, v10;
	v55 =	vor.u32 v9, v5;
	v42 =	vld [tilespmem:$0x4F0]  }
0x6f: {  	v10 =	vor.u32 v3, v10;
	v5 =	vor.u32 v5, v8;
	v27 =	vor.u32 v55, v4;
	v46 =	vld [tilespmem:$0x500]  }
0x70: {  	v57 =	vor.u32 v2, v55;
	v17 =	vor.u32 v34, v3;
	v13 =	vor.u32 v3, v26;
	v48 =	vld [tilespmem:$0x510]  }
0x71: {  	vm14 =	vlt.u32 v17, $0x40;
	vm7 =	vlt.u32 v13, $0x40;
	v56 =	vld [tilespmem:$0x560];
	vm4 =	vgt.s32 v11, $0x0  }
0x72: {  	v38 =	vld [tilespmem:$0x5B0];
	v11 =	vadd.s32 $0xFFFFFFFF, v11;
	vm2 =	vgt.s32 v25, $0x0;
	v12 =	vadd.s32 $0xFFFFFFFF, v25  }
0x73: {  	vm8 =	vgt.s32 v28, $0x0;
	v14 =	vadd.s32 $0xFFFFFFFF, v28;
	vm10 =	vgt.s32 v31, $0x0  }
0x74: {  	v61 =	vld [tilespmem:$0x580];
	v16 =	vadd.s32 $0xFFFFFFFF, v31;
	vm12 =	vgt.s32 v33, $0x0;
	v13 =	vadd.s32 $0xFFFFFFFF, v33  }
0x75: {  	v18 =	vadd.s32 $0xFFFFFFFF, v37;
	v47 =	vadd.s32 $0xFFFFFFFF, v40;
	v17 =	vadd.s32 $0xFFFFFFFF, v42  }
0x76: {  	v21 =	vadd.s32 $0xFFFFFFFF, v46;
	v20 =	vadd.s32 $0xFFFFFFFF, v48;
	v60 =	vadd.s32 $0xFFFFFFFF, v56  }
0x77: {  	vm3 =	vgt.s32 v38, $0x0;
	vm0 =	vmand vm15, vm4;
	vm6 =	vmand vm5, vm2  }
0x78: {  	vm13 =	vmand vm11, vm12;
	vm15 =	vgt.s32 v37, $0x0;
	vm4 =	vlt.u32 v43, $0x40  }
0x79: {  	vm5 =	vgt.s32 v40, $0x0;
	vm11 =	vgt.s32 v48, $0x0;
	v37 =	vadd.s32 $0xFFFFFFFF, v61  }
0x7a: {  	v48 =	vor.u32 v2, v5;
	v11 =	vnsel vm0, $0x186A0, v11;
	v30 =	vsel vm0, $0x3F800000, v0  }
0x7b: {  	v12 =	vnsel vm6, $0x186A0, v12;
	v32 =	vsel vm6, $0x3F800000, v0;
	vm0 =	vmand vm7, vm8  }
0x7c: {  	v53 =	vld [tilespmem:$0x540];
	v13 =	vnsel vm13, $0x186A0, v13;
	v41 =	vsel vm13, $0x3F800000, v0;
	vm6 =	vlt.u32 v45, $0x40  }
0x7d: {  	vm7 =	vgt.s32 v42, $0x0;
	vm8 =	vlt.u32 v10, $0x40;
	v10 =	vor.u32 v9, v7  }
0x7e: {  	v9 =	vor.u32 v9, v6;
	v7 =	vor.u32 v8, v7;
	v15 =	vadd.f32 v32, v30  }
0x7f: {  	v14 =	vnsel vm0, $0x186A0, v14;
	v35 =	vsel vm0, $0x3F800000, v0;
	vm0 =	vmand vm9, vm10  }
0x80: {  	vm1 =	vmand vm6, vm7;
	vm9 =	vgt.s32 v46, $0x0;
	v23 =	vor.u32 v4, v10  }
0x81: {  	v50 =	vld [tilespmem:$0x520];
	v52 =	vor.u32 v2, v10;
	v10 =	vor.u32 v3, v10;
	vm6 =	vgt.s32 v53, $0x0  }
0x82: {  	v36 =	vld [tilespmem:$0x5A0];
	vm7 =	vlt.u32 v57, $0x40;
	v62 =	vor.u32 v4, v9;
	v43 =	vor.u32 v2, v7  }
0x83: {  	v46 =	vor.u32 v5, v4;
	v5 =	vor.u32 v5, v3;
	v16 =	vnsel vm0, $0x186A0, v16  }
0x84: {  	v24 =	vld [tilespmem:$0x530];
	v39 =	vsel vm0, $0x3F800000, v0;
	vm0 =	vmand vm14, vm15;
	v49 =	vsel vm1, $0x3F800000, v0  }
0x85: {  	v28 =	vld [tilespmem:$0x570];
	v17 =	vnsel vm1, $0x186A0, v17;
	vm10 =	vlt.u32 v23, $0x40;
	vm13 =	vlt.u32 v52, $0x40  }
0x86: {  	vm14 =	vgt.s32 v50, $0x0;
	vm15 =	vlt.u32 v10, $0x40;
	v23 =	vadd.s32 $0xFFFFFFFF, v53  }
0x87: {  	[tilespmem:$0x6A0] =	vst v14;
	v14 =	vadd.s32 $0xFFFFFFFF, v36;
	v15 =	vadd.f32 v35, v15;
	v18 =	vnsel vm0, $0x186A0, v18  }
0x88: {  	v44 =	vsel vm0, $0x3F800000, v0;
	vm0 =	vmand vm4, vm5;
	vm12 =	vmand vm10, vm11  }
0x89: {  	vm4 =	vgt.s32 v24, $0x0;
	v24 =	vadd.s32 $0xFFFFFFFF, v24;
	vm5 =	vlt.u32 v27, $0x40  }
0x8a: {  	vm11 =	vgt.s32 v56, $0x0;
	v32 =	vadd.s32 $0xFFFFFFFF, v28;
	v35 =	vor.u32 v2, v9  }
0x8b: {  	v10 =	vld [tilespmem:$0x550];
	[tilespmem:$0x6B0] =	vst v16;
	v9 =	vor.u32 v3, v9;
	v16 =	vadd.s32 $0xFFFFFFFF, v38;
	v22 =	vsel vm0, $0x3F800000, v0  }
0x8c: {  	v19 =	vnsel vm0, $0x186A0, v47;
	vm0 =	vmand vm8, vm9;
	v20 =	vnsel vm12, $0x186A0, v20  }
0x8d: {  	v25 =	vsel vm12, $0x3F800000, v0;
	vm12 =	vlt.u32 v62, $0x40;
	v15 =	vadd.f32 v39, v15  }
0x8e: {  	v21 =	vnsel vm0, $0x186A0, v21;
	v51 =	vsel vm0, $0x3F800000, v0;
	vm0 =	vmand vm13, vm14  }
0x8f: {  	v42 =	vld [tilespmem:$0x5C0];
	vm13 =	vgt.s32 v28, $0x0;
	vm14 =	vlt.u32 v35, $0x40;
	v54 =	vsel vm0, $0x3F800000, v0  }
0x90: {  	v45 =	vld [tilespmem:$0x5E0];
	v15 =	vadd.f32 v41, v15;
	vm8 =	vgt.s32 v10, $0x0;
	v10 =	vadd.s32 $0xFFFFFFFF, v10  }
0x91: {  	v41 =	vor.u32 v4, v7;
	v7 =	vor.u32 v3, v7;
	vm9 =	vmand vm7, vm8  }
0x92: {  	v63 =	vld [tilespmem:$0x590];
	vm7 =	vgt.s32 v36, $0x0;
	vm8 =	vlt.u32 v43, $0x40;
	v15 =	vadd.f32 v44, v15  }
0x93: {  	v10 =	vnsel vm9, $0x186A0, v10;
	v59 =	vsel vm9, $0x3F800000, v0;
	vm2 =	vmand vm8, vm3  }
0x94: {  	vm9 =	vlt.u32 v7, $0x40;
	v7 =	vadd.s32 $0xFFFFFFFF, v42;
	v16 =	vnsel vm2, $0x186A0, v16  }
0x95: {  	v15 =	vadd.f32 v22, v15;
	v22 =	vadd.s32 $0xFFFFFFFF, v50;
	v50 =	vadd.s32 $0xFFFFFFFF, v45  }
0x96: {  	[tilespmem:$0x830] =	vst v1;
	v22 =	vnsel vm0, $0x186A0, v22;
	vm0 =	vmand vm15, vm4;
	vm15 =	vgt.s32 v61, $0x0  }
0x97: {  	[tilespmem:$0x680] =	vst v11;
	v44 =	vld [tilespmem:$0x5D0];
	vm4 =	vlt.u32 v9, $0x40;
	v9 =	vadd.s32 $0xFFFFFFFF, v63;
	v15 =	vadd.f32 v49, v15  }
0x98: {  	[tilespmem:$0x690] =	vst v12;
	v47 =	vld [tilespmem:$0x5F0];
	v24 =	vnsel vm0, $0x186A0, v24;
	v26 =	vsel vm0, $0x3F800000, v0;
	vm0 =	vmand vm5, vm6  }
0x99: {  	[tilespmem:$0x6C0] =	vst v13;
	vm1 =	vmand vm14, vm15;
	vm5 =	vgt.s32 v63, $0x0;
	vm6 =	vlt.u32 v41, $0x40;
	v49 =	vld [tilespmem:$0x600]  }
0x9a: {  	[tilespmem:$0x6F0] =	vst v17;
	v23 =	vnsel vm0, $0x186A0, v23;
	v58 =	vsel vm0, $0x3F800000, v0;
	v15 =	vadd.f32 v51, v15  }
0x9b: {  	[tilespmem:$0x6D0] =	vst v18;
	v39 =	vnsel vm1, $0x186A0, v37;
	v40 =	vsel vm1, $0x3F800000, v0;
	vm1 =	vmand vm6, vm7  }
0x9c: {  	[tilespmem:$0x750] =	vst v10;
	v10 =	vadd.s32 $0xFFFFFFFF, v44;
	vm6 =	vgt.s32 v45, $0x0;
	v15 =	vadd.f32 v25, v15  }
0x9d: {  	[tilespmem:$0x6E0] =	vst v19;
	vm7 =	vgt.s32 v47, $0x0;
	v14 =	vnsel vm1, $0x186A0, v14;
	v25 =	vor.u32 v55, v3  }
0x9e: {  	[tilespmem:$0x710] =	vst v20;
	vm10 =	vlt.u32 v25, $0x40;
	vm8 =	vgt.s32 v49, $0x0;
	v15 =	vadd.f32 v54, v15  }
0x9f: {  	[tilespmem:$0x700] =	vst v21;
	vm0 =	vmand vm10, vm11;
	vm10 =	vlt.u32 v46, $0x40;
	vm11 =	vlt.u32 v48, $0x40  }
0xa0: {  	[tilespmem:$0x7B0] =	vst v16;
	v25 =	vnsel vm0, $0x186A0, v60;
	v29 =	vsel vm0, $0x3F800000, v0;
	vm0 =	vmand vm12, vm13  }
0xa1: {  	[tilespmem:$0x720] =	vst v22;
	vm12 =	vlt.u32 v5, $0x40;
	v5 =	vor.u32 v8, v6;
	v15 =	vadd.f32 v26, v15  }
0xa2: {  	[tilespmem:$0x730] =	vst v24;
	v51 =	vld [tilespmem:$0x610];
	v33 =	vnsel vm0, $0x186A0, v32;
	v34 =	vsel vm0, $0x3F800000, v0;
	vm0 =	vmand vm4, vm5  }
0xa3: {  	[tilespmem:$0x740] =	vst v23;
	vm4 =	vgt.s32 v42, $0x0;
	vm5 =	vgt.s32 v44, $0x0;
	v4 =	vor.u32 v4, v5  }
0xa4: {  	[tilespmem:$0x780] =	vst v39;
	v2 =	vor.u32 v2, v5;
	v3 =	vor.u32 v3, v5;
	v9 =	vnsel vm0, $0x186A0, v9  }
0xa5: {  	[tilespmem:$0x7A0] =	vst v14;
	vm3 =	vmand vm9, vm4;
	vm4 =	vmand vm10, vm5;
	v15 =	vadd.f32 v58, v15  }
0xa6: {  	[tilespmem:$0x760] =	vst v25;
	vm5 =	vmand vm11, vm6;
	vm6 =	vmand vm12, vm7;
	vm13 =	vlt.u32 v4, $0x40  }
0xa7: {  	v8 =	vld [tilespmem:$0x620];
	[tilespmem:$0x770] =	vst v33;
	vm14 =	vlt.u32 v2, $0x40;
	vm9 =	vgt.s32 v51, $0x0;
	v15 =	vadd.f32 v59, v15  }
0xa8: {  	vm15 =	vlt.u32 v3, $0x40;
	v7 =	vnsel vm3, $0x186A0, v7;
	v10 =	vnsel vm4, $0x186A0, v10;
	[tilespmem:$0x790] =	vst v9  }
0xa9: {  	v6 =	vnsel vm5, $0x186A0, v50;
	v9 =	vadd.s32 $0xFFFFFFFF, v47;
	[tilespmem:$0x7C0] =	vst v7;
	v11 =	vadd.f32 v29, v15  }
0xaa: {  	vm7 =	vmand vm13, vm8;
	vm8 =	vmand vm14, vm9;
	[tilespmem:$0x7D0] =	vst v10;
	v7 =	vadd.s32 $0xFFFFFFFF, v49  }
0xab: {  	v4 =	vnsel vm6, $0x186A0, v9;
	[tilespmem:$0x7E0] =	vst v6;
	v2 =	vnsel vm7, $0x186A0, v7;
	v11 =	vadd.f32 v34, v11  }
0xac: {  	[tilespmem:$0x7F0] =	vst v4;
	v4 =	vadd.s32 $0xFFFFFFFF, v51;
	vm10 =	vgt.s32 v8, $0x0;
	v3 =	vadd.s32 $0xFFFFFFFF, v8  }
0xad: {  	vm9 =	vmand vm15, vm10;
	[tilespmem:$0x800] =	vst v2;
	v2 =	vnsel vm8, $0x186A0, v4;
	v4 =	vadd.f32 v40, v11  }
0xae: {  	[tilespmem:$0x810] =	vst v2;
	v2 =	vnsel vm9, $0x186A0, v3;
	v3 =	vsel vm0, $0x3F800000, v0  }
0xaf: {  	[tilespmem:$0x820] =	vst v2;
	v2 =	vadd.f32 v3, v4  }
0xb0: {  	[tilespmem:s31], [sflag:$0x2] =	stream.indirect.gather [hbm4b:s7+s20], $0x80, s30, s20, $0xb8;
	v3 =	vsel vm1, $0x3F800000, v0;
	[tilespmem:$0xF100] =	vst v63  }
0xb1: {  	v2 =	vadd.f32 v3, v2  }
0xb2: {  	[tilespmem:s1], [sflag:$0x2] =	stream.indirect.gather [hbm4b:s7+s20], $0x80, s0, s20, $0xb8;
	v3 =	vsel vm2, $0x3F800000, v0;
	[tilespmem:$0xF100] =	vst v63  }
0xb3: {  	v2 =	vadd.f32 v3, v2  }
0xb4: {  	[tilespmem:s16], [sflag:$0x2] =	stream.indirect.gather [hbm4b:s7+s20], $0x80, s14, s20, $0xb8;
	v3 =	vsel vm3, $0x3F800000, v0;
	[tilespmem:$0xF100] =	vst v63  }
0xb5: {  	v2 =	vadd.f32 v3, v2  }
0xb6: {  	[tilespmem:s19], [sflag:$0x2] =	stream.indirect.gather [hbm4b:s7+s20], $0x80, s18, s20, $0xb8;
	v3 =	vsel vm4, $0x3F800000, v0;
	[tilespmem:$0xF100] =	vst v63  }
0xb7: {  	_ =	swait.ge [sflag:s21], $0x3800;
	v2 =	vadd.f32 v3, v2  }
0xb8: {  	[sflag:s21] =	ssyncset.done $0x0;
	v3 =	vsel vm5, $0x3F800000, v0  }
0xb9: {  	[sflag:s21] =	ssyncadd.s32 $0xFFFFC800;
	v2 =	vadd.f32 v3, v2  }
0xba: {  	_ =	swait.ge [sflag:s21], $0x3800;
	v3 =	vsel vm6, $0x3F800000, v0  }
0xbb: {  	[sflag:s21] =	ssyncset.done $0x0;
	v2 =	vadd.f32 v3, v2  }
0xbc: {  	[sflag:s21] =	ssyncadd.s32 $0xFFFFC800;
	v3 =	vsel vm7, $0x3F800000, v0  }
0xbd: {  	_ =	swait.ge [sflag:s21], $0x3800;
	v2 =	vadd.f32 v3, v2  }
0xbe: {  	[sflag:s21] =	ssyncset.done $0x0;
	v3 =	vsel vm8, $0x3F800000, v0  }
0xbf: {  	[sflag:s21] =	ssyncadd.s32 $0xFFFFC800;
	v2 =	vadd.f32 v3, v2  }
0xc0: {  	_ =	swait.ge [sflag:s21], $0x3800;
	v3 =	vsel vm9, $0x3F800000, v0  }
0xc1: {  	[sflag:s21] =	ssyncset.done $0x0;
	v2 =	vadd.f32 v3, v2  }
0xc2: {  	[sflag:s21] =	ssyncadd.s32 $0xFFFFC800  }
0xc3: {  	s25 =	simm.s32 $0x0;
	[tilespmem:$0xF080] =	vst v2  }
0xc4: {  	v2 =	vld [tilespmem:s25+$0x8B0]  }
0xc5: {  	v3 =	vld [tilespmem:s25+$0x880]  }
0xc6: {  	v4 =	vld [tilespmem:s25+$0x10B0]  }
0xc7: {  	v5 =	vld [tilespmem:s25+$0x890]  }
0xc8: {  	v6 =	vld [tilespmem:s25+$0x18B0]  }
0xc9: {  	v7 =	vld [tilespmem:s25+$0x8A0];
	v2 =	vadd.f32 $0.0e+00, v2  }
0xca: {  	v8 =	vld [tilespmem:s25+$0x20B0]  }
0xcb: {  	v9 =	vld [tilespmem:s25+$0x1080];
	v2 =	vadd.f32 v4, v2  }
0xcc: {  	v4 =	vld [tilespmem:s25+$0x28B0]  }
0xcd: {  	v10 =	vld [tilespmem:s25+$0x1090];
	v2 =	vadd.f32 v6, v2  }
0xce: {  	v6 =	vld [tilespmem:s25+$0x30B0]  }
0xcf: {  	v11 =	vld [tilespmem:s25+$0x10A0];
	v2 =	vadd.f32 v8, v2  }
0xd0: {  	v8 =	vld [tilespmem:s25+$0x38B0]  }
0xd1: {  	v52 =	vld [tilespmem:s25+$0x1880];
	v2 =	vadd.f32 v4, v2  }
0xd2: {  	v4 =	vld [tilespmem:s25+$0x40B0]  }
0xd3: {  	v53 =	vld [tilespmem:s25+$0x1890];
	v2 =	vadd.f32 v6, v2  }
0xd4: {  	v6 =	vld [tilespmem:s25+$0x48B0]  }
0xd5: {  	v54 =	vld [tilespmem:s25+$0x18A0];
	v2 =	vadd.f32 v8, v2  }
0xd6: {  	v8 =	vld [tilespmem:s25+$0x50B0]  }
0xd7: {  	v55 =	vld [tilespmem:s25+$0x2080];
	v2 =	vadd.f32 v4, v2  }
0xd8: {  	v4 =	vld [tilespmem:s25+$0x58B0]  }
0xd9: {  	v56 =	vld [tilespmem:s25+$0x2090];
	v2 =	vadd.f32 v6, v2  }
0xda: {  	v6 =	vld [tilespmem:s25+$0x60B0]  }
0xdb: {  	v57 =	vld [tilespmem:s25+$0x20A0];
	v2 =	vadd.f32 v8, v2  }
0xdc: {  	v8 =	vld [tilespmem:s25+$0x68B0]  }
0xdd: {  	v58 =	vld [tilespmem:s25+$0x2880];
	v2 =	vadd.f32 v4, v2  }
0xde: {  	v4 =	vld [tilespmem:s25+$0x70B0]  }
0xdf: {  	v59 =	vld [tilespmem:s25+$0x2890];
	v2 =	vadd.f32 v6, v2  }
0xe0: {  	v6 =	vld [tilespmem:s25+$0x78B0]  }
0xe1: {  	v60 =	vld [tilespmem:s25+$0x28A0];
	v2 =	vadd.f32 v8, v2  }
0xe2: {  	v8 =	vld [tilespmem:s25+$0x80B0]  }
0xe3: {  	v61 =	vld [tilespmem:s25+$0x3080];
	v2 =	vadd.f32 v4, v2  }
0xe4: {  	v4 =	vld [tilespmem:s25+$0x88B0]  }
0xe5: {  	v62 =	vld [tilespmem:s25+$0x3090];
	v2 =	vadd.f32 v6, v2  }
0xe6: {  	v6 =	vld [tilespmem:s25+$0x90B0]  }
0xe7: {  	v63 =	vld [tilespmem:s25+$0x30A0];
	v2 =	vadd.f32 v8, v2  }
0xe8: {  	v8 =	vld [tilespmem:s25+$0x98B0]  }
0xe9: {  	v36 =	vld [tilespmem:s25+$0x3880];
	v2 =	vadd.f32 v4, v2  }
0xea: {  	v4 =	vld [tilespmem:s25+$0xA0B0]  }
0xeb: {  	v37 =	vld [tilespmem:s25+$0x3890];
	v2 =	vadd.f32 v6, v2  }
0xec: {  	v6 =	vld [tilespmem:s25+$0xA8B0]  }
0xed: {  	v38 =	vld [tilespmem:s25+$0x38A0];
	v2 =	vadd.f32 v8, v2  }
0xee: {  	v8 =	vld [tilespmem:s25+$0xB0B0]  }
0xef: {  	v39 =	vld [tilespmem:s25+$0x4080];
	v2 =	vadd.f32 v4, v2  }
0xf0: {  	v4 =	vld [tilespmem:s25+$0xB8B0]  }
0xf1: {  	v40 =	vld [tilespmem:s25+$0x4090];
	v2 =	vadd.f32 v6, v2  }
0xf2: {  	v6 =	vld [tilespmem:s25+$0xC0B0]  }
0xf3: {  	v41 =	vld [tilespmem:s25+$0x40A0];
	v2 =	vadd.f32 v8, v2  }
0xf4: {  	v8 =	vld [tilespmem:s25+$0xC8B0]  }
0xf5: {  	v30 =	vld [tilespmem:s25+$0x4880];
	v2 =	vadd.f32 v4, v2  }
0xf6: {  	v4 =	vld [tilespmem:s25+$0xD0B0]  }
0xf7: {  	v31 =	vld [tilespmem:s25+$0x4890];
	v2 =	vadd.f32 v6, v2  }
0xf8: {  	v6 =	vld [tilespmem:s25+$0xD8B0]  }
0xf9: {  	v32 =	vld [tilespmem:s25+$0x48A0];
	v2 =	vadd.f32 v8, v2  }
0xfa: {  	v33 =	vld [tilespmem:s25+$0x5090]  }
0xfb: {  	v34 =	vld [tilespmem:s25+$0x5880];
	v2 =	vadd.f32 v4, v2  }
0xfc: {  	v35 =	vld [tilespmem:s25+$0x58A0];
	v3 =	vadd.f32 $0.0e+00, v3  }
0xfd: {  	v42 =	vld [tilespmem:s25+$0x6890];
	v5 =	vadd.f32 $0.0e+00, v5;
	v2 =	vadd.f32 v6, v2  }
0xfe: {  	v43 =	vld [tilespmem:s25+$0x68A0];
	v3 =	vadd.f32 v9, v3  }
0xff: {  	v44 =	vld [tilespmem:s25+$0x7080];
	v5 =	vadd.f32 v10, v5;
	[tilespmem:s25+$0xE8B0] =	vst v2;
	v2 =	vadd.f32 $0.0e+00, v7  }
0x100: {  	v45 =	vld [tilespmem:s25+$0x7090];
	v3 =	vadd.f32 v52, v3  }
0x101: {  	v46 =	vld [tilespmem:s25+$0x70A0];
	v5 =	vadd.f32 v53, v5;
	v2 =	vadd.f32 v11, v2  }
0x102: {  	v47 =	vld [tilespmem:s25+$0x7880];
	v3 =	vadd.f32 v55, v3  }
0x103: {  	v48 =	vld [tilespmem:s25+$0x7890];
	v5 =	vadd.f32 v56, v5;
	v2 =	vadd.f32 v54, v2  }
0x104: {  	v49 =	vld [tilespmem:s25+$0x78A0];
	v3 =	vadd.f32 v58, v3  }
0x105: {  	v50 =	vld [tilespmem:s25+$0x8080];
	v5 =	vadd.f32 v59, v5;
	v2 =	vadd.f32 v57, v2  }
0x106: {  	v51 =	vld [tilespmem:s25+$0x8090];
	v3 =	vadd.f32 v61, v3  }
0x107: {  	v9 =	vld [tilespmem:s25+$0x6090];
	v5 =	vadd.f32 v62, v5;
	v2 =	vadd.f32 v60, v2  }
0x108: {  	v10 =	vld [tilespmem:s25+$0x60A0];
	v3 =	vadd.f32 v36, v3  }
0x109: {  	v5 =	vadd.f32 v37, v5;
	v8 =	vld [tilespmem:s25+$0x5080];
	v2 =	vadd.f32 v63, v2  }
0x10a: {  	v52 =	vld [tilespmem:s25+$0x80A0];
	v3 =	vadd.f32 v39, v3  }
0x10b: {  	v5 =	vadd.f32 v40, v5;
	v4 =	vld [tilespmem:s25+$0x50A0];
	v2 =	vadd.f32 v38, v2  }
0x10c: {  	v3 =	vadd.f32 v30, v3;
	v6 =	vld [tilespmem:s25+$0x5890]  }
0x10d: {  	v5 =	vadd.f32 v31, v5;
	v7 =	vld [tilespmem:s25+$0x6080];
	v2 =	vadd.f32 v41, v2  }
0x10e: {  	v53 =	vld [tilespmem:s25+$0x8890];
	v3 =	vadd.f32 v8, v3  }
0x10f: {  	v5 =	vadd.f32 v33, v5;
	v11 =	vld [tilespmem:s25+$0x6880];
	v2 =	vadd.f32 v32, v2  }
0x110: {  	v55 =	vld [tilespmem:s25+$0xA080];
	v3 =	vadd.f32 v34, v3  }
0x111: {  	v56 =	vld [tilespmem:s25+$0xA090];
	v5 =	vadd.f32 v6, v5;
	v2 =	vadd.f32 v4, v2  }
0x112: {  	v58 =	vld [tilespmem:s25+$0xA880];
	v3 =	vadd.f32 v7, v3  }
0x113: {  	v59 =	vld [tilespmem:s25+$0xA890];
	v5 =	vadd.f32 v9, v5;
	v2 =	vadd.f32 v35, v2  }
0x114: {  	v61 =	vld [tilespmem:s25+$0xC090];
	v3 =	vadd.f32 v11, v3  }
0x115: {  	v62 =	vld [tilespmem:s25+$0xC0A0];
	v5 =	vadd.f32 v42, v5;
	v2 =	vadd.f32 v10, v2  }
0x116: {  	v8 =	vld [tilespmem:s25+$0x8880];
	v3 =	vadd.f32 v44, v3  }
0x117: {  	v6 =	vld [tilespmem:s25+$0x9080];
	v5 =	vadd.f32 v45, v5;
	v2 =	vadd.f32 v43, v2  }
0x118: {  	v7 =	vld [tilespmem:s25+$0x9090];
	v3 =	vadd.f32 v47, v3  }
0x119: {  	v9 =	vld [tilespmem:s25+$0x90A0];
	v5 =	vadd.f32 v48, v5;
	v2 =	vadd.f32 v46, v2  }
0x11a: {  	v3 =	vadd.f32 v50, v3;
	v4 =	vld [tilespmem:s25+$0x88A0]  }
0x11b: {  	v5 =	vadd.f32 v51, v5;
	v10 =	vld [tilespmem:s25+$0x9880];
	v2 =	vadd.f32 v49, v2  }
0x11c: {  	v11 =	vld [tilespmem:s25+$0x9890];
	v3 =	vadd.f32 v8, v3  }
0x11d: {  	v54 =	vld [tilespmem:s25+$0x98A0];
	v5 =	vadd.f32 v53, v5;
	v2 =	vadd.f32 v52, v2  }
0x11e: {  	v57 =	vld [tilespmem:s25+$0xA0A0];
	v3 =	vadd.f32 v6, v3  }
0x11f: {  	v60 =	vld [tilespmem:s25+$0xB080];
	v5 =	vadd.f32 v7, v5;
	v2 =	vadd.f32 v4, v2  }
0x120: {  	v8 =	vld [tilespmem:s25+$0xA8A0];
	v3 =	vadd.f32 v10, v3  }
0x121: {  	v6 =	vld [tilespmem:s25+$0xB0A0];
	v5 =	vadd.f32 v11, v5;
	v2 =	vadd.f32 v9, v2  }
0x122: {  	v3 =	vadd.f32 v55, v3;
	v4 =	vld [tilespmem:s25+$0xB090]  }
0x123: {  	v7 =	vld [tilespmem:s25+$0xB880];
	v5 =	vadd.f32 v56, v5;
	v2 =	vadd.f32 v54, v2  }
0x124: {  	v3 =	vadd.f32 v58, v3;
	v9 =	vld [tilespmem:s25+$0xB890]  }
0x125: {  	v11 =	vld [tilespmem:s25+$0xC080];
	v5 =	vadd.f32 v59, v5;
	v2 =	vadd.f32 v57, v2  }
0x126: {  	v10 =	vld [tilespmem:s25+$0xB8A0];
	v3 =	vadd.f32 v60, v3  }
0x127: {  	v63 =	vld [tilespmem:s25+$0xC890];
	v4 =	vadd.f32 v4, v5;
	v2 =	vadd.f32 v8, v2  }
0x128: {  	v3 =	vadd.f32 v7, v3;
	v8 =	vld [tilespmem:s25+$0xC880]  }
0x129: {  	v4 =	vadd.f32 v9, v4;
	v9 =	vld [tilespmem:s25+$0xD080];
	v2 =	vadd.f32 v6, v2  }
0x12a: {  	v6 =	vld [tilespmem:s25+$0xC8A0]  }
0x12b: {  	v7 =	vadd.f32 v11, v3;
	v3 =	vld [tilespmem:s25+$0xD090];
	v5 =	vadd.f32 v10, v2  }
0x12c: {  	v4 =	vadd.f32 v61, v4;
	v2 =	vld [tilespmem:s25+$0xD0A0]  }
0x12d: {  	v11 =	vadd.f32 v8, v7;
	v10 =	vadd.f32 v62, v5;
	v5 =	vld [tilespmem:s25+$0xD880]  }
0x12e: {  	v8 =	vadd.f32 v63, v4;
	v4 =	vld [tilespmem:s25+$0xD890]  }
0x12f: {  	s28 =	simm.s32 $0x80;
	s26 =	simm.s32 $0x400;
	v9 =	vadd.f32 v9, v11;
	v7 =	vadd.f32 v6, v10;
	v6 =	vld [tilespmem:s25+$0xD8A0]  }
.LBB2_3:
0x130: {  	p0 =	sne.s32 s26, $0x1E00;
	v10 =	vld [tilespmem:s28+$0x8B0];
	v3 =	vadd.f32 v3, v8  }
0x131: {  	v8 =	vld [tilespmem:s28+$0x880];
	v2 =	vadd.f32 v2, v7  }
0x132: {  	v7 =	vld [tilespmem:s28+$0x10B0];
	v5 =	vadd.f32 v5, v9  }
0x133: {  	v9 =	vld [tilespmem:s28+$0x890];
	v3 =	vadd.f32 v4, v3  }
0x134: {  	v4 =	vld [tilespmem:s28+$0x18B0];
	[tilespmem:s25+$0xE880] =	vst v5;
	v2 =	vadd.f32 v6, v2  }
0x135: {  	v5 =	vld [tilespmem:s28+$0x8A0];
	v6 =	vadd.f32 $0.0e+00, v10;
	[tilespmem:s25+$0xE890] =	vst v3  }
0x136: {  	v3 =	vadd.f32 $0.0e+00, v8;
	v8 =	vld [tilespmem:s28+$0x20B0];
	[tilespmem:s25+$0xE8A0] =	vst v2;
	s25 =	smov.u32 s28  }
0x137: {  	v2 =	vld [tilespmem:s25+$0x1080];
	v6 =	vadd.f32 v7, v6  }
0x138: {  	v7 =	vadd.f32 $0.0e+00, v9;
	v9 =	vld [tilespmem:s25+$0x28B0]  }
0x139: {  	v10 =	vld [tilespmem:s25+$0x1090];
	v4 =	vadd.f32 v4, v6  }
0x13a: {  	v5 =	vadd.f32 $0.0e+00, v5;
	v6 =	vld [tilespmem:s25+$0x30B0]  }
0x13b: {  	v11 =	vld [tilespmem:s25+$0x10A0];
	v4 =	vadd.f32 v8, v4  }
0x13c: {  	v2 =	vadd.f32 v2, v3;
	v3 =	vld [tilespmem:s25+$0x38B0]  }
0x13d: {  	v8 =	vld [tilespmem:s25+$0x1880];
	v4 =	vadd.f32 v9, v4  }
0x13e: {  	v7 =	vadd.f32 v10, v7;
	v9 =	vld [tilespmem:s25+$0x40B0]  }
0x13f: {  	v10 =	vld [tilespmem:s25+$0x1890];
	v4 =	vadd.f32 v6, v4  }
0x140: {  	v5 =	vadd.f32 v11, v5;
	v6 =	vld [tilespmem:s25+$0x48B0]  }
0x141: {  	v11 =	vld [tilespmem:s25+$0x18A0];
	v3 =	vadd.f32 v3, v4  }
0x142: {  	v2 =	vadd.f32 v8, v2;
	v4 =	vld [tilespmem:s25+$0x50B0]  }
0x143: {  	v8 =	vld [tilespmem:s25+$0x2080];
	v3 =	vadd.f32 v9, v3  }
0x144: {  	v7 =	vadd.f32 v10, v7;
	v9 =	vld [tilespmem:s25+$0x58B0]  }
0x145: {  	v10 =	vld [tilespmem:s25+$0x2090];
	v3 =	vadd.f32 v6, v3  }
0x146: {  	v5 =	vadd.f32 v11, v5;
	v6 =	vld [tilespmem:s25+$0x60B0]  }
0x147: {  	v11 =	vld [tilespmem:s25+$0x20A0];
	v3 =	vadd.f32 v4, v3  }
0x148: {  	v2 =	vadd.f32 v8, v2;
	v4 =	vld [tilespmem:s25+$0x68B0]  }
0x149: {  	v8 =	vld [tilespmem:s25+$0x2880];
	v3 =	vadd.f32 v9, v3  }
0x14a: {  	v7 =	vadd.f32 v10, v7;
	v9 =	vld [tilespmem:s25+$0x70B0]  }
0x14b: {  	v10 =	vld [tilespmem:s25+$0x2890];
	v3 =	vadd.f32 v6, v3  }
0x14c: {  	v5 =	vadd.f32 v11, v5;
	v6 =	vld [tilespmem:s25+$0x78B0]  }
0x14d: {  	v11 =	vld [tilespmem:s25+$0x28A0];
	v3 =	vadd.f32 v4, v3  }
0x14e: {  	v2 =	vadd.f32 v8, v2;
	v4 =	vld [tilespmem:s25+$0x80B0]  }
0x14f: {  	v8 =	vld [tilespmem:s25+$0x3080];
	v3 =	vadd.f32 v9, v3  }
0x150: {  	v7 =	vadd.f32 v10, v7;
	v9 =	vld [tilespmem:s25+$0x88B0]  }
0x151: {  	v10 =	vld [tilespmem:s25+$0x3090];
	v3 =	vadd.f32 v6, v3  }
0x152: {  	v5 =	vadd.f32 v11, v5;
	v6 =	vld [tilespmem:s25+$0x90B0]  }
0x153: {  	v11 =	vld [tilespmem:s25+$0x30A0];
	v3 =	vadd.f32 v4, v3  }
0x154: {  	v2 =	vadd.f32 v8, v2;
	v4 =	vld [tilespmem:s25+$0x98B0]  }
0x155: {  	v8 =	vld [tilespmem:s25+$0x3880];
	v3 =	vadd.f32 v9, v3  }
0x156: {  	v7 =	vadd.f32 v10, v7;
	v9 =	vld [tilespmem:s25+$0xA0B0]  }
0x157: {  	v10 =	vld [tilespmem:s25+$0x3890];
	v3 =	vadd.f32 v6, v3  }
0x158: {  	v5 =	vadd.f32 v11, v5;
	v6 =	vld [tilespmem:s25+$0xA8B0]  }
0x159: {  	v11 =	vld [tilespmem:s25+$0x38A0];
	v3 =	vadd.f32 v4, v3  }
0x15a: {  	v2 =	vadd.f32 v8, v2;
	v4 =	vld [tilespmem:s25+$0xB0B0]  }
0x15b: {  	v8 =	vld [tilespmem:s25+$0x4080];
	v3 =	vadd.f32 v9, v3  }
0x15c: {  	v7 =	vadd.f32 v10, v7;
	v9 =	vld [tilespmem:s25+$0xB8B0]  }
0x15d: {  	v10 =	vld [tilespmem:s25+$0x4090];
	v3 =	vadd.f32 v6, v3  }
0x15e: {  	v5 =	vadd.f32 v11, v5;
	v6 =	vld [tilespmem:s25+$0xC0B0]  }
0x15f: {  	v11 =	vld [tilespmem:s25+$0x40A0];
	v3 =	vadd.f32 v4, v3  }
0x160: {  	v2 =	vadd.f32 v8, v2;
	v4 =	vld [tilespmem:s25+$0xC8B0]  }
0x161: {  	v8 =	vld [tilespmem:s25+$0x4880];
	v3 =	vadd.f32 v9, v3  }
0x162: {  	v7 =	vadd.f32 v10, v7;
	v9 =	vld [tilespmem:s25+$0xD0B0]  }
0x163: {  	v10 =	vld [tilespmem:s25+$0x4890];
	v3 =	vadd.f32 v6, v3  }
0x164: {  	v5 =	vadd.f32 v11, v5;
	v6 =	vld [tilespmem:s25+$0xD8B0]  }
0x165: {  	v11 =	vld [tilespmem:s25+$0x48A0];
	v3 =	vadd.f32 v4, v3  }
0x166: {  	v2 =	vadd.f32 v8, v2;
	v4 =	vld [tilespmem:s25+$0x5080]  }
0x167: {  	v8 =	vld [tilespmem:s25+$0x5090];
	v3 =	vadd.f32 v9, v3  }
0x168: {  	v7 =	vadd.f32 v10, v7;
	v9 =	vld [tilespmem:s25+$0x50A0]  }
0x169: {  	v10 =	vld [tilespmem:s25+$0x5880];
	v3 =	vadd.f32 v6, v3  }
0x16a: {  	v6 =	vld [tilespmem:s25+$0x5890];
	v5 =	vadd.f32 v11, v5  }
0x16b: {  	v2 =	vadd.f32 v4, v2;
	v4 =	vld [tilespmem:s25+$0x58A0];
	[tilespmem:s25+$0xE8B0] =	vst v3  }
0x16c: {  	v3 =	vld [tilespmem:s25+$0x6080];
	v7 =	vadd.f32 v8, v7  }
0x16d: {  	v8 =	vld [tilespmem:s25+$0x6090];
	v5 =	vadd.f32 v9, v5  }
0x16e: {  	v2 =	vadd.f32 v10, v2;
	v9 =	vld [tilespmem:s25+$0x60A0]  }
0x16f: {  	v10 =	vld [tilespmem:s25+$0x6880];
	v6 =	vadd.f32 v6, v7  }
0x170: {  	v7 =	vld [tilespmem:s25+$0x6890];
	v4 =	vadd.f32 v4, v5  }
0x171: {  	v2 =	vadd.f32 v3, v2;
	v3 =	vld [tilespmem:s25+$0x68A0]  }
0x172: {  	v5 =	vld [tilespmem:s25+$0x7080];
	v6 =	vadd.f32 v8, v6  }
0x173: {  	v8 =	vld [tilespmem:s25+$0x7090];
	v4 =	vadd.f32 v9, v4  }
0x174: {  	v2 =	vadd.f32 v10, v2;
	v9 =	vld [tilespmem:s25+$0x70A0]  }
0x175: {  	v10 =	vld [tilespmem:s25+$0x7880];
	v6 =	vadd.f32 v7, v6  }
0x176: {  	v7 =	vld [tilespmem:s25+$0x7890];
	v3 =	vadd.f32 v3, v4  }
0x177: {  	v2 =	vadd.f32 v5, v2;
	v4 =	vld [tilespmem:s25+$0x78A0]  }
0x178: {  	v5 =	vld [tilespmem:s25+$0x8080];
	v6 =	vadd.f32 v8, v6  }
0x179: {  	v8 =	vld [tilespmem:s25+$0x8090];
	v3 =	vadd.f32 v9, v3  }
0x17a: {  	v2 =	vadd.f32 v10, v2;
	v9 =	vld [tilespmem:s25+$0x80A0]  }
0x17b: {  	v10 =	vld [tilespmem:s25+$0x8880];
	v6 =	vadd.f32 v7, v6  }
0x17c: {  	v7 =	vld [tilespmem:s25+$0x8890];
	v3 =	vadd.f32 v4, v3  }
0x17d: {  	v2 =	vadd.f32 v5, v2;
	v4 =	vld [tilespmem:s25+$0x88A0]  }
0x17e: {  	v5 =	vld [tilespmem:s25+$0x9080];
	v6 =	vadd.f32 v8, v6  }
0x17f: {  	v8 =	vld [tilespmem:s25+$0x9090];
	v3 =	vadd.f32 v9, v3  }
0x180: {  	v2 =	vadd.f32 v10, v2;
	v9 =	vld [tilespmem:s25+$0x90A0]  }
0x181: {  	v10 =	vld [tilespmem:s25+$0x9880];
	v6 =	vadd.f32 v7, v6  }
0x182: {  	v7 =	vld [tilespmem:s25+$0x9890];
	v3 =	vadd.f32 v4, v3  }
0x183: {  	v2 =	vadd.f32 v5, v2;
	v4 =	vld [tilespmem:s25+$0x98A0]  }
0x184: {  	v5 =	vld [tilespmem:s25+$0xA080];
	v6 =	vadd.f32 v8, v6  }
0x185: {  	v8 =	vld [tilespmem:s25+$0xA090];
	v3 =	vadd.f32 v9, v3  }
0x186: {  	v2 =	vadd.f32 v10, v2;
	v9 =	vld [tilespmem:s25+$0xA0A0]  }
0x187: {  	v10 =	vld [tilespmem:s25+$0xA880];
	v6 =	vadd.f32 v7, v6  }
0x188: {  	v7 =	vld [tilespmem:s25+$0xA890];
	v3 =	vadd.f32 v4, v3  }
0x189: {  	v2 =	vadd.f32 v5, v2;
	v4 =	vld [tilespmem:s25+$0xA8A0]  }
0x18a: {  	v5 =	vld [tilespmem:s25+$0xB080];
	v6 =	vadd.f32 v8, v6  }
0x18b: {  	v8 =	vld [tilespmem:s25+$0xB090];
	v3 =	vadd.f32 v9, v3  }
0x18c: {  	v2 =	vadd.f32 v10, v2;
	v9 =	vld [tilespmem:s25+$0xB0A0]  }
0x18d: {  	v10 =	vld [tilespmem:s25+$0xB880];
	v6 =	vadd.f32 v7, v6  }
0x18e: {  	v7 =	vld [tilespmem:s25+$0xB890];
	v3 =	vadd.f32 v4, v3  }
0x18f: {  	v2 =	vadd.f32 v5, v2;
	v4 =	vld [tilespmem:s25+$0xB8A0]  }
0x190: {  	v5 =	vld [tilespmem:s25+$0xC080];
	v6 =	vadd.f32 v8, v6  }
0x191: {  	v8 =	vld [tilespmem:s25+$0xC090];
	v3 =	vadd.f32 v9, v3  }
0x192: {  	v2 =	vadd.f32 v10, v2;
	v9 =	vld [tilespmem:s25+$0xC0A0]  }
0x193: {  	v10 =	vld [tilespmem:s25+$0xC880];
	v6 =	vadd.f32 v7, v6  }
0x194: {  	v7 =	vld [tilespmem:s25+$0xC890];
	v4 =	vadd.f32 v4, v3  }
0x195: {  	v2 =	vadd.f32 v5, v2;
	v11 =	vld [tilespmem:s25+$0xC8A0]  }
0x196: {  	v12 =	vld [tilespmem:s25+$0xD080];
	v6 =	vadd.f32 v8, v6  }
.Ltmp1:
0x197: {  	v3 =	vld [tilespmem:s25+$0xD090];
	v9 =	vadd.f32 v9, v4;
	(pc) =	sbr.rel @p0 .LBB2_3-.Ltmp1, $4  }
0x198: {  	v10 =	vadd.f32 v10, v2;
	v2 =	vld [tilespmem:s25+$0xD0A0]  }
0x199: {  	v5 =	vld [tilespmem:s25+$0xD880];
	v8 =	vadd.f32 v7, v6  }
0x19a: {  	v4 =	vld [tilespmem:s25+$0xD890];
	v7 =	vadd.f32 v11, v9  }
0x19b: {  	s28 =	sshra.s32 s26, $0x2;
	s26 =	sadd.s32 $0x200, s26;
	v9 =	vadd.f32 v12, v10;
	v6 =	vld [tilespmem:s25+$0xD8A0]  }
0x19c: {  	v10 =	vld [tilespmem:s28+$0x8B0]  }
0x19d: {  	v11 =	vld [tilespmem:s28+$0x880];
	v3 =	vadd.f32 v3, v8  }
0x19e: {  	v12 =	vld [tilespmem:s28+$0x10B0];
	v2 =	vadd.f32 v2, v7;
	v5 =	vadd.f32 v5, v9  }
0x19f: {  	v54 =	vld [tilespmem:s28+$0x890];
	v3 =	vadd.f32 v4, v3  }
0x1a0: {  	v55 =	vld [tilespmem:s28+$0x18B0];
	[tilespmem:s25+$0xE880] =	vst v5;
	v2 =	vadd.f32 v6, v2  }
0x1a1: {  	v56 =	vld [tilespmem:s28+$0x8A0];
	[tilespmem:s25+$0xE890] =	vst v3  }
0x1a2: {  	v57 =	vadd.f32 $0.0e+00, v10;
	v3 =	vld [tilespmem:s28+$0x20B0];
	[tilespmem:s25+$0xE8A0] =	vst v2  }
0x1a3: {  	v2 =	vld [tilespmem:s28+$0x1080]  }
0x1a4: {  	v5 =	vadd.f32 v12, v57;
	v58 =	vld [tilespmem:s28+$0x28B0]  }
0x1a5: {  	v59 =	vld [tilespmem:s28+$0x1090]  }
0x1a6: {  	v60 =	vld [tilespmem:s28+$0x30B0];
	v5 =	vadd.f32 v55, v5  }
0x1a7: {  	v61 =	vld [tilespmem:s28+$0x10A0]  }
0x1a8: {  	v62 =	vld [tilespmem:s28+$0x38B0];
	v3 =	vadd.f32 v3, v5  }
0x1a9: {  	v63 =	vld [tilespmem:s28+$0x1880]  }
0x1aa: {  	v28 =	vld [tilespmem:s28+$0x40B0];
	v3 =	vadd.f32 v58, v3  }
0x1ab: {  	v13 =	vld [tilespmem:s28+$0x1890]  }
0x1ac: {  	v29 =	vld [tilespmem:s28+$0x48B0];
	v3 =	vadd.f32 v60, v3  }
0x1ad: {  	v14 =	vld [tilespmem:s28+$0x18A0]  }
0x1ae: {  	v30 =	vld [tilespmem:s28+$0x50B0];
	v3 =	vadd.f32 v62, v3  }
0x1af: {  	v15 =	vld [tilespmem:s28+$0x2080]  }
0x1b0: {  	v31 =	vld [tilespmem:s28+$0x58B0];
	v3 =	vadd.f32 v28, v3  }
0x1b1: {  	v16 =	vld [tilespmem:s28+$0x2090]  }
0x1b2: {  	v32 =	vld [tilespmem:s28+$0x60B0];
	v3 =	vadd.f32 v29, v3  }
0x1b3: {  	v17 =	vld [tilespmem:s28+$0x20A0]  }
0x1b4: {  	v33 =	vld [tilespmem:s28+$0x68B0];
	v3 =	vadd.f32 v30, v3  }
0x1b5: {  	v18 =	vld [tilespmem:s28+$0x2880]  }
0x1b6: {  	v34 =	vld [tilespmem:s28+$0x70B0];
	v3 =	vadd.f32 v31, v3  }
0x1b7: {  	v19 =	vld [tilespmem:s28+$0x2890]  }
0x1b8: {  	v35 =	vld [tilespmem:s28+$0x78B0];
	v3 =	vadd.f32 v32, v3  }
0x1b9: {  	v20 =	vld [tilespmem:s28+$0x28A0]  }
0x1ba: {  	v36 =	vld [tilespmem:s28+$0x80B0];
	v3 =	vadd.f32 v33, v3  }
0x1bb: {  	v21 =	vld [tilespmem:s28+$0x3080]  }
0x1bc: {  	v37 =	vld [tilespmem:s28+$0x88B0];
	v3 =	vadd.f32 v34, v3  }
0x1bd: {  	v22 =	vld [tilespmem:s28+$0x3090]  }
0x1be: {  	v38 =	vld [tilespmem:s28+$0x90B0];
	v3 =	vadd.f32 v35, v3  }
0x1bf: {  	v23 =	vld [tilespmem:s28+$0x30A0]  }
0x1c0: {  	v39 =	vld [tilespmem:s28+$0x98B0];
	v3 =	vadd.f32 v36, v3  }
0x1c1: {  	v24 =	vld [tilespmem:s28+$0x3880]  }
0x1c2: {  	v40 =	vld [tilespmem:s28+$0xA0B0];
	v3 =	vadd.f32 v37, v3  }
0x1c3: {  	v25 =	vld [tilespmem:s28+$0x3890]  }
0x1c4: {  	v41 =	vld [tilespmem:s28+$0xA8B0];
	v3 =	vadd.f32 v38, v3  }
0x1c5: {  	v26 =	vld [tilespmem:s28+$0x38A0]  }
0x1c6: {  	v42 =	vld [tilespmem:s28+$0xB0B0];
	v3 =	vadd.f32 v39, v3  }
0x1c7: {  	v27 =	vld [tilespmem:s28+$0x4080]  }
0x1c8: {  	v43 =	vld [tilespmem:s28+$0xB8B0];
	v3 =	vadd.f32 v40, v3  }
0x1c9: {  	v44 =	vld [tilespmem:s28+$0xC0B0]  }
0x1ca: {  	v45 =	vld [tilespmem:s28+$0xC8B0];
	v3 =	vadd.f32 v41, v3  }
0x1cb: {  	v46 =	vld [tilespmem:s28+$0xD0B0]  }
0x1cc: {  	v47 =	vld [tilespmem:s28+$0xD8B0];
	v3 =	vadd.f32 v42, v3  }
0x1cd: {  	v48 =	vld [tilespmem:s28+$0x5080]  }
0x1ce: {  	v49 =	vld [tilespmem:s28+$0x50A0];
	v3 =	vadd.f32 v43, v3  }
0x1cf: {  	v50 =	vld [tilespmem:s28+$0x5890]  }
0x1d0: {  	v51 =	vld [tilespmem:s28+$0x6080];
	v3 =	vadd.f32 v44, v3  }
0x1d1: {  	v11 =	vadd.f32 $0.0e+00, v11;
	v52 =	vld [tilespmem:s28+$0x6090];
	v4 =	vadd.f32 $0.0e+00, v56  }
0x1d2: {  	v53 =	vld [tilespmem:s28+$0x60A0];
	v3 =	vadd.f32 v45, v3  }
0x1d3: {  	v57 =	vld [tilespmem:s28+$0x7080];
	v2 =	vadd.f32 v2, v11;
	v4 =	vadd.f32 v61, v4  }
0x1d4: {  	v55 =	vld [tilespmem:s28+$0x6890];
	v3 =	vadd.f32 v46, v3  }
0x1d5: {  	v56 =	vld [tilespmem:s28+$0x68A0];
	v2 =	vadd.f32 v63, v2;
	v4 =	vadd.f32 v14, v4  }
0x1d6: {  	v61 =	vld [tilespmem:s28+$0x7890];
	v3 =	vadd.f32 v47, v3  }
0x1d7: {  	v58 =	vld [tilespmem:s28+$0x7090];
	v2 =	vadd.f32 v15, v2;
	v4 =	vadd.f32 v17, v4  }
0x1d8: {  	v63 =	vld [tilespmem:s28+$0x8080];
	[tilespmem:s28+$0xE8B0] =	vst v3;
	v3 =	vadd.f32 $0.0e+00, v54  }
0x1d9: {  	v60 =	vld [tilespmem:s28+$0x7880];
	v2 =	vadd.f32 v18, v2;
	v4 =	vadd.f32 v20, v4  }
0x1da: {  	v29 =	vld [tilespmem:s28+$0x40A0];
	v3 =	vadd.f32 v59, v3  }
0x1db: {  	v62 =	vld [tilespmem:s28+$0x78A0];
	v2 =	vadd.f32 v21, v2;
	v4 =	vadd.f32 v23, v4  }
0x1dc: {  	v30 =	vld [tilespmem:s28+$0x4880];
	v3 =	vadd.f32 v13, v3  }
0x1dd: {  	v28 =	vld [tilespmem:s28+$0x4090];
	v2 =	vadd.f32 v24, v2;
	v4 =	vadd.f32 v26, v4  }
0x1de: {  	v31 =	vld [tilespmem:s28+$0x4890];
	v3 =	vadd.f32 v16, v3  }
0x1df: {  	v2 =	vadd.f32 v27, v2;
	v4 =	vadd.f32 v29, v4;
	v29 =	vld [tilespmem:s28+$0x80A0]  }
0x1e0: {  	v32 =	vld [tilespmem:s28+$0x48A0];
	v3 =	vadd.f32 v19, v3  }
0x1e1: {  	v2 =	vadd.f32 v30, v2;
	v30 =	vld [tilespmem:s28+$0x8880]  }
0x1e2: {  	v33 =	vld [tilespmem:s28+$0x5090];
	v3 =	vadd.f32 v22, v3  }
0x1e3: {  	v2 =	vadd.f32 v48, v2;
	v48 =	vld [tilespmem:s28+$0xB0A0]  }
0x1e4: {  	v34 =	vld [tilespmem:s28+$0x5880];
	v3 =	vadd.f32 v25, v3  }
0x1e5: {  	v4 =	vadd.f32 v32, v4;
	v32 =	vld [tilespmem:s28+$0x88A0]  }
0x1e6: {  	v35 =	vld [tilespmem:s28+$0x58A0];
	v3 =	vadd.f32 v28, v3  }
0x1e7: {  	v4 =	vadd.f32 v49, v4;
	v49 =	vld [tilespmem:s28+$0xB880]  }
0x1e8: {  	v54 =	vld [tilespmem:s28+$0x6880];
	v3 =	vadd.f32 v31, v3  }
0x1e9: {  	v36 =	vld [tilespmem:s28+$0x90A0];
	v2 =	vadd.f32 v34, v2  }
0x1ea: {  	v34 =	vld [tilespmem:s28+$0x9090];
	v3 =	vadd.f32 v33, v3  }
0x1eb: {  	v37 =	vld [tilespmem:s28+$0x9880];
	v4 =	vadd.f32 v35, v4;
	v2 =	vadd.f32 v51, v2  }
0x1ec: {  	v59 =	vld [tilespmem:s28+$0x70A0];
	v3 =	vadd.f32 v50, v3  }
0x1ed: {  	v51 =	vld [tilespmem:s28+$0xB8A0];
	v4 =	vadd.f32 v53, v4;
	v2 =	vadd.f32 v54, v2  }
0x1ee: {  	v38 =	vld [tilespmem:s28+$0x9890];
	v3 =	vadd.f32 v52, v3  }
0x1ef: {  	v53 =	vld [tilespmem:s28+$0xC090];
	v4 =	vadd.f32 v56, v4;
	v2 =	vadd.f32 v57, v2  }
0x1f0: {  	v39 =	vld [tilespmem:s28+$0x98A0];
	v3 =	vadd.f32 v55, v3  }
0x1f1: {  	v4 =	vadd.f32 v59, v4;
	v2 =	vadd.f32 v60, v2;
	v28 =	vld [tilespmem:s28+$0x8090]  }
0x1f2: {  	v33 =	vld [tilespmem:s28+$0x9080];
	v3 =	vadd.f32 v58, v3  }
0x1f3: {  	v4 =	vadd.f32 v62, v4;
	v2 =	vadd.f32 v63, v2;
	v31 =	vld [tilespmem:s28+$0x8890]  }
0x1f4: {  	v56 =	vld [tilespmem:s28+$0xC890];
	v3 =	vadd.f32 v61, v3  }
0x1f5: {  	v40 =	vld [tilespmem:s28+$0xA080];
	v4 =	vadd.f32 v29, v4;
	v2 =	vadd.f32 v30, v2  }
0x1f6: {  	v41 =	vld [tilespmem:s28+$0xA090];
	v3 =	vadd.f32 v28, v3  }
0x1f7: {  	v42 =	vld [tilespmem:s28+$0xA0A0];
	v4 =	vadd.f32 v32, v4;
	v2 =	vadd.f32 v33, v2  }
0x1f8: {  	v43 =	vld [tilespmem:s28+$0xA880];
	v3 =	vadd.f32 v31, v3  }
0x1f9: {  	v45 =	vld [tilespmem:s28+$0xA8A0];
	v4 =	vadd.f32 v36, v4;
	v2 =	vadd.f32 v37, v2  }
0x1fa: {  	v46 =	vld [tilespmem:s28+$0xB080];
	v3 =	vadd.f32 v34, v3  }
0x1fb: {  	v44 =	vld [tilespmem:s28+$0xA890];
	v4 =	vadd.f32 v39, v4;
	v2 =	vadd.f32 v40, v2  }
0x1fc: {  	v47 =	vld [tilespmem:s28+$0xB090];
	v3 =	vadd.f32 v38, v3  }
0x1fd: {  	v54 =	vld [tilespmem:s28+$0xC0A0];
	v4 =	vadd.f32 v42, v4;
	v2 =	vadd.f32 v43, v2  }
0x1fe: {  	v52 =	vld [tilespmem:s28+$0xC080];
	v3 =	vadd.f32 v41, v3  }
0x1ff: {  	v50 =	vld [tilespmem:s28+$0xB890];
	v4 =	vadd.f32 v45, v4;
	v2 =	vadd.f32 v46, v2  }
0x200: {  	v55 =	vld [tilespmem:s28+$0xC880];
	v3 =	vadd.f32 v44, v3  }
0x201: {  	v57 =	vld [tilespmem:s28+$0xC8A0];
	v4 =	vadd.f32 v48, v4;
	v2 =	vadd.f32 v49, v2  }
0x202: {  	v58 =	vld [tilespmem:s28+$0xD080];
	v3 =	vadd.f32 v47, v3  }
0x203: {  	v60 =	vld [tilespmem:s28+$0xD0A0];
	v4 =	vadd.f32 v51, v4;
	v2 =	vadd.f32 v52, v2  }
0x204: {  	v61 =	vld [tilespmem:s28+$0xD880];
	v3 =	vadd.f32 v50, v3  }
0x205: {  	v59 =	vld [tilespmem:s28+$0xD090];
	v4 =	vadd.f32 v54, v4;
	v2 =	vadd.f32 v55, v2  }
0x206: {  	v63 =	vld [tilespmem:s28+$0xD8A0];
	v3 =	vadd.f32 v53, v3  }
0x207: {  	v62 =	vld [tilespmem:s28+$0xD890];
	v4 =	vadd.f32 v57, v4;
	v2 =	vadd.f32 v58, v2  }
0x208: {  	v3 =	vadd.f32 v56, v3  }
0x209: {  	v4 =	vadd.f32 v60, v4;
	v2 =	vadd.f32 v61, v2  }
0x20a: {  	v3 =	vadd.f32 v59, v3  }
0x20b: {  	[tilespmem:s28+$0xE880] =	vst v2;
	v2 =	vadd.f32 v63, v4  }
0x20c: {  	v3 =	vadd.f32 v62, v3  }
0x20d: {  	[tilespmem:s28+$0xE8A0] =	vst v2  }
0x20e: {  	[tilespmem:s28+$0xE890] =	vst v3  }
0x20f: {  	[hbm4b:s9+s2] =	stream.linear.scatter [tilespmem:s22], [sflag:$0x3], $0x800, $0x38;
	[tilespmem:$0xF100] =	vst v63  }
0x210: {  	s24 =	sadd.s32 $0x1, s24;
	_ =	swait.ge [sflag:s13], $0x800  }
0x211: {  	p0 =	sne.s32 s24, s12;
	[sflag:s13] =	ssyncset.done $0x0  }
.Ltmp2:
0x212: {  	[sflag:s13] =	ssyncadd.s32 $0xFFFFF800;
	(pc) =	sbr.rel @p0 .LBB2_2-.Ltmp2, $4  }
0x213: {  	[hbm4b:s10+s2] =	stream.linear.scatter [tilespmem:s23], [sflag:$0x3], $0x10, $0x38;
	[tilespmem:$0xF100] =	vst v63  }
0x214: {  	_ =	swait.ge [sflag:s13], $0x10  }
0x215: {  	[sflag:s13] =	ssyncset.done $0x0  }
0x216: {  	[sflag:s13] =	ssyncadd.s32 $0xFFFFFFF0  }
.LBB2_5:
0x217: {  	_ =	sfence.sel $0x180000  }
0x218: {  	[bflag:$0x0] =	sbarrier.arrive $0xFFFF  }
0x219: {  	_ =	strace $0x9000004D  }
0x21a: {  	s0 =	stileid.u32;
	[bflag:$0x2] =	sbarrier.arrive $0xFFFF  }
0x21b: {  	p0 =	sne.s32 s0, $0x0;
	s0 =	rddreg [dreg:$0x2]  }
0x21c: {  	s0 =	sadd.s32 @!p0 $0x100000, s0  }
0x21d: {  	[sflag:s0] =	ssyncadd.tile.s32 @!p0 $0x1;
	_ =	shalt  }
.Lfunc_end2:
_tile_overlayer_lowered:
.L_overlay_start_2:
0x21e: {  	(tag) =	ssettag $0x2  }
0x21f: {  	s0 =	rddreg [dreg:$0x0];
	s2 =	stileid.u32  }
0x220: {  	s1 =	rddreg [dreg:$0x1];
	p0 =	sne.s32 s2, $0x0  }
0x221: {  	s3 =	rddreg [dreg:$0x2];
	[bflag:$0x3] =	sbarrier.arrive $0xFFFF;
	s2 =	simm.s32 @!p0 $0x1C03  }
0x222: {  	[timem:s3], [sflag:s2] =	dma.local @!p0 [hbm:s0], s1  }
0x223: {  	s0 =	simm.s32 @!p0 $0x3  }
0x224: {  	_ =	swait.ge @!p0 [sflag:s0], s1  }
0x225: {  	s1 =	ssub.s32 @!p0 $0x0, s1;
	[sflag:s0] =	ssyncset.done @!p0 $0x0  }
0x226: {  	[sflag:s0] =	ssyncadd.s32 @!p0 s1  }
0x227: {  	[bflag:$0x3] =	sbarrier.arrive $0xFFFF  }
0x228: {  	_ =	shalt  }

</sc_bundles>
